<compile_context>
chip_gen: v7x
topology: tpu7x:2x2x1
jax: 0.10.2.dev20260603
libtpu: 0.0.44.dev20260713+nightly
codegen_flags: <defaults>
</compile_context>

<pallas_src>
import jax
import jax.numpy as jnp
from jax import lax
from jax.experimental import pallas as pl
from jax.experimental.pallas import tpu as pltpu
from jax.experimental.pallas import tpu_sc as plsc

_NC = 2
_NS = 16
_NW = _NC * _NS
_IW = 128
_PK = 8



def _make_sc_pass(n_acc, d, e_rows, do_gather, r0=None):
    if r0 is None:
        r0 = e_rows // _NW
    r1 = e_rows // _NS - r0
    rpt = max(r0, r1)
    zr = n_acc // _NS
    pr = zr // _PK
    nb = 8
    mesh = plsc.VectorSubcoreMesh(core_axis_name="c", subcore_axis_name="s",
                                  num_cores=_NC, num_subcores=_NS)

    scratch = [
        pltpu.VMEM_SHARED((n_acc, d), jnp.float32),
        pltpu.VMEM((rpt, _IW), jnp.int32),
        pltpu.VMEM((zr, d), jnp.float32),
        pltpu.VMEM((pr, _PK * d), jnp.float32),
    ]
    if do_gather:
        scratch += [
            pltpu.VMEM_SHARED((n_acc, d), jnp.float32),
            pltpu.VMEM((rpt, _IW), jnp.int32),
            pltpu.VMEM((nb, _IW, d), jnp.float32),
        ] + [pltpu.SemaphoreType.DMA] * (2 * nb)
    else:
        scratch += [pltpu.VMEM((_IW, d), jnp.float32),
                    ] + [pltpu.SemaphoreType.DMA] * nb

    def body(*refs):
        if do_gather:
            (src2d, dst2d, featp, zrows, out0, out1,
             acc, didx, b16, b128, feat_sh, sidx, rows, *sems) = refs
        else:
            (dst2d, ones_hbm, zrows, out0, out1,
             acc, didx, b16, b128, rows, *sems) = refs
        c = lax.axis_index("c")
        s = lax.axis_index("s")
        rpt_dyn = jnp.where(c == 0, r0, r1)
        base = jnp.where(c == 0, s * r0, _NS * r0 + s * r1)

        def unpack_128_to_16(q, carry):
            for k in range(_PK):
                b16[q * _PK + k, :] = b128[q, pl.ds(k * d, d)]
            return carry

        def pack_16_to_128(q, carry):
            for k in range(_PK):
                b128[q, pl.ds(k * d, d)] = b16[q * _PK + k, :]
            return carry

        pltpu.sync_copy(zrows, acc.at[pl.ds(s * zr, zr)])
        pltpu.sync_copy(dst2d.at[pl.ds(base, rpt)], didx)
        if do_gather:
            pltpu.sync_copy(src2d.at[pl.ds(base, rpt)], sidx)
            pltpu.sync_copy(featp.at[pl.ds(s * pr, pr)], b128)
            lax.fori_loop(0, pr, unpack_128_to_16, 0)
            pltpu.sync_copy(b16, feat_sh.at[pl.ds(s * zr, zr)])
        else:
            pltpu.sync_copy(ones_hbm, rows)
        plsc.subcore_barrier()

        if do_gather:
            gsems, ssems = sems[:nb], sems[nb:]
            for b in range(nb):
                pltpu.async_copy(feat_sh.at[sidx.at[b]], rows.at[b], gsems[b])

            def group(g, carry):
                for b in range(nb):
                    j = g * nb + b
                    pltpu.make_async_copy(feat_sh.at[sidx.at[j]],
                                          rows.at[b], gsems[b]).wait()
                    pltpu.async_copy(rows.at[b], acc.at[didx.at[j]],
                                     ssems[b], add=True)
                for b in range(nb):
                    j = g * nb + b
                    pltpu.make_async_copy(rows.at[b], acc.at[didx.at[j]],
                                          ssems[b]).wait()
                    jn = j + nb

                    @pl.when(jn < rpt_dyn)
                    def _():
                        pltpu.async_copy(feat_sh.at[sidx.at[jn]],
                                         rows.at[b], gsems[b])
                return carry

            lax.fori_loop(0, rpt_dyn // nb, group, 0)
        else:
            for b in range(nb):
                pltpu.async_copy(rows, acc.at[didx.at[b]], sems[b], add=True)

            def group(g, carry):
                for b in range(nb):
                    j = g * nb + b
                    pltpu.make_async_copy(rows, acc.at[didx.at[j]],
                                          sems[b]).wait()
                    jn = j + nb

                    @pl.when(jn < rpt_dyn)
                    def _():
                        pltpu.async_copy(rows, acc.at[didx.at[jn]],
                                         sems[b], add=True)
                return carry

            lax.fori_loop(0, rpt_dyn // nb, group, 0)
        plsc.subcore_barrier()

        pltpu.sync_copy(acc.at[pl.ds(s * zr, zr)], b16)
        lax.fori_loop(0, pr, pack_16_to_128, 0)

        @pl.when(c == 0)
        def _():
            pltpu.sync_copy(b128, out0.at[pl.ds(s * pr, pr)])

        @pl.when(c == 1)
        def _():
            pltpu.sync_copy(b128, out1.at[pl.ds(s * pr, pr)])

    npk = n_acc // _PK
    return pl.kernel(
        body,
        out_type=(jax.ShapeDtypeStruct((npk, _PK * d), jnp.float32),
                  jax.ShapeDtypeStruct((npk, _PK * d), jnp.float32)),
        mesh=mesh,
        scratch_types=scratch,
        compiler_params=pltpu.CompilerParams(use_tc_tiling_on_sc=False),
    )



def _mm1_body(xg_ref, wb_ref, o_ref):
    o_ref[...] = jnp.dot(xg_ref[...], wb_ref[...],
                         preferred_element_type=jnp.float32)


def _norm_body(d0_ref, d1_ref, h_ref, dis_ref, hs_ref):
    deg = d0_ref[...] + d1_ref[...] + 1.0
    dis = lax.rsqrt(deg)
    dis_ref[...] = dis
    hs_ref[...] = dis * h_ref[...]


def _post1_body(a0_ref, a1_ref, dis_ref, hs_ref, b_ref, o_ref):
    dis = dis_ref[...]
    out1 = dis * (a0_ref[...] + a1_ref[...] + hs_ref[...]) + b_ref[...]
    o_ref[...] = dis * jnp.maximum(out1, 0.0)


def _zcomb_body(a0_ref, a1_ref, dis_ref, rs_ref, o_ref):
    o_ref[...] = dis_ref[...] * (a0_ref[...] + a1_ref[...] + rs_ref[...])


def _post2_body(z_ref, w_ref, b_ref, o_ref):
    logits = jnp.dot(z_ref[...], w_ref[...],
                     preferred_element_type=jnp.float32) + b_ref[...]
    m = jnp.max(logits, axis=1, keepdims=True)
    lse = jnp.log(jnp.sum(jnp.exp(logits - m), axis=1, keepdims=True)) + m
    o_ref[...] = logits - lse



def kernel(x, edge_index, W1, b1, W2, b2):
    n, d_in = x.shape
    e = edge_index.shape[1]
    d_hid = W1.shape[1]
    d_out = W2.shape[1]

    chunk = _IW * _NW * 8
    e_pad = -(-e // chunk) * chunk
    e_rows = e_pad // _IW
    n_acc = -(-n // 128) * 128 + 128
    npk = n_acc // _PK
    gp = 10
    bp = npk // gp
    dp = _PK * d_hid

    r0 = 88
    r1 = e_rows // _NS - r0
    arr_rows = e_rows + max(r0, r1)
    fill = arr_rows * _IW - e

    src = edge_index[0]
    dst = edge_index[1]
    dst2d = jnp.concatenate(
        [dst, jnp.full((fill,), n, dtype=jnp.int32)]).reshape(arr_rows, _IW)
    src2d = jnp.concatenate(
        [src, jnp.zeros((fill,), dtype=jnp.int32)]).reshape(arr_rows, _IW)

    zrows = jnp.zeros((n_acc // _NS, d_hid), dtype=jnp.float32)
    ones = jnp.ones((_IW, d_hid), dtype=jnp.float32)

    deg_pass = _make_sc_pass(n_acc, d_hid, e_rows, do_gather=False, r0=r0)
    agg_pass = _make_sc_pass(n_acc, d_hid, e_rows, do_gather=True, r0=r0)

    def packed_call(body, n_in, n_out):
        out_specs = [pl.BlockSpec((bp, dp), lambda i: (i, 0))] * n_out
        out_shape = [jax.ShapeDtypeStruct((npk, dp), jnp.float32)] * n_out
        if n_out == 1:
            out_specs, out_shape = out_specs[0], out_shape[0]
        return pl.pallas_call(
            body,
            grid=(gp,),
            in_specs=[pl.BlockSpec((bp, dp), lambda i: (i, 0))] * n_in,
            out_specs=out_specs,
            out_shape=out_shape,
        )

    deg0, deg1 = deg_pass(dst2d, ones, zrows)
    xg = jnp.pad(x, ((0, n_acc - n), (0, 0))).reshape(npk, _PK * d_in)
    w1big = jnp.kron(jnp.eye(_PK, dtype=jnp.float32), W1)
    hp = pl.pallas_call(
        _mm1_body,
        grid=(gp,),
        in_specs=[pl.BlockSpec((bp, _PK * d_in), lambda i: (i, 0)),
                  pl.BlockSpec((_PK * d_in, dp), lambda i: (0, 0))],
        out_specs=pl.BlockSpec((bp, dp), lambda i: (i, 0)),
        out_shape=jax.ShapeDtypeStruct((npk, dp), jnp.float32),
    )(xg, w1big)

    dis, hs = packed_call(_norm_body, 3, 2)(deg0, deg1, hp)

    a10, a11 = agg_pass(src2d, dst2d, hs, zrows)
    b1p = jnp.tile(b1, _PK).reshape(1, dp)
    rs = pl.pallas_call(
        _post1_body,
        grid=(gp,),
        in_specs=[pl.BlockSpec((bp, dp), lambda i: (i, 0))] * 4 +
                 [pl.BlockSpec((1, dp), lambda i: (0, 0))],
        out_specs=pl.BlockSpec((bp, dp), lambda i: (i, 0)),
        out_shape=jax.ShapeDtypeStruct((npk, dp), jnp.float32),
    )(a10, a11, dis, hs, b1p)

    a20, a21 = agg_pass(src2d, dst2d, rs, zrows)
    zp = packed_call(_zcomb_body, 4, 1)(a20, a21, dis, rs)
    z16 = zp.reshape(n_acc, d_hid)
    bn = 1000
    out = pl.pallas_call(
        _post2_body,
        grid=(n // bn,),
        in_specs=[pl.BlockSpec((bn, d_hid), lambda i: (i, 0)),
                  pl.BlockSpec((d_hid, d_out), lambda i: (0, 0)),
                  pl.BlockSpec((1, d_out), lambda i: (0, 0))],
        out_specs=pl.BlockSpec((bn, d_out), lambda i: (i, 0)),
        out_shape=jax.ShapeDtypeStruct((n, d_out), jnp.float32),
    )(z16, W2, b2.reshape(1, d_out))
    return out

# --- scband reference (transcript-rebuilt; emitter-appended) ---
"""Pipeline reference for scband-gcn-13125420056951 (READ-ONLY COPY).

The authoritative reference and input builder live on the scoring server;
editing this copy changes nothing except your own understanding.
"""

import jax, jax.numpy as jnp
import numpy as np

N = 10000
E = 320000
D_IN = 128
D_HID = 16
D_OUT = 20


def setup_inputs(seed: int = 0) -> dict:
    key = jax.random.key(seed)
    ks = jax.random.split(key, 6)
    x = jax.random.normal(ks[0], (N, D_IN), dtype=jnp.float32)
    edge_index = jax.random.randint(ks[1], (2, E), 0, N, dtype=jnp.int32)
    W1 = jax.random.normal(ks[2], (D_IN, D_HID), dtype=jnp.float32) / np.sqrt(D_IN)
    b1 = jnp.zeros((D_HID,), dtype=jnp.float32)
    W2 = jax.random.normal(ks[3], (D_HID, D_OUT), dtype=jnp.float32) / np.sqrt(D_HID)
    b2 = jnp.zeros((D_OUT,), dtype=jnp.float32)
    return {"x": x, "edge_index": edge_index, "W1": W1, "b1": b1, "W2": W2, "b2": b2}


def _gcn_layer(x, edge_index, W, b):
    # PyG GCNConv: add self-loops, symmetric normalization D^-1/2 A_hat D^-1/2,
    # linear transform, scatter-add aggregation to dst, plus bias.
    src = edge_index[0]
    dst = edge_index[1]
    loop = jnp.arange(N, dtype=src.dtype)
    src = jnp.concatenate([src, loop])
    dst = jnp.concatenate([dst, loop])
    deg = jax.ops.segment_sum(jnp.ones(src.shape, dtype=jnp.float32), dst, num_segments=N)
    deg_inv_sqrt = jnp.where(deg > 0, jax.lax.rsqrt(jnp.maximum(deg, 1e-12)), 0.0)
    norm = deg_inv_sqrt[src] * deg_inv_sqrt[dst]
    h = x @ W
    msgs = h[src] * norm[:, None]
    out = jax.ops.segment_sum(msgs, dst, num_segments=N)
    return out + b


def reference(x, edge_index, W1, b1, W2, b2):
    h = _gcn_layer(x, edge_index, W1, b1)
    h = jax.nn.relu(h)
    # F.dropout treated as identity (eval-mode reference)
    h = _gcn_layer(h, edge_index, W2, b2)
    return jax.nn.log_softmax(h, axis=1)

if __name__ == "__main__":
    import jax
    _d = setup_inputs()
    print(jax.jit(kernel)(*tuple(_d.values())))

</pallas_src>

<mosaic_0001>
#map = affine_map<(d0, d1) -> (0, 0)>
module attributes {stable_mosaic.version = 14 : i64} {
  func.func @body(%arg0: i32, %arg1: i32, %arg2: memref<2648x128xi32, #tpu.memory_space<hbm>>, %arg3: memref<2648x128xi32, #tpu.memory_space<hbm>>, %arg4: memref<1280x128xf32, #tpu.memory_space<hbm>>, %arg5: memref<640x16xf32, #tpu.memory_space<hbm>>, %arg6: memref<1280x128xf32, #tpu.memory_space<hbm>>, %arg7: memref<1280x128xf32, #tpu.memory_space<hbm>>, %arg8: memref<10240x16xf32, #tpu.memory_space<vmem_shared>>, %arg9: memref<88x128xi32, #tpu.memory_space<vmem>>, %arg10: memref<640x16xf32, #tpu.memory_space<vmem>>, %arg11: memref<80x128xf32, #tpu.memory_space<vmem>>, %arg12: memref<10240x16xf32, #tpu.memory_space<vmem_shared>>, %arg13: memref<88x128xi32, #tpu.memory_space<vmem>>, %arg14: memref<8x128x16xf32, #tpu.memory_space<vmem>>, %arg15: memref<!tpu.dma_semaphore, #tpu.memory_space<semaphore_mem>>, %arg16: memref<!tpu.dma_semaphore, #tpu.memory_space<semaphore_mem>>, %arg17: memref<!tpu.dma_semaphore, #tpu.memory_space<semaphore_mem>>, %arg18: memref<!tpu.dma_semaphore, #tpu.memory_space<semaphore_mem>>, %arg19: memref<!tpu.dma_semaphore, #tpu.memory_space<semaphore_mem>>, %arg20: memref<!tpu.dma_semaphore, #tpu.memory_space<semaphore_mem>>, %arg21: memref<!tpu.dma_semaphore, #tpu.memory_space<semaphore_mem>>, %arg22: memref<!tpu.dma_semaphore, #tpu.memory_space<semaphore_mem>>, %arg23: memref<!tpu.dma_semaphore, #tpu.memory_space<semaphore_mem>>, %arg24: memref<!tpu.dma_semaphore, #tpu.memory_space<semaphore_mem>>, %arg25: memref<!tpu.dma_semaphore, #tpu.memory_space<semaphore_mem>>, %arg26: memref<!tpu.dma_semaphore, #tpu.memory_space<semaphore_mem>>, %arg27: memref<!tpu.dma_semaphore, #tpu.memory_space<semaphore_mem>>, %arg28: memref<!tpu.dma_semaphore, #tpu.memory_space<semaphore_mem>>, %arg29: memref<!tpu.dma_semaphore, #tpu.memory_space<semaphore_mem>>, %arg30: memref<!tpu.dma_semaphore, #tpu.memory_space<semaphore_mem>>) attributes {dimension_semantics = [#tpu.dimension_semantics<core_parallel>, #tpu.dimension_semantics<subcore_parallel>], iteration_bounds = array<i64: 2, 16>, scalar_prefetch = 0 : i64, scratch_operands = 23 : i64, tpu.core_type = #tpu.core_type<sc_vector_subcore>, window_params = [{transform_indices = #map}, {transform_indices = #map}, {transform_indices = #map}, {transform_indices = #map}, {transform_indices = #map}, {transform_indices = #map}]} {
    %eq3A = arith.constant 0 : i32
    %eq3A_0 = arith.cmpi eq, %arg0, %eq3A : i32
    %jit3A = arith.constant 88 : i32
    %jit3A_1 = arith.constant 72 : i32
    %select_n3A = arith.select %eq3A_0, %jit3A, %jit3A_1 : i32
    %eq3A_2 = arith.constant 0 : i32
    %eq3A_3 = arith.cmpi eq, %arg0, %eq3A_2 : i32
    %mul3A = arith.constant 88 : i32
    %mul3A_4 = arith.muli %arg1, %mul3A : i32
    %mul3A_5 = arith.constant 72 : i32
    %mul3A_6 = arith.muli %arg1, %mul3A_5 : i32
    %add3A = arith.constant 1408 : i32
    %add3A_7 = arith.addi %add3A, %mul3A_6 : i32
    %select_n3A_8 = arith.select %eq3A_3, %mul3A_4, %add3A_7 : i32
    %mul3A_9 = arith.constant 640 : i32
    %mul3A_10 = arith.muli %arg1, %mul3A_9 : i32
    "tpu.region"() ({
      %run_scoped3A = tpu.sem_alloc : memref<!tpu.dma_semaphore, #tpu.memory_space<semaphore_mem>>
      %dma_start3A_159 = arith.constant 0 : i32
      %dma_start3A_160 = tpu.memref_slice %arg8[%mul3A_10, %dma_start3A_159] : memref<10240x16xf32, #tpu.memory_space<vmem_shared>> -> memref<640x16xf32, #tpu.memory_space<vmem_shared>>
      tpu.enqueue_dma source(%arg5 : memref<640x16xf32, #tpu.memory_space<hbm>>) target(%dma_start3A_160 : memref<640x16xf32, #tpu.memory_space<vmem_shared>>) target_semaphore(%run_scoped3A : memref<!tpu.dma_semaphore, #tpu.memory_space<semaphore_mem>>)
      %dma_wait3A = arith.constant 0 : i32
      %dma_wait3A_161 = tpu.memref_slice %arg8[%mul3A_10, %dma_wait3A] : memref<10240x16xf32, #tpu.memory_space<vmem_shared>> -> memref<640x16xf32, #tpu.memory_space<vmem_shared>>
      tpu.wait_dma2 semaphore(%run_scoped3A : memref<!tpu.dma_semaphore, #tpu.memory_space<semaphore_mem>>) src(%arg5 : memref<640x16xf32, #tpu.memory_space<hbm>>) dst(%dma_wait3A_161 : memref<640x16xf32, #tpu.memory_space<vmem_shared>>)
      tpu.yield
    }) : () -> ()
    "tpu.region"() ({
      %run_scoped3A = tpu.sem_alloc : memref<!tpu.dma_semaphore, #tpu.memory_space<semaphore_mem>>
      %dma_start3A_159 = arith.constant 0 : i32
      %dma_start3A_160 = tpu.memref_slice %arg3[%select_n3A_8, %dma_start3A_159] : memref<2648x128xi32, #tpu.memory_space<hbm>> -> memref<88x128xi32, #tpu.memory_space<hbm>>
      %dma_start3A_161 = arith.constant 0 : i32
      %dma_start3A_162 = tpu.memref_slice %arg3[%select_n3A_8, %dma_start3A_161] : memref<2648x128xi32, #tpu.memory_space<hbm>> -> memref<88x128xi32, #tpu.memory_space<hbm>>
      tpu.enqueue_dma source(%dma_start3A_162 : memref<88x128xi32, #tpu.memory_space<hbm>>) target(%arg9 : memref<88x128xi32, #tpu.memory_space<vmem>>) target_semaphore(%run_scoped3A : memref<!tpu.dma_semaphore, #tpu.memory_space<semaphore_mem>>)
      %dma_wait3A = arith.constant 0 : i32
      %dma_wait3A_163 = tpu.memref_slice %arg3[%select_n3A_8, %dma_wait3A] : memref<2648x128xi32, #tpu.memory_space<hbm>> -> memref<88x128xi32, #tpu.memory_space<hbm>>
      %dma_wait3A_164 = arith.constant 0 : i32
      %dma_wait3A_165 = tpu.memref_slice %arg3[%select_n3A_8, %dma_wait3A_164] : memref<2648x128xi32, #tpu.memory_space<hbm>> -> memref<88x128xi32, #tpu.memory_space<hbm>>
      tpu.wait_dma2 semaphore(%run_scoped3A : memref<!tpu.dma_semaphore, #tpu.memory_space<semaphore_mem>>) src(%dma_wait3A_165 : memref<88x128xi32, #tpu.memory_space<hbm>>) dst(%arg9 : memref<88x128xi32, #tpu.memory_space<vmem>>)
      tpu.yield
    }) : () -> ()
    "tpu.region"() ({
      %run_scoped3A = tpu.sem_alloc : memref<!tpu.dma_semaphore, #tpu.memory_space<semaphore_mem>>
      %dma_start3A_159 = arith.constant 0 : i32
      %dma_start3A_160 = tpu.memref_slice %arg2[%select_n3A_8, %dma_start3A_159] : memref<2648x128xi32, #tpu.memory_space<hbm>> -> memref<88x128xi32, #tpu.memory_space<hbm>>
      %dma_start3A_161 = arith.constant 0 : i32
      %dma_start3A_162 = tpu.memref_slice %arg2[%select_n3A_8, %dma_start3A_161] : memref<2648x128xi32, #tpu.memory_space<hbm>> -> memref<88x128xi32, #tpu.memory_space<hbm>>
      tpu.enqueue_dma source(%dma_start3A_162 : memref<88x128xi32, #tpu.memory_space<hbm>>) target(%arg13 : memref<88x128xi32, #tpu.memory_space<vmem>>) target_semaphore(%run_scoped3A : memref<!tpu.dma_semaphore, #tpu.memory_space<semaphore_mem>>)
      %dma_wait3A = arith.constant 0 : i32
      %dma_wait3A_163 = tpu.memref_slice %arg2[%select_n3A_8, %dma_wait3A] : memref<2648x128xi32, #tpu.memory_space<hbm>> -> memref<88x128xi32, #tpu.memory_space<hbm>>
      %dma_wait3A_164 = arith.constant 0 : i32
      %dma_wait3A_165 = tpu.memref_slice %arg2[%select_n3A_8, %dma_wait3A_164] : memref<2648x128xi32, #tpu.memory_space<hbm>> -> memref<88x128xi32, #tpu.memory_space<hbm>>
      tpu.wait_dma2 semaphore(%run_scoped3A : memref<!tpu.dma_semaphore, #tpu.memory_space<semaphore_mem>>) src(%dma_wait3A_165 : memref<88x128xi32, #tpu.memory_space<hbm>>) dst(%arg13 : memref<88x128xi32, #tpu.memory_space<vmem>>)
      tpu.yield
    }) : () -> ()
    %mul3A_11 = arith.constant 80 : i32
    %mul3A_12 = arith.muli %arg1, %mul3A_11 : i32
    "tpu.region"() ({
      %run_scoped3A = tpu.sem_alloc : memref<!tpu.dma_semaphore, #tpu.memory_space<semaphore_mem>>
      %dma_start3A_159 = arith.constant 0 : i32
      %dma_start3A_160 = tpu.memref_slice %arg4[%mul3A_12, %dma_start3A_159] : memref<1280x128xf32, #tpu.memory_space<hbm>> -> memref<80x128xf32, #tpu.memory_space<hbm>>
      %dma_start3A_161 = arith.constant 0 : i32
      %dma_start3A_162 = tpu.memref_slice %arg4[%mul3A_12, %dma_start3A_161] : memref<1280x128xf32, #tpu.memory_space<hbm>> -> memref<80x128xf32, #tpu.memory_space<hbm>>
      tpu.enqueue_dma source(%dma_start3A_162 : memref<80x128xf32, #tpu.memory_space<hbm>>) target(%arg11 : memref<80x128xf32, #tpu.memory_space<vmem>>) target_semaphore(%run_scoped3A : memref<!tpu.dma_semaphore, #tpu.memory_space<semaphore_mem>>)
      %dma_wait3A = arith.constant 0 : i32
      %dma_wait3A_163 = tpu.memref_slice %arg4[%mul3A_12, %dma_wait3A] : memref<1280x128xf32, #tpu.memory_space<hbm>> -> memref<80x128xf32, #tpu.memory_space<hbm>>
      %dma_wait3A_164 = arith.constant 0 : i32
      %dma_wait3A_165 = tpu.memref_slice %arg4[%mul3A_12, %dma_wait3A_164] : memref<1280x128xf32, #tpu.memory_space<hbm>> -> memref<80x128xf32, #tpu.memory_space<hbm>>
      tpu.wait_dma2 semaphore(%run_scoped3A : memref<!tpu.dma_semaphore, #tpu.memory_space<semaphore_mem>>) src(%dma_wait3A_165 : memref<80x128xf32, #tpu.memory_space<hbm>>) dst(%arg11 : memref<80x128xf32, #tpu.memory_space<vmem>>)
      tpu.yield
    }) : () -> ()
    %scan3A = arith.constant 0 : i32
    %scan3A_13 = arith.constant 0 : i32
    %scan3A_14 = arith.constant 80 : i32
    %scan3A_15 = arith.addi %scan3A_13, %scan3A_14 : i32
    %scan3A_16 = arith.constant 1 : i32
    scf.for %scan3A_159 = %scan3A_13 to %scan3A_15 step %scan3A_16  : i32 {
      %get3A = arith.index_cast %scan3A_159 : i32 to index
      %get3A_160 = arith.constant 0 : index
      %get3A_161 = tpu.vector_load %arg11[%get3A, %get3A_160] {strides = array<i32>} : memref<80x128xf32, #tpu.memory_space<vmem>>, vector<1x16xf32>,
      %get3A_162 = vector.shape_cast %get3A_161 : vector<1x16xf32> to vector<16xf32>
      %mul3A_163 = arith.constant 8 : i32
      %mul3A_164 = arith.muli %scan3A_159, %mul3A_163 : i32
      %add3A_165 = arith.constant 0 : i32
      %add3A_166 = arith.addi %mul3A_164, %add3A_165 : i32
      %swap3A = arith.index_cast %add3A_166 : i32 to index
      %swap3A_167 = arith.constant 0 : index
      %swap3A_168 = tpu.vector_load %arg10[%swap3A, %swap3A_167] {strides = array<i32>} : memref<640x16xf32, #tpu.memory_space<vmem>>, vector<1x16xf32>,
      %swap3A_169 = vector.shape_cast %swap3A_168 : vector<1x16xf32> to vector<16xf32>
      %swap3A_170 = vector.shape_cast %get3A_162 : vector<16xf32> to vector<1x16xf32>
      tpu.vector_store %arg10[%swap3A, %swap3A_167], %swap3A_170 {strides = array<i32>} : memref<640x16xf32, #tpu.memory_space<vmem>>, vector<1x16xf32>,
      %get3A_171 = arith.index_cast %scan3A_159 : i32 to index
      %get3A_172 = arith.constant 16 : index
      %get3A_173 = tpu.vector_load %arg11[%get3A_171, %get3A_172] {strides = array<i32>} : memref<80x128xf32, #tpu.memory_space<vmem>>, vector<1x16xf32>,
      %get3A_174 = vector.shape_cast %get3A_173 : vector<1x16xf32> to vector<16xf32>
      %mul3A_175 = arith.constant 8 : i32
      %mul3A_176 = arith.muli %scan3A_159, %mul3A_175 : i32
      %add3A_177 = arith.constant 1 : i32
      %add3A_178 = arith.addi %mul3A_176, %add3A_177 : i32
      %swap3A_179 = arith.index_cast %add3A_178 : i32 to index
      %swap3A_180 = arith.constant 0 : index
      %swap3A_181 = tpu.vector_load %arg10[%swap3A_179, %swap3A_180] {strides = array<i32>} : memref<640x16xf32, #tpu.memory_space<vmem>>, vector<1x16xf32>,
      %swap3A_182 = vector.shape_cast %swap3A_181 : vector<1x16xf32> to vector<16xf32>
      %swap3A_183 = vector.shape_cast %get3A_174 : vector<16xf32> to vector<1x16xf32>
      tpu.vector_store %arg10[%swap3A_179, %swap3A_180], %swap3A_183 {strides = array<i32>} : memref<640x16xf32, #tpu.memory_space<vmem>>, vector<1x16xf32>,
      %get3A_184 = arith.index_cast %scan3A_159 : i32 to index
      %get3A_185 = arith.constant 32 : index
      %get3A_186 = tpu.vector_load %arg11[%get3A_184, %get3A_185] {strides = array<i32>} : memref<80x128xf32, #tpu.memory_space<vmem>>, vector<1x16xf32>,
      %get3A_187 = vector.shape_cast %get3A_186 : vector<1x16xf32> to vector<16xf32>
      %mul3A_188 = arith.constant 8 : i32
      %mul3A_189 = arith.muli %scan3A_159, %mul3A_188 : i32
      %add3A_190 = arith.constant 2 : i32
      %add3A_191 = arith.addi %mul3A_189, %add3A_190 : i32
      %swap3A_192 = arith.index_cast %add3A_191 : i32 to index
      %swap3A_193 = arith.constant 0 : index
      %swap3A_194 = tpu.vector_load %arg10[%swap3A_192, %swap3A_193] {strides = array<i32>} : memref<640x16xf32, #tpu.memory_space<vmem>>, vector<1x16xf32>,
      %swap3A_195 = vector.shape_cast %swap3A_194 : vector<1x16xf32> to vector<16xf32>
      %swap3A_196 = vector.shape_cast %get3A_187 : vector<16xf32> to vector<1x16xf32>
      tpu.vector_store %arg10[%swap3A_192, %swap3A_193], %swap3A_196 {strides = array<i32>} : memref<640x16xf32, #tpu.memory_space<vmem>>, vector<1x16xf32>,
      %get3A_197 = arith.index_cast %scan3A_159 : i32 to index
      %get3A_198 = arith.constant 48 : index
      %get3A_199 = tpu.vector_load %arg11[%get3A_197, %get3A_198] {strides = array<i32>} : memref<80x128xf32, #tpu.memory_space<vmem>>, vector<1x16xf32>,
      %get3A_200 = vector.shape_cast %get3A_199 : vector<1x16xf32> to vector<16xf32>
      %mul3A_201 = arith.constant 8 : i32
      %mul3A_202 = arith.muli %scan3A_159, %mul3A_201 : i32
      %add3A_203 = arith.constant 3 : i32
      %add3A_204 = arith.addi %mul3A_202, %add3A_203 : i32
      %swap3A_205 = arith.index_cast %add3A_204 : i32 to index
      %swap3A_206 = arith.constant 0 : index
      %swap3A_207 = tpu.vector_load %arg10[%swap3A_205, %swap3A_206] {strides = array<i32>} : memref<640x16xf32, #tpu.memory_space<vmem>>, vector<1x16xf32>,
      %swap3A_208 = vector.shape_cast %swap3A_207 : vector<1x16xf32> to vector<16xf32>
      %swap3A_209 = vector.shape_cast %get3A_200 : vector<16xf32> to vector<1x16xf32>
      tpu.vector_store %arg10[%swap3A_205, %swap3A_206], %swap3A_209 {strides = array<i32>} : memref<640x16xf32, #tpu.memory_space<vmem>>, vector<1x16xf32>,
      %get3A_210 = arith.index_cast %scan3A_159 : i32 to index
      %get3A_211 = arith.constant 64 : index
      %get3A_212 = tpu.vector_load %arg11[%get3A_210, %get3A_211] {strides = array<i32>} : memref<80x128xf32, #tpu.memory_space<vmem>>, vector<1x16xf32>,
      %get3A_213 = vector.shape_cast %get3A_212 : vector<1x16xf32> to vector<16xf32>
      %mul3A_214 = arith.constant 8 : i32
      %mul3A_215 = arith.muli %scan3A_159, %mul3A_214 : i32
      %add3A_216 = arith.constant 4 : i32
      %add3A_217 = arith.addi %mul3A_215, %add3A_216 : i32
      %swap3A_218 = arith.index_cast %add3A_217 : i32 to index
      %swap3A_219 = arith.constant 0 : index
      %swap3A_220 = tpu.vector_load %arg10[%swap3A_218, %swap3A_219] {strides = array<i32>} : memref<640x16xf32, #tpu.memory_space<vmem>>, vector<1x16xf32>,
      %swap3A_221 = vector.shape_cast %swap3A_220 : vector<1x16xf32> to vector<16xf32>
      %swap3A_222 = vector.shape_cast %get3A_213 : vector<16xf32> to vector<1x16xf32>
      tpu.vector_store %arg10[%swap3A_218, %swap3A_219], %swap3A_222 {strides = array<i32>} : memref<640x16xf32, #tpu.memory_space<vmem>>, vector<1x16xf32>,
      %get3A_223 = arith.index_cast %scan3A_159 : i32 to index
      %get3A_224 = arith.constant 80 : index
      %get3A_225 = tpu.vector_load %arg11[%get3A_223, %get3A_224] {strides = array<i32>} : memref<80x128xf32, #tpu.memory_space<vmem>>, vector<1x16xf32>,
      %get3A_226 = vector.shape_cast %get3A_225 : vector<1x16xf32> to vector<16xf32>
      %mul3A_227 = arith.constant 8 : i32
      %mul3A_228 = arith.muli %scan3A_159, %mul3A_227 : i32
      %add3A_229 = arith.constant 5 : i32
      %add3A_230 = arith.addi %mul3A_228, %add3A_229 : i32
      %swap3A_231 = arith.index_cast %add3A_230 : i32 to index
      %swap3A_232 = arith.constant 0 : index
      %swap3A_233 = tpu.vector_load %arg10[%swap3A_231, %swap3A_232] {strides = array<i32>} : memref<640x16xf32, #tpu.memory_space<vmem>>, vector<1x16xf32>,
      %swap3A_234 = vector.shape_cast %swap3A_233 : vector<1x16xf32> to vector<16xf32>
      %swap3A_235 = vector.shape_cast %get3A_226 : vector<16xf32> to vector<1x16xf32>
      tpu.vector_store %arg10[%swap3A_231, %swap3A_232], %swap3A_235 {strides = array<i32>} : memref<640x16xf32, #tpu.memory_space<vmem>>, vector<1x16xf32>,
      %get3A_236 = arith.index_cast %scan3A_159 : i32 to index
      %get3A_237 = arith.constant 96 : index
      %get3A_238 = tpu.vector_load %arg11[%get3A_236, %get3A_237] {strides = array<i32>} : memref<80x128xf32, #tpu.memory_space<vmem>>, vector<1x16xf32>,
      %get3A_239 = vector.shape_cast %get3A_238 : vector<1x16xf32> to vector<16xf32>
      %mul3A_240 = arith.constant 8 : i32
      %mul3A_241 = arith.muli %scan3A_159, %mul3A_240 : i32
      %add3A_242 = arith.constant 6 : i32
      %add3A_243 = arith.addi %mul3A_241, %add3A_242 : i32
      %swap3A_244 = arith.index_cast %add3A_243 : i32 to index
      %swap3A_245 = arith.constant 0 : index
      %swap3A_246 = tpu.vector_load %arg10[%swap3A_244, %swap3A_245] {strides = array<i32>} : memref<640x16xf32, #tpu.memory_space<vmem>>, vector<1x16xf32>,
      %swap3A_247 = vector.shape_cast %swap3A_246 : vector<1x16xf32> to vector<16xf32>
      %swap3A_248 = vector.shape_cast %get3A_239 : vector<16xf32> to vector<1x16xf32>
      tpu.vector_store %arg10[%swap3A_244, %swap3A_245], %swap3A_248 {strides = array<i32>} : memref<640x16xf32, #tpu.memory_space<vmem>>, vector<1x16xf32>,
      %get3A_249 = arith.index_cast %scan3A_159 : i32 to index
      %get3A_250 = arith.constant 112 : index
      %get3A_251 = tpu.vector_load %arg11[%get3A_249, %get3A_250] {strides = array<i32>} : memref<80x128xf32, #tpu.memory_space<vmem>>, vector<1x16xf32>,
      %get3A_252 = vector.shape_cast %get3A_251 : vector<1x16xf32> to vector<16xf32>
      %mul3A_253 = arith.constant 8 : i32
      %mul3A_254 = arith.muli %scan3A_159, %mul3A_253 : i32
      %add3A_255 = arith.constant 7 : i32
      %add3A_256 = arith.addi %mul3A_254, %add3A_255 : i32
      %swap3A_257 = arith.index_cast %add3A_256 : i32 to index
      %swap3A_258 = arith.constant 0 : index
      %swap3A_259 = tpu.vector_load %arg10[%swap3A_257, %swap3A_258] {strides = array<i32>} : memref<640x16xf32, #tpu.memory_space<vmem>>, vector<1x16xf32>,
      %swap3A_260 = vector.shape_cast %swap3A_259 : vector<1x16xf32> to vector<16xf32>
      %swap3A_261 = vector.shape_cast %get3A_252 : vector<16xf32> to vector<1x16xf32>
      tpu.vector_store %arg10[%swap3A_257, %swap3A_258], %swap3A_261 {strides = array<i32>} : memref<640x16xf32, #tpu.memory_space<vmem>>, vector<1x16xf32>,
    }
    %scan3A_17 = arith.constant 80 : i32
    %mul3A_18 = arith.constant 640 : i32
    %mul3A_19 = arith.muli %arg1, %mul3A_18 : i32
    "tpu.region"() ({
      %run_scoped3A = tpu.sem_alloc : memref<!tpu.dma_semaphore, #tpu.memory_space<semaphore_mem>>
      %dma_start3A_159 = arith.constant 0 : i32
      %dma_start3A_160 = tpu.memref_slice %arg12[%mul3A_19, %dma_start3A_159] : memref<10240x16xf32, #tpu.memory_space<vmem_shared>> -> memref<640x16xf32, #tpu.memory_space<vmem_shared>>
      %dma_start3A_161 = arith.constant 0 : i32
      %dma_start3A_162 = tpu.memref_slice %arg12[%mul3A_19, %dma_start3A_161] : memref<10240x16xf32, #tpu.memory_space<vmem_shared>> -> memref<640x16xf32, #tpu.memory_space<vmem_shared>>
      tpu.enqueue_dma source(%arg10 : memref<640x16xf32, #tpu.memory_space<vmem>>) target(%dma_start3A_162 : memref<640x16xf32, #tpu.memory_space<vmem_shared>>) target_semaphore(%run_scoped3A : memref<!tpu.dma_semaphore, #tpu.memory_space<semaphore_mem>>)
      %dma_wait3A = arith.constant 0 : i32
      %dma_wait3A_163 = tpu.memref_slice %arg12[%mul3A_19, %dma_wait3A] : memref<10240x16xf32, #tpu.memory_space<vmem_shared>> -> memref<640x16xf32, #tpu.memory_space<vmem_shared>>
      %dma_wait3A_164 = arith.constant 0 : i32
      %dma_wait3A_165 = tpu.memref_slice %arg12[%mul3A_19, %dma_wait3A_164] : memref<10240x16xf32, #tpu.memory_space<vmem_shared>> -> memref<640x16xf32, #tpu.memory_space<vmem_shared>>
      tpu.wait_dma2 semaphore(%run_scoped3A : memref<!tpu.dma_semaphore, #tpu.memory_space<semaphore_mem>>) src(%arg10 : memref<640x16xf32, #tpu.memory_space<vmem>>) dst(%dma_wait3A_165 : memref<640x16xf32, #tpu.memory_space<vmem_shared>>)
      tpu.yield
    }) : () -> ()
    %barrier3A = arith.constant 0 : index
    tpu.barrier barrier_id(%barrier3A)
    %dma_start3A = arith.constant 0 : i32
    %dma_start3A_20 = arith.constant 0 : i32
    %dma_start3A_21 = arith.constant 0 : i32
    %dma_start3A_22 = arith.constant 0 : i32
    %dma_start3A_23 = tpu.memref_slice %arg14[%dma_start3A_20, %dma_start3A_21, %dma_start3A_22] : memref<8x128x16xf32, #tpu.memory_space<vmem>> -> memref<1x128x16xf32, #tpu.memory_space<vmem>>
    %dma_start3A_24 = tpu.memref_squeeze %dma_start3A_23 : memref<1x128x16xf32, #tpu.memory_space<vmem>> -> memref<128x16xf32, #tpu.memory_space<vmem>>
    %dma_start3A_25 = arith.constant 0 : i32
    %dma_start3A_26 = tpu.memref_slice %arg13[%dma_start3A, %dma_start3A_25] : memref<88x128xi32, #tpu.memory_space<vmem>> -> memref<1x128xi32, #tpu.memory_space<vmem>>
    %dma_start3A_27 = tpu.memref_squeeze %dma_start3A_26 : memref<1x128xi32, #tpu.memory_space<vmem>> -> memref<128xi32, #tpu.memory_space<vmem>>
    %dma_start3A_28 = arith.constant 0 : i32
    %dma_start3A_29 = arith.constant 0 : i32
    %dma_start3A_30 = tpu.memref_slice %arg12[%dma_start3A_28, %dma_start3A_29] : memref<10240x16xf32, #tpu.memory_space<vmem_shared>> -> memref<10240x16xf32, #tpu.memory_space<vmem_shared>>
    tpu.enqueue_indirect_dma source(%dma_start3A_30 : memref<10240x16xf32, #tpu.memory_space<vmem_shared>>) target(%dma_start3A_24 : memref<128x16xf32, #tpu.memory_space<vmem>>) offsets(%dma_start3A_27 : memref<128xi32, #tpu.memory_space<vmem>>) semaphore(%arg15 : memref<!tpu.dma_semaphore, #tpu.memory_space<semaphore_mem>>)
    %dma_start3A_31 = arith.constant 1 : i32
    %dma_start3A_32 = arith.constant 1 : i32
    %dma_start3A_33 = arith.constant 0 : i32
    %dma_start3A_34 = arith.constant 0 : i32
    %dma_start3A_35 = tpu.memref_slice %arg14[%dma_start3A_32, %dma_start3A_33, %dma_start3A_34] : memref<8x128x16xf32, #tpu.memory_space<vmem>> -> memref<1x128x16xf32, #tpu.memory_space<vmem>>
    %dma_start3A_36 = tpu.memref_squeeze %dma_start3A_35 : memref<1x128x16xf32, #tpu.memory_space<vmem>> -> memref<128x16xf32, #tpu.memory_space<vmem>>
    %dma_start3A_37 = arith.constant 0 : i32
    %dma_start3A_38 = tpu.memref_slice %arg13[%dma_start3A_31, %dma_start3A_37] : memref<88x128xi32, #tpu.memory_space<vmem>> -> memref<1x128xi32, #tpu.memory_space<vmem>>
    %dma_start3A_39 = tpu.memref_squeeze %dma_start3A_38 : memref<1x128xi32, #tpu.memory_space<vmem>> -> memref<128xi32, #tpu.memory_space<vmem>>
    %dma_start3A_40 = arith.constant 0 : i32
    %dma_start3A_41 = arith.constant 0 : i32
    %dma_start3A_42 = tpu.memref_slice %arg12[%dma_start3A_40, %dma_start3A_41] : memref<10240x16xf32, #tpu.memory_space<vmem_shared>> -> memref<10240x16xf32, #tpu.memory_space<vmem_shared>>
    tpu.enqueue_indirect_dma source(%dma_start3A_42 : memref<10240x16xf32, #tpu.memory_space<vmem_shared>>) target(%dma_start3A_36 : memref<128x16xf32, #tpu.memory_space<vmem>>) offsets(%dma_start3A_39 : memref<128xi32, #tpu.memory_space<vmem>>) semaphore(%arg16 : memref<!tpu.dma_semaphore, #tpu.memory_space<semaphore_mem>>)
    %dma_start3A_43 = arith.constant 2 : i32
    %dma_start3A_44 = arith.constant 2 : i32
    %dma_start3A_45 = arith.constant 0 : i32
    %dma_start3A_46 = arith.constant 0 : i32
    %dma_start3A_47 = tpu.memref_slice %arg14[%dma_start3A_44, %dma_start3A_45, %dma_start3A_46] : memref<8x128x16xf32, #tpu.memory_space<vmem>> -> memref<1x128x16xf32, #tpu.memory_space<vmem>>
    %dma_start3A_48 = tpu.memref_squeeze %dma_start3A_47 : memref<1x128x16xf32, #tpu.memory_space<vmem>> -> memref<128x16xf32, #tpu.memory_space<vmem>>
    %dma_start3A_49 = arith.constant 0 : i32
    %dma_start3A_50 = tpu.memref_slice %arg13[%dma_start3A_43, %dma_start3A_49] : memref<88x128xi32, #tpu.memory_space<vmem>> -> memref<1x128xi32, #tpu.memory_space<vmem>>
    %dma_start3A_51 = tpu.memref_squeeze %dma_start3A_50 : memref<1x128xi32, #tpu.memory_space<vmem>> -> memref<128xi32, #tpu.memory_space<vmem>>
    %dma_start3A_52 = arith.constant 0 : i32
    %dma_start3A_53 = arith.constant 0 : i32
    %dma_start3A_54 = tpu.memref_slice %arg12[%dma_start3A_52, %dma_start3A_53] : memref<10240x16xf32, #tpu.memory_space<vmem_shared>> -> memref<10240x16xf32, #tpu.memory_space<vmem_shared>>
    tpu.enqueue_indirect_dma source(%dma_start3A_54 : memref<10240x16xf32, #tpu.memory_space<vmem_shared>>) target(%dma_start3A_48 : memref<128x16xf32, #tpu.memory_space<vmem>>) offsets(%dma_start3A_51 : memref<128xi32, #tpu.memory_space<vmem>>) semaphore(%arg17 : memref<!tpu.dma_semaphore, #tpu.memory_space<semaphore_mem>>)
    %dma_start3A_55 = arith.constant 3 : i32
    %dma_start3A_56 = arith.constant 3 : i32
    %dma_start3A_57 = arith.constant 0 : i32
    %dma_start3A_58 = arith.constant 0 : i32
    %dma_start3A_59 = tpu.memref_slice %arg14[%dma_start3A_56, %dma_start3A_57, %dma_start3A_58] : memref<8x128x16xf32, #tpu.memory_space<vmem>> -> memref<1x128x16xf32, #tpu.memory_space<vmem>>
    %dma_start3A_60 = tpu.memref_squeeze %dma_start3A_59 : memref<1x128x16xf32, #tpu.memory_space<vmem>> -> memref<128x16xf32, #tpu.memory_space<vmem>>
    %dma_start3A_61 = arith.constant 0 : i32
    %dma_start3A_62 = tpu.memref_slice %arg13[%dma_start3A_55, %dma_start3A_61] : memref<88x128xi32, #tpu.memory_space<vmem>> -> memref<1x128xi32, #tpu.memory_space<vmem>>
    %dma_start3A_63 = tpu.memref_squeeze %dma_start3A_62 : memref<1x128xi32, #tpu.memory_space<vmem>> -> memref<128xi32, #tpu.memory_space<vmem>>
    %dma_start3A_64 = arith.constant 0 : i32
    %dma_start3A_65 = arith.constant 0 : i32
    %dma_start3A_66 = tpu.memref_slice %arg12[%dma_start3A_64, %dma_start3A_65] : memref<10240x16xf32, #tpu.memory_space<vmem_shared>> -> memref<10240x16xf32, #tpu.memory_space<vmem_shared>>
    tpu.enqueue_indirect_dma source(%dma_start3A_66 : memref<10240x16xf32, #tpu.memory_space<vmem_shared>>) target(%dma_start3A_60 : memref<128x16xf32, #tpu.memory_space<vmem>>) offsets(%dma_start3A_63 : memref<128xi32, #tpu.memory_space<vmem>>) semaphore(%arg18 : memref<!tpu.dma_semaphore, #tpu.memory_space<semaphore_mem>>)
    %dma_start3A_67 = arith.constant 4 : i32
    %dma_start3A_68 = arith.constant 4 : i32
    %dma_start3A_69 = arith.constant 0 : i32
    %dma_start3A_70 = arith.constant 0 : i32
    %dma_start3A_71 = tpu.memref_slice %arg14[%dma_start3A_68, %dma_start3A_69, %dma_start3A_70] : memref<8x128x16xf32, #tpu.memory_space<vmem>> -> memref<1x128x16xf32, #tpu.memory_space<vmem>>
    %dma_start3A_72 = tpu.memref_squeeze %dma_start3A_71 : memref<1x128x16xf32, #tpu.memory_space<vmem>> -> memref<128x16xf32, #tpu.memory_space<vmem>>
    %dma_start3A_73 = arith.constant 0 : i32
    %dma_start3A_74 = tpu.memref_slice %arg13[%dma_start3A_67, %dma_start3A_73] : memref<88x128xi32, #tpu.memory_space<vmem>> -> memref<1x128xi32, #tpu.memory_space<vmem>>
    %dma_start3A_75 = tpu.memref_squeeze %dma_start3A_74 : memref<1x128xi32, #tpu.memory_space<vmem>> -> memref<128xi32, #tpu.memory_space<vmem>>
    %dma_start3A_76 = arith.constant 0 : i32
    %dma_start3A_77 = arith.constant 0 : i32
    %dma_start3A_78 = tpu.memref_slice %arg12[%dma_start3A_76, %dma_start3A_77] : memref<10240x16xf32, #tpu.memory_space<vmem_shared>> -> memref<10240x16xf32, #tpu.memory_space<vmem_shared>>
    tpu.enqueue_indirect_dma source(%dma_start3A_78 : memref<10240x16xf32, #tpu.memory_space<vmem_shared>>) target(%dma_start3A_72 : memref<128x16xf32, #tpu.memory_space<vmem>>) offsets(%dma_start3A_75 : memref<128xi32, #tpu.memory_space<vmem>>) semaphore(%arg19 : memref<!tpu.dma_semaphore, #tpu.memory_space<semaphore_mem>>)
    %dma_start3A_79 = arith.constant 5 : i32
    %dma_start3A_80 = arith.constant 5 : i32
    %dma_start3A_81 = arith.constant 0 : i32
    %dma_start3A_82 = arith.constant 0 : i32
    %dma_start3A_83 = tpu.memref_slice %arg14[%dma_start3A_80, %dma_start3A_81, %dma_start3A_82] : memref<8x128x16xf32, #tpu.memory_space<vmem>> -> memref<1x128x16xf32, #tpu.memory_space<vmem>>
    %dma_start3A_84 = tpu.memref_squeeze %dma_start3A_83 : memref<1x128x16xf32, #tpu.memory_space<vmem>> -> memref<128x16xf32, #tpu.memory_space<vmem>>
    %dma_start3A_85 = arith.constant 0 : i32
    %dma_start3A_86 = tpu.memref_slice %arg13[%dma_start3A_79, %dma_start3A_85] : memref<88x128xi32, #tpu.memory_space<vmem>> -> memref<1x128xi32, #tpu.memory_space<vmem>>
    %dma_start3A_87 = tpu.memref_squeeze %dma_start3A_86 : memref<1x128xi32, #tpu.memory_space<vmem>> -> memref<128xi32, #tpu.memory_space<vmem>>
    %dma_start3A_88 = arith.constant 0 : i32
    %dma_start3A_89 = arith.constant 0 : i32
    %dma_start3A_90 = tpu.memref_slice %arg12[%dma_start3A_88, %dma_start3A_89] : memref<10240x16xf32, #tpu.memory_space<vmem_shared>> -> memref<10240x16xf32, #tpu.memory_space<vmem_shared>>
    tpu.enqueue_indirect_dma source(%dma_start3A_90 : memref<10240x16xf32, #tpu.memory_space<vmem_shared>>) target(%dma_start3A_84 : memref<128x16xf32, #tpu.memory_space<vmem>>) offsets(%dma_start3A_87 : memref<128xi32, #tpu.memory_space<vmem>>) semaphore(%arg20 : memref<!tpu.dma_semaphore, #tpu.memory_space<semaphore_mem>>)
    %dma_start3A_91 = arith.constant 6 : i32
    %dma_start3A_92 = arith.constant 6 : i32
    %dma_start3A_93 = arith.constant 0 : i32
    %dma_start3A_94 = arith.constant 0 : i32
    %dma_start3A_95 = tpu.memref_slice %arg14[%dma_start3A_92, %dma_start3A_93, %dma_start3A_94] : memref<8x128x16xf32, #tpu.memory_space<vmem>> -> memref<1x128x16xf32, #tpu.memory_space<vmem>>
    %dma_start3A_96 = tpu.memref_squeeze %dma_start3A_95 : memref<1x128x16xf32, #tpu.memory_space<vmem>> -> memref<128x16xf32, #tpu.memory_space<vmem>>
    %dma_start3A_97 = arith.constant 0 : i32
    %dma_start3A_98 = tpu.memref_slice %arg13[%dma_start3A_91, %dma_start3A_97] : memref<88x128xi32, #tpu.memory_space<vmem>> -> memref<1x128xi32, #tpu.memory_space<vmem>>
    %dma_start3A_99 = tpu.memref_squeeze %dma_start3A_98 : memref<1x128xi32, #tpu.memory_space<vmem>> -> memref<128xi32, #tpu.memory_space<vmem>>
    %dma_start3A_100 = arith.constant 0 : i32
    %dma_start3A_101 = arith.constant 0 : i32
    %dma_start3A_102 = tpu.memref_slice %arg12[%dma_start3A_100, %dma_start3A_101] : memref<10240x16xf32, #tpu.memory_space<vmem_shared>> -> memref<10240x16xf32, #tpu.memory_space<vmem_shared>>
    tpu.enqueue_indirect_dma source(%dma_start3A_102 : memref<10240x16xf32, #tpu.memory_space<vmem_shared>>) target(%dma_start3A_96 : memref<128x16xf32, #tpu.memory_space<vmem>>) offsets(%dma_start3A_99 : memref<128xi32, #tpu.memory_space<vmem>>) semaphore(%arg21 : memref<!tpu.dma_semaphore, #tpu.memory_space<semaphore_mem>>)
    %dma_start3A_103 = arith.constant 7 : i32
    %dma_start3A_104 = arith.constant 7 : i32
    %dma_start3A_105 = arith.constant 0 : i32
    %dma_start3A_106 = arith.constant 0 : i32
    %dma_start3A_107 = tpu.memref_slice %arg14[%dma_start3A_104, %dma_start3A_105, %dma_start3A_106] : memref<8x128x16xf32, #tpu.memory_space<vmem>> -> memref<1x128x16xf32, #tpu.memory_space<vmem>>
    %dma_start3A_108 = tpu.memref_squeeze %dma_start3A_107 : memref<1x128x16xf32, #tpu.memory_space<vmem>> -> memref<128x16xf32, #tpu.memory_space<vmem>>
    %dma_start3A_109 = arith.constant 0 : i32
    %dma_start3A_110 = tpu.memref_slice %arg13[%dma_start3A_103, %dma_start3A_109] : memref<88x128xi32, #tpu.memory_space<vmem>> -> memref<1x128xi32, #tpu.memory_space<vmem>>
    %dma_start3A_111 = tpu.memref_squeeze %dma_start3A_110 : memref<1x128xi32, #tpu.memory_space<vmem>> -> memref<128xi32, #tpu.memory_space<vmem>>
    %dma_start3A_112 = arith.constant 0 : i32
    %dma_start3A_113 = arith.constant 0 : i32
    %dma_start3A_114 = tpu.memref_slice %arg12[%dma_start3A_112, %dma_start3A_113] : memref<10240x16xf32, #tpu.memory_space<vmem_shared>> -> memref<10240x16xf32, #tpu.memory_space<vmem_shared>>
    tpu.enqueue_indirect_dma source(%dma_start3A_114 : memref<10240x16xf32, #tpu.memory_space<vmem_shared>>) target(%dma_start3A_108 : memref<128x16xf32, #tpu.memory_space<vmem>>) offsets(%dma_start3A_111 : memref<128xi32, #tpu.memory_space<vmem>>) semaphore(%arg22 : memref<!tpu.dma_semaphore, #tpu.memory_space<semaphore_mem>>)
    %jit3A_115 = arith.constant 8 : i32
    %div3A = arith.divsi %select_n3A, %jit3A_115 : i32
    %sign3A = arith.constant 0 : i32
    %sign3A_116 = arith.cmpi sgt, %select_n3A, %sign3A : i32
    %sign3A_117 = arith.extui %sign3A_116 : i1 to i32
    %sign3A_118 = arith.constant 0 : i32
    %sign3A_119 = arith.cmpi slt, %select_n3A, %sign3A_118 : i32
    %sign3A_120 = arith.extui %sign3A_119 : i1 to i32
    %sign3A_121 = arith.subi %sign3A_117, %sign3A_120 : i32
    %sign3A_122 = arith.constant 0 : i32
    %sign3A_123 = arith.cmpi sgt, %jit3A_115, %sign3A_122 : i32
    %sign3A_124 = arith.extui %sign3A_123 : i1 to i32
    %sign3A_125 = arith.constant 0 : i32
    %sign3A_126 = arith.cmpi slt, %jit3A_115, %sign3A_125 : i32
    %sign3A_127 = arith.extui %sign3A_126 : i1 to i32
    %sign3A_128 = arith.subi %sign3A_124, %sign3A_127 : i32
    %ne3A = arith.cmpi ne, %sign3A_121, %sign3A_128 : i32
    %rem3A = arith.remsi %select_n3A, %jit3A_115 : i32
    %ne3A_129 = arith.constant 0 : i32
    %ne3A_130 = arith.cmpi ne, %rem3A, %ne3A_129 : i32
    %and3A = arith.andi %ne3A, %ne3A_130 : i1
    %sub3A = arith.constant 1 : i32
    %sub3A_131 = arith.subi %div3A, %sub3A : i32
    %select_n3A_132 = arith.select %and3A, %sub3A_131, %div3A : i32
    %while3A = arith.constant 0 : i32
    %while3A_133 = arith.constant 0 : i32
    %while3A_134 = arith.subi %select_n3A_132, %while3A_133 : i32
    %while3A_135 = arith.addi %while3A_133, %while3A_134 : i32
    %while3A_136 = arith.constant 1 : i32
    %while3A_137 = arith.divsi %while3A_134, %while3A_136 : i32
    %while3A_138 = arith.muli %while3A_137, %while3A_136 : i32
    %while3A_139 = arith.addi %while3A_133, %while3A_138 : i32
    %while3A_140 = arith.constant 1 : i32
    scf.for %while3A_159 = %while3A_133 to %while3A_139 step %while3A_140  : i32 {
      %mul3A_160 = arith.constant 8 : i32
      %mul3A_161 = arith.muli %while3A_159, %mul3A_160 : i32
      %add3A_162 = arith.constant 0 : i32
      %add3A_163 = arith.addi %mul3A_161, %add3A_162 : i32
      %dma_wait3A = arith.constant 0 : i32
      %dma_wait3A_164 = arith.constant 0 : i32
      %dma_wait3A_165 = arith.constant 0 : i32
      %dma_wait3A_166 = tpu.memref_slice %arg14[%dma_wait3A, %dma_wait3A_164, %dma_wait3A_165] : memref<8x128x16xf32, #tpu.memory_space<vmem>> -> memref<1x128x16xf32, #tpu.memory_space<vmem>>
      %dma_wait3A_167 = tpu.memref_squeeze %dma_wait3A_166 : memref<1x128x16xf32, #tpu.memory_space<vmem>> -> memref<128x16xf32, #tpu.memory_space<vmem>>
      %dma_wait3A_168 = arith.constant 0 : i32
      %dma_wait3A_169 = tpu.memref_slice %arg13[%add3A_163, %dma_wait3A_168] : memref<88x128xi32, #tpu.memory_space<vmem>> -> memref<1x128xi32, #tpu.memory_space<vmem>>
      %dma_wait3A_170 = tpu.memref_squeeze %dma_wait3A_169 : memref<1x128xi32, #tpu.memory_space<vmem>> -> memref<128xi32, #tpu.memory_space<vmem>>
      %dma_wait3A_171 = arith.constant 0 : i32
      %dma_wait3A_172 = arith.constant 0 : i32
      %dma_wait3A_173 = tpu.memref_slice %arg12[%dma_wait3A_171, %dma_wait3A_172] : memref<10240x16xf32, #tpu.memory_space<vmem_shared>> -> memref<10240x16xf32, #tpu.memory_space<vmem_shared>>
      tpu.wait_indirect_dma semaphore(%arg15 : memref<!tpu.dma_semaphore, #tpu.memory_space<semaphore_mem>>) src(%dma_wait3A_173 : memref<10240x16xf32, #tpu.memory_space<vmem_shared>>) dst(%dma_wait3A_167 : memref<128x16xf32, #tpu.memory_space<vmem>>)
      %dma_start3A_174 = arith.constant 0 : i32
      %dma_start3A_175 = arith.constant 0 : i32
      %dma_start3A_176 = arith.constant 0 : i32
      %dma_start3A_177 = tpu.memref_slice %arg14[%dma_start3A_174, %dma_start3A_175, %dma_start3A_176] : memref<8x128x16xf32, #tpu.memory_space<vmem>> -> memref<1x128x16xf32, #tpu.memory_space<vmem>>
      %dma_start3A_178 = tpu.memref_squeeze %dma_start3A_177 : memref<1x128x16xf32, #tpu.memory_space<vmem>> -> memref<128x16xf32, #tpu.memory_space<vmem>>
      %dma_start3A_179 = arith.constant 0 : i32
      %dma_start3A_180 = tpu.memref_slice %arg9[%add3A_163, %dma_start3A_179] : memref<88x128xi32, #tpu.memory_space<vmem>> -> memref<1x128xi32, #tpu.memory_space<vmem>>
      %dma_start3A_181 = tpu.memref_squeeze %dma_start3A_180 : memref<1x128xi32, #tpu.memory_space<vmem>> -> memref<128xi32, #tpu.memory_space<vmem>>
      %dma_start3A_182 = arith.constant 0 : i32
      %dma_start3A_183 = arith.constant 0 : i32
      %dma_start3A_184 = tpu.memref_slice %arg8[%dma_start3A_182, %dma_start3A_183] : memref<10240x16xf32, #tpu.memory_space<vmem_shared>> -> memref<10240x16xf32, #tpu.memory_space<vmem_shared>>
      tpu.enqueue_indirect_dma source(%dma_start3A_178 : memref<128x16xf32, #tpu.memory_space<vmem>>) target(%dma_start3A_184 : memref<10240x16xf32, #tpu.memory_space<vmem_shared>>) offsets(%dma_start3A_181 : memref<128xi32, #tpu.memory_space<vmem>>) semaphore(%arg23 : memref<!tpu.dma_semaphore, #tpu.memory_space<semaphore_mem>>) {add = true}
      %mul3A_185 = arith.constant 8 : i32
      %mul3A_186 = arith.muli %while3A_159, %mul3A_185 : i32
      %add3A_187 = arith.constant 1 : i32
      %add3A_188 = arith.addi %mul3A_186, %add3A_187 : i32
      %dma_wait3A_189 = arith.constant 1 : i32
      %dma_wait3A_190 = arith.constant 0 : i32
      %dma_wait3A_191 = arith.constant 0 : i32
      %dma_wait3A_192 = tpu.memref_slice %arg14[%dma_wait3A_189, %dma_wait3A_190, %dma_wait3A_191] : memref<8x128x16xf32, #tpu.memory_space<vmem>> -> memref<1x128x16xf32, #tpu.memory_space<vmem>>
      %dma_wait3A_193 = tpu.memref_squeeze %dma_wait3A_192 : memref<1x128x16xf32, #tpu.memory_space<vmem>> -> memref<128x16xf32, #tpu.memory_space<vmem>>
      %dma_wait3A_194 = arith.constant 0 : i32
      %dma_wait3A_195 = tpu.memref_slice %arg13[%add3A_188, %dma_wait3A_194] : memref<88x128xi32, #tpu.memory_space<vmem>> -> memref<1x128xi32, #tpu.memory_space<vmem>>
      %dma_wait3A_196 = tpu.memref_squeeze %dma_wait3A_195 : memref<1x128xi32, #tpu.memory_space<vmem>> -> memref<128xi32, #tpu.memory_space<vmem>>
      %dma_wait3A_197 = arith.constant 0 : i32
      %dma_wait3A_198 = arith.constant 0 : i32
      %dma_wait3A_199 = tpu.memref_slice %arg12[%dma_wait3A_197, %dma_wait3A_198] : memref<10240x16xf32, #tpu.memory_space<vmem_shared>> -> memref<10240x16xf32, #tpu.memory_space<vmem_shared>>
      tpu.wait_indirect_dma semaphore(%arg16 : memref<!tpu.dma_semaphore, #tpu.memory_space<semaphore_mem>>) src(%dma_wait3A_199 : memref<10240x16xf32, #tpu.memory_space<vmem_shared>>) dst(%dma_wait3A_193 : memref<128x16xf32, #tpu.memory_space<vmem>>)
      %dma_start3A_200 = arith.constant 1 : i32
      %dma_start3A_201 = arith.constant 0 : i32
      %dma_start3A_202 = arith.constant 0 : i32
      %dma_start3A_203 = tpu.memref_slice %arg14[%dma_start3A_200, %dma_start3A_201, %dma_start3A_202] : memref<8x128x16xf32, #tpu.memory_space<vmem>> -> memref<1x128x16xf32, #tpu.memory_space<vmem>>
      %dma_start3A_204 = tpu.memref_squeeze %dma_start3A_203 : memref<1x128x16xf32, #tpu.memory_space<vmem>> -> memref<128x16xf32, #tpu.memory_space<vmem>>
      %dma_start3A_205 = arith.constant 0 : i32
      %dma_start3A_206 = tpu.memref_slice %arg9[%add3A_188, %dma_start3A_205] : memref<88x128xi32, #tpu.memory_space<vmem>> -> memref<1x128xi32, #tpu.memory_space<vmem>>
      %dma_start3A_207 = tpu.memref_squeeze %dma_start3A_206 : memref<1x128xi32, #tpu.memory_space<vmem>> -> memref<128xi32, #tpu.memory_space<vmem>>
      %dma_start3A_208 = arith.constant 0 : i32
      %dma_start3A_209 = arith.constant 0 : i32
      %dma_start3A_210 = tpu.memref_slice %arg8[%dma_start3A_208, %dma_start3A_209] : memref<10240x16xf32, #tpu.memory_space<vmem_shared>> -> memref<10240x16xf32, #tpu.memory_space<vmem_shared>>
      tpu.enqueue_indirect_dma source(%dma_start3A_204 : memref<128x16xf32, #tpu.memory_space<vmem>>) target(%dma_start3A_210 : memref<10240x16xf32, #tpu.memory_space<vmem_shared>>) offsets(%dma_start3A_207 : memref<128xi32, #tpu.memory_space<vmem>>) semaphore(%arg24 : memref<!tpu.dma_semaphore, #tpu.memory_space<semaphore_mem>>) {add = true}
      %mul3A_211 = arith.constant 8 : i32
      %mul3A_212 = arith.muli %while3A_159, %mul3A_211 : i32
      %add3A_213 = arith.constant 2 : i32
      %add3A_214 = arith.addi %mul3A_212, %add3A_213 : i32
      %dma_wait3A_215 = arith.constant 2 : i32
      %dma_wait3A_216 = arith.constant 0 : i32
      %dma_wait3A_217 = arith.constant 0 : i32
      %dma_wait3A_218 = tpu.memref_slice %arg14[%dma_wait3A_215, %dma_wait3A_216, %dma_wait3A_217] : memref<8x128x16xf32, #tpu.memory_space<vmem>> -> memref<1x128x16xf32, #tpu.memory_space<vmem>>
      %dma_wait3A_219 = tpu.memref_squeeze %dma_wait3A_218 : memref<1x128x16xf32, #tpu.memory_space<vmem>> -> memref<128x16xf32, #tpu.memory_space<vmem>>
      %dma_wait3A_220 = arith.constant 0 : i32
      %dma_wait3A_221 = tpu.memref_slice %arg13[%add3A_214, %dma_wait3A_220] : memref<88x128xi32, #tpu.memory_space<vmem>> -> memref<1x128xi32, #tpu.memory_space<vmem>>
      %dma_wait3A_222 = tpu.memref_squeeze %dma_wait3A_221 : memref<1x128xi32, #tpu.memory_space<vmem>> -> memref<128xi32, #tpu.memory_space<vmem>>
      %dma_wait3A_223 = arith.constant 0 : i32
      %dma_wait3A_224 = arith.constant 0 : i32
      %dma_wait3A_225 = tpu.memref_slice %arg12[%dma_wait3A_223, %dma_wait3A_224] : memref<10240x16xf32, #tpu.memory_space<vmem_shared>> -> memref<10240x16xf32, #tpu.memory_space<vmem_shared>>
      tpu.wait_indirect_dma semaphore(%arg17 : memref<!tpu.dma_semaphore, #tpu.memory_space<semaphore_mem>>) src(%dma_wait3A_225 : memref<10240x16xf32, #tpu.memory_space<vmem_shared>>) dst(%dma_wait3A_219 : memref<128x16xf32, #tpu.memory_space<vmem>>)
      %dma_start3A_226 = arith.constant 2 : i32
      %dma_start3A_227 = arith.constant 0 : i32
      %dma_start3A_228 = arith.constant 0 : i32
      %dma_start3A_229 = tpu.memref_slice %arg14[%dma_start3A_226, %dma_start3A_227, %dma_start3A_228] : memref<8x128x16xf32, #tpu.memory_space<vmem>> -> memref<1x128x16xf32, #tpu.memory_space<vmem>>
      %dma_start3A_230 = tpu.memref_squeeze %dma_start3A_229 : memref<1x128x16xf32, #tpu.memory_space<vmem>> -> memref<128x16xf32, #tpu.memory_space<vmem>>
      %dma_start3A_231 = arith.constant 0 : i32
      %dma_start3A_232 = tpu.memref_slice %arg9[%add3A_214, %dma_start3A_231] : memref<88x128xi32, #tpu.memory_space<vmem>> -> memref<1x128xi32, #tpu.memory_space<vmem>>
      %dma_start3A_233 = tpu.memref_squeeze %dma_start3A_232 : memref<1x128xi32, #tpu.memory_space<vmem>> -> memref<128xi32, #tpu.memory_space<vmem>>
      %dma_start3A_234 = arith.constant 0 : i32
      %dma_start3A_235 = arith.constant 0 : i32
      %dma_start3A_236 = tpu.memref_slice %arg8[%dma_start3A_234, %dma_start3A_235] : memref<10240x16xf32, #tpu.memory_space<vmem_shared>> -> memref<10240x16xf32, #tpu.memory_space<vmem_shared>>
      tpu.enqueue_indirect_dma source(%dma_start3A_230 : memref<128x16xf32, #tpu.memory_space<vmem>>) target(%dma_start3A_236 : memref<10240x16xf32, #tpu.memory_space<vmem_shared>>) offsets(%dma_start3A_233 : memref<128xi32, #tpu.memory_space<vmem>>) semaphore(%arg25 : memref<!tpu.dma_semaphore, #tpu.memory_space<semaphore_mem>>) {add = true}
      %mul3A_237 = arith.constant 8 : i32
      %mul3A_238 = arith.muli %while3A_159, %mul3A_237 : i32
      %add3A_239 = arith.constant 3 : i32
      %add3A_240 = arith.addi %mul3A_238, %add3A_239 : i32
      %dma_wait3A_241 = arith.constant 3 : i32
      %dma_wait3A_242 = arith.constant 0 : i32
      %dma_wait3A_243 = arith.constant 0 : i32
      %dma_wait3A_244 = tpu.memref_slice %arg14[%dma_wait3A_241, %dma_wait3A_242, %dma_wait3A_243] : memref<8x128x16xf32, #tpu.memory_space<vmem>> -> memref<1x128x16xf32, #tpu.memory_space<vmem>>
      %dma_wait3A_245 = tpu.memref_squeeze %dma_wait3A_244 : memref<1x128x16xf32, #tpu.memory_space<vmem>> -> memref<128x16xf32, #tpu.memory_space<vmem>>
      %dma_wait3A_246 = arith.constant 0 : i32
      %dma_wait3A_247 = tpu.memref_slice %arg13[%add3A_240, %dma_wait3A_246] : memref<88x128xi32, #tpu.memory_space<vmem>> -> memref<1x128xi32, #tpu.memory_space<vmem>>
      %dma_wait3A_248 = tpu.memref_squeeze %dma_wait3A_247 : memref<1x128xi32, #tpu.memory_space<vmem>> -> memref<128xi32, #tpu.memory_space<vmem>>
      %dma_wait3A_249 = arith.constant 0 : i32
      %dma_wait3A_250 = arith.constant 0 : i32
      %dma_wait3A_251 = tpu.memref_slice %arg12[%dma_wait3A_249, %dma_wait3A_250] : memref<10240x16xf32, #tpu.memory_space<vmem_shared>> -> memref<10240x16xf32, #tpu.memory_space<vmem_shared>>
      tpu.wait_indirect_dma semaphore(%arg18 : memref<!tpu.dma_semaphore, #tpu.memory_space<semaphore_mem>>) src(%dma_wait3A_251 : memref<10240x16xf32, #tpu.memory_space<vmem_shared>>) dst(%dma_wait3A_245 : memref<128x16xf32, #tpu.memory_space<vmem>>)
      %dma_start3A_252 = arith.constant 3 : i32
      %dma_start3A_253 = arith.constant 0 : i32
      %dma_start3A_254 = arith.constant 0 : i32
      %dma_start3A_255 = tpu.memref_slice %arg14[%dma_start3A_252, %dma_start3A_253, %dma_start3A_254] : memref<8x128x16xf32, #tpu.memory_space<vmem>> -> memref<1x128x16xf32, #tpu.memory_space<vmem>>
      %dma_start3A_256 = tpu.memref_squeeze %dma_start3A_255 : memref<1x128x16xf32, #tpu.memory_space<vmem>> -> memref<128x16xf32, #tpu.memory_space<vmem>>
      %dma_start3A_257 = arith.constant 0 : i32
      %dma_start3A_258 = tpu.memref_slice %arg9[%add3A_240, %dma_start3A_257] : memref<88x128xi32, #tpu.memory_space<vmem>> -> memref<1x128xi32, #tpu.memory_space<vmem>>
      %dma_start3A_259 = tpu.memref_squeeze %dma_start3A_258 : memref<1x128xi32, #tpu.memory_space<vmem>> -> memref<128xi32, #tpu.memory_space<vmem>>
      %dma_start3A_260 = arith.constant 0 : i32
      %dma_start3A_261 = arith.constant 0 : i32
      %dma_start3A_262 = tpu.memref_slice %arg8[%dma_start3A_260, %dma_start3A_261] : memref<10240x16xf32, #tpu.memory_space<vmem_shared>> -> memref<10240x16xf32, #tpu.memory_space<vmem_shared>>
      tpu.enqueue_indirect_dma source(%dma_start3A_256 : memref<128x16xf32, #tpu.memory_space<vmem>>) target(%dma_start3A_262 : memref<10240x16xf32, #tpu.memory_space<vmem_shared>>) offsets(%dma_start3A_259 : memref<128xi32, #tpu.memory_space<vmem>>) semaphore(%arg26 : memref<!tpu.dma_semaphore, #tpu.memory_space<semaphore_mem>>) {add = true}
      %mul3A_263 = arith.constant 8 : i32
      %mul3A_264 = arith.muli %while3A_159, %mul3A_263 : i32
      %add3A_265 = arith.constant 4 : i32
      %add3A_266 = arith.addi %mul3A_264, %add3A_265 : i32
      %dma_wait3A_267 = arith.constant 4 : i32
      %dma_wait3A_268 = arith.constant 0 : i32
      %dma_wait3A_269 = arith.constant 0 : i32
      %dma_wait3A_270 = tpu.memref_slice %arg14[%dma_wait3A_267, %dma_wait3A_268, %dma_wait3A_269] : memref<8x128x16xf32, #tpu.memory_space<vmem>> -> memref<1x128x16xf32, #tpu.memory_space<vmem>>
      %dma_wait3A_271 = tpu.memref_squeeze %dma_wait3A_270 : memref<1x128x16xf32, #tpu.memory_space<vmem>> -> memref<128x16xf32, #tpu.memory_space<vmem>>
      %dma_wait3A_272 = arith.constant 0 : i32
      %dma_wait3A_273 = tpu.memref_slice %arg13[%add3A_266, %dma_wait3A_272] : memref<88x128xi32, #tpu.memory_space<vmem>> -> memref<1x128xi32, #tpu.memory_space<vmem>>
      %dma_wait3A_274 = tpu.memref_squeeze %dma_wait3A_273 : memref<1x128xi32, #tpu.memory_space<vmem>> -> memref<128xi32, #tpu.memory_space<vmem>>
      %dma_wait3A_275 = arith.constant 0 : i32
      %dma_wait3A_276 = arith.constant 0 : i32
      %dma_wait3A_277 = tpu.memref_slice %arg12[%dma_wait3A_275, %dma_wait3A_276] : memref<10240x16xf32, #tpu.memory_space<vmem_shared>> -> memref<10240x16xf32, #tpu.memory_space<vmem_shared>>
      tpu.wait_indirect_dma semaphore(%arg19 : memref<!tpu.dma_semaphore, #tpu.memory_space<semaphore_mem>>) src(%dma_wait3A_277 : memref<10240x16xf32, #tpu.memory_space<vmem_shared>>) dst(%dma_wait3A_271 : memref<128x16xf32, #tpu.memory_space<vmem>>)
      %dma_start3A_278 = arith.constant 4 : i32
      %dma_start3A_279 = arith.constant 0 : i32
      %dma_start3A_280 = arith.constant 0 : i32
      %dma_start3A_281 = tpu.memref_slice %arg14[%dma_start3A_278, %dma_start3A_279, %dma_start3A_280] : memref<8x128x16xf32, #tpu.memory_space<vmem>> -> memref<1x128x16xf32, #tpu.memory_space<vmem>>
      %dma_start3A_282 = tpu.memref_squeeze %dma_start3A_281 : memref<1x128x16xf32, #tpu.memory_space<vmem>> -> memref<128x16xf32, #tpu.memory_space<vmem>>
      %dma_start3A_283 = arith.constant 0 : i32
      %dma_start3A_284 = tpu.memref_slice %arg9[%add3A_266, %dma_start3A_283] : memref<88x128xi32, #tpu.memory_space<vmem>> -> memref<1x128xi32, #tpu.memory_space<vmem>>
      %dma_start3A_285 = tpu.memref_squeeze %dma_start3A_284 : memref<1x128xi32, #tpu.memory_space<vmem>> -> memref<128xi32, #tpu.memory_space<vmem>>
      %dma_start3A_286 = arith.constant 0 : i32
      %dma_start3A_287 = arith.constant 0 : i32
      %dma_start3A_288 = tpu.memref_slice %arg8[%dma_start3A_286, %dma_start3A_287] : memref<10240x16xf32, #tpu.memory_space<vmem_shared>> -> memref<10240x16xf32, #tpu.memory_space<vmem_shared>>
      tpu.enqueue_indirect_dma source(%dma_start3A_282 : memref<128x16xf32, #tpu.memory_space<vmem>>) target(%dma_start3A_288 : memref<10240x16xf32, #tpu.memory_space<vmem_shared>>) offsets(%dma_start3A_285 : memref<128xi32, #tpu.memory_space<vmem>>) semaphore(%arg27 : memref<!tpu.dma_semaphore, #tpu.memory_space<semaphore_mem>>) {add = true}
      %mul3A_289 = arith.constant 8 : i32
      %mul3A_290 = arith.muli %while3A_159, %mul3A_289 : i32
      %add3A_291 = arith.constant 5 : i32
      %add3A_292 = arith.addi %mul3A_290, %add3A_291 : i32
      %dma_wait3A_293 = arith.constant 5 : i32
      %dma_wait3A_294 = arith.constant 0 : i32
      %dma_wait3A_295 = arith.constant 0 : i32
      %dma_wait3A_296 = tpu.memref_slice %arg14[%dma_wait3A_293, %dma_wait3A_294, %dma_wait3A_295] : memref<8x128x16xf32, #tpu.memory_space<vmem>> -> memref<1x128x16xf32, #tpu.memory_space<vmem>>
      %dma_wait3A_297 = tpu.memref_squeeze %dma_wait3A_296 : memref<1x128x16xf32, #tpu.memory_space<vmem>> -> memref<128x16xf32, #tpu.memory_space<vmem>>
      %dma_wait3A_298 = arith.constant 0 : i32
      %dma_wait3A_299 = tpu.memref_slice %arg13[%add3A_292, %dma_wait3A_298] : memref<88x128xi32, #tpu.memory_space<vmem>> -> memref<1x128xi32, #tpu.memory_space<vmem>>
      %dma_wait3A_300 = tpu.memref_squeeze %dma_wait3A_299 : memref<1x128xi32, #tpu.memory_space<vmem>> -> memref<128xi32, #tpu.memory_space<vmem>>
      %dma_wait3A_301 = arith.constant 0 : i32
      %dma_wait3A_302 = arith.constant 0 : i32
      %dma_wait3A_303 = tpu.memref_slice %arg12[%dma_wait3A_301, %dma_wait3A_302] : memref<10240x16xf32, #tpu.memory_space<vmem_shared>> -> memref<10240x16xf32, #tpu.memory_space<vmem_shared>>
      tpu.wait_indirect_dma semaphore(%arg20 : memref<!tpu.dma_semaphore, #tpu.memory_space<semaphore_mem>>) src(%dma_wait3A_303 : memref<10240x16xf32, #tpu.memory_space<vmem_shared>>) dst(%dma_wait3A_297 : memref<128x16xf32, #tpu.memory_space<vmem>>)
      %dma_start3A_304 = arith.constant 5 : i32
      %dma_start3A_305 = arith.constant 0 : i32
      %dma_start3A_306 = arith.constant 0 : i32
      %dma_start3A_307 = tpu.memref_slice %arg14[%dma_start3A_304, %dma_start3A_305, %dma_start3A_306] : memref<8x128x16xf32, #tpu.memory_space<vmem>> -> memref<1x128x16xf32, #tpu.memory_space<vmem>>
      %dma_start3A_308 = tpu.memref_squeeze %dma_start3A_307 : memref<1x128x16xf32, #tpu.memory_space<vmem>> -> memref<128x16xf32, #tpu.memory_space<vmem>>
      %dma_start3A_309 = arith.constant 0 : i32
      %dma_start3A_310 = tpu.memref_slice %arg9[%add3A_292, %dma_start3A_309] : memref<88x128xi32, #tpu.memory_space<vmem>> -> memref<1x128xi32, #tpu.memory_space<vmem>>
      %dma_start3A_311 = tpu.memref_squeeze %dma_start3A_310 : memref<1x128xi32, #tpu.memory_space<vmem>> -> memref<128xi32, #tpu.memory_space<vmem>>
      %dma_start3A_312 = arith.constant 0 : i32
      %dma_start3A_313 = arith.constant 0 : i32
      %dma_start3A_314 = tpu.memref_slice %arg8[%dma_start3A_312, %dma_start3A_313] : memref<10240x16xf32, #tpu.memory_space<vmem_shared>> -> memref<10240x16xf32, #tpu.memory_space<vmem_shared>>
      tpu.enqueue_indirect_dma source(%dma_start3A_308 : memref<128x16xf32, #tpu.memory_space<vmem>>) target(%dma_start3A_314 : memref<10240x16xf32, #tpu.memory_space<vmem_shared>>) offsets(%dma_start3A_311 : memref<128xi32, #tpu.memory_space<vmem>>) semaphore(%arg28 : memref<!tpu.dma_semaphore, #tpu.memory_space<semaphore_mem>>) {add = true}
      %mul3A_315 = arith.constant 8 : i32
      %mul3A_316 = arith.muli %while3A_159, %mul3A_315 : i32
      %add3A_317 = arith.constant 6 : i32
      %add3A_318 = arith.addi %mul3A_316, %add3A_317 : i32
      %dma_wait3A_319 = arith.constant 6 : i32
      %dma_wait3A_320 = arith.constant 0 : i32
      %dma_wait3A_321 = arith.constant 0 : i32
      %dma_wait3A_322 = tpu.memref_slice %arg14[%dma_wait3A_319, %dma_wait3A_320, %dma_wait3A_321] : memref<8x128x16xf32, #tpu.memory_space<vmem>> -> memref<1x128x16xf32, #tpu.memory_space<vmem>>
      %dma_wait3A_323 = tpu.memref_squeeze %dma_wait3A_322 : memref<1x128x16xf32, #tpu.memory_space<vmem>> -> memref<128x16xf32, #tpu.memory_space<vmem>>
      %dma_wait3A_324 = arith.constant 0 : i32
      %dma_wait3A_325 = tpu.memref_slice %arg13[%add3A_318, %dma_wait3A_324] : memref<88x128xi32, #tpu.memory_space<vmem>> -> memref<1x128xi32, #tpu.memory_space<vmem>>
      %dma_wait3A_326 = tpu.memref_squeeze %dma_wait3A_325 : memref<1x128xi32, #tpu.memory_space<vmem>> -> memref<128xi32, #tpu.memory_space<vmem>>
      %dma_wait3A_327 = arith.constant 0 : i32
      %dma_wait3A_328 = arith.constant 0 : i32
      %dma_wait3A_329 = tpu.memref_slice %arg12[%dma_wait3A_327, %dma_wait3A_328] : memref<10240x16xf32, #tpu.memory_space<vmem_shared>> -> memref<10240x16xf32, #tpu.memory_space<vmem_shared>>
      tpu.wait_indirect_dma semaphore(%arg21 : memref<!tpu.dma_semaphore, #tpu.memory_space<semaphore_mem>>) src(%dma_wait3A_329 : memref<10240x16xf32, #tpu.memory_space<vmem_shared>>) dst(%dma_wait3A_323 : memref<128x16xf32, #tpu.memory_space<vmem>>)
      %dma_start3A_330 = arith.constant 6 : i32
      %dma_start3A_331 = arith.constant 0 : i32
      %dma_start3A_332 = arith.constant 0 : i32
      %dma_start3A_333 = tpu.memref_slice %arg14[%dma_start3A_330, %dma_start3A_331, %dma_start3A_332] : memref<8x128x16xf32, #tpu.memory_space<vmem>> -> memref<1x128x16xf32, #tpu.memory_space<vmem>>
      %dma_start3A_334 = tpu.memref_squeeze %dma_start3A_333 : memref<1x128x16xf32, #tpu.memory_space<vmem>> -> memref<128x16xf32, #tpu.memory_space<vmem>>
      %dma_start3A_335 = arith.constant 0 : i32
      %dma_start3A_336 = tpu.memref_slice %arg9[%add3A_318, %dma_start3A_335] : memref<88x128xi32, #tpu.memory_space<vmem>> -> memref<1x128xi32, #tpu.memory_space<vmem>>
      %dma_start3A_337 = tpu.memref_squeeze %dma_start3A_336 : memref<1x128xi32, #tpu.memory_space<vmem>> -> memref<128xi32, #tpu.memory_space<vmem>>
      %dma_start3A_338 = arith.constant 0 : i32
      %dma_start3A_339 = arith.constant 0 : i32
      %dma_start3A_340 = tpu.memref_slice %arg8[%dma_start3A_338, %dma_start3A_339] : memref<10240x16xf32, #tpu.memory_space<vmem_shared>> -> memref<10240x16xf32, #tpu.memory_space<vmem_shared>>
      tpu.enqueue_indirect_dma source(%dma_start3A_334 : memref<128x16xf32, #tpu.memory_space<vmem>>) target(%dma_start3A_340 : memref<10240x16xf32, #tpu.memory_space<vmem_shared>>) offsets(%dma_start3A_337 : memref<128xi32, #tpu.memory_space<vmem>>) semaphore(%arg29 : memref<!tpu.dma_semaphore, #tpu.memory_space<semaphore_mem>>) {add = true}
      %mul3A_341 = arith.constant 8 : i32
      %mul3A_342 = arith.muli %while3A_159, %mul3A_341 : i32
      %add3A_343 = arith.constant 7 : i32
      %add3A_344 = arith.addi %mul3A_342, %add3A_343 : i32
      %dma_wait3A_345 = arith.constant 7 : i32
      %dma_wait3A_346 = arith.constant 0 : i32
      %dma_wait3A_347 = arith.constant 0 : i32
      %dma_wait3A_348 = tpu.memref_slice %arg14[%dma_wait3A_345, %dma_wait3A_346, %dma_wait3A_347] : memref<8x128x16xf32, #tpu.memory_space<vmem>> -> memref<1x128x16xf32, #tpu.memory_space<vmem>>
      %dma_wait3A_349 = tpu.memref_squeeze %dma_wait3A_348 : memref<1x128x16xf32, #tpu.memory_space<vmem>> -> memref<128x16xf32, #tpu.memory_space<vmem>>
      %dma_wait3A_350 = arith.constant 0 : i32
      %dma_wait3A_351 = tpu.memref_slice %arg13[%add3A_344, %dma_wait3A_350] : memref<88x128xi32, #tpu.memory_space<vmem>> -> memref<1x128xi32, #tpu.memory_space<vmem>>
      %dma_wait3A_352 = tpu.memref_squeeze %dma_wait3A_351 : memref<1x128xi32, #tpu.memory_space<vmem>> -> memref<128xi32, #tpu.memory_space<vmem>>
      %dma_wait3A_353 = arith.constant 0 : i32
      %dma_wait3A_354 = arith.constant 0 : i32
      %dma_wait3A_355 = tpu.memref_slice %arg12[%dma_wait3A_353, %dma_wait3A_354] : memref<10240x16xf32, #tpu.memory_space<vmem_shared>> -> memref<10240x16xf32, #tpu.memory_space<vmem_shared>>
      tpu.wait_indirect_dma semaphore(%arg22 : memref<!tpu.dma_semaphore, #tpu.memory_space<semaphore_mem>>) src(%dma_wait3A_355 : memref<10240x16xf32, #tpu.memory_space<vmem_shared>>) dst(%dma_wait3A_349 : memref<128x16xf32, #tpu.memory_space<vmem>>)
      %dma_start3A_356 = arith.constant 7 : i32
      %dma_start3A_357 = arith.constant 0 : i32
      %dma_start3A_358 = arith.constant 0 : i32
      %dma_start3A_359 = tpu.memref_slice %arg14[%dma_start3A_356, %dma_start3A_357, %dma_start3A_358] : memref<8x128x16xf32, #tpu.memory_space<vmem>> -> memref<1x128x16xf32, #tpu.memory_space<vmem>>
      %dma_start3A_360 = tpu.memref_squeeze %dma_start3A_359 : memref<1x128x16xf32, #tpu.memory_space<vmem>> -> memref<128x16xf32, #tpu.memory_space<vmem>>
      %dma_start3A_361 = arith.constant 0 : i32
      %dma_start3A_362 = tpu.memref_slice %arg9[%add3A_344, %dma_start3A_361] : memref<88x128xi32, #tpu.memory_space<vmem>> -> memref<1x128xi32, #tpu.memory_space<vmem>>
      %dma_start3A_363 = tpu.memref_squeeze %dma_start3A_362 : memref<1x128xi32, #tpu.memory_space<vmem>> -> memref<128xi32, #tpu.memory_space<vmem>>
      %dma_start3A_364 = arith.constant 0 : i32
      %dma_start3A_365 = arith.constant 0 : i32
      %dma_start3A_366 = tpu.memref_slice %arg8[%dma_start3A_364, %dma_start3A_365] : memref<10240x16xf32, #tpu.memory_space<vmem_shared>> -> memref<10240x16xf32, #tpu.memory_space<vmem_shared>>
      tpu.enqueue_indirect_dma source(%dma_start3A_360 : memref<128x16xf32, #tpu.memory_space<vmem>>) target(%dma_start3A_366 : memref<10240x16xf32, #tpu.memory_space<vmem_shared>>) offsets(%dma_start3A_363 : memref<128xi32, #tpu.memory_space<vmem>>) semaphore(%arg30 : memref<!tpu.dma_semaphore, #tpu.memory_space<semaphore_mem>>) {add = true}
      %mul3A_367 = arith.constant 8 : i32
      %mul3A_368 = arith.muli %while3A_159, %mul3A_367 : i32
      %add3A_369 = arith.constant 0 : i32
      %add3A_370 = arith.addi %mul3A_368, %add3A_369 : i32
      %dma_wait3A_371 = arith.constant 0 : i32
      %dma_wait3A_372 = arith.constant 0 : i32
      %dma_wait3A_373 = arith.constant 0 : i32
      %dma_wait3A_374 = tpu.memref_slice %arg14[%dma_wait3A_371, %dma_wait3A_372, %dma_wait3A_373] : memref<8x128x16xf32, #tpu.memory_space<vmem>> -> memref<1x128x16xf32, #tpu.memory_space<vmem>>
      %dma_wait3A_375 = tpu.memref_squeeze %dma_wait3A_374 : memref<1x128x16xf32, #tpu.memory_space<vmem>> -> memref<128x16xf32, #tpu.memory_space<vmem>>
      %dma_wait3A_376 = arith.constant 0 : i32
      %dma_wait3A_377 = tpu.memref_slice %arg9[%add3A_370, %dma_wait3A_376] : memref<88x128xi32, #tpu.memory_space<vmem>> -> memref<1x128xi32, #tpu.memory_space<vmem>>
      %dma_wait3A_378 = tpu.memref_squeeze %dma_wait3A_377 : memref<1x128xi32, #tpu.memory_space<vmem>> -> memref<128xi32, #tpu.memory_space<vmem>>
      %dma_wait3A_379 = arith.constant 0 : i32
      %dma_wait3A_380 = arith.constant 0 : i32
      %dma_wait3A_381 = tpu.memref_slice %arg8[%dma_wait3A_379, %dma_wait3A_380] : memref<10240x16xf32, #tpu.memory_space<vmem_shared>> -> memref<10240x16xf32, #tpu.memory_space<vmem_shared>>
      tpu.wait_indirect_dma semaphore(%arg23 : memref<!tpu.dma_semaphore, #tpu.memory_space<semaphore_mem>>) src(%dma_wait3A_375 : memref<128x16xf32, #tpu.memory_space<vmem>>) dst(%dma_wait3A_381 : memref<10240x16xf32, #tpu.memory_space<vmem_shared>>)
      %add3A_382 = arith.constant 8 : i32
      %add3A_383 = arith.addi %add3A_370, %add3A_382 : i32
      %lt3A = arith.cmpi slt, %add3A_383, %select_n3A : i32
      %convert_element_type3A_384 = arith.extui %lt3A : i1 to i32
      %cond3A_385 = arith.constant 0 : i32
      %cond3A_386 = arith.cmpi ne, %convert_element_type3A_384, %cond3A_385 : i32
      scf.if %cond3A_386 {
        %dma_start3A_534 = arith.constant 0 : i32
        %dma_start3A_535 = arith.constant 0 : i32
        %dma_start3A_536 = arith.constant 0 : i32
        %dma_start3A_537 = tpu.memref_slice %arg14[%dma_start3A_534, %dma_start3A_535, %dma_start3A_536] : memref<8x128x16xf32, #tpu.memory_space<vmem>> -> memref<1x128x16xf32, #tpu.memory_space<vmem>>
        %dma_start3A_538 = tpu.memref_squeeze %dma_start3A_537 : memref<1x128x16xf32, #tpu.memory_space<vmem>> -> memref<128x16xf32, #tpu.memory_space<vmem>>
        %dma_start3A_539 = arith.constant 0 : i32
        %dma_start3A_540 = tpu.memref_slice %arg13[%add3A_383, %dma_start3A_539] : memref<88x128xi32, #tpu.memory_space<vmem>> -> memref<1x128xi32, #tpu.memory_space<vmem>>
        %dma_start3A_541 = tpu.memref_squeeze %dma_start3A_540 : memref<1x128xi32, #tpu.memory_space<vmem>> -> memref<128xi32, #tpu.memory_space<vmem>>
        %dma_start3A_542 = arith.constant 0 : i32
        %dma_start3A_543 = arith.constant 0 : i32
        %dma_start3A_544 = tpu.memref_slice %arg12[%dma_start3A_542, %dma_start3A_543] : memref<10240x16xf32, #tpu.memory_space<vmem_shared>> -> memref<10240x16xf32, #tpu.memory_space<vmem_shared>>
        tpu.enqueue_indirect_dma source(%dma_start3A_544 : memref<10240x16xf32, #tpu.memory_space<vmem_shared>>) target(%dma_start3A_538 : memref<128x16xf32, #tpu.memory_space<vmem>>) offsets(%dma_start3A_541 : memref<128xi32, #tpu.memory_space<vmem>>) semaphore(%arg15 : memref<!tpu.dma_semaphore, #tpu.memory_space<semaphore_mem>>)
      } else {
      }
      %mul3A_387 = arith.constant 8 : i32
      %mul3A_388 = arith.muli %while3A_159, %mul3A_387 : i32
      %add3A_389 = arith.constant 1 : i32
      %add3A_390 = arith.addi %mul3A_388, %add3A_389 : i32
      %dma_wait3A_391 = arith.constant 1 : i32
      %dma_wait3A_392 = arith.constant 0 : i32
      %dma_wait3A_393 = arith.constant 0 : i32
      %dma_wait3A_394 = tpu.memref_slice %arg14[%dma_wait3A_391, %dma_wait3A_392, %dma_wait3A_393] : memref<8x128x16xf32, #tpu.memory_space<vmem>> -> memref<1x128x16xf32, #tpu.memory_space<vmem>>
      %dma_wait3A_395 = tpu.memref_squeeze %dma_wait3A_394 : memref<1x128x16xf32, #tpu.memory_space<vmem>> -> memref<128x16xf32, #tpu.memory_space<vmem>>
      %dma_wait3A_396 = arith.constant 0 : i32
      %dma_wait3A_397 = tpu.memref_slice %arg9[%add3A_390, %dma_wait3A_396] : memref<88x128xi32, #tpu.memory_space<vmem>> -> memref<1x128xi32, #tpu.memory_space<vmem>>
      %dma_wait3A_398 = tpu.memref_squeeze %dma_wait3A_397 : memref<1x128xi32, #tpu.memory_space<vmem>> -> memref<128xi32, #tpu.memory_space<vmem>>
      %dma_wait3A_399 = arith.constant 0 : i32
      %dma_wait3A_400 = arith.constant 0 : i32
      %dma_wait3A_401 = tpu.memref_slice %arg8[%dma_wait3A_399, %dma_wait3A_400] : memref<10240x16xf32, #tpu.memory_space<vmem_shared>> -> memref<10240x16xf32, #tpu.memory_space<vmem_shared>>
      tpu.wait_indirect_dma semaphore(%arg24 : memref<!tpu.dma_semaphore, #tpu.memory_space<semaphore_mem>>) src(%dma_wait3A_395 : memref<128x16xf32, #tpu.memory_space<vmem>>) dst(%dma_wait3A_401 : memref<10240x16xf32, #tpu.memory_space<vmem_shared>>)
      %add3A_402 = arith.constant 8 : i32
      %add3A_403 = arith.addi %add3A_390, %add3A_402 : i32
      %lt3A_404 = arith.cmpi slt, %add3A_403, %select_n3A : i32
      %convert_element_type3A_405 = arith.extui %lt3A_404 : i1 to i32
      %cond3A_406 = arith.constant 0 : i32
      %cond3A_407 = arith.cmpi ne, %convert_element_type3A_405, %cond3A_406 : i32
      scf.if %cond3A_407 {
        %dma_start3A_534 = arith.constant 1 : i32
        %dma_start3A_535 = arith.constant 0 : i32
        %dma_start3A_536 = arith.constant 0 : i32
        %dma_start3A_537 = tpu.memref_slice %arg14[%dma_start3A_534, %dma_start3A_535, %dma_start3A_536] : memref<8x128x16xf32, #tpu.memory_space<vmem>> -> memref<1x128x16xf32, #tpu.memory_space<vmem>>
        %dma_start3A_538 = tpu.memref_squeeze %dma_start3A_537 : memref<1x128x16xf32, #tpu.memory_space<vmem>> -> memref<128x16xf32, #tpu.memory_space<vmem>>
        %dma_start3A_539 = arith.constant 0 : i32
        %dma_start3A_540 = tpu.memref_slice %arg13[%add3A_403, %dma_start3A_539] : memref<88x128xi32, #tpu.memory_space<vmem>> -> memref<1x128xi32, #tpu.memory_space<vmem>>
        %dma_start3A_541 = tpu.memref_squeeze %dma_start3A_540 : memref<1x128xi32, #tpu.memory_space<vmem>> -> memref<128xi32, #tpu.memory_space<vmem>>
        %dma_start3A_542 = arith.constant 0 : i32
        %dma_start3A_543 = arith.constant 0 : i32
        %dma_start3A_544 = tpu.memref_slice %arg12[%dma_start3A_542, %dma_start3A_543] : memref<10240x16xf32, #tpu.memory_space<vmem_shared>> -> memref<10240x16xf32, #tpu.memory_space<vmem_shared>>
        tpu.enqueue_indirect_dma source(%dma_start3A_544 : memref<10240x16xf32, #tpu.memory_space<vmem_shared>>) target(%dma_start3A_538 : memref<128x16xf32, #tpu.memory_space<vmem>>) offsets(%dma_start3A_541 : memref<128xi32, #tpu.memory_space<vmem>>) semaphore(%arg16 : memref<!tpu.dma_semaphore, #tpu.memory_space<semaphore_mem>>)
      } else {
      }
      %mul3A_408 = arith.constant 8 : i32
      %mul3A_409 = arith.muli %while3A_159, %mul3A_408 : i32
      %add3A_410 = arith.constant 2 : i32
      %add3A_411 = arith.addi %mul3A_409, %add3A_410 : i32
      %dma_wait3A_412 = arith.constant 2 : i32
      %dma_wait3A_413 = arith.constant 0 : i32
      %dma_wait3A_414 = arith.constant 0 : i32
      %dma_wait3A_415 = tpu.memref_slice %arg14[%dma_wait3A_412, %dma_wait3A_413, %dma_wait3A_414] : memref<8x128x16xf32, #tpu.memory_space<vmem>> -> memref<1x128x16xf32, #tpu.memory_space<vmem>>
      %dma_wait3A_416 = tpu.memref_squeeze %dma_wait3A_415 : memref<1x128x16xf32, #tpu.memory_space<vmem>> -> memref<128x16xf32, #tpu.memory_space<vmem>>
      %dma_wait3A_417 = arith.constant 0 : i32
      %dma_wait3A_418 = tpu.memref_slice %arg9[%add3A_411, %dma_wait3A_417] : memref<88x128xi32, #tpu.memory_space<vmem>> -> memref<1x128xi32, #tpu.memory_space<vmem>>
      %dma_wait3A_419 = tpu.memref_squeeze %dma_wait3A_418 : memref<1x128xi32, #tpu.memory_space<vmem>> -> memref<128xi32, #tpu.memory_space<vmem>>
      %dma_wait3A_420 = arith.constant 0 : i32
      %dma_wait3A_421 = arith.constant 0 : i32
      %dma_wait3A_422 = tpu.memref_slice %arg8[%dma_wait3A_420, %dma_wait3A_421] : memref<10240x16xf32, #tpu.memory_space<vmem_shared>> -> memref<10240x16xf32, #tpu.memory_space<vmem_shared>>
      tpu.wait_indirect_dma semaphore(%arg25 : memref<!tpu.dma_semaphore, #tpu.memory_space<semaphore_mem>>) src(%dma_wait3A_416 : memref<128x16xf32, #tpu.memory_space<vmem>>) dst(%dma_wait3A_422 : memref<10240x16xf32, #tpu.memory_space<vmem_shared>>)
      %add3A_423 = arith.constant 8 : i32
      %add3A_424 = arith.addi %add3A_411, %add3A_423 : i32
      %lt3A_425 = arith.cmpi slt, %add3A_424, %select_n3A : i32
      %convert_element_type3A_426 = arith.extui %lt3A_425 : i1 to i32
      %cond3A_427 = arith.constant 0 : i32
      %cond3A_428 = arith.cmpi ne, %convert_element_type3A_426, %cond3A_427 : i32
      scf.if %cond3A_428 {
        %dma_start3A_534 = arith.constant 2 : i32
        %dma_start3A_535 = arith.constant 0 : i32
        %dma_start3A_536 = arith.constant 0 : i32
        %dma_start3A_537 = tpu.memref_slice %arg14[%dma_start3A_534, %dma_start3A_535, %dma_start3A_536] : memref<8x128x16xf32, #tpu.memory_space<vmem>> -> memref<1x128x16xf32, #tpu.memory_space<vmem>>
        %dma_start3A_538 = tpu.memref_squeeze %dma_start3A_537 : memref<1x128x16xf32, #tpu.memory_space<vmem>> -> memref<128x16xf32, #tpu.memory_space<vmem>>
        %dma_start3A_539 = arith.constant 0 : i32
        %dma_start3A_540 = tpu.memref_slice %arg13[%add3A_424, %dma_start3A_539] : memref<88x128xi32, #tpu.memory_space<vmem>> -> memref<1x128xi32, #tpu.memory_space<vmem>>
        %dma_start3A_541 = tpu.memref_squeeze %dma_start3A_540 : memref<1x128xi32, #tpu.memory_space<vmem>> -> memref<128xi32, #tpu.memory_space<vmem>>
        %dma_start3A_542 = arith.constant 0 : i32
        %dma_start3A_543 = arith.constant 0 : i32
        %dma_start3A_544 = tpu.memref_slice %arg12[%dma_start3A_542, %dma_start3A_543] : memref<10240x16xf32, #tpu.memory_space<vmem_shared>> -> memref<10240x16xf32, #tpu.memory_space<vmem_shared>>
        tpu.enqueue_indirect_dma source(%dma_start3A_544 : memref<10240x16xf32, #tpu.memory_space<vmem_shared>>) target(%dma_start3A_538 : memref<128x16xf32, #tpu.memory_space<vmem>>) offsets(%dma_start3A_541 : memref<128xi32, #tpu.memory_space<vmem>>) semaphore(%arg17 : memref<!tpu.dma_semaphore, #tpu.memory_space<semaphore_mem>>)
      } else {
      }
      %mul3A_429 = arith.constant 8 : i32
      %mul3A_430 = arith.muli %while3A_159, %mul3A_429 : i32
      %add3A_431 = arith.constant 3 : i32
      %add3A_432 = arith.addi %mul3A_430, %add3A_431 : i32
      %dma_wait3A_433 = arith.constant 3 : i32
      %dma_wait3A_434 = arith.constant 0 : i32
      %dma_wait3A_435 = arith.constant 0 : i32
      %dma_wait3A_436 = tpu.memref_slice %arg14[%dma_wait3A_433, %dma_wait3A_434, %dma_wait3A_435] : memref<8x128x16xf32, #tpu.memory_space<vmem>> -> memref<1x128x16xf32, #tpu.memory_space<vmem>>
      %dma_wait3A_437 = tpu.memref_squeeze %dma_wait3A_436 : memref<1x128x16xf32, #tpu.memory_space<vmem>> -> memref<128x16xf32, #tpu.memory_space<vmem>>
      %dma_wait3A_438 = arith.constant 0 : i32
      %dma_wait3A_439 = tpu.memref_slice %arg9[%add3A_432, %dma_wait3A_438] : memref<88x128xi32, #tpu.memory_space<vmem>> -> memref<1x128xi32, #tpu.memory_space<vmem>>
      %dma_wait3A_440 = tpu.memref_squeeze %dma_wait3A_439 : memref<1x128xi32, #tpu.memory_space<vmem>> -> memref<128xi32, #tpu.memory_space<vmem>>
      %dma_wait3A_441 = arith.constant 0 : i32
      %dma_wait3A_442 = arith.constant 0 : i32
      %dma_wait3A_443 = tpu.memref_slice %arg8[%dma_wait3A_441, %dma_wait3A_442] : memref<10240x16xf32, #tpu.memory_space<vmem_shared>> -> memref<10240x16xf32, #tpu.memory_space<vmem_shared>>
      tpu.wait_indirect_dma semaphore(%arg26 : memref<!tpu.dma_semaphore, #tpu.memory_space<semaphore_mem>>) src(%dma_wait3A_437 : memref<128x16xf32, #tpu.memory_space<vmem>>) dst(%dma_wait3A_443 : memref<10240x16xf32, #tpu.memory_space<vmem_shared>>)
      %add3A_444 = arith.constant 8 : i32
      %add3A_445 = arith.addi %add3A_432, %add3A_444 : i32
      %lt3A_446 = arith.cmpi slt, %add3A_445, %select_n3A : i32
      %convert_element_type3A_447 = arith.extui %lt3A_446 : i1 to i32
      %cond3A_448 = arith.constant 0 : i32
      %cond3A_449 = arith.cmpi ne, %convert_element_type3A_447, %cond3A_448 : i32
      scf.if %cond3A_449 {
        %dma_start3A_534 = arith.constant 3 : i32
        %dma_start3A_535 = arith.constant 0 : i32
        %dma_start3A_536 = arith.constant 0 : i32
        %dma_start3A_537 = tpu.memref_slice %arg14[%dma_start3A_534, %dma_start3A_535, %dma_start3A_536] : memref<8x128x16xf32, #tpu.memory_space<vmem>> -> memref<1x128x16xf32, #tpu.memory_space<vmem>>
        %dma_start3A_538 = tpu.memref_squeeze %dma_start3A_537 : memref<1x128x16xf32, #tpu.memory_space<vmem>> -> memref<128x16xf32, #tpu.memory_space<vmem>>
        %dma_start3A_539 = arith.constant 0 : i32
        %dma_start3A_540 = tpu.memref_slice %arg13[%add3A_445, %dma_start3A_539] : memref<88x128xi32, #tpu.memory_space<vmem>> -> memref<1x128xi32, #tpu.memory_space<vmem>>
        %dma_start3A_541 = tpu.memref_squeeze %dma_start3A_540 : memref<1x128xi32, #tpu.memory_space<vmem>> -> memref<128xi32, #tpu.memory_space<vmem>>
        %dma_start3A_542 = arith.constant 0 : i32
        %dma_start3A_543 = arith.constant 0 : i32
        %dma_start3A_544 = tpu.memref_slice %arg12[%dma_start3A_542, %dma_start3A_543] : memref<10240x16xf32, #tpu.memory_space<vmem_shared>> -> memref<10240x16xf32, #tpu.memory_space<vmem_shared>>
        tpu.enqueue_indirect_dma source(%dma_start3A_544 : memref<10240x16xf32, #tpu.memory_space<vmem_shared>>) target(%dma_start3A_538 : memref<128x16xf32, #tpu.memory_space<vmem>>) offsets(%dma_start3A_541 : memref<128xi32, #tpu.memory_space<vmem>>) semaphore(%arg18 : memref<!tpu.dma_semaphore, #tpu.memory_space<semaphore_mem>>)
      } else {
      }
      %mul3A_450 = arith.constant 8 : i32
      %mul3A_451 = arith.muli %while3A_159, %mul3A_450 : i32
      %add3A_452 = arith.constant 4 : i32
      %add3A_453 = arith.addi %mul3A_451, %add3A_452 : i32
      %dma_wait3A_454 = arith.constant 4 : i32
      %dma_wait3A_455 = arith.constant 0 : i32
      %dma_wait3A_456 = arith.constant 0 : i32
      %dma_wait3A_457 = tpu.memref_slice %arg14[%dma_wait3A_454, %dma_wait3A_455, %dma_wait3A_456] : memref<8x128x16xf32, #tpu.memory_space<vmem>> -> memref<1x128x16xf32, #tpu.memory_space<vmem>>
      %dma_wait3A_458 = tpu.memref_squeeze %dma_wait3A_457 : memref<1x128x16xf32, #tpu.memory_space<vmem>> -> memref<128x16xf32, #tpu.memory_space<vmem>>
      %dma_wait3A_459 = arith.constant 0 : i32
      %dma_wait3A_460 = tpu.memref_slice %arg9[%add3A_453, %dma_wait3A_459] : memref<88x128xi32, #tpu.memory_space<vmem>> -> memref<1x128xi32, #tpu.memory_space<vmem>>
      %dma_wait3A_461 = tpu.memref_squeeze %dma_wait3A_460 : memref<1x128xi32, #tpu.memory_space<vmem>> -> memref<128xi32, #tpu.memory_space<vmem>>
      %dma_wait3A_462 = arith.constant 0 : i32
      %dma_wait3A_463 = arith.constant 0 : i32
      %dma_wait3A_464 = tpu.memref_slice %arg8[%dma_wait3A_462, %dma_wait3A_463] : memref<10240x16xf32, #tpu.memory_space<vmem_shared>> -> memref<10240x16xf32, #tpu.memory_space<vmem_shared>>
      tpu.wait_indirect_dma semaphore(%arg27 : memref<!tpu.dma_semaphore, #tpu.memory_space<semaphore_mem>>) src(%dma_wait3A_458 : memref<128x16xf32, #tpu.memory_space<vmem>>) dst(%dma_wait3A_464 : memref<10240x16xf32, #tpu.memory_space<vmem_shared>>)
      %add3A_465 = arith.constant 8 : i32
      %add3A_466 = arith.addi %add3A_453, %add3A_465 : i32
      %lt3A_467 = arith.cmpi slt, %add3A_466, %select_n3A : i32
      %convert_element_type3A_468 = arith.extui %lt3A_467 : i1 to i32
      %cond3A_469 = arith.constant 0 : i32
      %cond3A_470 = arith.cmpi ne, %convert_element_type3A_468, %cond3A_469 : i32
      scf.if %cond3A_470 {
        %dma_start3A_534 = arith.constant 4 : i32
        %dma_start3A_535 = arith.constant 0 : i32
        %dma_start3A_536 = arith.constant 0 : i32
        %dma_start3A_537 = tpu.memref_slice %arg14[%dma_start3A_534, %dma_start3A_535, %dma_start3A_536] : memref<8x128x16xf32, #tpu.memory_space<vmem>> -> memref<1x128x16xf32, #tpu.memory_space<vmem>>
        %dma_start3A_538 = tpu.memref_squeeze %dma_start3A_537 : memref<1x128x16xf32, #tpu.memory_space<vmem>> -> memref<128x16xf32, #tpu.memory_space<vmem>>
        %dma_start3A_539 = arith.constant 0 : i32
        %dma_start3A_540 = tpu.memref_slice %arg13[%add3A_466, %dma_start3A_539] : memref<88x128xi32, #tpu.memory_space<vmem>> -> memref<1x128xi32, #tpu.memory_space<vmem>>
        %dma_start3A_541 = tpu.memref_squeeze %dma_start3A_540 : memref<1x128xi32, #tpu.memory_space<vmem>> -> memref<128xi32, #tpu.memory_space<vmem>>
        %dma_start3A_542 = arith.constant 0 : i32
        %dma_start3A_543 = arith.constant 0 : i32
        %dma_start3A_544 = tpu.memref_slice %arg12[%dma_start3A_542, %dma_start3A_543] : memref<10240x16xf32, #tpu.memory_space<vmem_shared>> -> memref<10240x16xf32, #tpu.memory_space<vmem_shared>>
        tpu.enqueue_indirect_dma source(%dma_start3A_544 : memref<10240x16xf32, #tpu.memory_space<vmem_shared>>) target(%dma_start3A_538 : memref<128x16xf32, #tpu.memory_space<vmem>>) offsets(%dma_start3A_541 : memref<128xi32, #tpu.memory_space<vmem>>) semaphore(%arg19 : memref<!tpu.dma_semaphore, #tpu.memory_space<semaphore_mem>>)
      } else {
      }
      %mul3A_471 = arith.constant 8 : i32
      %mul3A_472 = arith.muli %while3A_159, %mul3A_471 : i32
      %add3A_473 = arith.constant 5 : i32
      %add3A_474 = arith.addi %mul3A_472, %add3A_473 : i32
      %dma_wait3A_475 = arith.constant 5 : i32
      %dma_wait3A_476 = arith.constant 0 : i32
      %dma_wait3A_477 = arith.constant 0 : i32
      %dma_wait3A_478 = tpu.memref_slice %arg14[%dma_wait3A_475, %dma_wait3A_476, %dma_wait3A_477] : memref<8x128x16xf32, #tpu.memory_space<vmem>> -> memref<1x128x16xf32, #tpu.memory_space<vmem>>
      %dma_wait3A_479 = tpu.memref_squeeze %dma_wait3A_478 : memref<1x128x16xf32, #tpu.memory_space<vmem>> -> memref<128x16xf32, #tpu.memory_space<vmem>>
      %dma_wait3A_480 = arith.constant 0 : i32
      %dma_wait3A_481 = tpu.memref_slice %arg9[%add3A_474, %dma_wait3A_480] : memref<88x128xi32, #tpu.memory_space<vmem>> -> memref<1x128xi32, #tpu.memory_space<vmem>>
      %dma_wait3A_482 = tpu.memref_squeeze %dma_wait3A_481 : memref<1x128xi32, #tpu.memory_space<vmem>> -> memref<128xi32, #tpu.memory_space<vmem>>
      %dma_wait3A_483 = arith.constant 0 : i32
      %dma_wait3A_484 = arith.constant 0 : i32
      %dma_wait3A_485 = tpu.memref_slice %arg8[%dma_wait3A_483, %dma_wait3A_484] : memref<10240x16xf32, #tpu.memory_space<vmem_shared>> -> memref<10240x16xf32, #tpu.memory_space<vmem_shared>>
      tpu.wait_indirect_dma semaphore(%arg28 : memref<!tpu.dma_semaphore, #tpu.memory_space<semaphore_mem>>) src(%dma_wait3A_479 : memref<128x16xf32, #tpu.memory_space<vmem>>) dst(%dma_wait3A_485 : memref<10240x16xf32, #tpu.memory_space<vmem_shared>>)
      %add3A_486 = arith.constant 8 : i32
      %add3A_487 = arith.addi %add3A_474, %add3A_486 : i32
      %lt3A_488 = arith.cmpi slt, %add3A_487, %select_n3A : i32
      %convert_element_type3A_489 = arith.extui %lt3A_488 : i1 to i32
      %cond3A_490 = arith.constant 0 : i32
      %cond3A_491 = arith.cmpi ne, %convert_element_type3A_489, %cond3A_490 : i32
      scf.if %cond3A_491 {
        %dma_start3A_534 = arith.constant 5 : i32
        %dma_start3A_535 = arith.constant 0 : i32
        %dma_start3A_536 = arith.constant 0 : i32
        %dma_start3A_537 = tpu.memref_slice %arg14[%dma_start3A_534, %dma_start3A_535, %dma_start3A_536] : memref<8x128x16xf32, #tpu.memory_space<vmem>> -> memref<1x128x16xf32, #tpu.memory_space<vmem>>
        %dma_start3A_538 = tpu.memref_squeeze %dma_start3A_537 : memref<1x128x16xf32, #tpu.memory_space<vmem>> -> memref<128x16xf32, #tpu.memory_space<vmem>>
        %dma_start3A_539 = arith.constant 0 : i32
        %dma_start3A_540 = tpu.memref_slice %arg13[%add3A_487, %dma_start3A_539] : memref<88x128xi32, #tpu.memory_space<vmem>> -> memref<1x128xi32, #tpu.memory_space<vmem>>
        %dma_start3A_541 = tpu.memref_squeeze %dma_start3A_540 : memref<1x128xi32, #tpu.memory_space<vmem>> -> memref<128xi32, #tpu.memory_space<vmem>>
        %dma_start3A_542 = arith.constant 0 : i32
        %dma_start3A_543 = arith.constant 0 : i32
        %dma_start3A_544 = tpu.memref_slice %arg12[%dma_start3A_542, %dma_start3A_543] : memref<10240x16xf32, #tpu.memory_space<vmem_shared>> -> memref<10240x16xf32, #tpu.memory_space<vmem_shared>>
        tpu.enqueue_indirect_dma source(%dma_start3A_544 : memref<10240x16xf32, #tpu.memory_space<vmem_shared>>) target(%dma_start3A_538 : memref<128x16xf32, #tpu.memory_space<vmem>>) offsets(%dma_start3A_541 : memref<128xi32, #tpu.memory_space<vmem>>) semaphore(%arg20 : memref<!tpu.dma_semaphore, #tpu.memory_space<semaphore_mem>>)
      } else {
      }
      %mul3A_492 = arith.constant 8 : i32
      %mul3A_493 = arith.muli %while3A_159, %mul3A_492 : i32
      %add3A_494 = arith.constant 6 : i32
      %add3A_495 = arith.addi %mul3A_493, %add3A_494 : i32
      %dma_wait3A_496 = arith.constant 6 : i32
      %dma_wait3A_497 = arith.constant 0 : i32
      %dma_wait3A_498 = arith.constant 0 : i32
      %dma_wait3A_499 = tpu.memref_slice %arg14[%dma_wait3A_496, %dma_wait3A_497, %dma_wait3A_498] : memref<8x128x16xf32, #tpu.memory_space<vmem>> -> memref<1x128x16xf32, #tpu.memory_space<vmem>>
      %dma_wait3A_500 = tpu.memref_squeeze %dma_wait3A_499 : memref<1x128x16xf32, #tpu.memory_space<vmem>> -> memref<128x16xf32, #tpu.memory_space<vmem>>
      %dma_wait3A_501 = arith.constant 0 : i32
      %dma_wait3A_502 = tpu.memref_slice %arg9[%add3A_495, %dma_wait3A_501] : memref<88x128xi32, #tpu.memory_space<vmem>> -> memref<1x128xi32, #tpu.memory_space<vmem>>
      %dma_wait3A_503 = tpu.memref_squeeze %dma_wait3A_502 : memref<1x128xi32, #tpu.memory_space<vmem>> -> memref<128xi32, #tpu.memory_space<vmem>>
      %dma_wait3A_504 = arith.constant 0 : i32
      %dma_wait3A_505 = arith.constant 0 : i32
      %dma_wait3A_506 = tpu.memref_slice %arg8[%dma_wait3A_504, %dma_wait3A_505] : memref<10240x16xf32, #tpu.memory_space<vmem_shared>> -> memref<10240x16xf32, #tpu.memory_space<vmem_shared>>
      tpu.wait_indirect_dma semaphore(%arg29 : memref<!tpu.dma_semaphore, #tpu.memory_space<semaphore_mem>>) src(%dma_wait3A_500 : memref<128x16xf32, #tpu.memory_space<vmem>>) dst(%dma_wait3A_506 : memref<10240x16xf32, #tpu.memory_space<vmem_shared>>)
      %add3A_507 = arith.constant 8 : i32
      %add3A_508 = arith.addi %add3A_495, %add3A_507 : i32
      %lt3A_509 = arith.cmpi slt, %add3A_508, %select_n3A : i32
      %convert_element_type3A_510 = arith.extui %lt3A_509 : i1 to i32
      %cond3A_511 = arith.constant 0 : i32
      %cond3A_512 = arith.cmpi ne, %convert_element_type3A_510, %cond3A_511 : i32
      scf.if %cond3A_512 {
        %dma_start3A_534 = arith.constant 6 : i32
        %dma_start3A_535 = arith.constant 0 : i32
        %dma_start3A_536 = arith.constant 0 : i32
        %dma_start3A_537 = tpu.memref_slice %arg14[%dma_start3A_534, %dma_start3A_535, %dma_start3A_536] : memref<8x128x16xf32, #tpu.memory_space<vmem>> -> memref<1x128x16xf32, #tpu.memory_space<vmem>>
        %dma_start3A_538 = tpu.memref_squeeze %dma_start3A_537 : memref<1x128x16xf32, #tpu.memory_space<vmem>> -> memref<128x16xf32, #tpu.memory_space<vmem>>
        %dma_start3A_539 = arith.constant 0 : i32
        %dma_start3A_540 = tpu.memref_slice %arg13[%add3A_508, %dma_start3A_539] : memref<88x128xi32, #tpu.memory_space<vmem>> -> memref<1x128xi32, #tpu.memory_space<vmem>>
        %dma_start3A_541 = tpu.memref_squeeze %dma_start3A_540 : memref<1x128xi32, #tpu.memory_space<vmem>> -> memref<128xi32, #tpu.memory_space<vmem>>
        %dma_start3A_542 = arith.constant 0 : i32
        %dma_start3A_543 = arith.constant 0 : i32
        %dma_start3A_544 = tpu.memref_slice %arg12[%dma_start3A_542, %dma_start3A_543] : memref<10240x16xf32, #tpu.memory_space<vmem_shared>> -> memref<10240x16xf32, #tpu.memory_space<vmem_shared>>
        tpu.enqueue_indirect_dma source(%dma_start3A_544 : memref<10240x16xf32, #tpu.memory_space<vmem_shared>>) target(%dma_start3A_538 : memref<128x16xf32, #tpu.memory_space<vmem>>) offsets(%dma_start3A_541 : memref<128xi32, #tpu.memory_space<vmem>>) semaphore(%arg21 : memref<!tpu.dma_semaphore, #tpu.memory_space<semaphore_mem>>)
      } else {
      }
      %mul3A_513 = arith.constant 8 : i32
      %mul3A_514 = arith.muli %while3A_159, %mul3A_513 : i32
      %add3A_515 = arith.constant 7 : i32
      %add3A_516 = arith.addi %mul3A_514, %add3A_515 : i32
      %dma_wait3A_517 = arith.constant 7 : i32
      %dma_wait3A_518 = arith.constant 0 : i32
      %dma_wait3A_519 = arith.constant 0 : i32
      %dma_wait3A_520 = tpu.memref_slice %arg14[%dma_wait3A_517, %dma_wait3A_518, %dma_wait3A_519] : memref<8x128x16xf32, #tpu.memory_space<vmem>> -> memref<1x128x16xf32, #tpu.memory_space<vmem>>
      %dma_wait3A_521 = tpu.memref_squeeze %dma_wait3A_520 : memref<1x128x16xf32, #tpu.memory_space<vmem>> -> memref<128x16xf32, #tpu.memory_space<vmem>>
      %dma_wait3A_522 = arith.constant 0 : i32
      %dma_wait3A_523 = tpu.memref_slice %arg9[%add3A_516, %dma_wait3A_522] : memref<88x128xi32, #tpu.memory_space<vmem>> -> memref<1x128xi32, #tpu.memory_space<vmem>>
      %dma_wait3A_524 = tpu.memref_squeeze %dma_wait3A_523 : memref<1x128xi32, #tpu.memory_space<vmem>> -> memref<128xi32, #tpu.memory_space<vmem>>
      %dma_wait3A_525 = arith.constant 0 : i32
      %dma_wait3A_526 = arith.constant 0 : i32
      %dma_wait3A_527 = tpu.memref_slice %arg8[%dma_wait3A_525, %dma_wait3A_526] : memref<10240x16xf32, #tpu.memory_space<vmem_shared>> -> memref<10240x16xf32, #tpu.memory_space<vmem_shared>>
      tpu.wait_indirect_dma semaphore(%arg30 : memref<!tpu.dma_semaphore, #tpu.memory_space<semaphore_mem>>) src(%dma_wait3A_521 : memref<128x16xf32, #tpu.memory_space<vmem>>) dst(%dma_wait3A_527 : memref<10240x16xf32, #tpu.memory_space<vmem_shared>>)
      %add3A_528 = arith.constant 8 : i32
      %add3A_529 = arith.addi %add3A_516, %add3A_528 : i32
      %lt3A_530 = arith.cmpi slt, %add3A_529, %select_n3A : i32
      %convert_element_type3A_531 = arith.extui %lt3A_530 : i1 to i32
      %cond3A_532 = arith.constant 0 : i32
      %cond3A_533 = arith.cmpi ne, %convert_element_type3A_531, %cond3A_532 : i32
      scf.if %cond3A_533 {
        %dma_start3A_534 = arith.constant 7 : i32
        %dma_start3A_535 = arith.constant 0 : i32
        %dma_start3A_536 = arith.constant 0 : i32
        %dma_start3A_537 = tpu.memref_slice %arg14[%dma_start3A_534, %dma_start3A_535, %dma_start3A_536] : memref<8x128x16xf32, #tpu.memory_space<vmem>> -> memref<1x128x16xf32, #tpu.memory_space<vmem>>
        %dma_start3A_538 = tpu.memref_squeeze %dma_start3A_537 : memref<1x128x16xf32, #tpu.memory_space<vmem>> -> memref<128x16xf32, #tpu.memory_space<vmem>>
        %dma_start3A_539 = arith.constant 0 : i32
        %dma_start3A_540 = tpu.memref_slice %arg13[%add3A_529, %dma_start3A_539] : memref<88x128xi32, #tpu.memory_space<vmem>> -> memref<1x128xi32, #tpu.memory_space<vmem>>
        %dma_start3A_541 = tpu.memref_squeeze %dma_start3A_540 : memref<1x128xi32, #tpu.memory_space<vmem>> -> memref<128xi32, #tpu.memory_space<vmem>>
        %dma_start3A_542 = arith.constant 0 : i32
        %dma_start3A_543 = arith.constant 0 : i32
        %dma_start3A_544 = tpu.memref_slice %arg12[%dma_start3A_542, %dma_start3A_543] : memref<10240x16xf32, #tpu.memory_space<vmem_shared>> -> memref<10240x16xf32, #tpu.memory_space<vmem_shared>>
        tpu.enqueue_indirect_dma source(%dma_start3A_544 : memref<10240x16xf32, #tpu.memory_space<vmem_shared>>) target(%dma_start3A_538 : memref<128x16xf32, #tpu.memory_space<vmem>>) offsets(%dma_start3A_541 : memref<128xi32, #tpu.memory_space<vmem>>) semaphore(%arg22 : memref<!tpu.dma_semaphore, #tpu.memory_space<semaphore_mem>>)
      } else {
      }
    }
    %while3A_141 = arith.constant 1 : i32
    scf.for %while3A_159 = %while3A_139 to %while3A_135 step %while3A_141  : i32 {
      %mul3A_160 = arith.constant 8 : i32
      %mul3A_161 = arith.muli %while3A_159, %mul3A_160 : i32
      %add3A_162 = arith.constant 0 : i32
      %add3A_163 = arith.addi %mul3A_161, %add3A_162 : i32
      %dma_wait3A = arith.constant 0 : i32
      %dma_wait3A_164 = arith.constant 0 : i32
      %dma_wait3A_165 = arith.constant 0 : i32
      %dma_wait3A_166 = tpu.memref_slice %arg14[%dma_wait3A, %dma_wait3A_164, %dma_wait3A_165] : memref<8x128x16xf32, #tpu.memory_space<vmem>> -> memref<1x128x16xf32, #tpu.memory_space<vmem>>
      %dma_wait3A_167 = tpu.memref_squeeze %dma_wait3A_166 : memref<1x128x16xf32, #tpu.memory_space<vmem>> -> memref<128x16xf32, #tpu.memory_space<vmem>>
      %dma_wait3A_168 = arith.constant 0 : i32
      %dma_wait3A_169 = tpu.memref_slice %arg13[%add3A_163, %dma_wait3A_168] : memref<88x128xi32, #tpu.memory_space<vmem>> -> memref<1x128xi32, #tpu.memory_space<vmem>>
      %dma_wait3A_170 = tpu.memref_squeeze %dma_wait3A_169 : memref<1x128xi32, #tpu.memory_space<vmem>> -> memref<128xi32, #tpu.memory_space<vmem>>
      %dma_wait3A_171 = arith.constant 0 : i32
      %dma_wait3A_172 = arith.constant 0 : i32
      %dma_wait3A_173 = tpu.memref_slice %arg12[%dma_wait3A_171, %dma_wait3A_172] : memref<10240x16xf32, #tpu.memory_space<vmem_shared>> -> memref<10240x16xf32, #tpu.memory_space<vmem_shared>>
      tpu.wait_indirect_dma semaphore(%arg15 : memref<!tpu.dma_semaphore, #tpu.memory_space<semaphore_mem>>) src(%dma_wait3A_173 : memref<10240x16xf32, #tpu.memory_space<vmem_shared>>) dst(%dma_wait3A_167 : memref<128x16xf32, #tpu.memory_space<vmem>>)
      %dma_start3A_174 = arith.constant 0 : i32
      %dma_start3A_175 = arith.constant 0 : i32
      %dma_start3A_176 = arith.constant 0 : i32
      %dma_start3A_177 = tpu.memref_slice %arg14[%dma_start3A_174, %dma_start3A_175, %dma_start3A_176] : memref<8x128x16xf32, #tpu.memory_space<vmem>> -> memref<1x128x16xf32, #tpu.memory_space<vmem>>
      %dma_start3A_178 = tpu.memref_squeeze %dma_start3A_177 : memref<1x128x16xf32, #tpu.memory_space<vmem>> -> memref<128x16xf32, #tpu.memory_space<vmem>>
      %dma_start3A_179 = arith.constant 0 : i32
      %dma_start3A_180 = tpu.memref_slice %arg9[%add3A_163, %dma_start3A_179] : memref<88x128xi32, #tpu.memory_space<vmem>> -> memref<1x128xi32, #tpu.memory_space<vmem>>
      %dma_start3A_181 = tpu.memref_squeeze %dma_start3A_180 : memref<1x128xi32, #tpu.memory_space<vmem>> -> memref<128xi32, #tpu.memory_space<vmem>>
      %dma_start3A_182 = arith.constant 0 : i32
      %dma_start3A_183 = arith.constant 0 : i32
      %dma_start3A_184 = tpu.memref_slice %arg8[%dma_start3A_182, %dma_start3A_183] : memref<10240x16xf32, #tpu.memory_space<vmem_shared>> -> memref<10240x16xf32, #tpu.memory_space<vmem_shared>>
      tpu.enqueue_indirect_dma source(%dma_start3A_178 : memref<128x16xf32, #tpu.memory_space<vmem>>) target(%dma_start3A_184 : memref<10240x16xf32, #tpu.memory_space<vmem_shared>>) offsets(%dma_start3A_181 : memref<128xi32, #tpu.memory_space<vmem>>) semaphore(%arg23 : memref<!tpu.dma_semaphore, #tpu.memory_space<semaphore_mem>>) {add = true}
      %mul3A_185 = arith.constant 8 : i32
      %mul3A_186 = arith.muli %while3A_159, %mul3A_185 : i32
      %add3A_187 = arith.constant 1 : i32
      %add3A_188 = arith.addi %mul3A_186, %add3A_187 : i32
      %dma_wait3A_189 = arith.constant 1 : i32
      %dma_wait3A_190 = arith.constant 0 : i32
      %dma_wait3A_191 = arith.constant 0 : i32
      %dma_wait3A_192 = tpu.memref_slice %arg14[%dma_wait3A_189, %dma_wait3A_190, %dma_wait3A_191] : memref<8x128x16xf32, #tpu.memory_space<vmem>> -> memref<1x128x16xf32, #tpu.memory_space<vmem>>
      %dma_wait3A_193 = tpu.memref_squeeze %dma_wait3A_192 : memref<1x128x16xf32, #tpu.memory_space<vmem>> -> memref<128x16xf32, #tpu.memory_space<vmem>>
      %dma_wait3A_194 = arith.constant 0 : i32
      %dma_wait3A_195 = tpu.memref_slice %arg13[%add3A_188, %dma_wait3A_194] : memref<88x128xi32, #tpu.memory_space<vmem>> -> memref<1x128xi32, #tpu.memory_space<vmem>>
      %dma_wait3A_196 = tpu.memref_squeeze %dma_wait3A_195 : memref<1x128xi32, #tpu.memory_space<vmem>> -> memref<128xi32, #tpu.memory_space<vmem>>
      %dma_wait3A_197 = arith.constant 0 : i32
      %dma_wait3A_198 = arith.constant 0 : i32
      %dma_wait3A_199 = tpu.memref_slice %arg12[%dma_wait3A_197, %dma_wait3A_198] : memref<10240x16xf32, #tpu.memory_space<vmem_shared>> -> memref<10240x16xf32, #tpu.memory_space<vmem_shared>>
      tpu.wait_indirect_dma semaphore(%arg16 : memref<!tpu.dma_semaphore, #tpu.memory_space<semaphore_mem>>) src(%dma_wait3A_199 : memref<10240x16xf32, #tpu.memory_space<vmem_shared>>) dst(%dma_wait3A_193 : memref<128x16xf32, #tpu.memory_space<vmem>>)
      %dma_start3A_200 = arith.constant 1 : i32
      %dma_start3A_201 = arith.constant 0 : i32
      %dma_start3A_202 = arith.constant 0 : i32
      %dma_start3A_203 = tpu.memref_slice %arg14[%dma_start3A_200, %dma_start3A_201, %dma_start3A_202] : memref<8x128x16xf32, #tpu.memory_space<vmem>> -> memref<1x128x16xf32, #tpu.memory_space<vmem>>
      %dma_start3A_204 = tpu.memref_squeeze %dma_start3A_203 : memref<1x128x16xf32, #tpu.memory_space<vmem>> -> memref<128x16xf32, #tpu.memory_space<vmem>>
      %dma_start3A_205 = arith.constant 0 : i32
      %dma_start3A_206 = tpu.memref_slice %arg9[%add3A_188, %dma_start3A_205] : memref<88x128xi32, #tpu.memory_space<vmem>> -> memref<1x128xi32, #tpu.memory_space<vmem>>
      %dma_start3A_207 = tpu.memref_squeeze %dma_start3A_206 : memref<1x128xi32, #tpu.memory_space<vmem>> -> memref<128xi32, #tpu.memory_space<vmem>>
      %dma_start3A_208 = arith.constant 0 : i32
      %dma_start3A_209 = arith.constant 0 : i32
      %dma_start3A_210 = tpu.memref_slice %arg8[%dma_start3A_208, %dma_start3A_209] : memref<10240x16xf32, #tpu.memory_space<vmem_shared>> -> memref<10240x16xf32, #tpu.memory_space<vmem_shared>>
      tpu.enqueue_indirect_dma source(%dma_start3A_204 : memref<128x16xf32, #tpu.memory_space<vmem>>) target(%dma_start3A_210 : memref<10240x16xf32, #tpu.memory_space<vmem_shared>>) offsets(%dma_start3A_207 : memref<128xi32, #tpu.memory_space<vmem>>) semaphore(%arg24 : memref<!tpu.dma_semaphore, #tpu.memory_space<semaphore_mem>>) {add = true}
      %mul3A_211 = arith.constant 8 : i32
      %mul3A_212 = arith.muli %while3A_159, %mul3A_211 : i32
      %add3A_213 = arith.constant 2 : i32
      %add3A_214 = arith.addi %mul3A_212, %add3A_213 : i32
      %dma_wait3A_215 = arith.constant 2 : i32
      %dma_wait3A_216 = arith.constant 0 : i32
      %dma_wait3A_217 = arith.constant 0 : i32
      %dma_wait3A_218 = tpu.memref_slice %arg14[%dma_wait3A_215, %dma_wait3A_216, %dma_wait3A_217] : memref<8x128x16xf32, #tpu.memory_space<vmem>> -> memref<1x128x16xf32, #tpu.memory_space<vmem>>
      %dma_wait3A_219 = tpu.memref_squeeze %dma_wait3A_218 : memref<1x128x16xf32, #tpu.memory_space<vmem>> -> memref<128x16xf32, #tpu.memory_space<vmem>>
      %dma_wait3A_220 = arith.constant 0 : i32
      %dma_wait3A_221 = tpu.memref_slice %arg13[%add3A_214, %dma_wait3A_220] : memref<88x128xi32, #tpu.memory_space<vmem>> -> memref<1x128xi32, #tpu.memory_space<vmem>>
      %dma_wait3A_222 = tpu.memref_squeeze %dma_wait3A_221 : memref<1x128xi32, #tpu.memory_space<vmem>> -> memref<128xi32, #tpu.memory_space<vmem>>
      %dma_wait3A_223 = arith.constant 0 : i32
      %dma_wait3A_224 = arith.constant 0 : i32
      %dma_wait3A_225 = tpu.memref_slice %arg12[%dma_wait3A_223, %dma_wait3A_224] : memref<10240x16xf32, #tpu.memory_space<vmem_shared>> -> memref<10240x16xf32, #tpu.memory_space<vmem_shared>>
      tpu.wait_indirect_dma semaphore(%arg17 : memref<!tpu.dma_semaphore, #tpu.memory_space<semaphore_mem>>) src(%dma_wait3A_225 : memref<10240x16xf32, #tpu.memory_space<vmem_shared>>) dst(%dma_wait3A_219 : memref<128x16xf32, #tpu.memory_space<vmem>>)
      %dma_start3A_226 = arith.constant 2 : i32
      %dma_start3A_227 = arith.constant 0 : i32
      %dma_start3A_228 = arith.constant 0 : i32
      %dma_start3A_229 = tpu.memref_slice %arg14[%dma_start3A_226, %dma_start3A_227, %dma_start3A_228] : memref<8x128x16xf32, #tpu.memory_space<vmem>> -> memref<1x128x16xf32, #tpu.memory_space<vmem>>
      %dma_start3A_230 = tpu.memref_squeeze %dma_start3A_229 : memref<1x128x16xf32, #tpu.memory_space<vmem>> -> memref<128x16xf32, #tpu.memory_space<vmem>>
      %dma_start3A_231 = arith.constant 0 : i32
      %dma_start3A_232 = tpu.memref_slice %arg9[%add3A_214, %dma_start3A_231] : memref<88x128xi32, #tpu.memory_space<vmem>> -> memref<1x128xi32, #tpu.memory_space<vmem>>
      %dma_start3A_233 = tpu.memref_squeeze %dma_start3A_232 : memref<1x128xi32, #tpu.memory_space<vmem>> -> memref<128xi32, #tpu.memory_space<vmem>>
      %dma_start3A_234 = arith.constant 0 : i32
      %dma_start3A_235 = arith.constant 0 : i32
      %dma_start3A_236 = tpu.memref_slice %arg8[%dma_start3A_234, %dma_start3A_235] : memref<10240x16xf32, #tpu.memory_space<vmem_shared>> -> memref<10240x16xf32, #tpu.memory_space<vmem_shared>>
      tpu.enqueue_indirect_dma source(%dma_start3A_230 : memref<128x16xf32, #tpu.memory_space<vmem>>) target(%dma_start3A_236 : memref<10240x16xf32, #tpu.memory_space<vmem_shared>>) offsets(%dma_start3A_233 : memref<128xi32, #tpu.memory_space<vmem>>) semaphore(%arg25 : memref<!tpu.dma_semaphore, #tpu.memory_space<semaphore_mem>>) {add = true}
      %mul3A_237 = arith.constant 8 : i32
      %mul3A_238 = arith.muli %while3A_159, %mul3A_237 : i32
      %add3A_239 = arith.constant 3 : i32
      %add3A_240 = arith.addi %mul3A_238, %add3A_239 : i32
      %dma_wait3A_241 = arith.constant 3 : i32
      %dma_wait3A_242 = arith.constant 0 : i32
      %dma_wait3A_243 = arith.constant 0 : i32
      %dma_wait3A_244 = tpu.memref_slice %arg14[%dma_wait3A_241, %dma_wait3A_242, %dma_wait3A_243] : memref<8x128x16xf32, #tpu.memory_space<vmem>> -> memref<1x128x16xf32, #tpu.memory_space<vmem>>
      %dma_wait3A_245 = tpu.memref_squeeze %dma_wait3A_244 : memref<1x128x16xf32, #tpu.memory_space<vmem>> -> memref<128x16xf32, #tpu.memory_space<vmem>>
      %dma_wait3A_246 = arith.constant 0 : i32
      %dma_wait3A_247 = tpu.memref_slice %arg13[%add3A_240, %dma_wait3A_246] : memref<88x128xi32, #tpu.memory_space<vmem>> -> memref<1x128xi32, #tpu.memory_space<vmem>>
      %dma_wait3A_248 = tpu.memref_squeeze %dma_wait3A_247 : memref<1x128xi32, #tpu.memory_space<vmem>> -> memref<128xi32, #tpu.memory_space<vmem>>
      %dma_wait3A_249 = arith.constant 0 : i32
      %dma_wait3A_250 = arith.constant 0 : i32
      %dma_wait3A_251 = tpu.memref_slice %arg12[%dma_wait3A_249, %dma_wait3A_250] : memref<10240x16xf32, #tpu.memory_space<vmem_shared>> -> memref<10240x16xf32, #tpu.memory_space<vmem_shared>>
      tpu.wait_indirect_dma semaphore(%arg18 : memref<!tpu.dma_semaphore, #tpu.memory_space<semaphore_mem>>) src(%dma_wait3A_251 : memref<10240x16xf32, #tpu.memory_space<vmem_shared>>) dst(%dma_wait3A_245 : memref<128x16xf32, #tpu.memory_space<vmem>>)
      %dma_start3A_252 = arith.constant 3 : i32
      %dma_start3A_253 = arith.constant 0 : i32
      %dma_start3A_254 = arith.constant 0 : i32
      %dma_start3A_255 = tpu.memref_slice %arg14[%dma_start3A_252, %dma_start3A_253, %dma_start3A_254] : memref<8x128x16xf32, #tpu.memory_space<vmem>> -> memref<1x128x16xf32, #tpu.memory_space<vmem>>
      %dma_start3A_256 = tpu.memref_squeeze %dma_start3A_255 : memref<1x128x16xf32, #tpu.memory_space<vmem>> -> memref<128x16xf32, #tpu.memory_space<vmem>>
      %dma_start3A_257 = arith.constant 0 : i32
      %dma_start3A_258 = tpu.memref_slice %arg9[%add3A_240, %dma_start3A_257] : memref<88x128xi32, #tpu.memory_space<vmem>> -> memref<1x128xi32, #tpu.memory_space<vmem>>
      %dma_start3A_259 = tpu.memref_squeeze %dma_start3A_258 : memref<1x128xi32, #tpu.memory_space<vmem>> -> memref<128xi32, #tpu.memory_space<vmem>>
      %dma_start3A_260 = arith.constant 0 : i32
      %dma_start3A_261 = arith.constant 0 : i32
      %dma_start3A_262 = tpu.memref_slice %arg8[%dma_start3A_260, %dma_start3A_261] : memref<10240x16xf32, #tpu.memory_space<vmem_shared>> -> memref<10240x16xf32, #tpu.memory_space<vmem_shared>>
      tpu.enqueue_indirect_dma source(%dma_start3A_256 : memref<128x16xf32, #tpu.memory_space<vmem>>) target(%dma_start3A_262 : memref<10240x16xf32, #tpu.memory_space<vmem_shared>>) offsets(%dma_start3A_259 : memref<128xi32, #tpu.memory_space<vmem>>) semaphore(%arg26 : memref<!tpu.dma_semaphore, #tpu.memory_space<semaphore_mem>>) {add = true}
      %mul3A_263 = arith.constant 8 : i32
      %mul3A_264 = arith.muli %while3A_159, %mul3A_263 : i32
      %add3A_265 = arith.constant 4 : i32
      %add3A_266 = arith.addi %mul3A_264, %add3A_265 : i32
      %dma_wait3A_267 = arith.constant 4 : i32
      %dma_wait3A_268 = arith.constant 0 : i32
      %dma_wait3A_269 = arith.constant 0 : i32
      %dma_wait3A_270 = tpu.memref_slice %arg14[%dma_wait3A_267, %dma_wait3A_268, %dma_wait3A_269] : memref<8x128x16xf32, #tpu.memory_space<vmem>> -> memref<1x128x16xf32, #tpu.memory_space<vmem>>
      %dma_wait3A_271 = tpu.memref_squeeze %dma_wait3A_270 : memref<1x128x16xf32, #tpu.memory_space<vmem>> -> memref<128x16xf32, #tpu.memory_space<vmem>>
      %dma_wait3A_272 = arith.constant 0 : i32
      %dma_wait3A_273 = tpu.memref_slice %arg13[%add3A_266, %dma_wait3A_272] : memref<88x128xi32, #tpu.memory_space<vmem>> -> memref<1x128xi32, #tpu.memory_space<vmem>>
      %dma_wait3A_274 = tpu.memref_squeeze %dma_wait3A_273 : memref<1x128xi32, #tpu.memory_space<vmem>> -> memref<128xi32, #tpu.memory_space<vmem>>
      %dma_wait3A_275 = arith.constant 0 : i32
      %dma_wait3A_276 = arith.constant 0 : i32
      %dma_wait3A_277 = tpu.memref_slice %arg12[%dma_wait3A_275, %dma_wait3A_276] : memref<10240x16xf32, #tpu.memory_space<vmem_shared>> -> memref<10240x16xf32, #tpu.memory_space<vmem_shared>>
      tpu.wait_indirect_dma semaphore(%arg19 : memref<!tpu.dma_semaphore, #tpu.memory_space<semaphore_mem>>) src(%dma_wait3A_277 : memref<10240x16xf32, #tpu.memory_space<vmem_shared>>) dst(%dma_wait3A_271 : memref<128x16xf32, #tpu.memory_space<vmem>>)
      %dma_start3A_278 = arith.constant 4 : i32
      %dma_start3A_279 = arith.constant 0 : i32
      %dma_start3A_280 = arith.constant 0 : i32
      %dma_start3A_281 = tpu.memref_slice %arg14[%dma_start3A_278, %dma_start3A_279, %dma_start3A_280] : memref<8x128x16xf32, #tpu.memory_space<vmem>> -> memref<1x128x16xf32, #tpu.memory_space<vmem>>
      %dma_start3A_282 = tpu.memref_squeeze %dma_start3A_281 : memref<1x128x16xf32, #tpu.memory_space<vmem>> -> memref<128x16xf32, #tpu.memory_space<vmem>>
      %dma_start3A_283 = arith.constant 0 : i32
      %dma_start3A_284 = tpu.memref_slice %arg9[%add3A_266, %dma_start3A_283] : memref<88x128xi32, #tpu.memory_space<vmem>> -> memref<1x128xi32, #tpu.memory_space<vmem>>
      %dma_start3A_285 = tpu.memref_squeeze %dma_start3A_284 : memref<1x128xi32, #tpu.memory_space<vmem>> -> memref<128xi32, #tpu.memory_space<vmem>>
      %dma_start3A_286 = arith.constant 0 : i32
      %dma_start3A_287 = arith.constant 0 : i32
      %dma_start3A_288 = tpu.memref_slice %arg8[%dma_start3A_286, %dma_start3A_287] : memref<10240x16xf32, #tpu.memory_space<vmem_shared>> -> memref<10240x16xf32, #tpu.memory_space<vmem_shared>>
      tpu.enqueue_indirect_dma source(%dma_start3A_282 : memref<128x16xf32, #tpu.memory_space<vmem>>) target(%dma_start3A_288 : memref<10240x16xf32, #tpu.memory_space<vmem_shared>>) offsets(%dma_start3A_285 : memref<128xi32, #tpu.memory_space<vmem>>) semaphore(%arg27 : memref<!tpu.dma_semaphore, #tpu.memory_space<semaphore_mem>>) {add = true}
      %mul3A_289 = arith.constant 8 : i32
      %mul3A_290 = arith.muli %while3A_159, %mul3A_289 : i32
      %add3A_291 = arith.constant 5 : i32
      %add3A_292 = arith.addi %mul3A_290, %add3A_291 : i32
      %dma_wait3A_293 = arith.constant 5 : i32
      %dma_wait3A_294 = arith.constant 0 : i32
      %dma_wait3A_295 = arith.constant 0 : i32
      %dma_wait3A_296 = tpu.memref_slice %arg14[%dma_wait3A_293, %dma_wait3A_294, %dma_wait3A_295] : memref<8x128x16xf32, #tpu.memory_space<vmem>> -> memref<1x128x16xf32, #tpu.memory_space<vmem>>
      %dma_wait3A_297 = tpu.memref_squeeze %dma_wait3A_296 : memref<1x128x16xf32, #tpu.memory_space<vmem>> -> memref<128x16xf32, #tpu.memory_space<vmem>>
      %dma_wait3A_298 = arith.constant 0 : i32
      %dma_wait3A_299 = tpu.memref_slice %arg13[%add3A_292, %dma_wait3A_298] : memref<88x128xi32, #tpu.memory_space<vmem>> -> memref<1x128xi32, #tpu.memory_space<vmem>>
      %dma_wait3A_300 = tpu.memref_squeeze %dma_wait3A_299 : memref<1x128xi32, #tpu.memory_space<vmem>> -> memref<128xi32, #tpu.memory_space<vmem>>
      %dma_wait3A_301 = arith.constant 0 : i32
      %dma_wait3A_302 = arith.constant 0 : i32
      %dma_wait3A_303 = tpu.memref_slice %arg12[%dma_wait3A_301, %dma_wait3A_302] : memref<10240x16xf32, #tpu.memory_space<vmem_shared>> -> memref<10240x16xf32, #tpu.memory_space<vmem_shared>>
      tpu.wait_indirect_dma semaphore(%arg20 : memref<!tpu.dma_semaphore, #tpu.memory_space<semaphore_mem>>) src(%dma_wait3A_303 : memref<10240x16xf32, #tpu.memory_space<vmem_shared>>) dst(%dma_wait3A_297 : memref<128x16xf32, #tpu.memory_space<vmem>>)
      %dma_start3A_304 = arith.constant 5 : i32
      %dma_start3A_305 = arith.constant 0 : i32
      %dma_start3A_306 = arith.constant 0 : i32
      %dma_start3A_307 = tpu.memref_slice %arg14[%dma_start3A_304, %dma_start3A_305, %dma_start3A_306] : memref<8x128x16xf32, #tpu.memory_space<vmem>> -> memref<1x128x16xf32, #tpu.memory_space<vmem>>
      %dma_start3A_308 = tpu.memref_squeeze %dma_start3A_307 : memref<1x128x16xf32, #tpu.memory_space<vmem>> -> memref<128x16xf32, #tpu.memory_space<vmem>>
      %dma_start3A_309 = arith.constant 0 : i32
      %dma_start3A_310 = tpu.memref_slice %arg9[%add3A_292, %dma_start3A_309] : memref<88x128xi32, #tpu.memory_space<vmem>> -> memref<1x128xi32, #tpu.memory_space<vmem>>
      %dma_start3A_311 = tpu.memref_squeeze %dma_start3A_310 : memref<1x128xi32, #tpu.memory_space<vmem>> -> memref<128xi32, #tpu.memory_space<vmem>>
      %dma_start3A_312 = arith.constant 0 : i32
      %dma_start3A_313 = arith.constant 0 : i32
      %dma_start3A_314 = tpu.memref_slice %arg8[%dma_start3A_312, %dma_start3A_313] : memref<10240x16xf32, #tpu.memory_space<vmem_shared>> -> memref<10240x16xf32, #tpu.memory_space<vmem_shared>>
      tpu.enqueue_indirect_dma source(%dma_start3A_308 : memref<128x16xf32, #tpu.memory_space<vmem>>) target(%dma_start3A_314 : memref<10240x16xf32, #tpu.memory_space<vmem_shared>>) offsets(%dma_start3A_311 : memref<128xi32, #tpu.memory_space<vmem>>) semaphore(%arg28 : memref<!tpu.dma_semaphore, #tpu.memory_space<semaphore_mem>>) {add = true}
      %mul3A_315 = arith.constant 8 : i32
      %mul3A_316 = arith.muli %while3A_159, %mul3A_315 : i32
      %add3A_317 = arith.constant 6 : i32
      %add3A_318 = arith.addi %mul3A_316, %add3A_317 : i32
      %dma_wait3A_319 = arith.constant 6 : i32
      %dma_wait3A_320 = arith.constant 0 : i32
      %dma_wait3A_321 = arith.constant 0 : i32
      %dma_wait3A_322 = tpu.memref_slice %arg14[%dma_wait3A_319, %dma_wait3A_320, %dma_wait3A_321] : memref<8x128x16xf32, #tpu.memory_space<vmem>> -> memref<1x128x16xf32, #tpu.memory_space<vmem>>
      %dma_wait3A_323 = tpu.memref_squeeze %dma_wait3A_322 : memref<1x128x16xf32, #tpu.memory_space<vmem>> -> memref<128x16xf32, #tpu.memory_space<vmem>>
      %dma_wait3A_324 = arith.constant 0 : i32
      %dma_wait3A_325 = tpu.memref_slice %arg13[%add3A_318, %dma_wait3A_324] : memref<88x128xi32, #tpu.memory_space<vmem>> -> memref<1x128xi32, #tpu.memory_space<vmem>>
      %dma_wait3A_326 = tpu.memref_squeeze %dma_wait3A_325 : memref<1x128xi32, #tpu.memory_space<vmem>> -> memref<128xi32, #tpu.memory_space<vmem>>
      %dma_wait3A_327 = arith.constant 0 : i32
      %dma_wait3A_328 = arith.constant 0 : i32
      %dma_wait3A_329 = tpu.memref_slice %arg12[%dma_wait3A_327, %dma_wait3A_328] : memref<10240x16xf32, #tpu.memory_space<vmem_shared>> -> memref<10240x16xf32, #tpu.memory_space<vmem_shared>>
      tpu.wait_indirect_dma semaphore(%arg21 : memref<!tpu.dma_semaphore, #tpu.memory_space<semaphore_mem>>) src(%dma_wait3A_329 : memref<10240x16xf32, #tpu.memory_space<vmem_shared>>) dst(%dma_wait3A_323 : memref<128x16xf32, #tpu.memory_space<vmem>>)
      %dma_start3A_330 = arith.constant 6 : i32
      %dma_start3A_331 = arith.constant 0 : i32
      %dma_start3A_332 = arith.constant 0 : i32
      %dma_start3A_333 = tpu.memref_slice %arg14[%dma_start3A_330, %dma_start3A_331, %dma_start3A_332] : memref<8x128x16xf32, #tpu.memory_space<vmem>> -> memref<1x128x16xf32, #tpu.memory_space<vmem>>
      %dma_start3A_334 = tpu.memref_squeeze %dma_start3A_333 : memref<1x128x16xf32, #tpu.memory_space<vmem>> -> memref<128x16xf32, #tpu.memory_space<vmem>>
      %dma_start3A_335 = arith.constant 0 : i32
      %dma_start3A_336 = tpu.memref_slice %arg9[%add3A_318, %dma_start3A_335] : memref<88x128xi32, #tpu.memory_space<vmem>> -> memref<1x128xi32, #tpu.memory_space<vmem>>
      %dma_start3A_337 = tpu.memref_squeeze %dma_start3A_336 : memref<1x128xi32, #tpu.memory_space<vmem>> -> memref<128xi32, #tpu.memory_space<vmem>>
      %dma_start3A_338 = arith.constant 0 : i32
      %dma_start3A_339 = arith.constant 0 : i32
      %dma_start3A_340 = tpu.memref_slice %arg8[%dma_start3A_338, %dma_start3A_339] : memref<10240x16xf32, #tpu.memory_space<vmem_shared>> -> memref<10240x16xf32, #tpu.memory_space<vmem_shared>>
      tpu.enqueue_indirect_dma source(%dma_start3A_334 : memref<128x16xf32, #tpu.memory_space<vmem>>) target(%dma_start3A_340 : memref<10240x16xf32, #tpu.memory_space<vmem_shared>>) offsets(%dma_start3A_337 : memref<128xi32, #tpu.memory_space<vmem>>) semaphore(%arg29 : memref<!tpu.dma_semaphore, #tpu.memory_space<semaphore_mem>>) {add = true}
      %mul3A_341 = arith.constant 8 : i32
      %mul3A_342 = arith.muli %while3A_159, %mul3A_341 : i32
      %add3A_343 = arith.constant 7 : i32
      %add3A_344 = arith.addi %mul3A_342, %add3A_343 : i32
      %dma_wait3A_345 = arith.constant 7 : i32
      %dma_wait3A_346 = arith.constant 0 : i32
      %dma_wait3A_347 = arith.constant 0 : i32
      %dma_wait3A_348 = tpu.memref_slice %arg14[%dma_wait3A_345, %dma_wait3A_346, %dma_wait3A_347] : memref<8x128x16xf32, #tpu.memory_space<vmem>> -> memref<1x128x16xf32, #tpu.memory_space<vmem>>
      %dma_wait3A_349 = tpu.memref_squeeze %dma_wait3A_348 : memref<1x128x16xf32, #tpu.memory_space<vmem>> -> memref<128x16xf32, #tpu.memory_space<vmem>>
      %dma_wait3A_350 = arith.constant 0 : i32
      %dma_wait3A_351 = tpu.memref_slice %arg13[%add3A_344, %dma_wait3A_350] : memref<88x128xi32, #tpu.memory_space<vmem>> -> memref<1x128xi32, #tpu.memory_space<vmem>>
      %dma_wait3A_352 = tpu.memref_squeeze %dma_wait3A_351 : memref<1x128xi32, #tpu.memory_space<vmem>> -> memref<128xi32, #tpu.memory_space<vmem>>
      %dma_wait3A_353 = arith.constant 0 : i32
      %dma_wait3A_354 = arith.constant 0 : i32
      %dma_wait3A_355 = tpu.memref_slice %arg12[%dma_wait3A_353, %dma_wait3A_354] : memref<10240x16xf32, #tpu.memory_space<vmem_shared>> -> memref<10240x16xf32, #tpu.memory_space<vmem_shared>>
      tpu.wait_indirect_dma semaphore(%arg22 : memref<!tpu.dma_semaphore, #tpu.memory_space<semaphore_mem>>) src(%dma_wait3A_355 : memref<10240x16xf32, #tpu.memory_space<vmem_shared>>) dst(%dma_wait3A_349 : memref<128x16xf32, #tpu.memory_space<vmem>>)
      %dma_start3A_356 = arith.constant 7 : i32
      %dma_start3A_357 = arith.constant 0 : i32
      %dma_start3A_358 = arith.constant 0 : i32
      %dma_start3A_359 = tpu.memref_slice %arg14[%dma_start3A_356, %dma_start3A_357, %dma_start3A_358] : memref<8x128x16xf32, #tpu.memory_space<vmem>> -> memref<1x128x16xf32, #tpu.memory_space<vmem>>
      %dma_start3A_360 = tpu.memref_squeeze %dma_start3A_359 : memref<1x128x16xf32, #tpu.memory_space<vmem>> -> memref<128x16xf32, #tpu.memory_space<vmem>>
      %dma_start3A_361 = arith.constant 0 : i32
      %dma_start3A_362 = tpu.memref_slice %arg9[%add3A_344, %dma_start3A_361] : memref<88x128xi32, #tpu.memory_space<vmem>> -> memref<1x128xi32, #tpu.memory_space<vmem>>
      %dma_start3A_363 = tpu.memref_squeeze %dma_start3A_362 : memref<1x128xi32, #tpu.memory_space<vmem>> -> memref<128xi32, #tpu.memory_space<vmem>>
      %dma_start3A_364 = arith.constant 0 : i32
      %dma_start3A_365 = arith.constant 0 : i32
      %dma_start3A_366 = tpu.memref_slice %arg8[%dma_start3A_364, %dma_start3A_365] : memref<10240x16xf32, #tpu.memory_space<vmem_shared>> -> memref<10240x16xf32, #tpu.memory_space<vmem_shared>>
      tpu.enqueue_indirect_dma source(%dma_start3A_360 : memref<128x16xf32, #tpu.memory_space<vmem>>) target(%dma_start3A_366 : memref<10240x16xf32, #tpu.memory_space<vmem_shared>>) offsets(%dma_start3A_363 : memref<128xi32, #tpu.memory_space<vmem>>) semaphore(%arg30 : memref<!tpu.dma_semaphore, #tpu.memory_space<semaphore_mem>>) {add = true}
      %mul3A_367 = arith.constant 8 : i32
      %mul3A_368 = arith.muli %while3A_159, %mul3A_367 : i32
      %add3A_369 = arith.constant 0 : i32
      %add3A_370 = arith.addi %mul3A_368, %add3A_369 : i32
      %dma_wait3A_371 = arith.constant 0 : i32
      %dma_wait3A_372 = arith.constant 0 : i32
      %dma_wait3A_373 = arith.constant 0 : i32
      %dma_wait3A_374 = tpu.memref_slice %arg14[%dma_wait3A_371, %dma_wait3A_372, %dma_wait3A_373] : memref<8x128x16xf32, #tpu.memory_space<vmem>> -> memref<1x128x16xf32, #tpu.memory_space<vmem>>
      %dma_wait3A_375 = tpu.memref_squeeze %dma_wait3A_374 : memref<1x128x16xf32, #tpu.memory_space<vmem>> -> memref<128x16xf32, #tpu.memory_space<vmem>>
      %dma_wait3A_376 = arith.constant 0 : i32
      %dma_wait3A_377 = tpu.memref_slice %arg9[%add3A_370, %dma_wait3A_376] : memref<88x128xi32, #tpu.memory_space<vmem>> -> memref<1x128xi32, #tpu.memory_space<vmem>>
      %dma_wait3A_378 = tpu.memref_squeeze %dma_wait3A_377 : memref<1x128xi32, #tpu.memory_space<vmem>> -> memref<128xi32, #tpu.memory_space<vmem>>
      %dma_wait3A_379 = arith.constant 0 : i32
      %dma_wait3A_380 = arith.constant 0 : i32
      %dma_wait3A_381 = tpu.memref_slice %arg8[%dma_wait3A_379, %dma_wait3A_380] : memref<10240x16xf32, #tpu.memory_space<vmem_shared>> -> memref<10240x16xf32, #tpu.memory_space<vmem_shared>>
      tpu.wait_indirect_dma semaphore(%arg23 : memref<!tpu.dma_semaphore, #tpu.memory_space<semaphore_mem>>) src(%dma_wait3A_375 : memref<128x16xf32, #tpu.memory_space<vmem>>) dst(%dma_wait3A_381 : memref<10240x16xf32, #tpu.memory_space<vmem_shared>>)
      %add3A_382 = arith.constant 8 : i32
      %add3A_383 = arith.addi %add3A_370, %add3A_382 : i32
      %lt3A = arith.cmpi slt, %add3A_383, %select_n3A : i32
      %convert_element_type3A_384 = arith.extui %lt3A : i1 to i32
      %cond3A_385 = arith.constant 0 : i32
      %cond3A_386 = arith.cmpi ne, %convert_element_type3A_384, %cond3A_385 : i32
      scf.if %cond3A_386 {
        %dma_start3A_534 = arith.constant 0 : i32
        %dma_start3A_535 = arith.constant 0 : i32
        %dma_start3A_536 = arith.constant 0 : i32
        %dma_start3A_537 = tpu.memref_slice %arg14[%dma_start3A_534, %dma_start3A_535, %dma_start3A_536] : memref<8x128x16xf32, #tpu.memory_space<vmem>> -> memref<1x128x16xf32, #tpu.memory_space<vmem>>
        %dma_start3A_538 = tpu.memref_squeeze %dma_start3A_537 : memref<1x128x16xf32, #tpu.memory_space<vmem>> -> memref<128x16xf32, #tpu.memory_space<vmem>>
        %dma_start3A_539 = arith.constant 0 : i32
        %dma_start3A_540 = tpu.memref_slice %arg13[%add3A_383, %dma_start3A_539] : memref<88x128xi32, #tpu.memory_space<vmem>> -> memref<1x128xi32, #tpu.memory_space<vmem>>
        %dma_start3A_541 = tpu.memref_squeeze %dma_start3A_540 : memref<1x128xi32, #tpu.memory_space<vmem>> -> memref<128xi32, #tpu.memory_space<vmem>>
        %dma_start3A_542 = arith.constant 0 : i32
        %dma_start3A_543 = arith.constant 0 : i32
        %dma_start3A_544 = tpu.memref_slice %arg12[%dma_start3A_542, %dma_start3A_543] : memref<10240x16xf32, #tpu.memory_space<vmem_shared>> -> memref<10240x16xf32, #tpu.memory_space<vmem_shared>>
        tpu.enqueue_indirect_dma source(%dma_start3A_544 : memref<10240x16xf32, #tpu.memory_space<vmem_shared>>) target(%dma_start3A_538 : memref<128x16xf32, #tpu.memory_space<vmem>>) offsets(%dma_start3A_541 : memref<128xi32, #tpu.memory_space<vmem>>) semaphore(%arg15 : memref<!tpu.dma_semaphore, #tpu.memory_space<semaphore_mem>>)
      } else {
      }
      %mul3A_387 = arith.constant 8 : i32
      %mul3A_388 = arith.muli %while3A_159, %mul3A_387 : i32
      %add3A_389 = arith.constant 1 : i32
      %add3A_390 = arith.addi %mul3A_388, %add3A_389 : i32
      %dma_wait3A_391 = arith.constant 1 : i32
      %dma_wait3A_392 = arith.constant 0 : i32
      %dma_wait3A_393 = arith.constant 0 : i32
      %dma_wait3A_394 = tpu.memref_slice %arg14[%dma_wait3A_391, %dma_wait3A_392, %dma_wait3A_393] : memref<8x128x16xf32, #tpu.memory_space<vmem>> -> memref<1x128x16xf32, #tpu.memory_space<vmem>>
      %dma_wait3A_395 = tpu.memref_squeeze %dma_wait3A_394 : memref<1x128x16xf32, #tpu.memory_space<vmem>> -> memref<128x16xf32, #tpu.memory_space<vmem>>
      %dma_wait3A_396 = arith.constant 0 : i32
      %dma_wait3A_397 = tpu.memref_slice %arg9[%add3A_390, %dma_wait3A_396] : memref<88x128xi32, #tpu.memory_space<vmem>> -> memref<1x128xi32, #tpu.memory_space<vmem>>
      %dma_wait3A_398 = tpu.memref_squeeze %dma_wait3A_397 : memref<1x128xi32, #tpu.memory_space<vmem>> -> memref<128xi32, #tpu.memory_space<vmem>>
      %dma_wait3A_399 = arith.constant 0 : i32
      %dma_wait3A_400 = arith.constant 0 : i32
      %dma_wait3A_401 = tpu.memref_slice %arg8[%dma_wait3A_399, %dma_wait3A_400] : memref<10240x16xf32, #tpu.memory_space<vmem_shared>> -> memref<10240x16xf32, #tpu.memory_space<vmem_shared>>
      tpu.wait_indirect_dma semaphore(%arg24 : memref<!tpu.dma_semaphore, #tpu.memory_space<semaphore_mem>>) src(%dma_wait3A_395 : memref<128x16xf32, #tpu.memory_space<vmem>>) dst(%dma_wait3A_401 : memref<10240x16xf32, #tpu.memory_space<vmem_shared>>)
      %add3A_402 = arith.constant 8 : i32
      %add3A_403 = arith.addi %add3A_390, %add3A_402 : i32
      %lt3A_404 = arith.cmpi slt, %add3A_403, %select_n3A : i32
      %convert_element_type3A_405 = arith.extui %lt3A_404 : i1 to i32
      %cond3A_406 = arith.constant 0 : i32
      %cond3A_407 = arith.cmpi ne, %convert_element_type3A_405, %cond3A_406 : i32
      scf.if %cond3A_407 {
        %dma_start3A_534 = arith.constant 1 : i32
        %dma_start3A_535 = arith.constant 0 : i32
        %dma_start3A_536 = arith.constant 0 : i32
        %dma_start3A_537 = tpu.memref_slice %arg14[%dma_start3A_534, %dma_start3A_535, %dma_start3A_536] : memref<8x128x16xf32, #tpu.memory_space<vmem>> -> memref<1x128x16xf32, #tpu.memory_space<vmem>>
        %dma_start3A_538 = tpu.memref_squeeze %dma_start3A_537 : memref<1x128x16xf32, #tpu.memory_space<vmem>> -> memref<128x16xf32, #tpu.memory_space<vmem>>
        %dma_start3A_539 = arith.constant 0 : i32
        %dma_start3A_540 = tpu.memref_slice %arg13[%add3A_403, %dma_start3A_539] : memref<88x128xi32, #tpu.memory_space<vmem>> -> memref<1x128xi32, #tpu.memory_space<vmem>>
        %dma_start3A_541 = tpu.memref_squeeze %dma_start3A_540 : memref<1x128xi32, #tpu.memory_space<vmem>> -> memref<128xi32, #tpu.memory_space<vmem>>
        %dma_start3A_542 = arith.constant 0 : i32
        %dma_start3A_543 = arith.constant 0 : i32
        %dma_start3A_544 = tpu.memref_slice %arg12[%dma_start3A_542, %dma_start3A_543] : memref<10240x16xf32, #tpu.memory_space<vmem_shared>> -> memref<10240x16xf32, #tpu.memory_space<vmem_shared>>
        tpu.enqueue_indirect_dma source(%dma_start3A_544 : memref<10240x16xf32, #tpu.memory_space<vmem_shared>>) target(%dma_start3A_538 : memref<128x16xf32, #tpu.memory_space<vmem>>) offsets(%dma_start3A_541 : memref<128xi32, #tpu.memory_space<vmem>>) semaphore(%arg16 : memref<!tpu.dma_semaphore, #tpu.memory_space<semaphore_mem>>)
      } else {
      }
      %mul3A_408 = arith.constant 8 : i32
      %mul3A_409 = arith.muli %while3A_159, %mul3A_408 : i32
      %add3A_410 = arith.constant 2 : i32
      %add3A_411 = arith.addi %mul3A_409, %add3A_410 : i32
      %dma_wait3A_412 = arith.constant 2 : i32
      %dma_wait3A_413 = arith.constant 0 : i32
      %dma_wait3A_414 = arith.constant 0 : i32
      %dma_wait3A_415 = tpu.memref_slice %arg14[%dma_wait3A_412, %dma_wait3A_413, %dma_wait3A_414] : memref<8x128x16xf32, #tpu.memory_space<vmem>> -> memref<1x128x16xf32, #tpu.memory_space<vmem>>
      %dma_wait3A_416 = tpu.memref_squeeze %dma_wait3A_415 : memref<1x128x16xf32, #tpu.memory_space<vmem>> -> memref<128x16xf32, #tpu.memory_space<vmem>>
      %dma_wait3A_417 = arith.constant 0 : i32
      %dma_wait3A_418 = tpu.memref_slice %arg9[%add3A_411, %dma_wait3A_417] : memref<88x128xi32, #tpu.memory_space<vmem>> -> memref<1x128xi32, #tpu.memory_space<vmem>>
      %dma_wait3A_419 = tpu.memref_squeeze %dma_wait3A_418 : memref<1x128xi32, #tpu.memory_space<vmem>> -> memref<128xi32, #tpu.memory_space<vmem>>
      %dma_wait3A_420 = arith.constant 0 : i32
      %dma_wait3A_421 = arith.constant 0 : i32
      %dma_wait3A_422 = tpu.memref_slice %arg8[%dma_wait3A_420, %dma_wait3A_421] : memref<10240x16xf32, #tpu.memory_space<vmem_shared>> -> memref<10240x16xf32, #tpu.memory_space<vmem_shared>>
      tpu.wait_indirect_dma semaphore(%arg25 : memref<!tpu.dma_semaphore, #tpu.memory_space<semaphore_mem>>) src(%dma_wait3A_416 : memref<128x16xf32, #tpu.memory_space<vmem>>) dst(%dma_wait3A_422 : memref<10240x16xf32, #tpu.memory_space<vmem_shared>>)
      %add3A_423 = arith.constant 8 : i32
      %add3A_424 = arith.addi %add3A_411, %add3A_423 : i32
      %lt3A_425 = arith.cmpi slt, %add3A_424, %select_n3A : i32
      %convert_element_type3A_426 = arith.extui %lt3A_425 : i1 to i32
      %cond3A_427 = arith.constant 0 : i32
      %cond3A_428 = arith.cmpi ne, %convert_element_type3A_426, %cond3A_427 : i32
      scf.if %cond3A_428 {
        %dma_start3A_534 = arith.constant 2 : i32
        %dma_start3A_535 = arith.constant 0 : i32
        %dma_start3A_536 = arith.constant 0 : i32
        %dma_start3A_537 = tpu.memref_slice %arg14[%dma_start3A_534, %dma_start3A_535, %dma_start3A_536] : memref<8x128x16xf32, #tpu.memory_space<vmem>> -> memref<1x128x16xf32, #tpu.memory_space<vmem>>
        %dma_start3A_538 = tpu.memref_squeeze %dma_start3A_537 : memref<1x128x16xf32, #tpu.memory_space<vmem>> -> memref<128x16xf32, #tpu.memory_space<vmem>>
        %dma_start3A_539 = arith.constant 0 : i32
        %dma_start3A_540 = tpu.memref_slice %arg13[%add3A_424, %dma_start3A_539] : memref<88x128xi32, #tpu.memory_space<vmem>> -> memref<1x128xi32, #tpu.memory_space<vmem>>
        %dma_start3A_541 = tpu.memref_squeeze %dma_start3A_540 : memref<1x128xi32, #tpu.memory_space<vmem>> -> memref<128xi32, #tpu.memory_space<vmem>>
        %dma_start3A_542 = arith.constant 0 : i32
        %dma_start3A_543 = arith.constant 0 : i32
        %dma_start3A_544 = tpu.memref_slice %arg12[%dma_start3A_542, %dma_start3A_543] : memref<10240x16xf32, #tpu.memory_space<vmem_shared>> -> memref<10240x16xf32, #tpu.memory_space<vmem_shared>>
        tpu.enqueue_indirect_dma source(%dma_start3A_544 : memref<10240x16xf32, #tpu.memory_space<vmem_shared>>) target(%dma_start3A_538 : memref<128x16xf32, #tpu.memory_space<vmem>>) offsets(%dma_start3A_541 : memref<128xi32, #tpu.memory_space<vmem>>) semaphore(%arg17 : memref<!tpu.dma_semaphore, #tpu.memory_space<semaphore_mem>>)
      } else {
      }
      %mul3A_429 = arith.constant 8 : i32
      %mul3A_430 = arith.muli %while3A_159, %mul3A_429 : i32
      %add3A_431 = arith.constant 3 : i32
      %add3A_432 = arith.addi %mul3A_430, %add3A_431 : i32
      %dma_wait3A_433 = arith.constant 3 : i32
      %dma_wait3A_434 = arith.constant 0 : i32
      %dma_wait3A_435 = arith.constant 0 : i32
      %dma_wait3A_436 = tpu.memref_slice %arg14[%dma_wait3A_433, %dma_wait3A_434, %dma_wait3A_435] : memref<8x128x16xf32, #tpu.memory_space<vmem>> -> memref<1x128x16xf32, #tpu.memory_space<vmem>>
      %dma_wait3A_437 = tpu.memref_squeeze %dma_wait3A_436 : memref<1x128x16xf32, #tpu.memory_space<vmem>> -> memref<128x16xf32, #tpu.memory_space<vmem>>
      %dma_wait3A_438 = arith.constant 0 : i32
      %dma_wait3A_439 = tpu.memref_slice %arg9[%add3A_432, %dma_wait3A_438] : memref<88x128xi32, #tpu.memory_space<vmem>> -> memref<1x128xi32, #tpu.memory_space<vmem>>
      %dma_wait3A_440 = tpu.memref_squeeze %dma_wait3A_439 : memref<1x128xi32, #tpu.memory_space<vmem>> -> memref<128xi32, #tpu.memory_space<vmem>>
      %dma_wait3A_441 = arith.constant 0 : i32
      %dma_wait3A_442 = arith.constant 0 : i32
      %dma_wait3A_443 = tpu.memref_slice %arg8[%dma_wait3A_441, %dma_wait3A_442] : memref<10240x16xf32, #tpu.memory_space<vmem_shared>> -> memref<10240x16xf32, #tpu.memory_space<vmem_shared>>
      tpu.wait_indirect_dma semaphore(%arg26 : memref<!tpu.dma_semaphore, #tpu.memory_space<semaphore_mem>>) src(%dma_wait3A_437 : memref<128x16xf32, #tpu.memory_space<vmem>>) dst(%dma_wait3A_443 : memref<10240x16xf32, #tpu.memory_space<vmem_shared>>)
      %add3A_444 = arith.constant 8 : i32
      %add3A_445 = arith.addi %add3A_432, %add3A_444 : i32
      %lt3A_446 = arith.cmpi slt, %add3A_445, %select_n3A : i32
      %convert_element_type3A_447 = arith.extui %lt3A_446 : i1 to i32
      %cond3A_448 = arith.constant 0 : i32
      %cond3A_449 = arith.cmpi ne, %convert_element_type3A_447, %cond3A_448 : i32
      scf.if %cond3A_449 {
        %dma_start3A_534 = arith.constant 3 : i32
        %dma_start3A_535 = arith.constant 0 : i32
        %dma_start3A_536 = arith.constant 0 : i32
        %dma_start3A_537 = tpu.memref_slice %arg14[%dma_start3A_534, %dma_start3A_535, %dma_start3A_536] : memref<8x128x16xf32, #tpu.memory_space<vmem>> -> memref<1x128x16xf32, #tpu.memory_space<vmem>>
        %dma_start3A_538 = tpu.memref_squeeze %dma_start3A_537 : memref<1x128x16xf32, #tpu.memory_space<vmem>> -> memref<128x16xf32, #tpu.memory_space<vmem>>
        %dma_start3A_539 = arith.constant 0 : i32
        %dma_start3A_540 = tpu.memref_slice %arg13[%add3A_445, %dma_start3A_539] : memref<88x128xi32, #tpu.memory_space<vmem>> -> memref<1x128xi32, #tpu.memory_space<vmem>>
        %dma_start3A_541 = tpu.memref_squeeze %dma_start3A_540 : memref<1x128xi32, #tpu.memory_space<vmem>> -> memref<128xi32, #tpu.memory_space<vmem>>
        %dma_start3A_542 = arith.constant 0 : i32
        %dma_start3A_543 = arith.constant 0 : i32
        %dma_start3A_544 = tpu.memref_slice %arg12[%dma_start3A_542, %dma_start3A_543] : memref<10240x16xf32, #tpu.memory_space<vmem_shared>> -> memref<10240x16xf32, #tpu.memory_space<vmem_shared>>
        tpu.enqueue_indirect_dma source(%dma_start3A_544 : memref<10240x16xf32, #tpu.memory_space<vmem_shared>>) target(%dma_start3A_538 : memref<128x16xf32, #tpu.memory_space<vmem>>) offsets(%dma_start3A_541 : memref<128xi32, #tpu.memory_space<vmem>>) semaphore(%arg18 : memref<!tpu.dma_semaphore, #tpu.memory_space<semaphore_mem>>)
      } else {
      }
      %mul3A_450 = arith.constant 8 : i32
      %mul3A_451 = arith.muli %while3A_159, %mul3A_450 : i32
      %add3A_452 = arith.constant 4 : i32
      %add3A_453 = arith.addi %mul3A_451, %add3A_452 : i32
      %dma_wait3A_454 = arith.constant 4 : i32
      %dma_wait3A_455 = arith.constant 0 : i32
      %dma_wait3A_456 = arith.constant 0 : i32
      %dma_wait3A_457 = tpu.memref_slice %arg14[%dma_wait3A_454, %dma_wait3A_455, %dma_wait3A_456] : memref<8x128x16xf32, #tpu.memory_space<vmem>> -> memref<1x128x16xf32, #tpu.memory_space<vmem>>
      %dma_wait3A_458 = tpu.memref_squeeze %dma_wait3A_457 : memref<1x128x16xf32, #tpu.memory_space<vmem>> -> memref<128x16xf32, #tpu.memory_space<vmem>>
      %dma_wait3A_459 = arith.constant 0 : i32
      %dma_wait3A_460 = tpu.memref_slice %arg9[%add3A_453, %dma_wait3A_459] : memref<88x128xi32, #tpu.memory_space<vmem>> -> memref<1x128xi32, #tpu.memory_space<vmem>>
      %dma_wait3A_461 = tpu.memref_squeeze %dma_wait3A_460 : memref<1x128xi32, #tpu.memory_space<vmem>> -> memref<128xi32, #tpu.memory_space<vmem>>
      %dma_wait3A_462 = arith.constant 0 : i32
      %dma_wait3A_463 = arith.constant 0 : i32
      %dma_wait3A_464 = tpu.memref_slice %arg8[%dma_wait3A_462, %dma_wait3A_463] : memref<10240x16xf32, #tpu.memory_space<vmem_shared>> -> memref<10240x16xf32, #tpu.memory_space<vmem_shared>>
      tpu.wait_indirect_dma semaphore(%arg27 : memref<!tpu.dma_semaphore, #tpu.memory_space<semaphore_mem>>) src(%dma_wait3A_458 : memref<128x16xf32, #tpu.memory_space<vmem>>) dst(%dma_wait3A_464 : memref<10240x16xf32, #tpu.memory_space<vmem_shared>>)
      %add3A_465 = arith.constant 8 : i32
      %add3A_466 = arith.addi %add3A_453, %add3A_465 : i32
      %lt3A_467 = arith.cmpi slt, %add3A_466, %select_n3A : i32
      %convert_element_type3A_468 = arith.extui %lt3A_467 : i1 to i32
      %cond3A_469 = arith.constant 0 : i32
      %cond3A_470 = arith.cmpi ne, %convert_element_type3A_468, %cond3A_469 : i32
      scf.if %cond3A_470 {
        %dma_start3A_534 = arith.constant 4 : i32
        %dma_start3A_535 = arith.constant 0 : i32
        %dma_start3A_536 = arith.constant 0 : i32
        %dma_start3A_537 = tpu.memref_slice %arg14[%dma_start3A_534, %dma_start3A_535, %dma_start3A_536] : memref<8x128x16xf32, #tpu.memory_space<vmem>> -> memref<1x128x16xf32, #tpu.memory_space<vmem>>
        %dma_start3A_538 = tpu.memref_squeeze %dma_start3A_537 : memref<1x128x16xf32, #tpu.memory_space<vmem>> -> memref<128x16xf32, #tpu.memory_space<vmem>>
        %dma_start3A_539 = arith.constant 0 : i32
        %dma_start3A_540 = tpu.memref_slice %arg13[%add3A_466, %dma_start3A_539] : memref<88x128xi32, #tpu.memory_space<vmem>> -> memref<1x128xi32, #tpu.memory_space<vmem>>
        %dma_start3A_541 = tpu.memref_squeeze %dma_start3A_540 : memref<1x128xi32, #tpu.memory_space<vmem>> -> memref<128xi32, #tpu.memory_space<vmem>>
        %dma_start3A_542 = arith.constant 0 : i32
        %dma_start3A_543 = arith.constant 0 : i32
        %dma_start3A_544 = tpu.memref_slice %arg12[%dma_start3A_542, %dma_start3A_543] : memref<10240x16xf32, #tpu.memory_space<vmem_shared>> -> memref<10240x16xf32, #tpu.memory_space<vmem_shared>>
        tpu.enqueue_indirect_dma source(%dma_start3A_544 : memref<10240x16xf32, #tpu.memory_space<vmem_shared>>) target(%dma_start3A_538 : memref<128x16xf32, #tpu.memory_space<vmem>>) offsets(%dma_start3A_541 : memref<128xi32, #tpu.memory_space<vmem>>) semaphore(%arg19 : memref<!tpu.dma_semaphore, #tpu.memory_space<semaphore_mem>>)
      } else {
      }
      %mul3A_471 = arith.constant 8 : i32
      %mul3A_472 = arith.muli %while3A_159, %mul3A_471 : i32
      %add3A_473 = arith.constant 5 : i32
      %add3A_474 = arith.addi %mul3A_472, %add3A_473 : i32
      %dma_wait3A_475 = arith.constant 5 : i32
      %dma_wait3A_476 = arith.constant 0 : i32
      %dma_wait3A_477 = arith.constant 0 : i32
      %dma_wait3A_478 = tpu.memref_slice %arg14[%dma_wait3A_475, %dma_wait3A_476, %dma_wait3A_477] : memref<8x128x16xf32, #tpu.memory_space<vmem>> -> memref<1x128x16xf32, #tpu.memory_space<vmem>>
      %dma_wait3A_479 = tpu.memref_squeeze %dma_wait3A_478 : memref<1x128x16xf32, #tpu.memory_space<vmem>> -> memref<128x16xf32, #tpu.memory_space<vmem>>
      %dma_wait3A_480 = arith.constant 0 : i32
      %dma_wait3A_481 = tpu.memref_slice %arg9[%add3A_474, %dma_wait3A_480] : memref<88x128xi32, #tpu.memory_space<vmem>> -> memref<1x128xi32, #tpu.memory_space<vmem>>
      %dma_wait3A_482 = tpu.memref_squeeze %dma_wait3A_481 : memref<1x128xi32, #tpu.memory_space<vmem>> -> memref<128xi32, #tpu.memory_space<vmem>>
      %dma_wait3A_483 = arith.constant 0 : i32
      %dma_wait3A_484 = arith.constant 0 : i32
      %dma_wait3A_485 = tpu.memref_slice %arg8[%dma_wait3A_483, %dma_wait3A_484] : memref<10240x16xf32, #tpu.memory_space<vmem_shared>> -> memref<10240x16xf32, #tpu.memory_space<vmem_shared>>
      tpu.wait_indirect_dma semaphore(%arg28 : memref<!tpu.dma_semaphore, #tpu.memory_space<semaphore_mem>>) src(%dma_wait3A_479 : memref<128x16xf32, #tpu.memory_space<vmem>>) dst(%dma_wait3A_485 : memref<10240x16xf32, #tpu.memory_space<vmem_shared>>)
      %add3A_486 = arith.constant 8 : i32
      %add3A_487 = arith.addi %add3A_474, %add3A_486 : i32
      %lt3A_488 = arith.cmpi slt, %add3A_487, %select_n3A : i32
      %convert_element_type3A_489 = arith.extui %lt3A_488 : i1 to i32
      %cond3A_490 = arith.constant 0 : i32
      %cond3A_491 = arith.cmpi ne, %convert_element_type3A_489, %cond3A_490 : i32
      scf.if %cond3A_491 {
        %dma_start3A_534 = arith.constant 5 : i32
        %dma_start3A_535 = arith.constant 0 : i32
        %dma_start3A_536 = arith.constant 0 : i32
        %dma_start3A_537 = tpu.memref_slice %arg14[%dma_start3A_534, %dma_start3A_535, %dma_start3A_536] : memref<8x128x16xf32, #tpu.memory_space<vmem>> -> memref<1x128x16xf32, #tpu.memory_space<vmem>>
        %dma_start3A_538 = tpu.memref_squeeze %dma_start3A_537 : memref<1x128x16xf32, #tpu.memory_space<vmem>> -> memref<128x16xf32, #tpu.memory_space<vmem>>
        %dma_start3A_539 = arith.constant 0 : i32
        %dma_start3A_540 = tpu.memref_slice %arg13[%add3A_487, %dma_start3A_539] : memref<88x128xi32, #tpu.memory_space<vmem>> -> memref<1x128xi32, #tpu.memory_space<vmem>>
        %dma_start3A_541 = tpu.memref_squeeze %dma_start3A_540 : memref<1x128xi32, #tpu.memory_space<vmem>> -> memref<128xi32, #tpu.memory_space<vmem>>
        %dma_start3A_542 = arith.constant 0 : i32
        %dma_start3A_543 = arith.constant 0 : i32
        %dma_start3A_544 = tpu.memref_slice %arg12[%dma_start3A_542, %dma_start3A_543] : memref<10240x16xf32, #tpu.memory_space<vmem_shared>> -> memref<10240x16xf32, #tpu.memory_space<vmem_shared>>
        tpu.enqueue_indirect_dma source(%dma_start3A_544 : memref<10240x16xf32, #tpu.memory_space<vmem_shared>>) target(%dma_start3A_538 : memref<128x16xf32, #tpu.memory_space<vmem>>) offsets(%dma_start3A_541 : memref<128xi32, #tpu.memory_space<vmem>>) semaphore(%arg20 : memref<!tpu.dma_semaphore, #tpu.memory_space<semaphore_mem>>)
      } else {
      }
      %mul3A_492 = arith.constant 8 : i32
      %mul3A_493 = arith.muli %while3A_159, %mul3A_492 : i32
      %add3A_494 = arith.constant 6 : i32
      %add3A_495 = arith.addi %mul3A_493, %add3A_494 : i32
      %dma_wait3A_496 = arith.constant 6 : i32
      %dma_wait3A_497 = arith.constant 0 : i32
      %dma_wait3A_498 = arith.constant 0 : i32
      %dma_wait3A_499 = tpu.memref_slice %arg14[%dma_wait3A_496, %dma_wait3A_497, %dma_wait3A_498] : memref<8x128x16xf32, #tpu.memory_space<vmem>> -> memref<1x128x16xf32, #tpu.memory_space<vmem>>
      %dma_wait3A_500 = tpu.memref_squeeze %dma_wait3A_499 : memref<1x128x16xf32, #tpu.memory_space<vmem>> -> memref<128x16xf32, #tpu.memory_space<vmem>>
      %dma_wait3A_501 = arith.constant 0 : i32
      %dma_wait3A_502 = tpu.memref_slice %arg9[%add3A_495, %dma_wait3A_501] : memref<88x128xi32, #tpu.memory_space<vmem>> -> memref<1x128xi32, #tpu.memory_space<vmem>>
      %dma_wait3A_503 = tpu.memref_squeeze %dma_wait3A_502 : memref<1x128xi32, #tpu.memory_space<vmem>> -> memref<128xi32, #tpu.memory_space<vmem>>
      %dma_wait3A_504 = arith.constant 0 : i32
      %dma_wait3A_505 = arith.constant 0 : i32
      %dma_wait3A_506 = tpu.memref_slice %arg8[%dma_wait3A_504, %dma_wait3A_505] : memref<10240x16xf32, #tpu.memory_space<vmem_shared>> -> memref<10240x16xf32, #tpu.memory_space<vmem_shared>>
      tpu.wait_indirect_dma semaphore(%arg29 : memref<!tpu.dma_semaphore, #tpu.memory_space<semaphore_mem>>) src(%dma_wait3A_500 : memref<128x16xf32, #tpu.memory_space<vmem>>) dst(%dma_wait3A_506 : memref<10240x16xf32, #tpu.memory_space<vmem_shared>>)
      %add3A_507 = arith.constant 8 : i32
      %add3A_508 = arith.addi %add3A_495, %add3A_507 : i32
      %lt3A_509 = arith.cmpi slt, %add3A_508, %select_n3A : i32
      %convert_element_type3A_510 = arith.extui %lt3A_509 : i1 to i32
      %cond3A_511 = arith.constant 0 : i32
      %cond3A_512 = arith.cmpi ne, %convert_element_type3A_510, %cond3A_511 : i32
      scf.if %cond3A_512 {
        %dma_start3A_534 = arith.constant 6 : i32
        %dma_start3A_535 = arith.constant 0 : i32
        %dma_start3A_536 = arith.constant 0 : i32
        %dma_start3A_537 = tpu.memref_slice %arg14[%dma_start3A_534, %dma_start3A_535, %dma_start3A_536] : memref<8x128x16xf32, #tpu.memory_space<vmem>> -> memref<1x128x16xf32, #tpu.memory_space<vmem>>
        %dma_start3A_538 = tpu.memref_squeeze %dma_start3A_537 : memref<1x128x16xf32, #tpu.memory_space<vmem>> -> memref<128x16xf32, #tpu.memory_space<vmem>>
        %dma_start3A_539 = arith.constant 0 : i32
        %dma_start3A_540 = tpu.memref_slice %arg13[%add3A_508, %dma_start3A_539] : memref<88x128xi32, #tpu.memory_space<vmem>> -> memref<1x128xi32, #tpu.memory_space<vmem>>
        %dma_start3A_541 = tpu.memref_squeeze %dma_start3A_540 : memref<1x128xi32, #tpu.memory_space<vmem>> -> memref<128xi32, #tpu.memory_space<vmem>>
        %dma_start3A_542 = arith.constant 0 : i32
        %dma_start3A_543 = arith.constant 0 : i32
        %dma_start3A_544 = tpu.memref_slice %arg12[%dma_start3A_542, %dma_start3A_543] : memref<10240x16xf32, #tpu.memory_space<vmem_shared>> -> memref<10240x16xf32, #tpu.memory_space<vmem_shared>>
        tpu.enqueue_indirect_dma source(%dma_start3A_544 : memref<10240x16xf32, #tpu.memory_space<vmem_shared>>) target(%dma_start3A_538 : memref<128x16xf32, #tpu.memory_space<vmem>>) offsets(%dma_start3A_541 : memref<128xi32, #tpu.memory_space<vmem>>) semaphore(%arg21 : memref<!tpu.dma_semaphore, #tpu.memory_space<semaphore_mem>>)
      } else {
      }
      %mul3A_513 = arith.constant 8 : i32
      %mul3A_514 = arith.muli %while3A_159, %mul3A_513 : i32
      %add3A_515 = arith.constant 7 : i32
      %add3A_516 = arith.addi %mul3A_514, %add3A_515 : i32
      %dma_wait3A_517 = arith.constant 7 : i32
      %dma_wait3A_518 = arith.constant 0 : i32
      %dma_wait3A_519 = arith.constant 0 : i32
      %dma_wait3A_520 = tpu.memref_slice %arg14[%dma_wait3A_517, %dma_wait3A_518, %dma_wait3A_519] : memref<8x128x16xf32, #tpu.memory_space<vmem>> -> memref<1x128x16xf32, #tpu.memory_space<vmem>>
      %dma_wait3A_521 = tpu.memref_squeeze %dma_wait3A_520 : memref<1x128x16xf32, #tpu.memory_space<vmem>> -> memref<128x16xf32, #tpu.memory_space<vmem>>
      %dma_wait3A_522 = arith.constant 0 : i32
      %dma_wait3A_523 = tpu.memref_slice %arg9[%add3A_516, %dma_wait3A_522] : memref<88x128xi32, #tpu.memory_space<vmem>> -> memref<1x128xi32, #tpu.memory_space<vmem>>
      %dma_wait3A_524 = tpu.memref_squeeze %dma_wait3A_523 : memref<1x128xi32, #tpu.memory_space<vmem>> -> memref<128xi32, #tpu.memory_space<vmem>>
      %dma_wait3A_525 = arith.constant 0 : i32
      %dma_wait3A_526 = arith.constant 0 : i32
      %dma_wait3A_527 = tpu.memref_slice %arg8[%dma_wait3A_525, %dma_wait3A_526] : memref<10240x16xf32, #tpu.memory_space<vmem_shared>> -> memref<10240x16xf32, #tpu.memory_space<vmem_shared>>
      tpu.wait_indirect_dma semaphore(%arg30 : memref<!tpu.dma_semaphore, #tpu.memory_space<semaphore_mem>>) src(%dma_wait3A_521 : memref<128x16xf32, #tpu.memory_space<vmem>>) dst(%dma_wait3A_527 : memref<10240x16xf32, #tpu.memory_space<vmem_shared>>)
      %add3A_528 = arith.constant 8 : i32
      %add3A_529 = arith.addi %add3A_516, %add3A_528 : i32
      %lt3A_530 = arith.cmpi slt, %add3A_529, %select_n3A : i32
      %convert_element_type3A_531 = arith.extui %lt3A_530 : i1 to i32
      %cond3A_532 = arith.constant 0 : i32
      %cond3A_533 = arith.cmpi ne, %convert_element_type3A_531, %cond3A_532 : i32
      scf.if %cond3A_533 {
        %dma_start3A_534 = arith.constant 7 : i32
        %dma_start3A_535 = arith.constant 0 : i32
        %dma_start3A_536 = arith.constant 0 : i32
        %dma_start3A_537 = tpu.memref_slice %arg14[%dma_start3A_534, %dma_start3A_535, %dma_start3A_536] : memref<8x128x16xf32, #tpu.memory_space<vmem>> -> memref<1x128x16xf32, #tpu.memory_space<vmem>>
        %dma_start3A_538 = tpu.memref_squeeze %dma_start3A_537 : memref<1x128x16xf32, #tpu.memory_space<vmem>> -> memref<128x16xf32, #tpu.memory_space<vmem>>
        %dma_start3A_539 = arith.constant 0 : i32
        %dma_start3A_540 = tpu.memref_slice %arg13[%add3A_529, %dma_start3A_539] : memref<88x128xi32, #tpu.memory_space<vmem>> -> memref<1x128xi32, #tpu.memory_space<vmem>>
        %dma_start3A_541 = tpu.memref_squeeze %dma_start3A_540 : memref<1x128xi32, #tpu.memory_space<vmem>> -> memref<128xi32, #tpu.memory_space<vmem>>
        %dma_start3A_542 = arith.constant 0 : i32
        %dma_start3A_543 = arith.constant 0 : i32
        %dma_start3A_544 = tpu.memref_slice %arg12[%dma_start3A_542, %dma_start3A_543] : memref<10240x16xf32, #tpu.memory_space<vmem_shared>> -> memref<10240x16xf32, #tpu.memory_space<vmem_shared>>
        tpu.enqueue_indirect_dma source(%dma_start3A_544 : memref<10240x16xf32, #tpu.memory_space<vmem_shared>>) target(%dma_start3A_538 : memref<128x16xf32, #tpu.memory_space<vmem>>) offsets(%dma_start3A_541 : memref<128xi32, #tpu.memory_space<vmem>>) semaphore(%arg22 : memref<!tpu.dma_semaphore, #tpu.memory_space<semaphore_mem>>)
      } else {
      }
    }
    %barrier3A_142 = arith.constant 0 : index
    tpu.barrier barrier_id(%barrier3A_142)
    %mul3A_143 = arith.constant 640 : i32
    %mul3A_144 = arith.muli %arg1, %mul3A_143 : i32
    "tpu.region"() ({
      %run_scoped3A = tpu.sem_alloc : memref<!tpu.dma_semaphore, #tpu.memory_space<semaphore_mem>>
      %dma_start3A_159 = arith.constant 0 : i32
      %dma_start3A_160 = tpu.memref_slice %arg8[%mul3A_144, %dma_start3A_159] : memref<10240x16xf32, #tpu.memory_space<vmem_shared>> -> memref<640x16xf32, #tpu.memory_space<vmem_shared>>
      %dma_start3A_161 = arith.constant 0 : i32
      %dma_start3A_162 = tpu.memref_slice %arg8[%mul3A_144, %dma_start3A_161] : memref<10240x16xf32, #tpu.memory_space<vmem_shared>> -> memref<640x16xf32, #tpu.memory_space<vmem_shared>>
      tpu.enqueue_dma source(%dma_start3A_162 : memref<640x16xf32, #tpu.memory_space<vmem_shared>>) target(%arg10 : memref<640x16xf32, #tpu.memory_space<vmem>>) target_semaphore(%run_scoped3A : memref<!tpu.dma_semaphore, #tpu.memory_space<semaphore_mem>>)
      %dma_wait3A = arith.constant 0 : i32
      %dma_wait3A_163 = tpu.memref_slice %arg8[%mul3A_144, %dma_wait3A] : memref<10240x16xf32, #tpu.memory_space<vmem_shared>> -> memref<640x16xf32, #tpu.memory_space<vmem_shared>>
      %dma_wait3A_164 = arith.constant 0 : i32
      %dma_wait3A_165 = tpu.memref_slice %arg8[%mul3A_144, %dma_wait3A_164] : memref<10240x16xf32, #tpu.memory_space<vmem_shared>> -> memref<640x16xf32, #tpu.memory_space<vmem_shared>>
      tpu.wait_dma2 semaphore(%run_scoped3A : memref<!tpu.dma_semaphore, #tpu.memory_space<semaphore_mem>>) src(%dma_wait3A_165 : memref<640x16xf32, #tpu.memory_space<vmem_shared>>) dst(%arg10 : memref<640x16xf32, #tpu.memory_space<vmem>>)
      tpu.yield
    }) : () -> ()
    %scan3A_145 = arith.constant 0 : i32
    %scan3A_146 = arith.constant 0 : i32
    %scan3A_147 = arith.constant 80 : i32
    %scan3A_148 = arith.addi %scan3A_146, %scan3A_147 : i32
    %scan3A_149 = arith.constant 1 : i32
    scf.for %scan3A_159 = %scan3A_146 to %scan3A_148 step %scan3A_149  : i32 {
      %mul3A_160 = arith.constant 8 : i32
      %mul3A_161 = arith.muli %scan3A_159, %mul3A_160 : i32
      %add3A_162 = arith.constant 0 : i32
      %add3A_163 = arith.addi %mul3A_161, %add3A_162 : i32
      %get3A = arith.index_cast %add3A_163 : i32 to index
      %get3A_164 = arith.constant 0 : index
      %get3A_165 = tpu.vector_load %arg10[%get3A, %get3A_164] {strides = array<i32>} : memref<640x16xf32, #tpu.memory_space<vmem>>, vector<1x16xf32>,
      %get3A_166 = vector.shape_cast %get3A_165 : vector<1x16xf32> to vector<16xf32>
      %swap3A = arith.index_cast %scan3A_159 : i32 to index
      %swap3A_167 = arith.constant 0 : index
      %swap3A_168 = tpu.vector_load %arg11[%swap3A, %swap3A_167] {strides = array<i32>} : memref<80x128xf32, #tpu.memory_space<vmem>>, vector<1x16xf32>,
      %swap3A_169 = vector.shape_cast %swap3A_168 : vector<1x16xf32> to vector<16xf32>
      %swap3A_170 = vector.shape_cast %get3A_166 : vector<16xf32> to vector<1x16xf32>
      tpu.vector_store %arg11[%swap3A, %swap3A_167], %swap3A_170 {strides = array<i32>} : memref<80x128xf32, #tpu.memory_space<vmem>>, vector<1x16xf32>,
      %mul3A_171 = arith.constant 8 : i32
      %mul3A_172 = arith.muli %scan3A_159, %mul3A_171 : i32
      %add3A_173 = arith.constant 1 : i32
      %add3A_174 = arith.addi %mul3A_172, %add3A_173 : i32
      %get3A_175 = arith.index_cast %add3A_174 : i32 to index
      %get3A_176 = arith.constant 0 : index
      %get3A_177 = tpu.vector_load %arg10[%get3A_175, %get3A_176] {strides = array<i32>} : memref<640x16xf32, #tpu.memory_space<vmem>>, vector<1x16xf32>,
      %get3A_178 = vector.shape_cast %get3A_177 : vector<1x16xf32> to vector<16xf32>
      %swap3A_179 = arith.index_cast %scan3A_159 : i32 to index
      %swap3A_180 = arith.constant 16 : index
      %swap3A_181 = tpu.vector_load %arg11[%swap3A_179, %swap3A_180] {strides = array<i32>} : memref<80x128xf32, #tpu.memory_space<vmem>>, vector<1x16xf32>,
      %swap3A_182 = vector.shape_cast %swap3A_181 : vector<1x16xf32> to vector<16xf32>
      %swap3A_183 = vector.shape_cast %get3A_178 : vector<16xf32> to vector<1x16xf32>
      tpu.vector_store %arg11[%swap3A_179, %swap3A_180], %swap3A_183 {strides = array<i32>} : memref<80x128xf32, #tpu.memory_space<vmem>>, vector<1x16xf32>,
      %mul3A_184 = arith.constant 8 : i32
      %mul3A_185 = arith.muli %scan3A_159, %mul3A_184 : i32
      %add3A_186 = arith.constant 2 : i32
      %add3A_187 = arith.addi %mul3A_185, %add3A_186 : i32
      %get3A_188 = arith.index_cast %add3A_187 : i32 to index
      %get3A_189 = arith.constant 0 : index
      %get3A_190 = tpu.vector_load %arg10[%get3A_188, %get3A_189] {strides = array<i32>} : memref<640x16xf32, #tpu.memory_space<vmem>>, vector<1x16xf32>,
      %get3A_191 = vector.shape_cast %get3A_190 : vector<1x16xf32> to vector<16xf32>
      %swap3A_192 = arith.index_cast %scan3A_159 : i32 to index
      %swap3A_193 = arith.constant 32 : index
      %swap3A_194 = tpu.vector_load %arg11[%swap3A_192, %swap3A_193] {strides = array<i32>} : memref<80x128xf32, #tpu.memory_space<vmem>>, vector<1x16xf32>,
      %swap3A_195 = vector.shape_cast %swap3A_194 : vector<1x16xf32> to vector<16xf32>
      %swap3A_196 = vector.shape_cast %get3A_191 : vector<16xf32> to vector<1x16xf32>
      tpu.vector_store %arg11[%swap3A_192, %swap3A_193], %swap3A_196 {strides = array<i32>} : memref<80x128xf32, #tpu.memory_space<vmem>>, vector<1x16xf32>,
      %mul3A_197 = arith.constant 8 : i32
      %mul3A_198 = arith.muli %scan3A_159, %mul3A_197 : i32
      %add3A_199 = arith.constant 3 : i32
      %add3A_200 = arith.addi %mul3A_198, %add3A_199 : i32
      %get3A_201 = arith.index_cast %add3A_200 : i32 to index
      %get3A_202 = arith.constant 0 : index
      %get3A_203 = tpu.vector_load %arg10[%get3A_201, %get3A_202] {strides = array<i32>} : memref<640x16xf32, #tpu.memory_space<vmem>>, vector<1x16xf32>,
      %get3A_204 = vector.shape_cast %get3A_203 : vector<1x16xf32> to vector<16xf32>
      %swap3A_205 = arith.index_cast %scan3A_159 : i32 to index
      %swap3A_206 = arith.constant 48 : index
      %swap3A_207 = tpu.vector_load %arg11[%swap3A_205, %swap3A_206] {strides = array<i32>} : memref<80x128xf32, #tpu.memory_space<vmem>>, vector<1x16xf32>,
      %swap3A_208 = vector.shape_cast %swap3A_207 : vector<1x16xf32> to vector<16xf32>
      %swap3A_209 = vector.shape_cast %get3A_204 : vector<16xf32> to vector<1x16xf32>
      tpu.vector_store %arg11[%swap3A_205, %swap3A_206], %swap3A_209 {strides = array<i32>} : memref<80x128xf32, #tpu.memory_space<vmem>>, vector<1x16xf32>,
      %mul3A_210 = arith.constant 8 : i32
      %mul3A_211 = arith.muli %scan3A_159, %mul3A_210 : i32
      %add3A_212 = arith.constant 4 : i32
      %add3A_213 = arith.addi %mul3A_211, %add3A_212 : i32
      %get3A_214 = arith.index_cast %add3A_213 : i32 to index
      %get3A_215 = arith.constant 0 : index
      %get3A_216 = tpu.vector_load %arg10[%get3A_214, %get3A_215] {strides = array<i32>} : memref<640x16xf32, #tpu.memory_space<vmem>>, vector<1x16xf32>,
      %get3A_217 = vector.shape_cast %get3A_216 : vector<1x16xf32> to vector<16xf32>
      %swap3A_218 = arith.index_cast %scan3A_159 : i32 to index
      %swap3A_219 = arith.constant 64 : index
      %swap3A_220 = tpu.vector_load %arg11[%swap3A_218, %swap3A_219] {strides = array<i32>} : memref<80x128xf32, #tpu.memory_space<vmem>>, vector<1x16xf32>,
      %swap3A_221 = vector.shape_cast %swap3A_220 : vector<1x16xf32> to vector<16xf32>
      %swap3A_222 = vector.shape_cast %get3A_217 : vector<16xf32> to vector<1x16xf32>
      tpu.vector_store %arg11[%swap3A_218, %swap3A_219], %swap3A_222 {strides = array<i32>} : memref<80x128xf32, #tpu.memory_space<vmem>>, vector<1x16xf32>,
      %mul3A_223 = arith.constant 8 : i32
      %mul3A_224 = arith.muli %scan3A_159, %mul3A_223 : i32
      %add3A_225 = arith.constant 5 : i32
      %add3A_226 = arith.addi %mul3A_224, %add3A_225 : i32
      %get3A_227 = arith.index_cast %add3A_226 : i32 to index
      %get3A_228 = arith.constant 0 : index
      %get3A_229 = tpu.vector_load %arg10[%get3A_227, %get3A_228] {strides = array<i32>} : memref<640x16xf32, #tpu.memory_space<vmem>>, vector<1x16xf32>,
      %get3A_230 = vector.shape_cast %get3A_229 : vector<1x16xf32> to vector<16xf32>
      %swap3A_231 = arith.index_cast %scan3A_159 : i32 to index
      %swap3A_232 = arith.constant 80 : index
      %swap3A_233 = tpu.vector_load %arg11[%swap3A_231, %swap3A_232] {strides = array<i32>} : memref<80x128xf32, #tpu.memory_space<vmem>>, vector<1x16xf32>,
      %swap3A_234 = vector.shape_cast %swap3A_233 : vector<1x16xf32> to vector<16xf32>
      %swap3A_235 = vector.shape_cast %get3A_230 : vector<16xf32> to vector<1x16xf32>
      tpu.vector_store %arg11[%swap3A_231, %swap3A_232], %swap3A_235 {strides = array<i32>} : memref<80x128xf32, #tpu.memory_space<vmem>>, vector<1x16xf32>,
      %mul3A_236 = arith.constant 8 : i32
      %mul3A_237 = arith.muli %scan3A_159, %mul3A_236 : i32
      %add3A_238 = arith.constant 6 : i32
      %add3A_239 = arith.addi %mul3A_237, %add3A_238 : i32
      %get3A_240 = arith.index_cast %add3A_239 : i32 to index
      %get3A_241 = arith.constant 0 : index
      %get3A_242 = tpu.vector_load %arg10[%get3A_240, %get3A_241] {strides = array<i32>} : memref<640x16xf32, #tpu.memory_space<vmem>>, vector<1x16xf32>,
      %get3A_243 = vector.shape_cast %get3A_242 : vector<1x16xf32> to vector<16xf32>
      %swap3A_244 = arith.index_cast %scan3A_159 : i32 to index
      %swap3A_245 = arith.constant 96 : index
      %swap3A_246 = tpu.vector_load %arg11[%swap3A_244, %swap3A_245] {strides = array<i32>} : memref<80x128xf32, #tpu.memory_space<vmem>>, vector<1x16xf32>,
      %swap3A_247 = vector.shape_cast %swap3A_246 : vector<1x16xf32> to vector<16xf32>
      %swap3A_248 = vector.shape_cast %get3A_243 : vector<16xf32> to vector<1x16xf32>
      tpu.vector_store %arg11[%swap3A_244, %swap3A_245], %swap3A_248 {strides = array<i32>} : memref<80x128xf32, #tpu.memory_space<vmem>>, vector<1x16xf32>,
      %mul3A_249 = arith.constant 8 : i32
      %mul3A_250 = arith.muli %scan3A_159, %mul3A_249 : i32
      %add3A_251 = arith.constant 7 : i32
      %add3A_252 = arith.addi %mul3A_250, %add3A_251 : i32
      %get3A_253 = arith.index_cast %add3A_252 : i32 to index
      %get3A_254 = arith.constant 0 : index
      %get3A_255 = tpu.vector_load %arg10[%get3A_253, %get3A_254] {strides = array<i32>} : memref<640x16xf32, #tpu.memory_space<vmem>>, vector<1x16xf32>,
      %get3A_256 = vector.shape_cast %get3A_255 : vector<1x16xf32> to vector<16xf32>
      %swap3A_257 = arith.index_cast %scan3A_159 : i32 to index
      %swap3A_258 = arith.constant 112 : index
      %swap3A_259 = tpu.vector_load %arg11[%swap3A_257, %swap3A_258] {strides = array<i32>} : memref<80x128xf32, #tpu.memory_space<vmem>>, vector<1x16xf32>,
      %swap3A_260 = vector.shape_cast %swap3A_259 : vector<1x16xf32> to vector<16xf32>
      %swap3A_261 = vector.shape_cast %get3A_256 : vector<16xf32> to vector<1x16xf32>
      tpu.vector_store %arg11[%swap3A_257, %swap3A_258], %swap3A_261 {strides = array<i32>} : memref<80x128xf32, #tpu.memory_space<vmem>>, vector<1x16xf32>,
    }
    %scan3A_150 = arith.constant 80 : i32
    %eq3A_151 = arith.constant 0 : i32
    %eq3A_152 = arith.cmpi eq, %arg0, %eq3A_151 : i32
    %convert_element_type3A = arith.extui %eq3A_152 : i1 to i32
    %cond3A = arith.constant 0 : i32
    %cond3A_153 = arith.cmpi ne, %convert_element_type3A, %cond3A : i32
    scf.if %cond3A_153 {
      %mul3A_159 = arith.constant 80 : i32
      %mul3A_160 = arith.muli %arg1, %mul3A_159 : i32
      "tpu.region"() ({
        %run_scoped3A = tpu.sem_alloc : memref<!tpu.dma_semaphore, #tpu.memory_space<semaphore_mem>>
        %dma_start3A_161 = arith.constant 0 : i32
        %dma_start3A_162 = tpu.memref_slice %arg6[%mul3A_160, %dma_start3A_161] : memref<1280x128xf32, #tpu.memory_space<hbm>> -> memref<80x128xf32, #tpu.memory_space<hbm>>
        %dma_start3A_163 = arith.constant 0 : i32
        %dma_start3A_164 = tpu.memref_slice %arg6[%mul3A_160, %dma_start3A_163] : memref<1280x128xf32, #tpu.memory_space<hbm>> -> memref<80x128xf32, #tpu.memory_space<hbm>>
        tpu.enqueue_dma source(%arg11 : memref<80x128xf32, #tpu.memory_space<vmem>>) target(%dma_start3A_164 : memref<80x128xf32, #tpu.memory_space<hbm>>) target_semaphore(%run_scoped3A : memref<!tpu.dma_semaphore, #tpu.memory_space<semaphore_mem>>)
        %dma_wait3A = arith.constant 0 : i32
        %dma_wait3A_165 = tpu.memref_slice %arg6[%mul3A_160, %dma_wait3A] : memref<1280x128xf32, #tpu.memory_space<hbm>> -> memref<80x128xf32, #tpu.memory_space<hbm>>
        %dma_wait3A_166 = arith.constant 0 : i32
        %dma_wait3A_167 = tpu.memref_slice %arg6[%mul3A_160, %dma_wait3A_166] : memref<1280x128xf32, #tpu.memory_space<hbm>> -> memref<80x128xf32, #tpu.memory_space<hbm>>
        tpu.wait_dma2 semaphore(%run_scoped3A : memref<!tpu.dma_semaphore, #tpu.memory_space<semaphore_mem>>) src(%arg11 : memref<80x128xf32, #tpu.memory_space<vmem>>) dst(%dma_wait3A_167 : memref<80x128xf32, #tpu.memory_space<hbm>>)
        tpu.yield
      }) : () -> ()
    } else {
    }
    %eq3A_154 = arith.constant 1 : i32
    %eq3A_155 = arith.cmpi eq, %arg0, %eq3A_154 : i32
    %convert_element_type3A_156 = arith.extui %eq3A_155 : i1 to i32
    %cond3A_157 = arith.constant 0 : i32
    %cond3A_158 = arith.cmpi ne, %convert_element_type3A_156, %cond3A_157 : i32
    scf.if %cond3A_158 {
      %mul3A_159 = arith.constant 80 : i32
      %mul3A_160 = arith.muli %arg1, %mul3A_159 : i32
      "tpu.region"() ({
        %run_scoped3A = tpu.sem_alloc : memref<!tpu.dma_semaphore, #tpu.memory_space<semaphore_mem>>
        %dma_start3A_161 = arith.constant 0 : i32
        %dma_start3A_162 = tpu.memref_slice %arg7[%mul3A_160, %dma_start3A_161] : memref<1280x128xf32, #tpu.memory_space<hbm>> -> memref<80x128xf32, #tpu.memory_space<hbm>>
        %dma_start3A_163 = arith.constant 0 : i32
        %dma_start3A_164 = tpu.memref_slice %arg7[%mul3A_160, %dma_start3A_163] : memref<1280x128xf32, #tpu.memory_space<hbm>> -> memref<80x128xf32, #tpu.memory_space<hbm>>
        tpu.enqueue_dma source(%arg11 : memref<80x128xf32, #tpu.memory_space<vmem>>) target(%dma_start3A_164 : memref<80x128xf32, #tpu.memory_space<hbm>>) target_semaphore(%run_scoped3A : memref<!tpu.dma_semaphore, #tpu.memory_space<semaphore_mem>>)
        %dma_wait3A = arith.constant 0 : i32
        %dma_wait3A_165 = tpu.memref_slice %arg7[%mul3A_160, %dma_wait3A] : memref<1280x128xf32, #tpu.memory_space<hbm>> -> memref<80x128xf32, #tpu.memory_space<hbm>>
        %dma_wait3A_166 = arith.constant 0 : i32
        %dma_wait3A_167 = tpu.memref_slice %arg7[%mul3A_160, %dma_wait3A_166] : memref<1280x128xf32, #tpu.memory_space<hbm>> -> memref<80x128xf32, #tpu.memory_space<hbm>>
        tpu.wait_dma2 semaphore(%run_scoped3A : memref<!tpu.dma_semaphore, #tpu.memory_space<semaphore_mem>>) src(%arg11 : memref<80x128xf32, #tpu.memory_space<vmem>>) dst(%dma_wait3A_167 : memref<80x128xf32, #tpu.memory_space<hbm>>)
        tpu.yield
      }) : () -> ()
    } else {
    }
    return
  }
}

#map = affine_map<(d0, d1) -> (0, 0)>
module attributes {stable_mosaic.version = 14 : i64} {
  func.func @body(%arg0: i32, %arg1: i32, %arg2: memref<2648x128xi32, #tpu.memory_space<hbm>>, %arg3: memref<128x16xf32, #tpu.memory_space<hbm>>, %arg4: memref<640x16xf32, #tpu.memory_space<hbm>>, %arg5: memref<1280x128xf32, #tpu.memory_space<hbm>>, %arg6: memref<1280x128xf32, #tpu.memory_space<hbm>>, %arg7: memref<10240x16xf32, #tpu.memory_space<vmem_shared>>, %arg8: memref<88x128xi32, #tpu.memory_space<vmem>>, %arg9: memref<640x16xf32, #tpu.memory_space<vmem>>, %arg10: memref<80x128xf32, #tpu.memory_space<vmem>>, %arg11: memref<128x16xf32, #tpu.memory_space<vmem>>, %arg12: memref<!tpu.dma_semaphore, #tpu.memory_space<semaphore_mem>>, %arg13: memref<!tpu.dma_semaphore, #tpu.memory_space<semaphore_mem>>, %arg14: memref<!tpu.dma_semaphore, #tpu.memory_space<semaphore_mem>>, %arg15: memref<!tpu.dma_semaphore, #tpu.memory_space<semaphore_mem>>, %arg16: memref<!tpu.dma_semaphore, #tpu.memory_space<semaphore_mem>>, %arg17: memref<!tpu.dma_semaphore, #tpu.memory_space<semaphore_mem>>, %arg18: memref<!tpu.dma_semaphore, #tpu.memory_space<semaphore_mem>>, %arg19: memref<!tpu.dma_semaphore, #tpu.memory_space<semaphore_mem>>) attributes {dimension_semantics = [#tpu.dimension_semantics<core_parallel>, #tpu.dimension_semantics<subcore_parallel>], iteration_bounds = array<i64: 2, 16>, scalar_prefetch = 0 : i64, scratch_operands = 13 : i64, tpu.core_type = #tpu.core_type<sc_vector_subcore>, window_params = [{transform_indices = #map}, {transform_indices = #map}, {transform_indices = #map}, {transform_indices = #map}, {transform_indices = #map}]} {
    %eq3A = arith.constant 0 : i32
    %eq3A_0 = arith.cmpi eq, %arg0, %eq3A : i32
    %jit3A = arith.constant 88 : i32
    %jit3A_1 = arith.constant 72 : i32
    %select_n3A = arith.select %eq3A_0, %jit3A, %jit3A_1 : i32
    %eq3A_2 = arith.constant 0 : i32
    %eq3A_3 = arith.cmpi eq, %arg0, %eq3A_2 : i32
    %mul3A = arith.constant 88 : i32
    %mul3A_4 = arith.muli %arg1, %mul3A : i32
    %mul3A_5 = arith.constant 72 : i32
    %mul3A_6 = arith.muli %arg1, %mul3A_5 : i32
    %add3A = arith.constant 1408 : i32
    %add3A_7 = arith.addi %add3A, %mul3A_6 : i32
    %select_n3A_8 = arith.select %eq3A_3, %mul3A_4, %add3A_7 : i32
    %mul3A_9 = arith.constant 640 : i32
    %mul3A_10 = arith.muli %arg1, %mul3A_9 : i32
    "tpu.region"() ({
      %run_scoped3A = tpu.sem_alloc : memref<!tpu.dma_semaphore, #tpu.memory_space<semaphore_mem>>
      %dma_start3A_109 = arith.constant 0 : i32
      %dma_start3A_110 = tpu.memref_slice %arg7[%mul3A_10, %dma_start3A_109] : memref<10240x16xf32, #tpu.memory_space<vmem_shared>> -> memref<640x16xf32, #tpu.memory_space<vmem_shared>>
      tpu.enqueue_dma source(%arg4 : memref<640x16xf32, #tpu.memory_space<hbm>>) target(%dma_start3A_110 : memref<640x16xf32, #tpu.memory_space<vmem_shared>>) target_semaphore(%run_scoped3A : memref<!tpu.dma_semaphore, #tpu.memory_space<semaphore_mem>>)
      %dma_wait3A = arith.constant 0 : i32
      %dma_wait3A_111 = tpu.memref_slice %arg7[%mul3A_10, %dma_wait3A] : memref<10240x16xf32, #tpu.memory_space<vmem_shared>> -> memref<640x16xf32, #tpu.memory_space<vmem_shared>>
      tpu.wait_dma2 semaphore(%run_scoped3A : memref<!tpu.dma_semaphore, #tpu.memory_space<semaphore_mem>>) src(%arg4 : memref<640x16xf32, #tpu.memory_space<hbm>>) dst(%dma_wait3A_111 : memref<640x16xf32, #tpu.memory_space<vmem_shared>>)
      tpu.yield
    }) : () -> ()
    "tpu.region"() ({
      %run_scoped3A = tpu.sem_alloc : memref<!tpu.dma_semaphore, #tpu.memory_space<semaphore_mem>>
      %dma_start3A_109 = arith.constant 0 : i32
      %dma_start3A_110 = tpu.memref_slice %arg2[%select_n3A_8, %dma_start3A_109] : memref<2648x128xi32, #tpu.memory_space<hbm>> -> memref<88x128xi32, #tpu.memory_space<hbm>>
      %dma_start3A_111 = arith.constant 0 : i32
      %dma_start3A_112 = tpu.memref_slice %arg2[%select_n3A_8, %dma_start3A_111] : memref<2648x128xi32, #tpu.memory_space<hbm>> -> memref<88x128xi32, #tpu.memory_space<hbm>>
      tpu.enqueue_dma source(%dma_start3A_112 : memref<88x128xi32, #tpu.memory_space<hbm>>) target(%arg8 : memref<88x128xi32, #tpu.memory_space<vmem>>) target_semaphore(%run_scoped3A : memref<!tpu.dma_semaphore, #tpu.memory_space<semaphore_mem>>)
      %dma_wait3A = arith.constant 0 : i32
      %dma_wait3A_113 = tpu.memref_slice %arg2[%select_n3A_8, %dma_wait3A] : memref<2648x128xi32, #tpu.memory_space<hbm>> -> memref<88x128xi32, #tpu.memory_space<hbm>>
      %dma_wait3A_114 = arith.constant 0 : i32
      %dma_wait3A_115 = tpu.memref_slice %arg2[%select_n3A_8, %dma_wait3A_114] : memref<2648x128xi32, #tpu.memory_space<hbm>> -> memref<88x128xi32, #tpu.memory_space<hbm>>
      tpu.wait_dma2 semaphore(%run_scoped3A : memref<!tpu.dma_semaphore, #tpu.memory_space<semaphore_mem>>) src(%dma_wait3A_115 : memref<88x128xi32, #tpu.memory_space<hbm>>) dst(%arg8 : memref<88x128xi32, #tpu.memory_space<vmem>>)
      tpu.yield
    }) : () -> ()
    "tpu.region"() ({
      %run_scoped3A = tpu.sem_alloc : memref<!tpu.dma_semaphore, #tpu.memory_space<semaphore_mem>>
      tpu.enqueue_dma source(%arg3 : memref<128x16xf32, #tpu.memory_space<hbm>>) target(%arg11 : memref<128x16xf32, #tpu.memory_space<vmem>>) target_semaphore(%run_scoped3A : memref<!tpu.dma_semaphore, #tpu.memory_space<semaphore_mem>>)
      tpu.wait_dma2 semaphore(%run_scoped3A : memref<!tpu.dma_semaphore, #tpu.memory_space<semaphore_mem>>) src(%arg3 : memref<128x16xf32, #tpu.memory_space<hbm>>) dst(%arg11 : memref<128x16xf32, #tpu.memory_space<vmem>>)
      tpu.yield
    }) : () -> ()
    %barrier3A = arith.constant 0 : index
    tpu.barrier barrier_id(%barrier3A)
    %dma_start3A = arith.constant 0 : i32
    %dma_start3A_11 = arith.constant 0 : i32
    %dma_start3A_12 = tpu.memref_slice %arg8[%dma_start3A, %dma_start3A_11] : memref<88x128xi32, #tpu.memory_space<vmem>> -> memref<1x128xi32, #tpu.memory_space<vmem>>
    %dma_start3A_13 = tpu.memref_squeeze %dma_start3A_12 : memref<1x128xi32, #tpu.memory_space<vmem>> -> memref<128xi32, #tpu.memory_space<vmem>>
    %dma_start3A_14 = arith.constant 0 : i32
    %dma_start3A_15 = arith.constant 0 : i32
    %dma_start3A_16 = tpu.memref_slice %arg7[%dma_start3A_14, %dma_start3A_15] : memref<10240x16xf32, #tpu.memory_space<vmem_shared>> -> memref<10240x16xf32, #tpu.memory_space<vmem_shared>>
    tpu.enqueue_indirect_dma source(%arg11 : memref<128x16xf32, #tpu.memory_space<vmem>>) target(%dma_start3A_16 : memref<10240x16xf32, #tpu.memory_space<vmem_shared>>) offsets(%dma_start3A_13 : memref<128xi32, #tpu.memory_space<vmem>>) semaphore(%arg12 : memref<!tpu.dma_semaphore, #tpu.memory_space<semaphore_mem>>) {add = true}
    %dma_start3A_17 = arith.constant 1 : i32
    %dma_start3A_18 = arith.constant 0 : i32
    %dma_start3A_19 = tpu.memref_slice %arg8[%dma_start3A_17, %dma_start3A_18] : memref<88x128xi32, #tpu.memory_space<vmem>> -> memref<1x128xi32, #tpu.memory_space<vmem>>
    %dma_start3A_20 = tpu.memref_squeeze %dma_start3A_19 : memref<1x128xi32, #tpu.memory_space<vmem>> -> memref<128xi32, #tpu.memory_space<vmem>>
    %dma_start3A_21 = arith.constant 0 : i32
    %dma_start3A_22 = arith.constant 0 : i32
    %dma_start3A_23 = tpu.memref_slice %arg7[%dma_start3A_21, %dma_start3A_22] : memref<10240x16xf32, #tpu.memory_space<vmem_shared>> -> memref<10240x16xf32, #tpu.memory_space<vmem_shared>>
    tpu.enqueue_indirect_dma source(%arg11 : memref<128x16xf32, #tpu.memory_space<vmem>>) target(%dma_start3A_23 : memref<10240x16xf32, #tpu.memory_space<vmem_shared>>) offsets(%dma_start3A_20 : memref<128xi32, #tpu.memory_space<vmem>>) semaphore(%arg13 : memref<!tpu.dma_semaphore, #tpu.memory_space<semaphore_mem>>) {add = true}
    %dma_start3A_24 = arith.constant 2 : i32
    %dma_start3A_25 = arith.constant 0 : i32
    %dma_start3A_26 = tpu.memref_slice %arg8[%dma_start3A_24, %dma_start3A_25] : memref<88x128xi32, #tpu.memory_space<vmem>> -> memref<1x128xi32, #tpu.memory_space<vmem>>
    %dma_start3A_27 = tpu.memref_squeeze %dma_start3A_26 : memref<1x128xi32, #tpu.memory_space<vmem>> -> memref<128xi32, #tpu.memory_space<vmem>>
    %dma_start3A_28 = arith.constant 0 : i32
    %dma_start3A_29 = arith.constant 0 : i32
    %dma_start3A_30 = tpu.memref_slice %arg7[%dma_start3A_28, %dma_start3A_29] : memref<10240x16xf32, #tpu.memory_space<vmem_shared>> -> memref<10240x16xf32, #tpu.memory_space<vmem_shared>>
    tpu.enqueue_indirect_dma source(%arg11 : memref<128x16xf32, #tpu.memory_space<vmem>>) target(%dma_start3A_30 : memref<10240x16xf32, #tpu.memory_space<vmem_shared>>) offsets(%dma_start3A_27 : memref<128xi32, #tpu.memory_space<vmem>>) semaphore(%arg14 : memref<!tpu.dma_semaphore, #tpu.memory_space<semaphore_mem>>) {add = true}
    %dma_start3A_31 = arith.constant 3 : i32
    %dma_start3A_32 = arith.constant 0 : i32
    %dma_start3A_33 = tpu.memref_slice %arg8[%dma_start3A_31, %dma_start3A_32] : memref<88x128xi32, #tpu.memory_space<vmem>> -> memref<1x128xi32, #tpu.memory_space<vmem>>
    %dma_start3A_34 = tpu.memref_squeeze %dma_start3A_33 : memref<1x128xi32, #tpu.memory_space<vmem>> -> memref<128xi32, #tpu.memory_space<vmem>>
    %dma_start3A_35 = arith.constant 0 : i32
    %dma_start3A_36 = arith.constant 0 : i32
    %dma_start3A_37 = tpu.memref_slice %arg7[%dma_start3A_35, %dma_start3A_36] : memref<10240x16xf32, #tpu.memory_space<vmem_shared>> -> memref<10240x16xf32, #tpu.memory_space<vmem_shared>>
    tpu.enqueue_indirect_dma source(%arg11 : memref<128x16xf32, #tpu.memory_space<vmem>>) target(%dma_start3A_37 : memref<10240x16xf32, #tpu.memory_space<vmem_shared>>) offsets(%dma_start3A_34 : memref<128xi32, #tpu.memory_space<vmem>>) semaphore(%arg15 : memref<!tpu.dma_semaphore, #tpu.memory_space<semaphore_mem>>) {add = true}
    %dma_start3A_38 = arith.constant 4 : i32
    %dma_start3A_39 = arith.constant 0 : i32
    %dma_start3A_40 = tpu.memref_slice %arg8[%dma_start3A_38, %dma_start3A_39] : memref<88x128xi32, #tpu.memory_space<vmem>> -> memref<1x128xi32, #tpu.memory_space<vmem>>
    %dma_start3A_41 = tpu.memref_squeeze %dma_start3A_40 : memref<1x128xi32, #tpu.memory_space<vmem>> -> memref<128xi32, #tpu.memory_space<vmem>>
    %dma_start3A_42 = arith.constant 0 : i32
    %dma_start3A_43 = arith.constant 0 : i32
    %dma_start3A_44 = tpu.memref_slice %arg7[%dma_start3A_42, %dma_start3A_43] : memref<10240x16xf32, #tpu.memory_space<vmem_shared>> -> memref<10240x16xf32, #tpu.memory_space<vmem_shared>>
    tpu.enqueue_indirect_dma source(%arg11 : memref<128x16xf32, #tpu.memory_space<vmem>>) target(%dma_start3A_44 : memref<10240x16xf32, #tpu.memory_space<vmem_shared>>) offsets(%dma_start3A_41 : memref<128xi32, #tpu.memory_space<vmem>>) semaphore(%arg16 : memref<!tpu.dma_semaphore, #tpu.memory_space<semaphore_mem>>) {add = true}
    %dma_start3A_45 = arith.constant 5 : i32
    %dma_start3A_46 = arith.constant 0 : i32
    %dma_start3A_47 = tpu.memref_slice %arg8[%dma_start3A_45, %dma_start3A_46] : memref<88x128xi32, #tpu.memory_space<vmem>> -> memref<1x128xi32, #tpu.memory_space<vmem>>
    %dma_start3A_48 = tpu.memref_squeeze %dma_start3A_47 : memref<1x128xi32, #tpu.memory_space<vmem>> -> memref<128xi32, #tpu.memory_space<vmem>>
    %dma_start3A_49 = arith.constant 0 : i32
    %dma_start3A_50 = arith.constant 0 : i32
    %dma_start3A_51 = tpu.memref_slice %arg7[%dma_start3A_49, %dma_start3A_50] : memref<10240x16xf32, #tpu.memory_space<vmem_shared>> -> memref<10240x16xf32, #tpu.memory_space<vmem_shared>>
    tpu.enqueue_indirect_dma source(%arg11 : memref<128x16xf32, #tpu.memory_space<vmem>>) target(%dma_start3A_51 : memref<10240x16xf32, #tpu.memory_space<vmem_shared>>) offsets(%dma_start3A_48 : memref<128xi32, #tpu.memory_space<vmem>>) semaphore(%arg17 : memref<!tpu.dma_semaphore, #tpu.memory_space<semaphore_mem>>) {add = true}
    %dma_start3A_52 = arith.constant 6 : i32
    %dma_start3A_53 = arith.constant 0 : i32
    %dma_start3A_54 = tpu.memref_slice %arg8[%dma_start3A_52, %dma_start3A_53] : memref<88x128xi32, #tpu.memory_space<vmem>> -> memref<1x128xi32, #tpu.memory_space<vmem>>
    %dma_start3A_55 = tpu.memref_squeeze %dma_start3A_54 : memref<1x128xi32, #tpu.memory_space<vmem>> -> memref<128xi32, #tpu.memory_space<vmem>>
    %dma_start3A_56 = arith.constant 0 : i32
    %dma_start3A_57 = arith.constant 0 : i32
    %dma_start3A_58 = tpu.memref_slice %arg7[%dma_start3A_56, %dma_start3A_57] : memref<10240x16xf32, #tpu.memory_space<vmem_shared>> -> memref<10240x16xf32, #tpu.memory_space<vmem_shared>>
    tpu.enqueue_indirect_dma source(%arg11 : memref<128x16xf32, #tpu.memory_space<vmem>>) target(%dma_start3A_58 : memref<10240x16xf32, #tpu.memory_space<vmem_shared>>) offsets(%dma_start3A_55 : memref<128xi32, #tpu.memory_space<vmem>>) semaphore(%arg18 : memref<!tpu.dma_semaphore, #tpu.memory_space<semaphore_mem>>) {add = true}
    %dma_start3A_59 = arith.constant 7 : i32
    %dma_start3A_60 = arith.constant 0 : i32
    %dma_start3A_61 = tpu.memref_slice %arg8[%dma_start3A_59, %dma_start3A_60] : memref<88x128xi32, #tpu.memory_space<vmem>> -> memref<1x128xi32, #tpu.memory_space<vmem>>
    %dma_start3A_62 = tpu.memref_squeeze %dma_start3A_61 : memref<1x128xi32, #tpu.memory_space<vmem>> -> memref<128xi32, #tpu.memory_space<vmem>>
    %dma_start3A_63 = arith.constant 0 : i32
    %dma_start3A_64 = arith.constant 0 : i32
    %dma_start3A_65 = tpu.memref_slice %arg7[%dma_start3A_63, %dma_start3A_64] : memref<10240x16xf32, #tpu.memory_space<vmem_shared>> -> memref<10240x16xf32, #tpu.memory_space<vmem_shared>>
    tpu.enqueue_indirect_dma source(%arg11 : memref<128x16xf32, #tpu.memory_space<vmem>>) target(%dma_start3A_65 : memref<10240x16xf32, #tpu.memory_space<vmem_shared>>) offsets(%dma_start3A_62 : memref<128xi32, #tpu.memory_space<vmem>>) semaphore(%arg19 : memref<!tpu.dma_semaphore, #tpu.memory_space<semaphore_mem>>) {add = true}
    %jit3A_66 = arith.constant 8 : i32
    %div3A = arith.divsi %select_n3A, %jit3A_66 : i32
    %sign3A = arith.constant 0 : i32
    %sign3A_67 = arith.cmpi sgt, %select_n3A, %sign3A : i32
    %sign3A_68 = arith.extui %sign3A_67 : i1 to i32
    %sign3A_69 = arith.constant 0 : i32
    %sign3A_70 = arith.cmpi slt, %select_n3A, %sign3A_69 : i32
    %sign3A_71 = arith.extui %sign3A_70 : i1 to i32
    %sign3A_72 = arith.subi %sign3A_68, %sign3A_71 : i32
    %sign3A_73 = arith.constant 0 : i32
    %sign3A_74 = arith.cmpi sgt, %jit3A_66, %sign3A_73 : i32
    %sign3A_75 = arith.extui %sign3A_74 : i1 to i32
    %sign3A_76 = arith.constant 0 : i32
    %sign3A_77 = arith.cmpi slt, %jit3A_66, %sign3A_76 : i32
    %sign3A_78 = arith.extui %sign3A_77 : i1 to i32
    %sign3A_79 = arith.subi %sign3A_75, %sign3A_78 : i32
    %ne3A = arith.cmpi ne, %sign3A_72, %sign3A_79 : i32
    %rem3A = arith.remsi %select_n3A, %jit3A_66 : i32
    %ne3A_80 = arith.constant 0 : i32
    %ne3A_81 = arith.cmpi ne, %rem3A, %ne3A_80 : i32
    %and3A = arith.andi %ne3A, %ne3A_81 : i1
    %sub3A = arith.constant 1 : i32
    %sub3A_82 = arith.subi %div3A, %sub3A : i32
    %select_n3A_83 = arith.select %and3A, %sub3A_82, %div3A : i32
    %while3A = arith.constant 0 : i32
    %while3A_84 = arith.constant 0 : i32
    %while3A_85 = arith.subi %select_n3A_83, %while3A_84 : i32
    %while3A_86 = arith.addi %while3A_84, %while3A_85 : i32
    %while3A_87 = arith.constant 1 : i32
    %while3A_88 = arith.divsi %while3A_85, %while3A_87 : i32
    %while3A_89 = arith.muli %while3A_88, %while3A_87 : i32
    %while3A_90 = arith.addi %while3A_84, %while3A_89 : i32
    %while3A_91 = arith.constant 1 : i32
    scf.for %while3A_109 = %while3A_84 to %while3A_90 step %while3A_91  : i32 {
      %mul3A_110 = arith.constant 8 : i32
      %mul3A_111 = arith.muli %while3A_109, %mul3A_110 : i32
      %add3A_112 = arith.constant 0 : i32
      %add3A_113 = arith.addi %mul3A_111, %add3A_112 : i32
      %dma_wait3A = arith.constant 0 : i32
      %dma_wait3A_114 = tpu.memref_slice %arg8[%add3A_113, %dma_wait3A] : memref<88x128xi32, #tpu.memory_space<vmem>> -> memref<1x128xi32, #tpu.memory_space<vmem>>
      %dma_wait3A_115 = tpu.memref_squeeze %dma_wait3A_114 : memref<1x128xi32, #tpu.memory_space<vmem>> -> memref<128xi32, #tpu.memory_space<vmem>>
      %dma_wait3A_116 = arith.constant 0 : i32
      %dma_wait3A_117 = arith.constant 0 : i32
      %dma_wait3A_118 = tpu.memref_slice %arg7[%dma_wait3A_116, %dma_wait3A_117] : memref<10240x16xf32, #tpu.memory_space<vmem_shared>> -> memref<10240x16xf32, #tpu.memory_space<vmem_shared>>
      tpu.wait_indirect_dma semaphore(%arg12 : memref<!tpu.dma_semaphore, #tpu.memory_space<semaphore_mem>>) src(%arg11 : memref<128x16xf32, #tpu.memory_space<vmem>>) dst(%dma_wait3A_118 : memref<10240x16xf32, #tpu.memory_space<vmem_shared>>)
      %add3A_119 = arith.constant 8 : i32
      %add3A_120 = arith.addi %add3A_113, %add3A_119 : i32
      %lt3A = arith.cmpi slt, %add3A_120, %select_n3A : i32
      %convert_element_type3A_121 = arith.extui %lt3A : i1 to i32
      %cond3A_122 = arith.constant 0 : i32
      %cond3A_123 = arith.cmpi ne, %convert_element_type3A_121, %cond3A_122 : i32
      scf.if %cond3A_123 {
        %dma_start3A_236 = arith.constant 0 : i32
        %dma_start3A_237 = tpu.memref_slice %arg8[%add3A_120, %dma_start3A_236] : memref<88x128xi32, #tpu.memory_space<vmem>> -> memref<1x128xi32, #tpu.memory_space<vmem>>
        %dma_start3A_238 = tpu.memref_squeeze %dma_start3A_237 : memref<1x128xi32, #tpu.memory_space<vmem>> -> memref<128xi32, #tpu.memory_space<vmem>>
        %dma_start3A_239 = arith.constant 0 : i32
        %dma_start3A_240 = arith.constant 0 : i32
        %dma_start3A_241 = tpu.memref_slice %arg7[%dma_start3A_239, %dma_start3A_240] : memref<10240x16xf32, #tpu.memory_space<vmem_shared>> -> memref<10240x16xf32, #tpu.memory_space<vmem_shared>>
        tpu.enqueue_indirect_dma source(%arg11 : memref<128x16xf32, #tpu.memory_space<vmem>>) target(%dma_start3A_241 : memref<10240x16xf32, #tpu.memory_space<vmem_shared>>) offsets(%dma_start3A_238 : memref<128xi32, #tpu.memory_space<vmem>>) semaphore(%arg12 : memref<!tpu.dma_semaphore, #tpu.memory_space<semaphore_mem>>) {add = true}
      } else {
      }
      %mul3A_124 = arith.constant 8 : i32
      %mul3A_125 = arith.muli %while3A_109, %mul3A_124 : i32
      %add3A_126 = arith.constant 1 : i32
      %add3A_127 = arith.addi %mul3A_125, %add3A_126 : i32
      %dma_wait3A_128 = arith.constant 0 : i32
      %dma_wait3A_129 = tpu.memref_slice %arg8[%add3A_127, %dma_wait3A_128] : memref<88x128xi32, #tpu.memory_space<vmem>> -> memref<1x128xi32, #tpu.memory_space<vmem>>
      %dma_wait3A_130 = tpu.memref_squeeze %dma_wait3A_129 : memref<1x128xi32, #tpu.memory_space<vmem>> -> memref<128xi32, #tpu.memory_space<vmem>>
      %dma_wait3A_131 = arith.constant 0 : i32
      %dma_wait3A_132 = arith.constant 0 : i32
      %dma_wait3A_133 = tpu.memref_slice %arg7[%dma_wait3A_131, %dma_wait3A_132] : memref<10240x16xf32, #tpu.memory_space<vmem_shared>> -> memref<10240x16xf32, #tpu.memory_space<vmem_shared>>
      tpu.wait_indirect_dma semaphore(%arg13 : memref<!tpu.dma_semaphore, #tpu.memory_space<semaphore_mem>>) src(%arg11 : memref<128x16xf32, #tpu.memory_space<vmem>>) dst(%dma_wait3A_133 : memref<10240x16xf32, #tpu.memory_space<vmem_shared>>)
      %add3A_134 = arith.constant 8 : i32
      %add3A_135 = arith.addi %add3A_127, %add3A_134 : i32
      %lt3A_136 = arith.cmpi slt, %add3A_135, %select_n3A : i32
      %convert_element_type3A_137 = arith.extui %lt3A_136 : i1 to i32
      %cond3A_138 = arith.constant 0 : i32
      %cond3A_139 = arith.cmpi ne, %convert_element_type3A_137, %cond3A_138 : i32
      scf.if %cond3A_139 {
        %dma_start3A_236 = arith.constant 0 : i32
        %dma_start3A_237 = tpu.memref_slice %arg8[%add3A_135, %dma_start3A_236] : memref<88x128xi32, #tpu.memory_space<vmem>> -> memref<1x128xi32, #tpu.memory_space<vmem>>
        %dma_start3A_238 = tpu.memref_squeeze %dma_start3A_237 : memref<1x128xi32, #tpu.memory_space<vmem>> -> memref<128xi32, #tpu.memory_space<vmem>>
        %dma_start3A_239 = arith.constant 0 : i32
        %dma_start3A_240 = arith.constant 0 : i32
        %dma_start3A_241 = tpu.memref_slice %arg7[%dma_start3A_239, %dma_start3A_240] : memref<10240x16xf32, #tpu.memory_space<vmem_shared>> -> memref<10240x16xf32, #tpu.memory_space<vmem_shared>>
        tpu.enqueue_indirect_dma source(%arg11 : memref<128x16xf32, #tpu.memory_space<vmem>>) target(%dma_start3A_241 : memref<10240x16xf32, #tpu.memory_space<vmem_shared>>) offsets(%dma_start3A_238 : memref<128xi32, #tpu.memory_space<vmem>>) semaphore(%arg13 : memref<!tpu.dma_semaphore, #tpu.memory_space<semaphore_mem>>) {add = true}
      } else {
      }
      %mul3A_140 = arith.constant 8 : i32
      %mul3A_141 = arith.muli %while3A_109, %mul3A_140 : i32
      %add3A_142 = arith.constant 2 : i32
      %add3A_143 = arith.addi %mul3A_141, %add3A_142 : i32
      %dma_wait3A_144 = arith.constant 0 : i32
      %dma_wait3A_145 = tpu.memref_slice %arg8[%add3A_143, %dma_wait3A_144] : memref<88x128xi32, #tpu.memory_space<vmem>> -> memref<1x128xi32, #tpu.memory_space<vmem>>
      %dma_wait3A_146 = tpu.memref_squeeze %dma_wait3A_145 : memref<1x128xi32, #tpu.memory_space<vmem>> -> memref<128xi32, #tpu.memory_space<vmem>>
      %dma_wait3A_147 = arith.constant 0 : i32
      %dma_wait3A_148 = arith.constant 0 : i32
      %dma_wait3A_149 = tpu.memref_slice %arg7[%dma_wait3A_147, %dma_wait3A_148] : memref<10240x16xf32, #tpu.memory_space<vmem_shared>> -> memref<10240x16xf32, #tpu.memory_space<vmem_shared>>
      tpu.wait_indirect_dma semaphore(%arg14 : memref<!tpu.dma_semaphore, #tpu.memory_space<semaphore_mem>>) src(%arg11 : memref<128x16xf32, #tpu.memory_space<vmem>>) dst(%dma_wait3A_149 : memref<10240x16xf32, #tpu.memory_space<vmem_shared>>)
      %add3A_150 = arith.constant 8 : i32
      %add3A_151 = arith.addi %add3A_143, %add3A_150 : i32
      %lt3A_152 = arith.cmpi slt, %add3A_151, %select_n3A : i32
      %convert_element_type3A_153 = arith.extui %lt3A_152 : i1 to i32
      %cond3A_154 = arith.constant 0 : i32
      %cond3A_155 = arith.cmpi ne, %convert_element_type3A_153, %cond3A_154 : i32
      scf.if %cond3A_155 {
        %dma_start3A_236 = arith.constant 0 : i32
        %dma_start3A_237 = tpu.memref_slice %arg8[%add3A_151, %dma_start3A_236] : memref<88x128xi32, #tpu.memory_space<vmem>> -> memref<1x128xi32, #tpu.memory_space<vmem>>
        %dma_start3A_238 = tpu.memref_squeeze %dma_start3A_237 : memref<1x128xi32, #tpu.memory_space<vmem>> -> memref<128xi32, #tpu.memory_space<vmem>>
        %dma_start3A_239 = arith.constant 0 : i32
        %dma_start3A_240 = arith.constant 0 : i32
        %dma_start3A_241 = tpu.memref_slice %arg7[%dma_start3A_239, %dma_start3A_240] : memref<10240x16xf32, #tpu.memory_space<vmem_shared>> -> memref<10240x16xf32, #tpu.memory_space<vmem_shared>>
        tpu.enqueue_indirect_dma source(%arg11 : memref<128x16xf32, #tpu.memory_space<vmem>>) target(%dma_start3A_241 : memref<10240x16xf32, #tpu.memory_space<vmem_shared>>) offsets(%dma_start3A_238 : memref<128xi32, #tpu.memory_space<vmem>>) semaphore(%arg14 : memref<!tpu.dma_semaphore, #tpu.memory_space<semaphore_mem>>) {add = true}
      } else {
      }
      %mul3A_156 = arith.constant 8 : i32
      %mul3A_157 = arith.muli %while3A_109, %mul3A_156 : i32
      %add3A_158 = arith.constant 3 : i32
      %add3A_159 = arith.addi %mul3A_157, %add3A_158 : i32
      %dma_wait3A_160 = arith.constant 0 : i32
      %dma_wait3A_161 = tpu.memref_slice %arg8[%add3A_159, %dma_wait3A_160] : memref<88x128xi32, #tpu.memory_space<vmem>> -> memref<1x128xi32, #tpu.memory_space<vmem>>
      %dma_wait3A_162 = tpu.memref_squeeze %dma_wait3A_161 : memref<1x128xi32, #tpu.memory_space<vmem>> -> memref<128xi32, #tpu.memory_space<vmem>>
      %dma_wait3A_163 = arith.constant 0 : i32
      %dma_wait3A_164 = arith.constant 0 : i32
      %dma_wait3A_165 = tpu.memref_slice %arg7[%dma_wait3A_163, %dma_wait3A_164] : memref<10240x16xf32, #tpu.memory_space<vmem_shared>> -> memref<10240x16xf32, #tpu.memory_space<vmem_shared>>
      tpu.wait_indirect_dma semaphore(%arg15 : memref<!tpu.dma_semaphore, #tpu.memory_space<semaphore_mem>>) src(%arg11 : memref<128x16xf32, #tpu.memory_space<vmem>>) dst(%dma_wait3A_165 : memref<10240x16xf32, #tpu.memory_space<vmem_shared>>)
      %add3A_166 = arith.constant 8 : i32
      %add3A_167 = arith.addi %add3A_159, %add3A_166 : i32
      %lt3A_168 = arith.cmpi slt, %add3A_167, %select_n3A : i32
      %convert_element_type3A_169 = arith.extui %lt3A_168 : i1 to i32
      %cond3A_170 = arith.constant 0 : i32
      %cond3A_171 = arith.cmpi ne, %convert_element_type3A_169, %cond3A_170 : i32
      scf.if %cond3A_171 {
        %dma_start3A_236 = arith.constant 0 : i32
        %dma_start3A_237 = tpu.memref_slice %arg8[%add3A_167, %dma_start3A_236] : memref<88x128xi32, #tpu.memory_space<vmem>> -> memref<1x128xi32, #tpu.memory_space<vmem>>
        %dma_start3A_238 = tpu.memref_squeeze %dma_start3A_237 : memref<1x128xi32, #tpu.memory_space<vmem>> -> memref<128xi32, #tpu.memory_space<vmem>>
        %dma_start3A_239 = arith.constant 0 : i32
        %dma_start3A_240 = arith.constant 0 : i32
        %dma_start3A_241 = tpu.memref_slice %arg7[%dma_start3A_239, %dma_start3A_240] : memref<10240x16xf32, #tpu.memory_space<vmem_shared>> -> memref<10240x16xf32, #tpu.memory_space<vmem_shared>>
        tpu.enqueue_indirect_dma source(%arg11 : memref<128x16xf32, #tpu.memory_space<vmem>>) target(%dma_start3A_241 : memref<10240x16xf32, #tpu.memory_space<vmem_shared>>) offsets(%dma_start3A_238 : memref<128xi32, #tpu.memory_space<vmem>>) semaphore(%arg15 : memref<!tpu.dma_semaphore, #tpu.memory_space<semaphore_mem>>) {add = true}
      } else {
      }
      %mul3A_172 = arith.constant 8 : i32
      %mul3A_173 = arith.muli %while3A_109, %mul3A_172 : i32
      %add3A_174 = arith.constant 4 : i32
      %add3A_175 = arith.addi %mul3A_173, %add3A_174 : i32
      %dma_wait3A_176 = arith.constant 0 : i32
      %dma_wait3A_177 = tpu.memref_slice %arg8[%add3A_175, %dma_wait3A_176] : memref<88x128xi32, #tpu.memory_space<vmem>> -> memref<1x128xi32, #tpu.memory_space<vmem>>
      %dma_wait3A_178 = tpu.memref_squeeze %dma_wait3A_177 : memref<1x128xi32, #tpu.memory_space<vmem>> -> memref<128xi32, #tpu.memory_space<vmem>>
      %dma_wait3A_179 = arith.constant 0 : i32
      %dma_wait3A_180 = arith.constant 0 : i32
      %dma_wait3A_181 = tpu.memref_slice %arg7[%dma_wait3A_179, %dma_wait3A_180] : memref<10240x16xf32, #tpu.memory_space<vmem_shared>> -> memref<10240x16xf32, #tpu.memory_space<vmem_shared>>
      tpu.wait_indirect_dma semaphore(%arg16 : memref<!tpu.dma_semaphore, #tpu.memory_space<semaphore_mem>>) src(%arg11 : memref<128x16xf32, #tpu.memory_space<vmem>>) dst(%dma_wait3A_181 : memref<10240x16xf32, #tpu.memory_space<vmem_shared>>)
      %add3A_182 = arith.constant 8 : i32
      %add3A_183 = arith.addi %add3A_175, %add3A_182 : i32
      %lt3A_184 = arith.cmpi slt, %add3A_183, %select_n3A : i32
      %convert_element_type3A_185 = arith.extui %lt3A_184 : i1 to i32
      %cond3A_186 = arith.constant 0 : i32
      %cond3A_187 = arith.cmpi ne, %convert_element_type3A_185, %cond3A_186 : i32
      scf.if %cond3A_187 {
        %dma_start3A_236 = arith.constant 0 : i32
        %dma_start3A_237 = tpu.memref_slice %arg8[%add3A_183, %dma_start3A_236] : memref<88x128xi32, #tpu.memory_space<vmem>> -> memref<1x128xi32, #tpu.memory_space<vmem>>
        %dma_start3A_238 = tpu.memref_squeeze %dma_start3A_237 : memref<1x128xi32, #tpu.memory_space<vmem>> -> memref<128xi32, #tpu.memory_space<vmem>>
        %dma_start3A_239 = arith.constant 0 : i32
        %dma_start3A_240 = arith.constant 0 : i32
        %dma_start3A_241 = tpu.memref_slice %arg7[%dma_start3A_239, %dma_start3A_240] : memref<10240x16xf32, #tpu.memory_space<vmem_shared>> -> memref<10240x16xf32, #tpu.memory_space<vmem_shared>>
        tpu.enqueue_indirect_dma source(%arg11 : memref<128x16xf32, #tpu.memory_space<vmem>>) target(%dma_start3A_241 : memref<10240x16xf32, #tpu.memory_space<vmem_shared>>) offsets(%dma_start3A_238 : memref<128xi32, #tpu.memory_space<vmem>>) semaphore(%arg16 : memref<!tpu.dma_semaphore, #tpu.memory_space<semaphore_mem>>) {add = true}
      } else {
      }
      %mul3A_188 = arith.constant 8 : i32
      %mul3A_189 = arith.muli %while3A_109, %mul3A_188 : i32
      %add3A_190 = arith.constant 5 : i32
      %add3A_191 = arith.addi %mul3A_189, %add3A_190 : i32
      %dma_wait3A_192 = arith.constant 0 : i32
      %dma_wait3A_193 = tpu.memref_slice %arg8[%add3A_191, %dma_wait3A_192] : memref<88x128xi32, #tpu.memory_space<vmem>> -> memref<1x128xi32, #tpu.memory_space<vmem>>
      %dma_wait3A_194 = tpu.memref_squeeze %dma_wait3A_193 : memref<1x128xi32, #tpu.memory_space<vmem>> -> memref<128xi32, #tpu.memory_space<vmem>>
      %dma_wait3A_195 = arith.constant 0 : i32
      %dma_wait3A_196 = arith.constant 0 : i32
      %dma_wait3A_197 = tpu.memref_slice %arg7[%dma_wait3A_195, %dma_wait3A_196] : memref<10240x16xf32, #tpu.memory_space<vmem_shared>> -> memref<10240x16xf32, #tpu.memory_space<vmem_shared>>
      tpu.wait_indirect_dma semaphore(%arg17 : memref<!tpu.dma_semaphore, #tpu.memory_space<semaphore_mem>>) src(%arg11 : memref<128x16xf32, #tpu.memory_space<vmem>>) dst(%dma_wait3A_197 : memref<10240x16xf32, #tpu.memory_space<vmem_shared>>)
      %add3A_198 = arith.constant 8 : i32
      %add3A_199 = arith.addi %add3A_191, %add3A_198 : i32
      %lt3A_200 = arith.cmpi slt, %add3A_199, %select_n3A : i32
      %convert_element_type3A_201 = arith.extui %lt3A_200 : i1 to i32
      %cond3A_202 = arith.constant 0 : i32
      %cond3A_203 = arith.cmpi ne, %convert_element_type3A_201, %cond3A_202 : i32
      scf.if %cond3A_203 {
        %dma_start3A_236 = arith.constant 0 : i32
        %dma_start3A_237 = tpu.memref_slice %arg8[%add3A_199, %dma_start3A_236] : memref<88x128xi32, #tpu.memory_space<vmem>> -> memref<1x128xi32, #tpu.memory_space<vmem>>
        %dma_start3A_238 = tpu.memref_squeeze %dma_start3A_237 : memref<1x128xi32, #tpu.memory_space<vmem>> -> memref<128xi32, #tpu.memory_space<vmem>>
        %dma_start3A_239 = arith.constant 0 : i32
        %dma_start3A_240 = arith.constant 0 : i32
        %dma_start3A_241 = tpu.memref_slice %arg7[%dma_start3A_239, %dma_start3A_240] : memref<10240x16xf32, #tpu.memory_space<vmem_shared>> -> memref<10240x16xf32, #tpu.memory_space<vmem_shared>>
        tpu.enqueue_indirect_dma source(%arg11 : memref<128x16xf32, #tpu.memory_space<vmem>>) target(%dma_start3A_241 : memref<10240x16xf32, #tpu.memory_space<vmem_shared>>) offsets(%dma_start3A_238 : memref<128xi32, #tpu.memory_space<vmem>>) semaphore(%arg17 : memref<!tpu.dma_semaphore, #tpu.memory_space<semaphore_mem>>) {add = true}
      } else {
      }
      %mul3A_204 = arith.constant 8 : i32
      %mul3A_205 = arith.muli %while3A_109, %mul3A_204 : i32
      %add3A_206 = arith.constant 6 : i32
      %add3A_207 = arith.addi %mul3A_205, %add3A_206 : i32
      %dma_wait3A_208 = arith.constant 0 : i32
      %dma_wait3A_209 = tpu.memref_slice %arg8[%add3A_207, %dma_wait3A_208] : memref<88x128xi32, #tpu.memory_space<vmem>> -> memref<1x128xi32, #tpu.memory_space<vmem>>
      %dma_wait3A_210 = tpu.memref_squeeze %dma_wait3A_209 : memref<1x128xi32, #tpu.memory_space<vmem>> -> memref<128xi32, #tpu.memory_space<vmem>>
      %dma_wait3A_211 = arith.constant 0 : i32
      %dma_wait3A_212 = arith.constant 0 : i32
      %dma_wait3A_213 = tpu.memref_slice %arg7[%dma_wait3A_211, %dma_wait3A_212] : memref<10240x16xf32, #tpu.memory_space<vmem_shared>> -> memref<10240x16xf32, #tpu.memory_space<vmem_shared>>
      tpu.wait_indirect_dma semaphore(%arg18 : memref<!tpu.dma_semaphore, #tpu.memory_space<semaphore_mem>>) src(%arg11 : memref<128x16xf32, #tpu.memory_space<vmem>>) dst(%dma_wait3A_213 : memref<10240x16xf32, #tpu.memory_space<vmem_shared>>)
      %add3A_214 = arith.constant 8 : i32
      %add3A_215 = arith.addi %add3A_207, %add3A_214 : i32
      %lt3A_216 = arith.cmpi slt, %add3A_215, %select_n3A : i32
      %convert_element_type3A_217 = arith.extui %lt3A_216 : i1 to i32
      %cond3A_218 = arith.constant 0 : i32
      %cond3A_219 = arith.cmpi ne, %convert_element_type3A_217, %cond3A_218 : i32
      scf.if %cond3A_219 {
        %dma_start3A_236 = arith.constant 0 : i32
        %dma_start3A_237 = tpu.memref_slice %arg8[%add3A_215, %dma_start3A_236] : memref<88x128xi32, #tpu.memory_space<vmem>> -> memref<1x128xi32, #tpu.memory_space<vmem>>
        %dma_start3A_238 = tpu.memref_squeeze %dma_start3A_237 : memref<1x128xi32, #tpu.memory_space<vmem>> -> memref<128xi32, #tpu.memory_space<vmem>>
        %dma_start3A_239 = arith.constant 0 : i32
        %dma_start3A_240 = arith.constant 0 : i32
        %dma_start3A_241 = tpu.memref_slice %arg7[%dma_start3A_239, %dma_start3A_240] : memref<10240x16xf32, #tpu.memory_space<vmem_shared>> -> memref<10240x16xf32, #tpu.memory_space<vmem_shared>>
        tpu.enqueue_indirect_dma source(%arg11 : memref<128x16xf32, #tpu.memory_space<vmem>>) target(%dma_start3A_241 : memref<10240x16xf32, #tpu.memory_space<vmem_shared>>) offsets(%dma_start3A_238 : memref<128xi32, #tpu.memory_space<vmem>>) semaphore(%arg18 : memref<!tpu.dma_semaphore, #tpu.memory_space<semaphore_mem>>) {add = true}
      } else {
      }
      %mul3A_220 = arith.constant 8 : i32
      %mul3A_221 = arith.muli %while3A_109, %mul3A_220 : i32
      %add3A_222 = arith.constant 7 : i32
      %add3A_223 = arith.addi %mul3A_221, %add3A_222 : i32
      %dma_wait3A_224 = arith.constant 0 : i32
      %dma_wait3A_225 = tpu.memref_slice %arg8[%add3A_223, %dma_wait3A_224] : memref<88x128xi32, #tpu.memory_space<vmem>> -> memref<1x128xi32, #tpu.memory_space<vmem>>
      %dma_wait3A_226 = tpu.memref_squeeze %dma_wait3A_225 : memref<1x128xi32, #tpu.memory_space<vmem>> -> memref<128xi32, #tpu.memory_space<vmem>>
      %dma_wait3A_227 = arith.constant 0 : i32
      %dma_wait3A_228 = arith.constant 0 : i32
      %dma_wait3A_229 = tpu.memref_slice %arg7[%dma_wait3A_227, %dma_wait3A_228] : memref<10240x16xf32, #tpu.memory_space<vmem_shared>> -> memref<10240x16xf32, #tpu.memory_space<vmem_shared>>
      tpu.wait_indirect_dma semaphore(%arg19 : memref<!tpu.dma_semaphore, #tpu.memory_space<semaphore_mem>>) src(%arg11 : memref<128x16xf32, #tpu.memory_space<vmem>>) dst(%dma_wait3A_229 : memref<10240x16xf32, #tpu.memory_space<vmem_shared>>)
      %add3A_230 = arith.constant 8 : i32
      %add3A_231 = arith.addi %add3A_223, %add3A_230 : i32
      %lt3A_232 = arith.cmpi slt, %add3A_231, %select_n3A : i32
      %convert_element_type3A_233 = arith.extui %lt3A_232 : i1 to i32
      %cond3A_234 = arith.constant 0 : i32
      %cond3A_235 = arith.cmpi ne, %convert_element_type3A_233, %cond3A_234 : i32
      scf.if %cond3A_235 {
        %dma_start3A_236 = arith.constant 0 : i32
        %dma_start3A_237 = tpu.memref_slice %arg8[%add3A_231, %dma_start3A_236] : memref<88x128xi32, #tpu.memory_space<vmem>> -> memref<1x128xi32, #tpu.memory_space<vmem>>
        %dma_start3A_238 = tpu.memref_squeeze %dma_start3A_237 : memref<1x128xi32, #tpu.memory_space<vmem>> -> memref<128xi32, #tpu.memory_space<vmem>>
        %dma_start3A_239 = arith.constant 0 : i32
        %dma_start3A_240 = arith.constant 0 : i32
        %dma_start3A_241 = tpu.memref_slice %arg7[%dma_start3A_239, %dma_start3A_240] : memref<10240x16xf32, #tpu.memory_space<vmem_shared>> -> memref<10240x16xf32, #tpu.memory_space<vmem_shared>>
        tpu.enqueue_indirect_dma source(%arg11 : memref<128x16xf32, #tpu.memory_space<vmem>>) target(%dma_start3A_241 : memref<10240x16xf32, #tpu.memory_space<vmem_shared>>) offsets(%dma_start3A_238 : memref<128xi32, #tpu.memory_space<vmem>>) semaphore(%arg19 : memref<!tpu.dma_semaphore, #tpu.memory_space<semaphore_mem>>) {add = true}
      } else {
      }
    }
    %while3A_92 = arith.constant 1 : i32
    scf.for %while3A_109 = %while3A_90 to %while3A_86 step %while3A_92  : i32 {
      %mul3A_110 = arith.constant 8 : i32
      %mul3A_111 = arith.muli %while3A_109, %mul3A_110 : i32
      %add3A_112 = arith.constant 0 : i32
      %add3A_113 = arith.addi %mul3A_111, %add3A_112 : i32
      %dma_wait3A = arith.constant 0 : i32
      %dma_wait3A_114 = tpu.memref_slice %arg8[%add3A_113, %dma_wait3A] : memref<88x128xi32, #tpu.memory_space<vmem>> -> memref<1x128xi32, #tpu.memory_space<vmem>>
      %dma_wait3A_115 = tpu.memref_squeeze %dma_wait3A_114 : memref<1x128xi32, #tpu.memory_space<vmem>> -> memref<128xi32, #tpu.memory_space<vmem>>
      %dma_wait3A_116 = arith.constant 0 : i32
      %dma_wait3A_117 = arith.constant 0 : i32
      %dma_wait3A_118 = tpu.memref_slice %arg7[%dma_wait3A_116, %dma_wait3A_117] : memref<10240x16xf32, #tpu.memory_space<vmem_shared>> -> memref<10240x16xf32, #tpu.memory_space<vmem_shared>>
      tpu.wait_indirect_dma semaphore(%arg12 : memref<!tpu.dma_semaphore, #tpu.memory_space<semaphore_mem>>) src(%arg11 : memref<128x16xf32, #tpu.memory_space<vmem>>) dst(%dma_wait3A_118 : memref<10240x16xf32, #tpu.memory_space<vmem_shared>>)
      %add3A_119 = arith.constant 8 : i32
      %add3A_120 = arith.addi %add3A_113, %add3A_119 : i32
      %lt3A = arith.cmpi slt, %add3A_120, %select_n3A : i32
      %convert_element_type3A_121 = arith.extui %lt3A : i1 to i32
      %cond3A_122 = arith.constant 0 : i32
      %cond3A_123 = arith.cmpi ne, %convert_element_type3A_121, %cond3A_122 : i32
      scf.if %cond3A_123 {
        %dma_start3A_236 = arith.constant 0 : i32
        %dma_start3A_237 = tpu.memref_slice %arg8[%add3A_120, %dma_start3A_236] : memref<88x128xi32, #tpu.memory_space<vmem>> -> memref<1x128xi32, #tpu.memory_space<vmem>>
        %dma_start3A_238 = tpu.memref_squeeze %dma_start3A_237 : memref<1x128xi32, #tpu.memory_space<vmem>> -> memref<128xi32, #tpu.memory_space<vmem>>
        %dma_start3A_239 = arith.constant 0 : i32
        %dma_start3A_240 = arith.constant 0 : i32
        %dma_start3A_241 = tpu.memref_slice %arg7[%dma_start3A_239, %dma_start3A_240] : memref<10240x16xf32, #tpu.memory_space<vmem_shared>> -> memref<10240x16xf32, #tpu.memory_space<vmem_shared>>
        tpu.enqueue_indirect_dma source(%arg11 : memref<128x16xf32, #tpu.memory_space<vmem>>) target(%dma_start3A_241 : memref<10240x16xf32, #tpu.memory_space<vmem_shared>>) offsets(%dma_start3A_238 : memref<128xi32, #tpu.memory_space<vmem>>) semaphore(%arg12 : memref<!tpu.dma_semaphore, #tpu.memory_space<semaphore_mem>>) {add = true}
      } else {
      }
      %mul3A_124 = arith.constant 8 : i32
      %mul3A_125 = arith.muli %while3A_109, %mul3A_124 : i32
      %add3A_126 = arith.constant 1 : i32
      %add3A_127 = arith.addi %mul3A_125, %add3A_126 : i32
      %dma_wait3A_128 = arith.constant 0 : i32
      %dma_wait3A_129 = tpu.memref_slice %arg8[%add3A_127, %dma_wait3A_128] : memref<88x128xi32, #tpu.memory_space<vmem>> -> memref<1x128xi32, #tpu.memory_space<vmem>>
      %dma_wait3A_130 = tpu.memref_squeeze %dma_wait3A_129 : memref<1x128xi32, #tpu.memory_space<vmem>> -> memref<128xi32, #tpu.memory_space<vmem>>
      %dma_wait3A_131 = arith.constant 0 : i32
      %dma_wait3A_132 = arith.constant 0 : i32
      %dma_wait3A_133 = tpu.memref_slice %arg7[%dma_wait3A_131, %dma_wait3A_132] : memref<10240x16xf32, #tpu.memory_space<vmem_shared>> -> memref<10240x16xf32, #tpu.memory_space<vmem_shared>>
      tpu.wait_indirect_dma semaphore(%arg13 : memref<!tpu.dma_semaphore, #tpu.memory_space<semaphore_mem>>) src(%arg11 : memref<128x16xf32, #tpu.memory_space<vmem>>) dst(%dma_wait3A_133 : memref<10240x16xf32, #tpu.memory_space<vmem_shared>>)
      %add3A_134 = arith.constant 8 : i32
      %add3A_135 = arith.addi %add3A_127, %add3A_134 : i32
      %lt3A_136 = arith.cmpi slt, %add3A_135, %select_n3A : i32
      %convert_element_type3A_137 = arith.extui %lt3A_136 : i1 to i32
      %cond3A_138 = arith.constant 0 : i32
      %cond3A_139 = arith.cmpi ne, %convert_element_type3A_137, %cond3A_138 : i32
      scf.if %cond3A_139 {
        %dma_start3A_236 = arith.constant 0 : i32
        %dma_start3A_237 = tpu.memref_slice %arg8[%add3A_135, %dma_start3A_236] : memref<88x128xi32, #tpu.memory_space<vmem>> -> memref<1x128xi32, #tpu.memory_space<vmem>>
        %dma_start3A_238 = tpu.memref_squeeze %dma_start3A_237 : memref<1x128xi32, #tpu.memory_space<vmem>> -> memref<128xi32, #tpu.memory_space<vmem>>
        %dma_start3A_239 = arith.constant 0 : i32
        %dma_start3A_240 = arith.constant 0 : i32
        %dma_start3A_241 = tpu.memref_slice %arg7[%dma_start3A_239, %dma_start3A_240] : memref<10240x16xf32, #tpu.memory_space<vmem_shared>> -> memref<10240x16xf32, #tpu.memory_space<vmem_shared>>
        tpu.enqueue_indirect_dma source(%arg11 : memref<128x16xf32, #tpu.memory_space<vmem>>) target(%dma_start3A_241 : memref<10240x16xf32, #tpu.memory_space<vmem_shared>>) offsets(%dma_start3A_238 : memref<128xi32, #tpu.memory_space<vmem>>) semaphore(%arg13 : memref<!tpu.dma_semaphore, #tpu.memory_space<semaphore_mem>>) {add = true}
      } else {
      }
      %mul3A_140 = arith.constant 8 : i32
      %mul3A_141 = arith.muli %while3A_109, %mul3A_140 : i32
      %add3A_142 = arith.constant 2 : i32
      %add3A_143 = arith.addi %mul3A_141, %add3A_142 : i32
      %dma_wait3A_144 = arith.constant 0 : i32
      %dma_wait3A_145 = tpu.memref_slice %arg8[%add3A_143, %dma_wait3A_144] : memref<88x128xi32, #tpu.memory_space<vmem>> -> memref<1x128xi32, #tpu.memory_space<vmem>>
      %dma_wait3A_146 = tpu.memref_squeeze %dma_wait3A_145 : memref<1x128xi32, #tpu.memory_space<vmem>> -> memref<128xi32, #tpu.memory_space<vmem>>
      %dma_wait3A_147 = arith.constant 0 : i32
      %dma_wait3A_148 = arith.constant 0 : i32
      %dma_wait3A_149 = tpu.memref_slice %arg7[%dma_wait3A_147, %dma_wait3A_148] : memref<10240x16xf32, #tpu.memory_space<vmem_shared>> -> memref<10240x16xf32, #tpu.memory_space<vmem_shared>>
      tpu.wait_indirect_dma semaphore(%arg14 : memref<!tpu.dma_semaphore, #tpu.memory_space<semaphore_mem>>) src(%arg11 : memref<128x16xf32, #tpu.memory_space<vmem>>) dst(%dma_wait3A_149 : memref<10240x16xf32, #tpu.memory_space<vmem_shared>>)
      %add3A_150 = arith.constant 8 : i32
      %add3A_151 = arith.addi %add3A_143, %add3A_150 : i32
      %lt3A_152 = arith.cmpi slt, %add3A_151, %select_n3A : i32
      %convert_element_type3A_153 = arith.extui %lt3A_152 : i1 to i32
      %cond3A_154 = arith.constant 0 : i32
      %cond3A_155 = arith.cmpi ne, %convert_element_type3A_153, %cond3A_154 : i32
      scf.if %cond3A_155 {
        %dma_start3A_236 = arith.constant 0 : i32
        %dma_start3A_237 = tpu.memref_slice %arg8[%add3A_151, %dma_start3A_236] : memref<88x128xi32, #tpu.memory_space<vmem>> -> memref<1x128xi32, #tpu.memory_space<vmem>>
        %dma_start3A_238 = tpu.memref_squeeze %dma_start3A_237 : memref<1x128xi32, #tpu.memory_space<vmem>> -> memref<128xi32, #tpu.memory_space<vmem>>
        %dma_start3A_239 = arith.constant 0 : i32
        %dma_start3A_240 = arith.constant 0 : i32
        %dma_start3A_241 = tpu.memref_slice %arg7[%dma_start3A_239, %dma_start3A_240] : memref<10240x16xf32, #tpu.memory_space<vmem_shared>> -> memref<10240x16xf32, #tpu.memory_space<vmem_shared>>
        tpu.enqueue_indirect_dma source(%arg11 : memref<128x16xf32, #tpu.memory_space<vmem>>) target(%dma_start3A_241 : memref<10240x16xf32, #tpu.memory_space<vmem_shared>>) offsets(%dma_start3A_238 : memref<128xi32, #tpu.memory_space<vmem>>) semaphore(%arg14 : memref<!tpu.dma_semaphore, #tpu.memory_space<semaphore_mem>>) {add = true}
      } else {
      }
      %mul3A_156 = arith.constant 8 : i32
      %mul3A_157 = arith.muli %while3A_109, %mul3A_156 : i32
      %add3A_158 = arith.constant 3 : i32
      %add3A_159 = arith.addi %mul3A_157, %add3A_158 : i32
      %dma_wait3A_160 = arith.constant 0 : i32
      %dma_wait3A_161 = tpu.memref_slice %arg8[%add3A_159, %dma_wait3A_160] : memref<88x128xi32, #tpu.memory_space<vmem>> -> memref<1x128xi32, #tpu.memory_space<vmem>>
      %dma_wait3A_162 = tpu.memref_squeeze %dma_wait3A_161 : memref<1x128xi32, #tpu.memory_space<vmem>> -> memref<128xi32, #tpu.memory_space<vmem>>
      %dma_wait3A_163 = arith.constant 0 : i32
      %dma_wait3A_164 = arith.constant 0 : i32
      %dma_wait3A_165 = tpu.memref_slice %arg7[%dma_wait3A_163, %dma_wait3A_164] : memref<10240x16xf32, #tpu.memory_space<vmem_shared>> -> memref<10240x16xf32, #tpu.memory_space<vmem_shared>>
      tpu.wait_indirect_dma semaphore(%arg15 : memref<!tpu.dma_semaphore, #tpu.memory_space<semaphore_mem>>) src(%arg11 : memref<128x16xf32, #tpu.memory_space<vmem>>) dst(%dma_wait3A_165 : memref<10240x16xf32, #tpu.memory_space<vmem_shared>>)
      %add3A_166 = arith.constant 8 : i32
      %add3A_167 = arith.addi %add3A_159, %add3A_166 : i32
      %lt3A_168 = arith.cmpi slt, %add3A_167, %select_n3A : i32
      %convert_element_type3A_169 = arith.extui %lt3A_168 : i1 to i32
      %cond3A_170 = arith.constant 0 : i32
      %cond3A_171 = arith.cmpi ne, %convert_element_type3A_169, %cond3A_170 : i32
      scf.if %cond3A_171 {
        %dma_start3A_236 = arith.constant 0 : i32
        %dma_start3A_237 = tpu.memref_slice %arg8[%add3A_167, %dma_start3A_236] : memref<88x128xi32, #tpu.memory_space<vmem>> -> memref<1x128xi32, #tpu.memory_space<vmem>>
        %dma_start3A_238 = tpu.memref_squeeze %dma_start3A_237 : memref<1x128xi32, #tpu.memory_space<vmem>> -> memref<128xi32, #tpu.memory_space<vmem>>
        %dma_start3A_239 = arith.constant 0 : i32
        %dma_start3A_240 = arith.constant 0 : i32
        %dma_start3A_241 = tpu.memref_slice %arg7[%dma_start3A_239, %dma_start3A_240] : memref<10240x16xf32, #tpu.memory_space<vmem_shared>> -> memref<10240x16xf32, #tpu.memory_space<vmem_shared>>
        tpu.enqueue_indirect_dma source(%arg11 : memref<128x16xf32, #tpu.memory_space<vmem>>) target(%dma_start3A_241 : memref<10240x16xf32, #tpu.memory_space<vmem_shared>>) offsets(%dma_start3A_238 : memref<128xi32, #tpu.memory_space<vmem>>) semaphore(%arg15 : memref<!tpu.dma_semaphore, #tpu.memory_space<semaphore_mem>>) {add = true}
      } else {
      }
      %mul3A_172 = arith.constant 8 : i32
      %mul3A_173 = arith.muli %while3A_109, %mul3A_172 : i32
      %add3A_174 = arith.constant 4 : i32
      %add3A_175 = arith.addi %mul3A_173, %add3A_174 : i32
      %dma_wait3A_176 = arith.constant 0 : i32
      %dma_wait3A_177 = tpu.memref_slice %arg8[%add3A_175, %dma_wait3A_176] : memref<88x128xi32, #tpu.memory_space<vmem>> -> memref<1x128xi32, #tpu.memory_space<vmem>>
      %dma_wait3A_178 = tpu.memref_squeeze %dma_wait3A_177 : memref<1x128xi32, #tpu.memory_space<vmem>> -> memref<128xi32, #tpu.memory_space<vmem>>
      %dma_wait3A_179 = arith.constant 0 : i32
      %dma_wait3A_180 = arith.constant 0 : i32
      %dma_wait3A_181 = tpu.memref_slice %arg7[%dma_wait3A_179, %dma_wait3A_180] : memref<10240x16xf32, #tpu.memory_space<vmem_shared>> -> memref<10240x16xf32, #tpu.memory_space<vmem_shared>>
      tpu.wait_indirect_dma semaphore(%arg16 : memref<!tpu.dma_semaphore, #tpu.memory_space<semaphore_mem>>) src(%arg11 : memref<128x16xf32, #tpu.memory_space<vmem>>) dst(%dma_wait3A_181 : memref<10240x16xf32, #tpu.memory_space<vmem_shared>>)
      %add3A_182 = arith.constant 8 : i32
      %add3A_183 = arith.addi %add3A_175, %add3A_182 : i32
      %lt3A_184 = arith.cmpi slt, %add3A_183, %select_n3A : i32
      %convert_element_type3A_185 = arith.extui %lt3A_184 : i1 to i32
      %cond3A_186 = arith.constant 0 : i32
      %cond3A_187 = arith.cmpi ne, %convert_element_type3A_185, %cond3A_186 : i32
      scf.if %cond3A_187 {
        %dma_start3A_236 = arith.constant 0 : i32
        %dma_start3A_237 = tpu.memref_slice %arg8[%add3A_183, %dma_start3A_236] : memref<88x128xi32, #tpu.memory_space<vmem>> -> memref<1x128xi32, #tpu.memory_space<vmem>>
        %dma_start3A_238 = tpu.memref_squeeze %dma_start3A_237 : memref<1x128xi32, #tpu.memory_space<vmem>> -> memref<128xi32, #tpu.memory_space<vmem>>
        %dma_start3A_239 = arith.constant 0 : i32
        %dma_start3A_240 = arith.constant 0 : i32
        %dma_start3A_241 = tpu.memref_slice %arg7[%dma_start3A_239, %dma_start3A_240] : memref<10240x16xf32, #tpu.memory_space<vmem_shared>> -> memref<10240x16xf32, #tpu.memory_space<vmem_shared>>
        tpu.enqueue_indirect_dma source(%arg11 : memref<128x16xf32, #tpu.memory_space<vmem>>) target(%dma_start3A_241 : memref<10240x16xf32, #tpu.memory_space<vmem_shared>>) offsets(%dma_start3A_238 : memref<128xi32, #tpu.memory_space<vmem>>) semaphore(%arg16 : memref<!tpu.dma_semaphore, #tpu.memory_space<semaphore_mem>>) {add = true}
      } else {
      }
      %mul3A_188 = arith.constant 8 : i32
      %mul3A_189 = arith.muli %while3A_109, %mul3A_188 : i32
      %add3A_190 = arith.constant 5 : i32
      %add3A_191 = arith.addi %mul3A_189, %add3A_190 : i32
      %dma_wait3A_192 = arith.constant 0 : i32
      %dma_wait3A_193 = tpu.memref_slice %arg8[%add3A_191, %dma_wait3A_192] : memref<88x128xi32, #tpu.memory_space<vmem>> -> memref<1x128xi32, #tpu.memory_space<vmem>>
      %dma_wait3A_194 = tpu.memref_squeeze %dma_wait3A_193 : memref<1x128xi32, #tpu.memory_space<vmem>> -> memref<128xi32, #tpu.memory_space<vmem>>
      %dma_wait3A_195 = arith.constant 0 : i32
      %dma_wait3A_196 = arith.constant 0 : i32
      %dma_wait3A_197 = tpu.memref_slice %arg7[%dma_wait3A_195, %dma_wait3A_196] : memref<10240x16xf32, #tpu.memory_space<vmem_shared>> -> memref<10240x16xf32, #tpu.memory_space<vmem_shared>>
      tpu.wait_indirect_dma semaphore(%arg17 : memref<!tpu.dma_semaphore, #tpu.memory_space<semaphore_mem>>) src(%arg11 : memref<128x16xf32, #tpu.memory_space<vmem>>) dst(%dma_wait3A_197 : memref<10240x16xf32, #tpu.memory_space<vmem_shared>>)
      %add3A_198 = arith.constant 8 : i32
      %add3A_199 = arith.addi %add3A_191, %add3A_198 : i32
      %lt3A_200 = arith.cmpi slt, %add3A_199, %select_n3A : i32
      %convert_element_type3A_201 = arith.extui %lt3A_200 : i1 to i32
      %cond3A_202 = arith.constant 0 : i32
      %cond3A_203 = arith.cmpi ne, %convert_element_type3A_201, %cond3A_202 : i32
      scf.if %cond3A_203 {
        %dma_start3A_236 = arith.constant 0 : i32
        %dma_start3A_237 = tpu.memref_slice %arg8[%add3A_199, %dma_start3A_236] : memref<88x128xi32, #tpu.memory_space<vmem>> -> memref<1x128xi32, #tpu.memory_space<vmem>>
        %dma_start3A_238 = tpu.memref_squeeze %dma_start3A_237 : memref<1x128xi32, #tpu.memory_space<vmem>> -> memref<128xi32, #tpu.memory_space<vmem>>
        %dma_start3A_239 = arith.constant 0 : i32
        %dma_start3A_240 = arith.constant 0 : i32
        %dma_start3A_241 = tpu.memref_slice %arg7[%dma_start3A_239, %dma_start3A_240] : memref<10240x16xf32, #tpu.memory_space<vmem_shared>> -> memref<10240x16xf32, #tpu.memory_space<vmem_shared>>
        tpu.enqueue_indirect_dma source(%arg11 : memref<128x16xf32, #tpu.memory_space<vmem>>) target(%dma_start3A_241 : memref<10240x16xf32, #tpu.memory_space<vmem_shared>>) offsets(%dma_start3A_238 : memref<128xi32, #tpu.memory_space<vmem>>) semaphore(%arg17 : memref<!tpu.dma_semaphore, #tpu.memory_space<semaphore_mem>>) {add = true}
      } else {
      }
      %mul3A_204 = arith.constant 8 : i32
      %mul3A_205 = arith.muli %while3A_109, %mul3A_204 : i32
      %add3A_206 = arith.constant 6 : i32
      %add3A_207 = arith.addi %mul3A_205, %add3A_206 : i32
      %dma_wait3A_208 = arith.constant 0 : i32
      %dma_wait3A_209 = tpu.memref_slice %arg8[%add3A_207, %dma_wait3A_208] : memref<88x128xi32, #tpu.memory_space<vmem>> -> memref<1x128xi32, #tpu.memory_space<vmem>>
      %dma_wait3A_210 = tpu.memref_squeeze %dma_wait3A_209 : memref<1x128xi32, #tpu.memory_space<vmem>> -> memref<128xi32, #tpu.memory_space<vmem>>
      %dma_wait3A_211 = arith.constant 0 : i32
      %dma_wait3A_212 = arith.constant 0 : i32
      %dma_wait3A_213 = tpu.memref_slice %arg7[%dma_wait3A_211, %dma_wait3A_212] : memref<10240x16xf32, #tpu.memory_space<vmem_shared>> -> memref<10240x16xf32, #tpu.memory_space<vmem_shared>>
      tpu.wait_indirect_dma semaphore(%arg18 : memref<!tpu.dma_semaphore, #tpu.memory_space<semaphore_mem>>) src(%arg11 : memref<128x16xf32, #tpu.memory_space<vmem>>) dst(%dma_wait3A_213 : memref<10240x16xf32, #tpu.memory_space<vmem_shared>>)
      %add3A_214 = arith.constant 8 : i32
      %add3A_215 = arith.addi %add3A_207, %add3A_214 : i32
      %lt3A_216 = arith.cmpi slt, %add3A_215, %select_n3A : i32
      %convert_element_type3A_217 = arith.extui %lt3A_216 : i1 to i32
      %cond3A_218 = arith.constant 0 : i32
      %cond3A_219 = arith.cmpi ne, %convert_element_type3A_217, %cond3A_218 : i32
      scf.if %cond3A_219 {
        %dma_start3A_236 = arith.constant 0 : i32
        %dma_start3A_237 = tpu.memref_slice %arg8[%add3A_215, %dma_start3A_236] : memref<88x128xi32, #tpu.memory_space<vmem>> -> memref<1x128xi32, #tpu.memory_space<vmem>>
        %dma_start3A_238 = tpu.memref_squeeze %dma_start3A_237 : memref<1x128xi32, #tpu.memory_space<vmem>> -> memref<128xi32, #tpu.memory_space<vmem>>
        %dma_start3A_239 = arith.constant 0 : i32
        %dma_start3A_240 = arith.constant 0 : i32
        %dma_start3A_241 = tpu.memref_slice %arg7[%dma_start3A_239, %dma_start3A_240] : memref<10240x16xf32, #tpu.memory_space<vmem_shared>> -> memref<10240x16xf32, #tpu.memory_space<vmem_shared>>
        tpu.enqueue_indirect_dma source(%arg11 : memref<128x16xf32, #tpu.memory_space<vmem>>) target(%dma_start3A_241 : memref<10240x16xf32, #tpu.memory_space<vmem_shared>>) offsets(%dma_start3A_238 : memref<128xi32, #tpu.memory_space<vmem>>) semaphore(%arg18 : memref<!tpu.dma_semaphore, #tpu.memory_space<semaphore_mem>>) {add = true}
      } else {
      }
      %mul3A_220 = arith.constant 8 : i32
      %mul3A_221 = arith.muli %while3A_109, %mul3A_220 : i32
      %add3A_222 = arith.constant 7 : i32
      %add3A_223 = arith.addi %mul3A_221, %add3A_222 : i32
      %dma_wait3A_224 = arith.constant 0 : i32
      %dma_wait3A_225 = tpu.memref_slice %arg8[%add3A_223, %dma_wait3A_224] : memref<88x128xi32, #tpu.memory_space<vmem>> -> memref<1x128xi32, #tpu.memory_space<vmem>>
      %dma_wait3A_226 = tpu.memref_squeeze %dma_wait3A_225 : memref<1x128xi32, #tpu.memory_space<vmem>> -> memref<128xi32, #tpu.memory_space<vmem>>
      %dma_wait3A_227 = arith.constant 0 : i32
      %dma_wait3A_228 = arith.constant 0 : i32
      %dma_wait3A_229 = tpu.memref_slice %arg7[%dma_wait3A_227, %dma_wait3A_228] : memref<10240x16xf32, #tpu.memory_space<vmem_shared>> -> memref<10240x16xf32, #tpu.memory_space<vmem_shared>>
      tpu.wait_indirect_dma semaphore(%arg19 : memref<!tpu.dma_semaphore, #tpu.memory_space<semaphore_mem>>) src(%arg11 : memref<128x16xf32, #tpu.memory_space<vmem>>) dst(%dma_wait3A_229 : memref<10240x16xf32, #tpu.memory_space<vmem_shared>>)
      %add3A_230 = arith.constant 8 : i32
      %add3A_231 = arith.addi %add3A_223, %add3A_230 : i32
      %lt3A_232 = arith.cmpi slt, %add3A_231, %select_n3A : i32
      %convert_element_type3A_233 = arith.extui %lt3A_232 : i1 to i32
      %cond3A_234 = arith.constant 0 : i32
      %cond3A_235 = arith.cmpi ne, %convert_element_type3A_233, %cond3A_234 : i32
      scf.if %cond3A_235 {
        %dma_start3A_236 = arith.constant 0 : i32
        %dma_start3A_237 = tpu.memref_slice %arg8[%add3A_231, %dma_start3A_236] : memref<88x128xi32, #tpu.memory_space<vmem>> -> memref<1x128xi32, #tpu.memory_space<vmem>>
        %dma_start3A_238 = tpu.memref_squeeze %dma_start3A_237 : memref<1x128xi32, #tpu.memory_space<vmem>> -> memref<128xi32, #tpu.memory_space<vmem>>
        %dma_start3A_239 = arith.constant 0 : i32
        %dma_start3A_240 = arith.constant 0 : i32
        %dma_start3A_241 = tpu.memref_slice %arg7[%dma_start3A_239, %dma_start3A_240] : memref<10240x16xf32, #tpu.memory_space<vmem_shared>> -> memref<10240x16xf32, #tpu.memory_space<vmem_shared>>
        tpu.enqueue_indirect_dma source(%arg11 : memref<128x16xf32, #tpu.memory_space<vmem>>) target(%dma_start3A_241 : memref<10240x16xf32, #tpu.memory_space<vmem_shared>>) offsets(%dma_start3A_238 : memref<128xi32, #tpu.memory_space<vmem>>) semaphore(%arg19 : memref<!tpu.dma_semaphore, #tpu.memory_space<semaphore_mem>>) {add = true}
      } else {
      }
    }
    %barrier3A_93 = arith.constant 0 : index
    tpu.barrier barrier_id(%barrier3A_93)
    %mul3A_94 = arith.constant 640 : i32
    %mul3A_95 = arith.muli %arg1, %mul3A_94 : i32
    "tpu.region"() ({
      %run_scoped3A = tpu.sem_alloc : memref<!tpu.dma_semaphore, #tpu.memory_space<semaphore_mem>>
      %dma_start3A_109 = arith.constant 0 : i32
      %dma_start3A_110 = tpu.memref_slice %arg7[%mul3A_95, %dma_start3A_109] : memref<10240x16xf32, #tpu.memory_space<vmem_shared>> -> memref<640x16xf32, #tpu.memory_space<vmem_shared>>
      %dma_start3A_111 = arith.constant 0 : i32
      %dma_start3A_112 = tpu.memref_slice %arg7[%mul3A_95, %dma_start3A_111] : memref<10240x16xf32, #tpu.memory_space<vmem_shared>> -> memref<640x16xf32, #tpu.memory_space<vmem_shared>>
      tpu.enqueue_dma source(%dma_start3A_112 : memref<640x16xf32, #tpu.memory_space<vmem_shared>>) target(%arg9 : memref<640x16xf32, #tpu.memory_space<vmem>>) target_semaphore(%run_scoped3A : memref<!tpu.dma_semaphore, #tpu.memory_space<semaphore_mem>>)
      %dma_wait3A = arith.constant 0 : i32
      %dma_wait3A_113 = tpu.memref_slice %arg7[%mul3A_95, %dma_wait3A] : memref<10240x16xf32, #tpu.memory_space<vmem_shared>> -> memref<640x16xf32, #tpu.memory_space<vmem_shared>>
      %dma_wait3A_114 = arith.constant 0 : i32
      %dma_wait3A_115 = tpu.memref_slice %arg7[%mul3A_95, %dma_wait3A_114] : memref<10240x16xf32, #tpu.memory_space<vmem_shared>> -> memref<640x16xf32, #tpu.memory_space<vmem_shared>>
      tpu.wait_dma2 semaphore(%run_scoped3A : memref<!tpu.dma_semaphore, #tpu.memory_space<semaphore_mem>>) src(%dma_wait3A_115 : memref<640x16xf32, #tpu.memory_space<vmem_shared>>) dst(%arg9 : memref<640x16xf32, #tpu.memory_space<vmem>>)
      tpu.yield
    }) : () -> ()
    %scan3A = arith.constant 0 : i32
    %scan3A_96 = arith.constant 0 : i32
    %scan3A_97 = arith.constant 80 : i32
    %scan3A_98 = arith.addi %scan3A_96, %scan3A_97 : i32
    %scan3A_99 = arith.constant 1 : i32
    scf.for %scan3A_109 = %scan3A_96 to %scan3A_98 step %scan3A_99  : i32 {
      %mul3A_110 = arith.constant 8 : i32
      %mul3A_111 = arith.muli %scan3A_109, %mul3A_110 : i32
      %add3A_112 = arith.constant 0 : i32
      %add3A_113 = arith.addi %mul3A_111, %add3A_112 : i32
      %get3A = arith.index_cast %add3A_113 : i32 to index
      %get3A_114 = arith.constant 0 : index
      %get3A_115 = tpu.vector_load %arg9[%get3A, %get3A_114] {strides = array<i32>} : memref<640x16xf32, #tpu.memory_space<vmem>>, vector<1x16xf32>,
      %get3A_116 = vector.shape_cast %get3A_115 : vector<1x16xf32> to vector<16xf32>
      %swap3A = arith.index_cast %scan3A_109 : i32 to index
      %swap3A_117 = arith.constant 0 : index
      %swap3A_118 = tpu.vector_load %arg10[%swap3A, %swap3A_117] {strides = array<i32>} : memref<80x128xf32, #tpu.memory_space<vmem>>, vector<1x16xf32>,
      %swap3A_119 = vector.shape_cast %swap3A_118 : vector<1x16xf32> to vector<16xf32>
      %swap3A_120 = vector.shape_cast %get3A_116 : vector<16xf32> to vector<1x16xf32>
      tpu.vector_store %arg10[%swap3A, %swap3A_117], %swap3A_120 {strides = array<i32>} : memref<80x128xf32, #tpu.memory_space<vmem>>, vector<1x16xf32>,
      %mul3A_121 = arith.constant 8 : i32
      %mul3A_122 = arith.muli %scan3A_109, %mul3A_121 : i32
      %add3A_123 = arith.constant 1 : i32
      %add3A_124 = arith.addi %mul3A_122, %add3A_123 : i32
      %get3A_125 = arith.index_cast %add3A_124 : i32 to index
      %get3A_126 = arith.constant 0 : index
      %get3A_127 = tpu.vector_load %arg9[%get3A_125, %get3A_126] {strides = array<i32>} : memref<640x16xf32, #tpu.memory_space<vmem>>, vector<1x16xf32>,
      %get3A_128 = vector.shape_cast %get3A_127 : vector<1x16xf32> to vector<16xf32>
      %swap3A_129 = arith.index_cast %scan3A_109 : i32 to index
      %swap3A_130 = arith.constant 16 : index
      %swap3A_131 = tpu.vector_load %arg10[%swap3A_129, %swap3A_130] {strides = array<i32>} : memref<80x128xf32, #tpu.memory_space<vmem>>, vector<1x16xf32>,
      %swap3A_132 = vector.shape_cast %swap3A_131 : vector<1x16xf32> to vector<16xf32>
      %swap3A_133 = vector.shape_cast %get3A_128 : vector<16xf32> to vector<1x16xf32>
      tpu.vector_store %arg10[%swap3A_129, %swap3A_130], %swap3A_133 {strides = array<i32>} : memref<80x128xf32, #tpu.memory_space<vmem>>, vector<1x16xf32>,
      %mul3A_134 = arith.constant 8 : i32
      %mul3A_135 = arith.muli %scan3A_109, %mul3A_134 : i32
      %add3A_136 = arith.constant 2 : i32
      %add3A_137 = arith.addi %mul3A_135, %add3A_136 : i32
      %get3A_138 = arith.index_cast %add3A_137 : i32 to index
      %get3A_139 = arith.constant 0 : index
      %get3A_140 = tpu.vector_load %arg9[%get3A_138, %get3A_139] {strides = array<i32>} : memref<640x16xf32, #tpu.memory_space<vmem>>, vector<1x16xf32>,
      %get3A_141 = vector.shape_cast %get3A_140 : vector<1x16xf32> to vector<16xf32>
      %swap3A_142 = arith.index_cast %scan3A_109 : i32 to index
      %swap3A_143 = arith.constant 32 : index
      %swap3A_144 = tpu.vector_load %arg10[%swap3A_142, %swap3A_143] {strides = array<i32>} : memref<80x128xf32, #tpu.memory_space<vmem>>, vector<1x16xf32>,
      %swap3A_145 = vector.shape_cast %swap3A_144 : vector<1x16xf32> to vector<16xf32>
      %swap3A_146 = vector.shape_cast %get3A_141 : vector<16xf32> to vector<1x16xf32>
      tpu.vector_store %arg10[%swap3A_142, %swap3A_143], %swap3A_146 {strides = array<i32>} : memref<80x128xf32, #tpu.memory_space<vmem>>, vector<1x16xf32>,
      %mul3A_147 = arith.constant 8 : i32
      %mul3A_148 = arith.muli %scan3A_109, %mul3A_147 : i32
      %add3A_149 = arith.constant 3 : i32
      %add3A_150 = arith.addi %mul3A_148, %add3A_149 : i32
      %get3A_151 = arith.index_cast %add3A_150 : i32 to index
      %get3A_152 = arith.constant 0 : index
      %get3A_153 = tpu.vector_load %arg9[%get3A_151, %get3A_152] {strides = array<i32>} : memref<640x16xf32, #tpu.memory_space<vmem>>, vector<1x16xf32>,
      %get3A_154 = vector.shape_cast %get3A_153 : vector<1x16xf32> to vector<16xf32>
      %swap3A_155 = arith.index_cast %scan3A_109 : i32 to index
      %swap3A_156 = arith.constant 48 : index
      %swap3A_157 = tpu.vector_load %arg10[%swap3A_155, %swap3A_156] {strides = array<i32>} : memref<80x128xf32, #tpu.memory_space<vmem>>, vector<1x16xf32>,
      %swap3A_158 = vector.shape_cast %swap3A_157 : vector<1x16xf32> to vector<16xf32>
      %swap3A_159 = vector.shape_cast %get3A_154 : vector<16xf32> to vector<1x16xf32>
      tpu.vector_store %arg10[%swap3A_155, %swap3A_156], %swap3A_159 {strides = array<i32>} : memref<80x128xf32, #tpu.memory_space<vmem>>, vector<1x16xf32>,
      %mul3A_160 = arith.constant 8 : i32
      %mul3A_161 = arith.muli %scan3A_109, %mul3A_160 : i32
      %add3A_162 = arith.constant 4 : i32
      %add3A_163 = arith.addi %mul3A_161, %add3A_162 : i32
      %get3A_164 = arith.index_cast %add3A_163 : i32 to index
      %get3A_165 = arith.constant 0 : index
      %get3A_166 = tpu.vector_load %arg9[%get3A_164, %get3A_165] {strides = array<i32>} : memref<640x16xf32, #tpu.memory_space<vmem>>, vector<1x16xf32>,
      %get3A_167 = vector.shape_cast %get3A_166 : vector<1x16xf32> to vector<16xf32>
      %swap3A_168 = arith.index_cast %scan3A_109 : i32 to index
      %swap3A_169 = arith.constant 64 : index
      %swap3A_170 = tpu.vector_load %arg10[%swap3A_168, %swap3A_169] {strides = array<i32>} : memref<80x128xf32, #tpu.memory_space<vmem>>, vector<1x16xf32>,
      %swap3A_171 = vector.shape_cast %swap3A_170 : vector<1x16xf32> to vector<16xf32>
      %swap3A_172 = vector.shape_cast %get3A_167 : vector<16xf32> to vector<1x16xf32>
      tpu.vector_store %arg10[%swap3A_168, %swap3A_169], %swap3A_172 {strides = array<i32>} : memref<80x128xf32, #tpu.memory_space<vmem>>, vector<1x16xf32>,
      %mul3A_173 = arith.constant 8 : i32
      %mul3A_174 = arith.muli %scan3A_109, %mul3A_173 : i32
      %add3A_175 = arith.constant 5 : i32
      %add3A_176 = arith.addi %mul3A_174, %add3A_175 : i32
      %get3A_177 = arith.index_cast %add3A_176 : i32 to index
      %get3A_178 = arith.constant 0 : index
      %get3A_179 = tpu.vector_load %arg9[%get3A_177, %get3A_178] {strides = array<i32>} : memref<640x16xf32, #tpu.memory_space<vmem>>, vector<1x16xf32>,
      %get3A_180 = vector.shape_cast %get3A_179 : vector<1x16xf32> to vector<16xf32>
      %swap3A_181 = arith.index_cast %scan3A_109 : i32 to index
      %swap3A_182 = arith.constant 80 : index
      %swap3A_183 = tpu.vector_load %arg10[%swap3A_181, %swap3A_182] {strides = array<i32>} : memref<80x128xf32, #tpu.memory_space<vmem>>, vector<1x16xf32>,
      %swap3A_184 = vector.shape_cast %swap3A_183 : vector<1x16xf32> to vector<16xf32>
      %swap3A_185 = vector.shape_cast %get3A_180 : vector<16xf32> to vector<1x16xf32>
      tpu.vector_store %arg10[%swap3A_181, %swap3A_182], %swap3A_185 {strides = array<i32>} : memref<80x128xf32, #tpu.memory_space<vmem>>, vector<1x16xf32>,
      %mul3A_186 = arith.constant 8 : i32
      %mul3A_187 = arith.muli %scan3A_109, %mul3A_186 : i32
      %add3A_188 = arith.constant 6 : i32
      %add3A_189 = arith.addi %mul3A_187, %add3A_188 : i32
      %get3A_190 = arith.index_cast %add3A_189 : i32 to index
      %get3A_191 = arith.constant 0 : index
      %get3A_192 = tpu.vector_load %arg9[%get3A_190, %get3A_191] {strides = array<i32>} : memref<640x16xf32, #tpu.memory_space<vmem>>, vector<1x16xf32>,
      %get3A_193 = vector.shape_cast %get3A_192 : vector<1x16xf32> to vector<16xf32>
      %swap3A_194 = arith.index_cast %scan3A_109 : i32 to index
      %swap3A_195 = arith.constant 96 : index
      %swap3A_196 = tpu.vector_load %arg10[%swap3A_194, %swap3A_195] {strides = array<i32>} : memref<80x128xf32, #tpu.memory_space<vmem>>, vector<1x16xf32>,
      %swap3A_197 = vector.shape_cast %swap3A_196 : vector<1x16xf32> to vector<16xf32>
      %swap3A_198 = vector.shape_cast %get3A_193 : vector<16xf32> to vector<1x16xf32>
      tpu.vector_store %arg10[%swap3A_194, %swap3A_195], %swap3A_198 {strides = array<i32>} : memref<80x128xf32, #tpu.memory_space<vmem>>, vector<1x16xf32>,
      %mul3A_199 = arith.constant 8 : i32
      %mul3A_200 = arith.muli %scan3A_109, %mul3A_199 : i32
      %add3A_201 = arith.constant 7 : i32
      %add3A_202 = arith.addi %mul3A_200, %add3A_201 : i32
      %get3A_203 = arith.index_cast %add3A_202 : i32 to index
      %get3A_204 = arith.constant 0 : index
      %get3A_205 = tpu.vector_load %arg9[%get3A_203, %get3A_204] {strides = array<i32>} : memref<640x16xf32, #tpu.memory_space<vmem>>, vector<1x16xf32>,
      %get3A_206 = vector.shape_cast %get3A_205 : vector<1x16xf32> to vector<16xf32>
      %swap3A_207 = arith.index_cast %scan3A_109 : i32 to index
      %swap3A_208 = arith.constant 112 : index
      %swap3A_209 = tpu.vector_load %arg10[%swap3A_207, %swap3A_208] {strides = array<i32>} : memref<80x128xf32, #tpu.memory_space<vmem>>, vector<1x16xf32>,
      %swap3A_210 = vector.shape_cast %swap3A_209 : vector<1x16xf32> to vector<16xf32>
      %swap3A_211 = vector.shape_cast %get3A_206 : vector<16xf32> to vector<1x16xf32>
      tpu.vector_store %arg10[%swap3A_207, %swap3A_208], %swap3A_211 {strides = array<i32>} : memref<80x128xf32, #tpu.memory_space<vmem>>, vector<1x16xf32>,
    }
    %scan3A_100 = arith.constant 80 : i32
    %eq3A_101 = arith.constant 0 : i32
    %eq3A_102 = arith.cmpi eq, %arg0, %eq3A_101 : i32
    %convert_element_type3A = arith.extui %eq3A_102 : i1 to i32
    %cond3A = arith.constant 0 : i32
    %cond3A_103 = arith.cmpi ne, %convert_element_type3A, %cond3A : i32
    scf.if %cond3A_103 {
      %mul3A_109 = arith.constant 80 : i32
      %mul3A_110 = arith.muli %arg1, %mul3A_109 : i32
      "tpu.region"() ({
        %run_scoped3A = tpu.sem_alloc : memref<!tpu.dma_semaphore, #tpu.memory_space<semaphore_mem>>
        %dma_start3A_111 = arith.constant 0 : i32
        %dma_start3A_112 = tpu.memref_slice %arg5[%mul3A_110, %dma_start3A_111] : memref<1280x128xf32, #tpu.memory_space<hbm>> -> memref<80x128xf32, #tpu.memory_space<hbm>>
        %dma_start3A_113 = arith.constant 0 : i32
        %dma_start3A_114 = tpu.memref_slice %arg5[%mul3A_110, %dma_start3A_113] : memref<1280x128xf32, #tpu.memory_space<hbm>> -> memref<80x128xf32, #tpu.memory_space<hbm>>
        tpu.enqueue_dma source(%arg10 : memref<80x128xf32, #tpu.memory_space<vmem>>) target(%dma_start3A_114 : memref<80x128xf32, #tpu.memory_space<hbm>>) target_semaphore(%run_scoped3A : memref<!tpu.dma_semaphore, #tpu.memory_space<semaphore_mem>>)
        %dma_wait3A = arith.constant 0 : i32
        %dma_wait3A_115 = tpu.memref_slice %arg5[%mul3A_110, %dma_wait3A] : memref<1280x128xf32, #tpu.memory_space<hbm>> -> memref<80x128xf32, #tpu.memory_space<hbm>>
        %dma_wait3A_116 = arith.constant 0 : i32
        %dma_wait3A_117 = tpu.memref_slice %arg5[%mul3A_110, %dma_wait3A_116] : memref<1280x128xf32, #tpu.memory_space<hbm>> -> memref<80x128xf32, #tpu.memory_space<hbm>>
        tpu.wait_dma2 semaphore(%run_scoped3A : memref<!tpu.dma_semaphore, #tpu.memory_space<semaphore_mem>>) src(%arg10 : memref<80x128xf32, #tpu.memory_space<vmem>>) dst(%dma_wait3A_117 : memref<80x128xf32, #tpu.memory_space<hbm>>)
        tpu.yield
      }) : () -> ()
    } else {
    }
    %eq3A_104 = arith.constant 1 : i32
    %eq3A_105 = arith.cmpi eq, %arg0, %eq3A_104 : i32
    %convert_element_type3A_106 = arith.extui %eq3A_105 : i1 to i32
    %cond3A_107 = arith.constant 0 : i32
    %cond3A_108 = arith.cmpi ne, %convert_element_type3A_106, %cond3A_107 : i32
    scf.if %cond3A_108 {
      %mul3A_109 = arith.constant 80 : i32
      %mul3A_110 = arith.muli %arg1, %mul3A_109 : i32
      "tpu.region"() ({
        %run_scoped3A = tpu.sem_alloc : memref<!tpu.dma_semaphore, #tpu.memory_space<semaphore_mem>>
        %dma_start3A_111 = arith.constant 0 : i32
        %dma_start3A_112 = tpu.memref_slice %arg6[%mul3A_110, %dma_start3A_111] : memref<1280x128xf32, #tpu.memory_space<hbm>> -> memref<80x128xf32, #tpu.memory_space<hbm>>
        %dma_start3A_113 = arith.constant 0 : i32
        %dma_start3A_114 = tpu.memref_slice %arg6[%mul3A_110, %dma_start3A_113] : memref<1280x128xf32, #tpu.memory_space<hbm>> -> memref<80x128xf32, #tpu.memory_space<hbm>>
        tpu.enqueue_dma source(%arg10 : memref<80x128xf32, #tpu.memory_space<vmem>>) target(%dma_start3A_114 : memref<80x128xf32, #tpu.memory_space<hbm>>) target_semaphore(%run_scoped3A : memref<!tpu.dma_semaphore, #tpu.memory_space<semaphore_mem>>)
        %dma_wait3A = arith.constant 0 : i32
        %dma_wait3A_115 = tpu.memref_slice %arg6[%mul3A_110, %dma_wait3A] : memref<1280x128xf32, #tpu.memory_space<hbm>> -> memref<80x128xf32, #tpu.memory_space<hbm>>
        %dma_wait3A_116 = arith.constant 0 : i32
        %dma_wait3A_117 = tpu.memref_slice %arg6[%mul3A_110, %dma_wait3A_116] : memref<1280x128xf32, #tpu.memory_space<hbm>> -> memref<80x128xf32, #tpu.memory_space<hbm>>
        tpu.wait_dma2 semaphore(%run_scoped3A : memref<!tpu.dma_semaphore, #tpu.memory_space<semaphore_mem>>) src(%arg10 : memref<80x128xf32, #tpu.memory_space<vmem>>) dst(%dma_wait3A_117 : memref<80x128xf32, #tpu.memory_space<hbm>>)
        tpu.yield
      }) : () -> ()
    } else {
    }
    return
  }
}

#map = affine_map<(d0, d1) -> (0, 0)>
module attributes {stable_mosaic.version = 14 : i64} {
  func.func @body(%arg0: i32, %arg1: i32, %arg2: memref<2648x128xi32, #tpu.memory_space<hbm>>, %arg3: memref<2648x128xi32, #tpu.memory_space<hbm>>, %arg4: memref<1280x128xf32, #tpu.memory_space<hbm>>, %arg5: memref<640x16xf32, #tpu.memory_space<hbm>>, %arg6: memref<1280x128xf32, #tpu.memory_space<hbm>>, %arg7: memref<1280x128xf32, #tpu.memory_space<hbm>>, %arg8: memref<10240x16xf32, #tpu.memory_space<vmem_shared>>, %arg9: memref<88x128xi32, #tpu.memory_space<vmem>>, %arg10: memref<640x16xf32, #tpu.memory_space<vmem>>, %arg11: memref<80x128xf32, #tpu.memory_space<vmem>>, %arg12: memref<10240x16xf32, #tpu.memory_space<vmem_shared>>, %arg13: memref<88x128xi32, #tpu.memory_space<vmem>>, %arg14: memref<8x128x16xf32, #tpu.memory_space<vmem>>, %arg15: memref<!tpu.dma_semaphore, #tpu.memory_space<semaphore_mem>>, %arg16: memref<!tpu.dma_semaphore, #tpu.memory_space<semaphore_mem>>, %arg17: memref<!tpu.dma_semaphore, #tpu.memory_space<semaphore_mem>>, %arg18: memref<!tpu.dma_semaphore, #tpu.memory_space<semaphore_mem>>, %arg19: memref<!tpu.dma_semaphore, #tpu.memory_space<semaphore_mem>>, %arg20: memref<!tpu.dma_semaphore, #tpu.memory_space<semaphore_mem>>, %arg21: memref<!tpu.dma_semaphore, #tpu.memory_space<semaphore_mem>>, %arg22: memref<!tpu.dma_semaphore, #tpu.memory_space<semaphore_mem>>, %arg23: memref<!tpu.dma_semaphore, #tpu.memory_space<semaphore_mem>>, %arg24: memref<!tpu.dma_semaphore, #tpu.memory_space<semaphore_mem>>, %arg25: memref<!tpu.dma_semaphore, #tpu.memory_space<semaphore_mem>>, %arg26: memref<!tpu.dma_semaphore, #tpu.memory_space<semaphore_mem>>, %arg27: memref<!tpu.dma_semaphore, #tpu.memory_space<semaphore_mem>>, %arg28: memref<!tpu.dma_semaphore, #tpu.memory_space<semaphore_mem>>, %arg29: memref<!tpu.dma_semaphore, #tpu.memory_space<semaphore_mem>>, %arg30: memref<!tpu.dma_semaphore, #tpu.memory_space<semaphore_mem>>) attributes {dimension_semantics = [#tpu.dimension_semantics<core_parallel>, #tpu.dimension_semantics<subcore_parallel>], iteration_bounds = array<i64: 2, 16>, scalar_prefetch = 0 : i64, scratch_operands = 23 : i64, tpu.core_type = #tpu.core_type<sc_vector_subcore>, window_params = [{transform_indices = #map}, {transform_indices = #map}, {transform_indices = #map}, {transform_indices = #map}, {transform_indices = #map}, {transform_indices = #map}]} {
    %eq3A = arith.constant 0 : i32
    %eq3A_0 = arith.cmpi eq, %arg0, %eq3A : i32
    %jit3A = arith.constant 88 : i32
    %jit3A_1 = arith.constant 72 : i32
    %select_n3A = arith.select %eq3A_0, %jit3A, %jit3A_1 : i32
    %eq3A_2 = arith.constant 0 : i32
    %eq3A_3 = arith.cmpi eq, %arg0, %eq3A_2 : i32
    %mul3A = arith.constant 88 : i32
    %mul3A_4 = arith.muli %arg1, %mul3A : i32
    %mul3A_5 = arith.constant 72 : i32
    %mul3A_6 = arith.muli %arg1, %mul3A_5 : i32
    %add3A = arith.constant 1408 : i32
    %add3A_7 = arith.addi %add3A, %mul3A_6 : i32
    %select_n3A_8 = arith.select %eq3A_3, %mul3A_4, %add3A_7 : i32
    %mul3A_9 = arith.constant 640 : i32
    %mul3A_10 = arith.muli %arg1, %mul3A_9 : i32
    "tpu.region"() ({
      %run_scoped3A = tpu.sem_alloc : memref<!tpu.dma_semaphore, #tpu.memory_space<semaphore_mem>>
      %dma_start3A_159 = arith.constant 0 : i32
      %dma_start3A_160 = tpu.memref_slice %arg8[%mul3A_10, %dma_start3A_159] : memref<10240x16xf32, #tpu.memory_space<vmem_shared>> -> memref<640x16xf32, #tpu.memory_space<vmem_shared>>
      tpu.enqueue_dma source(%arg5 : memref<640x16xf32, #tpu.memory_space<hbm>>) target(%dma_start3A_160 : memref<640x16xf32, #tpu.memory_space<vmem_shared>>) target_semaphore(%run_scoped3A : memref<!tpu.dma_semaphore, #tpu.memory_space<semaphore_mem>>)
      %dma_wait3A = arith.constant 0 : i32
      %dma_wait3A_161 = tpu.memref_slice %arg8[%mul3A_10, %dma_wait3A] : memref<10240x16xf32, #tpu.memory_space<vmem_shared>> -> memref<640x16xf32, #tpu.memory_space<vmem_shared>>
      tpu.wait_dma2 semaphore(%run_scoped3A : memref<!tpu.dma_semaphore, #tpu.memory_space<semaphore_mem>>) src(%arg5 : memref<640x16xf32, #tpu.memory_space<hbm>>) dst(%dma_wait3A_161 : memref<640x16xf32, #tpu.memory_space<vmem_shared>>)
      tpu.yield
    }) : () -> ()
    "tpu.region"() ({
      %run_scoped3A = tpu.sem_alloc : memref<!tpu.dma_semaphore, #tpu.memory_space<semaphore_mem>>
      %dma_start3A_159 = arith.constant 0 : i32
      %dma_start3A_160 = tpu.memref_slice %arg3[%select_n3A_8, %dma_start3A_159] : memref<2648x128xi32, #tpu.memory_space<hbm>> -> memref<88x128xi32, #tpu.memory_space<hbm>>
      %dma_start3A_161 = arith.constant 0 : i32
      %dma_start3A_162 = tpu.memref_slice %arg3[%select_n3A_8, %dma_start3A_161] : memref<2648x128xi32, #tpu.memory_space<hbm>> -> memref<88x128xi32, #tpu.memory_space<hbm>>
      tpu.enqueue_dma source(%dma_start3A_162 : memref<88x128xi32, #tpu.memory_space<hbm>>) target(%arg9 : memref<88x128xi32, #tpu.memory_space<vmem>>) target_semaphore(%run_scoped3A : memref<!tpu.dma_semaphore, #tpu.memory_space<semaphore_mem>>)
      %dma_wait3A = arith.constant 0 : i32
      %dma_wait3A_163 = tpu.memref_slice %arg3[%select_n3A_8, %dma_wait3A] : memref<2648x128xi32, #tpu.memory_space<hbm>> -> memref<88x128xi32, #tpu.memory_space<hbm>>
      %dma_wait3A_164 = arith.constant 0 : i32
      %dma_wait3A_165 = tpu.memref_slice %arg3[%select_n3A_8, %dma_wait3A_164] : memref<2648x128xi32, #tpu.memory_space<hbm>> -> memref<88x128xi32, #tpu.memory_space<hbm>>
      tpu.wait_dma2 semaphore(%run_scoped3A : memref<!tpu.dma_semaphore, #tpu.memory_space<semaphore_mem>>) src(%dma_wait3A_165 : memref<88x128xi32, #tpu.memory_space<hbm>>) dst(%arg9 : memref<88x128xi32, #tpu.memory_space<vmem>>)
      tpu.yield
    }) : () -> ()
    "tpu.region"() ({
      %run_scoped3A = tpu.sem_alloc : memref<!tpu.dma_semaphore, #tpu.memory_space<semaphore_mem>>
      %dma_start3A_159 = arith.constant 0 : i32
      %dma_start3A_160 = tpu.memref_slice %arg2[%select_n3A_8, %dma_start3A_159] : memref<2648x128xi32, #tpu.memory_space<hbm>> -> memref<88x128xi32, #tpu.memory_space<hbm>>
      %dma_start3A_161 = arith.constant 0 : i32
      %dma_start3A_162 = tpu.memref_slice %arg2[%select_n3A_8, %dma_start3A_161] : memref<2648x128xi32, #tpu.memory_space<hbm>> -> memref<88x128xi32, #tpu.memory_space<hbm>>
      tpu.enqueue_dma source(%dma_start3A_162 : memref<88x128xi32, #tpu.memory_space<hbm>>) target(%arg13 : memref<88x128xi32, #tpu.memory_space<vmem>>) target_semaphore(%run_scoped3A : memref<!tpu.dma_semaphore, #tpu.memory_space<semaphore_mem>>)
      %dma_wait3A = arith.constant 0 : i32
      %dma_wait3A_163 = tpu.memref_slice %arg2[%select_n3A_8, %dma_wait3A] : memref<2648x128xi32, #tpu.memory_space<hbm>> -> memref<88x128xi32, #tpu.memory_space<hbm>>
      %dma_wait3A_164 = arith.constant 0 : i32
      %dma_wait3A_165 = tpu.memref_slice %arg2[%select_n3A_8, %dma_wait3A_164] : memref<2648x128xi32, #tpu.memory_space<hbm>> -> memref<88x128xi32, #tpu.memory_space<hbm>>
      tpu.wait_dma2 semaphore(%run_scoped3A : memref<!tpu.dma_semaphore, #tpu.memory_space<semaphore_mem>>) src(%dma_wait3A_165 : memref<88x128xi32, #tpu.memory_space<hbm>>) dst(%arg13 : memref<88x128xi32, #tpu.memory_space<vmem>>)
      tpu.yield
    }) : () -> ()
    %mul3A_11 = arith.constant 80 : i32
    %mul3A_12 = arith.muli %arg1, %mul3A_11 : i32
    "tpu.region"() ({
      %run_scoped3A = tpu.sem_alloc : memref<!tpu.dma_semaphore, #tpu.memory_space<semaphore_mem>>
      %dma_start3A_159 = arith.constant 0 : i32
      %dma_start3A_160 = tpu.memref_slice %arg4[%mul3A_12, %dma_start3A_159] : memref<1280x128xf32, #tpu.memory_space<hbm>> -> memref<80x128xf32, #tpu.memory_space<hbm>>
      %dma_start3A_161 = arith.constant 0 : i32
      %dma_start3A_162 = tpu.memref_slice %arg4[%mul3A_12, %dma_start3A_161] : memref<1280x128xf32, #tpu.memory_space<hbm>> -> memref<80x128xf32, #tpu.memory_space<hbm>>
      tpu.enqueue_dma source(%dma_start3A_162 : memref<80x128xf32, #tpu.memory_space<hbm>>) target(%arg11 : memref<80x128xf32, #tpu.memory_space<vmem>>) target_semaphore(%run_scoped3A : memref<!tpu.dma_semaphore, #tpu.memory_space<semaphore_mem>>)
      %dma_wait3A = arith.constant 0 : i32
      %dma_wait3A_163 = tpu.memref_slice %arg4[%mul3A_12, %dma_wait3A] : memref<1280x128xf32, #tpu.memory_space<hbm>> -> memref<80x128xf32, #tpu.memory_space<hbm>>
      %dma_wait3A_164 = arith.constant 0 : i32
      %dma_wait3A_165 = tpu.memref_slice %arg4[%mul3A_12, %dma_wait3A_164] : memref<1280x128xf32, #tpu.memory_space<hbm>> -> memref<80x128xf32, #tpu.memory_space<hbm>>
      tpu.wait_dma2 semaphore(%run_scoped3A : memref<!tpu.dma_semaphore, #tpu.memory_space<semaphore_mem>>) src(%dma_wait3A_165 : memref<80x128xf32, #tpu.memory_space<hbm>>) dst(%arg11 : memref<80x128xf32, #tpu.memory_space<vmem>>)
      tpu.yield
    }) : () -> ()
    %scan3A = arith.constant 0 : i32
    %scan3A_13 = arith.constant 0 : i32
    %scan3A_14 = arith.constant 80 : i32
    %scan3A_15 = arith.addi %scan3A_13, %scan3A_14 : i32
    %scan3A_16 = arith.constant 1 : i32
    scf.for %scan3A_159 = %scan3A_13 to %scan3A_15 step %scan3A_16  : i32 {
      %get3A = arith.index_cast %scan3A_159 : i32 to index
      %get3A_160 = arith.constant 0 : index
      %get3A_161 = tpu.vector_load %arg11[%get3A, %get3A_160] {strides = array<i32>} : memref<80x128xf32, #tpu.memory_space<vmem>>, vector<1x16xf32>,
      %get3A_162 = vector.shape_cast %get3A_161 : vector<1x16xf32> to vector<16xf32>
      %mul3A_163 = arith.constant 8 : i32
      %mul3A_164 = arith.muli %scan3A_159, %mul3A_163 : i32
      %add3A_165 = arith.constant 0 : i32
      %add3A_166 = arith.addi %mul3A_164, %add3A_165 : i32
      %swap3A = arith.index_cast %add3A_166 : i32 to index
      %swap3A_167 = arith.constant 0 : index
      %swap3A_168 = tpu.vector_load %arg10[%swap3A, %swap3A_167] {strides = array<i32>} : memref<640x16xf32, #tpu.memory_space<vmem>>, vector<1x16xf32>,
      %swap3A_169 = vector.shape_cast %swap3A_168 : vector<1x16xf32> to vector<16xf32>
      %swap3A_170 = vector.shape_cast %get3A_162 : vector<16xf32> to vector<1x16xf32>
      tpu.vector_store %arg10[%swap3A, %swap3A_167], %swap3A_170 {strides = array<i32>} : memref<640x16xf32, #tpu.memory_space<vmem>>, vector<1x16xf32>,
      %get3A_171 = arith.index_cast %scan3A_159 : i32 to index
      %get3A_172 = arith.constant 16 : index
      %get3A_173 = tpu.vector_load %arg11[%get3A_171, %get3A_172] {strides = array<i32>} : memref<80x128xf32, #tpu.memory_space<vmem>>, vector<1x16xf32>,
      %get3A_174 = vector.shape_cast %get3A_173 : vector<1x16xf32> to vector<16xf32>
      %mul3A_175 = arith.constant 8 : i32
      %mul3A_176 = arith.muli %scan3A_159, %mul3A_175 : i32
      %add3A_177 = arith.constant 1 : i32
      %add3A_178 = arith.addi %mul3A_176, %add3A_177 : i32
      %swap3A_179 = arith.index_cast %add3A_178 : i32 to index
      %swap3A_180 = arith.constant 0 : index
      %swap3A_181 = tpu.vector_load %arg10[%swap3A_179, %swap3A_180] {strides = array<i32>} : memref<640x16xf32, #tpu.memory_space<vmem>>, vector<1x16xf32>,
      %swap3A_182 = vector.shape_cast %swap3A_181 : vector<1x16xf32> to vector<16xf32>
      %swap3A_183 = vector.shape_cast %get3A_174 : vector<16xf32> to vector<1x16xf32>
      tpu.vector_store %arg10[%swap3A_179, %swap3A_180], %swap3A_183 {strides = array<i32>} : memref<640x16xf32, #tpu.memory_space<vmem>>, vector<1x16xf32>,
      %get3A_184 = arith.index_cast %scan3A_159 : i32 to index
      %get3A_185 = arith.constant 32 : index
      %get3A_186 = tpu.vector_load %arg11[%get3A_184, %get3A_185] {strides = array<i32>} : memref<80x128xf32, #tpu.memory_space<vmem>>, vector<1x16xf32>,
      %get3A_187 = vector.shape_cast %get3A_186 : vector<1x16xf32> to vector<16xf32>
      %mul3A_188 = arith.constant 8 : i32
      %mul3A_189 = arith.muli %scan3A_159, %mul3A_188 : i32
      %add3A_190 = arith.constant 2 : i32
      %add3A_191 = arith.addi %mul3A_189, %add3A_190 : i32
      %swap3A_192 = arith.index_cast %add3A_191 : i32 to index
      %swap3A_193 = arith.constant 0 : index
      %swap3A_194 = tpu.vector_load %arg10[%swap3A_192, %swap3A_193] {strides = array<i32>} : memref<640x16xf32, #tpu.memory_space<vmem>>, vector<1x16xf32>,
      %swap3A_195 = vector.shape_cast %swap3A_194 : vector<1x16xf32> to vector<16xf32>
      %swap3A_196 = vector.shape_cast %get3A_187 : vector<16xf32> to vector<1x16xf32>
      tpu.vector_store %arg10[%swap3A_192, %swap3A_193], %swap3A_196 {strides = array<i32>} : memref<640x16xf32, #tpu.memory_space<vmem>>, vector<1x16xf32>,
      %get3A_197 = arith.index_cast %scan3A_159 : i32 to index
      %get3A_198 = arith.constant 48 : index
      %get3A_199 = tpu.vector_load %arg11[%get3A_197, %get3A_198] {strides = array<i32>} : memref<80x128xf32, #tpu.memory_space<vmem>>, vector<1x16xf32>,
      %get3A_200 = vector.shape_cast %get3A_199 : vector<1x16xf32> to vector<16xf32>
      %mul3A_201 = arith.constant 8 : i32
      %mul3A_202 = arith.muli %scan3A_159, %mul3A_201 : i32
      %add3A_203 = arith.constant 3 : i32
      %add3A_204 = arith.addi %mul3A_202, %add3A_203 : i32
      %swap3A_205 = arith.index_cast %add3A_204 : i32 to index
      %swap3A_206 = arith.constant 0 : index
      %swap3A_207 = tpu.vector_load %arg10[%swap3A_205, %swap3A_206] {strides = array<i32>} : memref<640x16xf32, #tpu.memory_space<vmem>>, vector<1x16xf32>,
      %swap3A_208 = vector.shape_cast %swap3A_207 : vector<1x16xf32> to vector<16xf32>
      %swap3A_209 = vector.shape_cast %get3A_200 : vector<16xf32> to vector<1x16xf32>
      tpu.vector_store %arg10[%swap3A_205, %swap3A_206], %swap3A_209 {strides = array<i32>} : memref<640x16xf32, #tpu.memory_space<vmem>>, vector<1x16xf32>,
      %get3A_210 = arith.index_cast %scan3A_159 : i32 to index
      %get3A_211 = arith.constant 64 : index
      %get3A_212 = tpu.vector_load %arg11[%get3A_210, %get3A_211] {strides = array<i32>} : memref<80x128xf32, #tpu.memory_space<vmem>>, vector<1x16xf32>,
      %get3A_213 = vector.shape_cast %get3A_212 : vector<1x16xf32> to vector<16xf32>
      %mul3A_214 = arith.constant 8 : i32
      %mul3A_215 = arith.muli %scan3A_159, %mul3A_214 : i32
      %add3A_216 = arith.constant 4 : i32
      %add3A_217 = arith.addi %mul3A_215, %add3A_216 : i32
      %swap3A_218 = arith.index_cast %add3A_217 : i32 to index
      %swap3A_219 = arith.constant 0 : index
      %swap3A_220 = tpu.vector_load %arg10[%swap3A_218, %swap3A_219] {strides = array<i32>} : memref<640x16xf32, #tpu.memory_space<vmem>>, vector<1x16xf32>,
      %swap3A_221 = vector.shape_cast %swap3A_220 : vector<1x16xf32> to vector<16xf32>
      %swap3A_222 = vector.shape_cast %get3A_213 : vector<16xf32> to vector<1x16xf32>
      tpu.vector_store %arg10[%swap3A_218, %swap3A_219], %swap3A_222 {strides = array<i32>} : memref<640x16xf32, #tpu.memory_space<vmem>>, vector<1x16xf32>,
      %get3A_223 = arith.index_cast %scan3A_159 : i32 to index
      %get3A_224 = arith.constant 80 : index
      %get3A_225 = tpu.vector_load %arg11[%get3A_223, %get3A_224] {strides = array<i32>} : memref<80x128xf32, #tpu.memory_space<vmem>>, vector<1x16xf32>,
      %get3A_226 = vector.shape_cast %get3A_225 : vector<1x16xf32> to vector<16xf32>
      %mul3A_227 = arith.constant 8 : i32
      %mul3A_228 = arith.muli %scan3A_159, %mul3A_227 : i32
      %add3A_229 = arith.constant 5 : i32
      %add3A_230 = arith.addi %mul3A_228, %add3A_229 : i32
      %swap3A_231 = arith.index_cast %add3A_230 : i32 to index
      %swap3A_232 = arith.constant 0 : index
      %swap3A_233 = tpu.vector_load %arg10[%swap3A_231, %swap3A_232] {strides = array<i32>} : memref<640x16xf32, #tpu.memory_space<vmem>>, vector<1x16xf32>,
      %swap3A_234 = vector.shape_cast %swap3A_233 : vector<1x16xf32> to vector<16xf32>
      %swap3A_235 = vector.shape_cast %get3A_226 : vector<16xf32> to vector<1x16xf32>
      tpu.vector_store %arg10[%swap3A_231, %swap3A_232], %swap3A_235 {strides = array<i32>} : memref<640x16xf32, #tpu.memory_space<vmem>>, vector<1x16xf32>,
      %get3A_236 = arith.index_cast %scan3A_159 : i32 to index
      %get3A_237 = arith.constant 96 : index
      %get3A_238 = tpu.vector_load %arg11[%get3A_236, %get3A_237] {strides = array<i32>} : memref<80x128xf32, #tpu.memory_space<vmem>>, vector<1x16xf32>,
      %get3A_239 = vector.shape_cast %get3A_238 : vector<1x16xf32> to vector<16xf32>
      %mul3A_240 = arith.constant 8 : i32
      %mul3A_241 = arith.muli %scan3A_159, %mul3A_240 : i32
      %add3A_242 = arith.constant 6 : i32
      %add3A_243 = arith.addi %mul3A_241, %add3A_242 : i32
      %swap3A_244 = arith.index_cast %add3A_243 : i32 to index
      %swap3A_245 = arith.constant 0 : index
      %swap3A_246 = tpu.vector_load %arg10[%swap3A_244, %swap3A_245] {strides = array<i32>} : memref<640x16xf32, #tpu.memory_space<vmem>>, vector<1x16xf32>,
      %swap3A_247 = vector.shape_cast %swap3A_246 : vector<1x16xf32> to vector<16xf32>
      %swap3A_248 = vector.shape_cast %get3A_239 : vector<16xf32> to vector<1x16xf32>
      tpu.vector_store %arg10[%swap3A_244, %swap3A_245], %swap3A_248 {strides = array<i32>} : memref<640x16xf32, #tpu.memory_space<vmem>>, vector<1x16xf32>,
      %get3A_249 = arith.index_cast %scan3A_159 : i32 to index
      %get3A_250 = arith.constant 112 : index
      %get3A_251 = tpu.vector_load %arg11[%get3A_249, %get3A_250] {strides = array<i32>} : memref<80x128xf32, #tpu.memory_space<vmem>>, vector<1x16xf32>,
      %get3A_252 = vector.shape_cast %get3A_251 : vector<1x16xf32> to vector<16xf32>
      %mul3A_253 = arith.constant 8 : i32
      %mul3A_254 = arith.muli %scan3A_159, %mul3A_253 : i32
      %add3A_255 = arith.constant 7 : i32
      %add3A_256 = arith.addi %mul3A_254, %add3A_255 : i32
      %swap3A_257 = arith.index_cast %add3A_256 : i32 to index
      %swap3A_258 = arith.constant 0 : index
      %swap3A_259 = tpu.vector_load %arg10[%swap3A_257, %swap3A_258] {strides = array<i32>} : memref<640x16xf32, #tpu.memory_space<vmem>>, vector<1x16xf32>,
      %swap3A_260 = vector.shape_cast %swap3A_259 : vector<1x16xf32> to vector<16xf32>
      %swap3A_261 = vector.shape_cast %get3A_252 : vector<16xf32> to vector<1x16xf32>
      tpu.vector_store %arg10[%swap3A_257, %swap3A_258], %swap3A_261 {strides = array<i32>} : memref<640x16xf32, #tpu.memory_space<vmem>>, vector<1x16xf32>,
    }
    %scan3A_17 = arith.constant 80 : i32
    %mul3A_18 = arith.constant 640 : i32
    %mul3A_19 = arith.muli %arg1, %mul3A_18 : i32
    "tpu.region"() ({
      %run_scoped3A = tpu.sem_alloc : memref<!tpu.dma_semaphore, #tpu.memory_space<semaphore_mem>>
      %dma_start3A_159 = arith.constant 0 : i32
      %dma_start3A_160 = tpu.memref_slice %arg12[%mul3A_19, %dma_start3A_159] : memref<10240x16xf32, #tpu.memory_space<vmem_shared>> -> memref<640x16xf32, #tpu.memory_space<vmem_shared>>
      %dma_start3A_161 = arith.constant 0 : i32
      %dma_start3A_162 = tpu.memref_slice %arg12[%mul3A_19, %dma_start3A_161] : memref<10240x16xf32, #tpu.memory_space<vmem_shared>> -> memref<640x16xf32, #tpu.memory_space<vmem_shared>>
      tpu.enqueue_dma source(%arg10 : memref<640x16xf32, #tpu.memory_space<vmem>>) target(%dma_start3A_162 : memref<640x16xf32, #tpu.memory_space<vmem_shared>>) target_semaphore(%run_scoped3A : memref<!tpu.dma_semaphore, #tpu.memory_space<semaphore_mem>>)
      %dma_wait3A = arith.constant 0 : i32
      %dma_wait3A_163 = tpu.memref_slice %arg12[%mul3A_19, %dma_wait3A] : memref<10240x16xf32, #tpu.memory_space<vmem_shared>> -> memref<640x16xf32, #tpu.memory_space<vmem_shared>>
      %dma_wait3A_164 = arith.constant 0 : i32
      %dma_wait3A_165 = tpu.memref_slice %arg12[%mul3A_19, %dma_wait3A_164] : memref<10240x16xf32, #tpu.memory_space<vmem_shared>> -> memref<640x16xf32, #tpu.memory_space<vmem_shared>>
      tpu.wait_dma2 semaphore(%run_scoped3A : memref<!tpu.dma_semaphore, #tpu.memory_space<semaphore_mem>>) src(%arg10 : memref<640x16xf32, #tpu.memory_space<vmem>>) dst(%dma_wait3A_165 : memref<640x16xf32, #tpu.memory_space<vmem_shared>>)
      tpu.yield
    }) : () -> ()
    %barrier3A = arith.constant 0 : index
    tpu.barrier barrier_id(%barrier3A)
    %dma_start3A = arith.constant 0 : i32
    %dma_start3A_20 = arith.constant 0 : i32
    %dma_start3A_21 = arith.constant 0 : i32
    %dma_start3A_22 = arith.constant 0 : i32
    %dma_start3A_23 = tpu.memref_slice %arg14[%dma_start3A_20, %dma_start3A_21, %dma_start3A_22] : memref<8x128x16xf32, #tpu.memory_space<vmem>> -> memref<1x128x16xf32, #tpu.memory_space<vmem>>
    %dma_start3A_24 = tpu.memref_squeeze %dma_start3A_23 : memref<1x128x16xf32, #tpu.memory_space<vmem>> -> memref<128x16xf32, #tpu.memory_space<vmem>>
    %dma_start3A_25 = arith.constant 0 : i32
    %dma_start3A_26 = tpu.memref_slice %arg13[%dma_start3A, %dma_start3A_25] : memref<88x128xi32, #tpu.memory_space<vmem>> -> memref<1x128xi32, #tpu.memory_space<vmem>>
    %dma_start3A_27 = tpu.memref_squeeze %dma_start3A_26 : memref<1x128xi32, #tpu.memory_space<vmem>> -> memref<128xi32, #tpu.memory_space<vmem>>
    %dma_start3A_28 = arith.constant 0 : i32
    %dma_start3A_29 = arith.constant 0 : i32
    %dma_start3A_30 = tpu.memref_slice %arg12[%dma_start3A_28, %dma_start3A_29] : memref<10240x16xf32, #tpu.memory_space<vmem_shared>> -> memref<10240x16xf32, #tpu.memory_space<vmem_shared>>
    tpu.enqueue_indirect_dma source(%dma_start3A_30 : memref<10240x16xf32, #tpu.memory_space<vmem_shared>>) target(%dma_start3A_24 : memref<128x16xf32, #tpu.memory_space<vmem>>) offsets(%dma_start3A_27 : memref<128xi32, #tpu.memory_space<vmem>>) semaphore(%arg15 : memref<!tpu.dma_semaphore, #tpu.memory_space<semaphore_mem>>)
    %dma_start3A_31 = arith.constant 1 : i32
    %dma_start3A_32 = arith.constant 1 : i32
    %dma_start3A_33 = arith.constant 0 : i32
    %dma_start3A_34 = arith.constant 0 : i32
    %dma_start3A_35 = tpu.memref_slice %arg14[%dma_start3A_32, %dma_start3A_33, %dma_start3A_34] : memref<8x128x16xf32, #tpu.memory_space<vmem>> -> memref<1x128x16xf32, #tpu.memory_space<vmem>>
    %dma_start3A_36 = tpu.memref_squeeze %dma_start3A_35 : memref<1x128x16xf32, #tpu.memory_space<vmem>> -> memref<128x16xf32, #tpu.memory_space<vmem>>
    %dma_start3A_37 = arith.constant 0 : i32
    %dma_start3A_38 = tpu.memref_slice %arg13[%dma_start3A_31, %dma_start3A_37] : memref<88x128xi32, #tpu.memory_space<vmem>> -> memref<1x128xi32, #tpu.memory_space<vmem>>
    %dma_start3A_39 = tpu.memref_squeeze %dma_start3A_38 : memref<1x128xi32, #tpu.memory_space<vmem>> -> memref<128xi32, #tpu.memory_space<vmem>>
    %dma_start3A_40 = arith.constant 0 : i32
    %dma_start3A_41 = arith.constant 0 : i32
    %dma_start3A_42 = tpu.memref_slice %arg12[%dma_start3A_40, %dma_start3A_41] : memref<10240x16xf32, #tpu.memory_space<vmem_shared>> -> memref<10240x16xf32, #tpu.memory_space<vmem_shared>>
    tpu.enqueue_indirect_dma source(%dma_start3A_42 : memref<10240x16xf32, #tpu.memory_space<vmem_shared>>) target(%dma_start3A_36 : memref<128x16xf32, #tpu.memory_space<vmem>>) offsets(%dma_start3A_39 : memref<128xi32, #tpu.memory_space<vmem>>) semaphore(%arg16 : memref<!tpu.dma_semaphore, #tpu.memory_space<semaphore_mem>>)
    %dma_start3A_43 = arith.constant 2 : i32
    %dma_start3A_44 = arith.constant 2 : i32
    %dma_start3A_45 = arith.constant 0 : i32
    %dma_start3A_46 = arith.constant 0 : i32
    %dma_start3A_47 = tpu.memref_slice %arg14[%dma_start3A_44, %dma_start3A_45, %dma_start3A_46] : memref<8x128x16xf32, #tpu.memory_space<vmem>> -> memref<1x128x16xf32, #tpu.memory_space<vmem>>
    %dma_start3A_48 = tpu.memref_squeeze %dma_start3A_47 : memref<1x128x16xf32, #tpu.memory_space<vmem>> -> memref<128x16xf32, #tpu.memory_space<vmem>>
    %dma_start3A_49 = arith.constant 0 : i32
    %dma_start3A_50 = tpu.memref_slice %arg13[%dma_start3A_43, %dma_start3A_49] : memref<88x128xi32, #tpu.memory_space<vmem>> -> memref<1x128xi32, #tpu.memory_space<vmem>>
    %dma_start3A_51 = tpu.memref_squeeze %dma_start3A_50 : memref<1x128xi32, #tpu.memory_space<vmem>> -> memref<128xi32, #tpu.memory_space<vmem>>
    %dma_start3A_52 = arith.constant 0 : i32
    %dma_start3A_53 = arith.constant 0 : i32
    %dma_start3A_54 = tpu.memref_slice %arg12[%dma_start3A_52, %dma_start3A_53] : memref<10240x16xf32, #tpu.memory_space<vmem_shared>> -> memref<10240x16xf32, #tpu.memory_space<vmem_shared>>
    tpu.enqueue_indirect_dma source(%dma_start3A_54 : memref<10240x16xf32, #tpu.memory_space<vmem_shared>>) target(%dma_start3A_48 : memref<128x16xf32, #tpu.memory_space<vmem>>) offsets(%dma_start3A_51 : memref<128xi32, #tpu.memory_space<vmem>>) semaphore(%arg17 : memref<!tpu.dma_semaphore, #tpu.memory_space<semaphore_mem>>)
    %dma_start3A_55 = arith.constant 3 : i32
    %dma_start3A_56 = arith.constant 3 : i32
    %dma_start3A_57 = arith.constant 0 : i32
    %dma_start3A_58 = arith.constant 0 : i32
    %dma_start3A_59 = tpu.memref_slice %arg14[%dma_start3A_56, %dma_start3A_57, %dma_start3A_58] : memref<8x128x16xf32, #tpu.memory_space<vmem>> -> memref<1x128x16xf32, #tpu.memory_space<vmem>>
    %dma_start3A_60 = tpu.memref_squeeze %dma_start3A_59 : memref<1x128x16xf32, #tpu.memory_space<vmem>> -> memref<128x16xf32, #tpu.memory_space<vmem>>
    %dma_start3A_61 = arith.constant 0 : i32
    %dma_start3A_62 = tpu.memref_slice %arg13[%dma_start3A_55, %dma_start3A_61] : memref<88x128xi32, #tpu.memory_space<vmem>> -> memref<1x128xi32, #tpu.memory_space<vmem>>
    %dma_start3A_63 = tpu.memref_squeeze %dma_start3A_62 : memref<1x128xi32, #tpu.memory_space<vmem>> -> memref<128xi32, #tpu.memory_space<vmem>>
    %dma_start3A_64 = arith.constant 0 : i32
    %dma_start3A_65 = arith.constant 0 : i32
    %dma_start3A_66 = tpu.memref_slice %arg12[%dma_start3A_64, %dma_start3A_65] : memref<10240x16xf32, #tpu.memory_space<vmem_shared>> -> memref<10240x16xf32, #tpu.memory_space<vmem_shared>>
    tpu.enqueue_indirect_dma source(%dma_start3A_66 : memref<10240x16xf32, #tpu.memory_space<vmem_shared>>) target(%dma_start3A_60 : memref<128x16xf32, #tpu.memory_space<vmem>>) offsets(%dma_start3A_63 : memref<128xi32, #tpu.memory_space<vmem>>) semaphore(%arg18 : memref<!tpu.dma_semaphore, #tpu.memory_space<semaphore_mem>>)
    %dma_start3A_67 = arith.constant 4 : i32
    %dma_start3A_68 = arith.constant 4 : i32
    %dma_start3A_69 = arith.constant 0 : i32
    %dma_start3A_70 = arith.constant 0 : i32
    %dma_start3A_71 = tpu.memref_slice %arg14[%dma_start3A_68, %dma_start3A_69, %dma_start3A_70] : memref<8x128x16xf32, #tpu.memory_space<vmem>> -> memref<1x128x16xf32, #tpu.memory_space<vmem>>
    %dma_start3A_72 = tpu.memref_squeeze %dma_start3A_71 : memref<1x128x16xf32, #tpu.memory_space<vmem>> -> memref<128x16xf32, #tpu.memory_space<vmem>>
    %dma_start3A_73 = arith.constant 0 : i32
    %dma_start3A_74 = tpu.memref_slice %arg13[%dma_start3A_67, %dma_start3A_73] : memref<88x128xi32, #tpu.memory_space<vmem>> -> memref<1x128xi32, #tpu.memory_space<vmem>>
    %dma_start3A_75 = tpu.memref_squeeze %dma_start3A_74 : memref<1x128xi32, #tpu.memory_space<vmem>> -> memref<128xi32, #tpu.memory_space<vmem>>
    %dma_start3A_76 = arith.constant 0 : i32
    %dma_start3A_77 = arith.constant 0 : i32
    %dma_start3A_78 = tpu.memref_slice %arg12[%dma_start3A_76, %dma_start3A_77] : memref<10240x16xf32, #tpu.memory_space<vmem_shared>> -> memref<10240x16xf32, #tpu.memory_space<vmem_shared>>
    tpu.enqueue_indirect_dma source(%dma_start3A_78 : memref<10240x16xf32, #tpu.memory_space<vmem_shared>>) target(%dma_start3A_72 : memref<128x16xf32, #tpu.memory_space<vmem>>) offsets(%dma_start3A_75 : memref<128xi32, #tpu.memory_space<vmem>>) semaphore(%arg19 : memref<!tpu.dma_semaphore, #tpu.memory_space<semaphore_mem>>)
    %dma_start3A_79 = arith.constant 5 : i32
    %dma_start3A_80 = arith.constant 5 : i32
    %dma_start3A_81 = arith.constant 0 : i32
    %dma_start3A_82 = arith.constant 0 : i32
    %dma_start3A_83 = tpu.memref_slice %arg14[%dma_start3A_80, %dma_start3A_81, %dma_start3A_82] : memref<8x128x16xf32, #tpu.memory_space<vmem>> -> memref<1x128x16xf32, #tpu.memory_space<vmem>>
    %dma_start3A_84 = tpu.memref_squeeze %dma_start3A_83 : memref<1x128x16xf32, #tpu.memory_space<vmem>> -> memref<128x16xf32, #tpu.memory_space<vmem>>
    %dma_start3A_85 = arith.constant 0 : i32
    %dma_start3A_86 = tpu.memref_slice %arg13[%dma_start3A_79, %dma_start3A_85] : memref<88x128xi32, #tpu.memory_space<vmem>> -> memref<1x128xi32, #tpu.memory_space<vmem>>
    %dma_start3A_87 = tpu.memref_squeeze %dma_start3A_86 : memref<1x128xi32, #tpu.memory_space<vmem>> -> memref<128xi32, #tpu.memory_space<vmem>>
    %dma_start3A_88 = arith.constant 0 : i32
    %dma_start3A_89 = arith.constant 0 : i32
    %dma_start3A_90 = tpu.memref_slice %arg12[%dma_start3A_88, %dma_start3A_89] : memref<10240x16xf32, #tpu.memory_space<vmem_shared>> -> memref<10240x16xf32, #tpu.memory_space<vmem_shared>>
    tpu.enqueue_indirect_dma source(%dma_start3A_90 : memref<10240x16xf32, #tpu.memory_space<vmem_shared>>) target(%dma_start3A_84 : memref<128x16xf32, #tpu.memory_space<vmem>>) offsets(%dma_start3A_87 : memref<128xi32, #tpu.memory_space<vmem>>) semaphore(%arg20 : memref<!tpu.dma_semaphore, #tpu.memory_space<semaphore_mem>>)
    %dma_start3A_91 = arith.constant 6 : i32
    %dma_start3A_92 = arith.constant 6 : i32
    %dma_start3A_93 = arith.constant 0 : i32
    %dma_start3A_94 = arith.constant 0 : i32
    %dma_start3A_95 = tpu.memref_slice %arg14[%dma_start3A_92, %dma_start3A_93, %dma_start3A_94] : memref<8x128x16xf32, #tpu.memory_space<vmem>> -> memref<1x128x16xf32, #tpu.memory_space<vmem>>
    %dma_start3A_96 = tpu.memref_squeeze %dma_start3A_95 : memref<1x128x16xf32, #tpu.memory_space<vmem>> -> memref<128x16xf32, #tpu.memory_space<vmem>>
    %dma_start3A_97 = arith.constant 0 : i32
    %dma_start3A_98 = tpu.memref_slice %arg13[%dma_start3A_91, %dma_start3A_97] : memref<88x128xi32, #tpu.memory_space<vmem>> -> memref<1x128xi32, #tpu.memory_space<vmem>>
    %dma_start3A_99 = tpu.memref_squeeze %dma_start3A_98 : memref<1x128xi32, #tpu.memory_space<vmem>> -> memref<128xi32, #tpu.memory_space<vmem>>
    %dma_start3A_100 = arith.constant 0 : i32
    %dma_start3A_101 = arith.constant 0 : i32
    %dma_start3A_102 = tpu.memref_slice %arg12[%dma_start3A_100, %dma_start3A_101] : memref<10240x16xf32, #tpu.memory_space<vmem_shared>> -> memref<10240x16xf32, #tpu.memory_space<vmem_shared>>
    tpu.enqueue_indirect_dma source(%dma_start3A_102 : memref<10240x16xf32, #tpu.memory_space<vmem_shared>>) target(%dma_start3A_96 : memref<128x16xf32, #tpu.memory_space<vmem>>) offsets(%dma_start3A_99 : memref<128xi32, #tpu.memory_space<vmem>>) semaphore(%arg21 : memref<!tpu.dma_semaphore, #tpu.memory_space<semaphore_mem>>)
    %dma_start3A_103 = arith.constant 7 : i32
    %dma_start3A_104 = arith.constant 7 : i32
    %dma_start3A_105 = arith.constant 0 : i32
    %dma_start3A_106 = arith.constant 0 : i32
    %dma_start3A_107 = tpu.memref_slice %arg14[%dma_start3A_104, %dma_start3A_105, %dma_start3A_106] : memref<8x128x16xf32, #tpu.memory_space<vmem>> -> memref<1x128x16xf32, #tpu.memory_space<vmem>>
    %dma_start3A_108 = tpu.memref_squeeze %dma_start3A_107 : memref<1x128x16xf32, #tpu.memory_space<vmem>> -> memref<128x16xf32, #tpu.memory_space<vmem>>
    %dma_start3A_109 = arith.constant 0 : i32
    %dma_start3A_110 = tpu.memref_slice %arg13[%dma_start3A_103, %dma_start3A_109] : memref<88x128xi32, #tpu.memory_space<vmem>> -> memref<1x128xi32, #tpu.memory_space<vmem>>
    %dma_start3A_111 = tpu.memref_squeeze %dma_start3A_110 : memref<1x128xi32, #tpu.memory_space<vmem>> -> memref<128xi32, #tpu.memory_space<vmem>>
    %dma_start3A_112 = arith.constant 0 : i32
    %dma_start3A_113 = arith.constant 0 : i32
    %dma_start3A_114 = tpu.memref_slice %arg12[%dma_start3A_112, %dma_start3A_113] : memref<10240x16xf32, #tpu.memory_space<vmem_shared>> -> memref<10240x16xf32, #tpu.memory_space<vmem_shared>>
    tpu.enqueue_indirect_dma source(%dma_start3A_114 : memref<10240x16xf32, #tpu.memory_space<vmem_shared>>) target(%dma_start3A_108 : memref<128x16xf32, #tpu.memory_space<vmem>>) offsets(%dma_start3A_111 : memref<128xi32, #tpu.memory_space<vmem>>) semaphore(%arg22 : memref<!tpu.dma_semaphore, #tpu.memory_space<semaphore_mem>>)
    %jit3A_115 = arith.constant 8 : i32
    %div3A = arith.divsi %select_n3A, %jit3A_115 : i32
    %sign3A = arith.constant 0 : i32
    %sign3A_116 = arith.cmpi sgt, %select_n3A, %sign3A : i32
    %sign3A_117 = arith.extui %sign3A_116 : i1 to i32
    %sign3A_118 = arith.constant 0 : i32
    %sign3A_119 = arith.cmpi slt, %select_n3A, %sign3A_118 : i32
    %sign3A_120 = arith.extui %sign3A_119 : i1 to i32
    %sign3A_121 = arith.subi %sign3A_117, %sign3A_120 : i32
    %sign3A_122 = arith.constant 0 : i32
    %sign3A_123 = arith.cmpi sgt, %jit3A_115, %sign3A_122 : i32
    %sign3A_124 = arith.extui %sign3A_123 : i1 to i32
    %sign3A_125 = arith.constant 0 : i32
    %sign3A_126 = arith.cmpi slt, %jit3A_115, %sign3A_125 : i32
    %sign3A_127 = arith.extui %sign3A_126 : i1 to i32
    %sign3A_128 = arith.subi %sign3A_124, %sign3A_127 : i32
    %ne3A = arith.cmpi ne, %sign3A_121, %sign3A_128 : i32
    %rem3A = arith.remsi %select_n3A, %jit3A_115 : i32
    %ne3A_129 = arith.constant 0 : i32
    %ne3A_130 = arith.cmpi ne, %rem3A, %ne3A_129 : i32
    %and3A = arith.andi %ne3A, %ne3A_130 : i1
    %sub3A = arith.constant 1 : i32
    %sub3A_131 = arith.subi %div3A, %sub3A : i32
    %select_n3A_132 = arith.select %and3A, %sub3A_131, %div3A : i32
    %while3A = arith.constant 0 : i32
    %while3A_133 = arith.constant 0 : i32
    %while3A_134 = arith.subi %select_n3A_132, %while3A_133 : i32
    %while3A_135 = arith.addi %while3A_133, %while3A_134 : i32
    %while3A_136 = arith.constant 1 : i32
    %while3A_137 = arith.divsi %while3A_134, %while3A_136 : i32
    %while3A_138 = arith.muli %while3A_137, %while3A_136 : i32
    %while3A_139 = arith.addi %while3A_133, %while3A_138 : i32
    %while3A_140 = arith.constant 1 : i32
    scf.for %while3A_159 = %while3A_133 to %while3A_139 step %while3A_140  : i32 {
      %mul3A_160 = arith.constant 8 : i32
      %mul3A_161 = arith.muli %while3A_159, %mul3A_160 : i32
      %add3A_162 = arith.constant 0 : i32
      %add3A_163 = arith.addi %mul3A_161, %add3A_162 : i32
      %dma_wait3A = arith.constant 0 : i32
      %dma_wait3A_164 = arith.constant 0 : i32
      %dma_wait3A_165 = arith.constant 0 : i32
      %dma_wait3A_166 = tpu.memref_slice %arg14[%dma_wait3A, %dma_wait3A_164, %dma_wait3A_165] : memref<8x128x16xf32, #tpu.memory_space<vmem>> -> memref<1x128x16xf32, #tpu.memory_space<vmem>>
      %dma_wait3A_167 = tpu.memref_squeeze %dma_wait3A_166 : memref<1x128x16xf32, #tpu.memory_space<vmem>> -> memref<128x16xf32, #tpu.memory_space<vmem>>
      %dma_wait3A_168 = arith.constant 0 : i32
      %dma_wait3A_169 = tpu.memref_slice %arg13[%add3A_163, %dma_wait3A_168] : memref<88x128xi32, #tpu.memory_space<vmem>> -> memref<1x128xi32, #tpu.memory_space<vmem>>
      %dma_wait3A_170 = tpu.memref_squeeze %dma_wait3A_169 : memref<1x128xi32, #tpu.memory_space<vmem>> -> memref<128xi32, #tpu.memory_space<vmem>>
      %dma_wait3A_171 = arith.constant 0 : i32
      %dma_wait3A_172 = arith.constant 0 : i32
      %dma_wait3A_173 = tpu.memref_slice %arg12[%dma_wait3A_171, %dma_wait3A_172] : memref<10240x16xf32, #tpu.memory_space<vmem_shared>> -> memref<10240x16xf32, #tpu.memory_space<vmem_shared>>
      tpu.wait_indirect_dma semaphore(%arg15 : memref<!tpu.dma_semaphore, #tpu.memory_space<semaphore_mem>>) src(%dma_wait3A_173 : memref<10240x16xf32, #tpu.memory_space<vmem_shared>>) dst(%dma_wait3A_167 : memref<128x16xf32, #tpu.memory_space<vmem>>)
      %dma_start3A_174 = arith.constant 0 : i32
      %dma_start3A_175 = arith.constant 0 : i32
      %dma_start3A_176 = arith.constant 0 : i32
      %dma_start3A_177 = tpu.memref_slice %arg14[%dma_start3A_174, %dma_start3A_175, %dma_start3A_176] : memref<8x128x16xf32, #tpu.memory_space<vmem>> -> memref<1x128x16xf32, #tpu.memory_space<vmem>>
      %dma_start3A_178 = tpu.memref_squeeze %dma_start3A_177 : memref<1x128x16xf32, #tpu.memory_space<vmem>> -> memref<128x16xf32, #tpu.memory_space<vmem>>
      %dma_start3A_179 = arith.constant 0 : i32
      %dma_start3A_180 = tpu.memref_slice %arg9[%add3A_163, %dma_start3A_179] : memref<88x128xi32, #tpu.memory_space<vmem>> -> memref<1x128xi32, #tpu.memory_space<vmem>>
      %dma_start3A_181 = tpu.memref_squeeze %dma_start3A_180 : memref<1x128xi32, #tpu.memory_space<vmem>> -> memref<128xi32, #tpu.memory_space<vmem>>
      %dma_start3A_182 = arith.constant 0 : i32
      %dma_start3A_183 = arith.constant 0 : i32
      %dma_start3A_184 = tpu.memref_slice %arg8[%dma_start3A_182, %dma_start3A_183] : memref<10240x16xf32, #tpu.memory_space<vmem_shared>> -> memref<10240x16xf32, #tpu.memory_space<vmem_shared>>
      tpu.enqueue_indirect_dma source(%dma_start3A_178 : memref<128x16xf32, #tpu.memory_space<vmem>>) target(%dma_start3A_184 : memref<10240x16xf32, #tpu.memory_space<vmem_shared>>) offsets(%dma_start3A_181 : memref<128xi32, #tpu.memory_space<vmem>>) semaphore(%arg23 : memref<!tpu.dma_semaphore, #tpu.memory_space<semaphore_mem>>) {add = true}
      %mul3A_185 = arith.constant 8 : i32
      %mul3A_186 = arith.muli %while3A_159, %mul3A_185 : i32
      %add3A_187 = arith.constant 1 : i32
      %add3A_188 = arith.addi %mul3A_186, %add3A_187 : i32
      %dma_wait3A_189 = arith.constant 1 : i32
      %dma_wait3A_190 = arith.constant 0 : i32
      %dma_wait3A_191 = arith.constant 0 : i32
      %dma_wait3A_192 = tpu.memref_slice %arg14[%dma_wait3A_189, %dma_wait3A_190, %dma_wait3A_191] : memref<8x128x16xf32, #tpu.memory_space<vmem>> -> memref<1x128x16xf32, #tpu.memory_space<vmem>>
      %dma_wait3A_193 = tpu.memref_squeeze %dma_wait3A_192 : memref<1x128x16xf32, #tpu.memory_space<vmem>> -> memref<128x16xf32, #tpu.memory_space<vmem>>
      %dma_wait3A_194 = arith.constant 0 : i32
      %dma_wait3A_195 = tpu.memref_slice %arg13[%add3A_188, %dma_wait3A_194] : memref<88x128xi32, #tpu.memory_space<vmem>> -> memref<1x128xi32, #tpu.memory_space<vmem>>
      %dma_wait3A_196 = tpu.memref_squeeze %dma_wait3A_195 : memref<1x128xi32, #tpu.memory_space<vmem>> -> memref<128xi32, #tpu.memory_space<vmem>>
      %dma_wait3A_197 = arith.constant 0 : i32
      %dma_wait3A_198 = arith.constant 0 : i32
      %dma_wait3A_199 = tpu.memref_slice %arg12[%dma_wait3A_197, %dma_wait3A_198] : memref<10240x16xf32, #tpu.memory_space<vmem_shared>> -> memref<10240x16xf32, #tpu.memory_space<vmem_shared>>
      tpu.wait_indirect_dma semaphore(%arg16 : memref<!tpu.dma_semaphore, #tpu.memory_space<semaphore_mem>>) src(%dma_wait3A_199 : memref<10240x16xf32, #tpu.memory_space<vmem_shared>>) dst(%dma_wait3A_193 : memref<128x16xf32, #tpu.memory_space<vmem>>)
      %dma_start3A_200 = arith.constant 1 : i32
      %dma_start3A_201 = arith.constant 0 : i32
      %dma_start3A_202 = arith.constant 0 : i32
      %dma_start3A_203 = tpu.memref_slice %arg14[%dma_start3A_200, %dma_start3A_201, %dma_start3A_202] : memref<8x128x16xf32, #tpu.memory_space<vmem>> -> memref<1x128x16xf32, #tpu.memory_space<vmem>>
      %dma_start3A_204 = tpu.memref_squeeze %dma_start3A_203 : memref<1x128x16xf32, #tpu.memory_space<vmem>> -> memref<128x16xf32, #tpu.memory_space<vmem>>
      %dma_start3A_205 = arith.constant 0 : i32
      %dma_start3A_206 = tpu.memref_slice %arg9[%add3A_188, %dma_start3A_205] : memref<88x128xi32, #tpu.memory_space<vmem>> -> memref<1x128xi32, #tpu.memory_space<vmem>>
      %dma_start3A_207 = tpu.memref_squeeze %dma_start3A_206 : memref<1x128xi32, #tpu.memory_space<vmem>> -> memref<128xi32, #tpu.memory_space<vmem>>
      %dma_start3A_208 = arith.constant 0 : i32
      %dma_start3A_209 = arith.constant 0 : i32
      %dma_start3A_210 = tpu.memref_slice %arg8[%dma_start3A_208, %dma_start3A_209] : memref<10240x16xf32, #tpu.memory_space<vmem_shared>> -> memref<10240x16xf32, #tpu.memory_space<vmem_shared>>
      tpu.enqueue_indirect_dma source(%dma_start3A_204 : memref<128x16xf32, #tpu.memory_space<vmem>>) target(%dma_start3A_210 : memref<10240x16xf32, #tpu.memory_space<vmem_shared>>) offsets(%dma_start3A_207 : memref<128xi32, #tpu.memory_space<vmem>>) semaphore(%arg24 : memref<!tpu.dma_semaphore, #tpu.memory_space<semaphore_mem>>) {add = true}
      %mul3A_211 = arith.constant 8 : i32
      %mul3A_212 = arith.muli %while3A_159, %mul3A_211 : i32
      %add3A_213 = arith.constant 2 : i32
      %add3A_214 = arith.addi %mul3A_212, %add3A_213 : i32
      %dma_wait3A_215 = arith.constant 2 : i32
      %dma_wait3A_216 = arith.constant 0 : i32
      %dma_wait3A_217 = arith.constant 0 : i32
      %dma_wait3A_218 = tpu.memref_slice %arg14[%dma_wait3A_215, %dma_wait3A_216, %dma_wait3A_217] : memref<8x128x16xf32, #tpu.memory_space<vmem>> -> memref<1x128x16xf32, #tpu.memory_space<vmem>>
      %dma_wait3A_219 = tpu.memref_squeeze %dma_wait3A_218 : memref<1x128x16xf32, #tpu.memory_space<vmem>> -> memref<128x16xf32, #tpu.memory_space<vmem>>
      %dma_wait3A_220 = arith.constant 0 : i32
      %dma_wait3A_221 = tpu.memref_slice %arg13[%add3A_214, %dma_wait3A_220] : memref<88x128xi32, #tpu.memory_space<vmem>> -> memref<1x128xi32, #tpu.memory_space<vmem>>
      %dma_wait3A_222 = tpu.memref_squeeze %dma_wait3A_221 : memref<1x128xi32, #tpu.memory_space<vmem>> -> memref<128xi32, #tpu.memory_space<vmem>>
      %dma_wait3A_223 = arith.constant 0 : i32
      %dma_wait3A_224 = arith.constant 0 : i32
      %dma_wait3A_225 = tpu.memref_slice %arg12[%dma_wait3A_223, %dma_wait3A_224] : memref<10240x16xf32, #tpu.memory_space<vmem_shared>> -> memref<10240x16xf32, #tpu.memory_space<vmem_shared>>
      tpu.wait_indirect_dma semaphore(%arg17 : memref<!tpu.dma_semaphore, #tpu.memory_space<semaphore_mem>>) src(%dma_wait3A_225 : memref<10240x16xf32, #tpu.memory_space<vmem_shared>>) dst(%dma_wait3A_219 : memref<128x16xf32, #tpu.memory_space<vmem>>)
      %dma_start3A_226 = arith.constant 2 : i32
      %dma_start3A_227 = arith.constant 0 : i32
      %dma_start3A_228 = arith.constant 0 : i32
      %dma_start3A_229 = tpu.memref_slice %arg14[%dma_start3A_226, %dma_start3A_227, %dma_start3A_228] : memref<8x128x16xf32, #tpu.memory_space<vmem>> -> memref<1x128x16xf32, #tpu.memory_space<vmem>>
      %dma_start3A_230 = tpu.memref_squeeze %dma_start3A_229 : memref<1x128x16xf32, #tpu.memory_space<vmem>> -> memref<128x16xf32, #tpu.memory_space<vmem>>
      %dma_start3A_231 = arith.constant 0 : i32
      %dma_start3A_232 = tpu.memref_slice %arg9[%add3A_214, %dma_start3A_231] : memref<88x128xi32, #tpu.memory_space<vmem>> -> memref<1x128xi32, #tpu.memory_space<vmem>>
      %dma_start3A_233 = tpu.memref_squeeze %dma_start3A_232 : memref<1x128xi32, #tpu.memory_space<vmem>> -> memref<128xi32, #tpu.memory_space<vmem>>
      %dma_start3A_234 = arith.constant 0 : i32
      %dma_start3A_235 = arith.constant 0 : i32
      %dma_start3A_236 = tpu.memref_slice %arg8[%dma_start3A_234, %dma_start3A_235] : memref<10240x16xf32, #tpu.memory_space<vmem_shared>> -> memref<10240x16xf32, #tpu.memory_space<vmem_shared>>
      tpu.enqueue_indirect_dma source(%dma_start3A_230 : memref<128x16xf32, #tpu.memory_space<vmem>>) target(%dma_start3A_236 : memref<10240x16xf32, #tpu.memory_space<vmem_shared>>) offsets(%dma_start3A_233 : memref<128xi32, #tpu.memory_space<vmem>>) semaphore(%arg25 : memref<!tpu.dma_semaphore, #tpu.memory_space<semaphore_mem>>) {add = true}
      %mul3A_237 = arith.constant 8 : i32
      %mul3A_238 = arith.muli %while3A_159, %mul3A_237 : i32
      %add3A_239 = arith.constant 3 : i32
      %add3A_240 = arith.addi %mul3A_238, %add3A_239 : i32
      %dma_wait3A_241 = arith.constant 3 : i32
      %dma_wait3A_242 = arith.constant 0 : i32
      %dma_wait3A_243 = arith.constant 0 : i32
      %dma_wait3A_244 = tpu.memref_slice %arg14[%dma_wait3A_241, %dma_wait3A_242, %dma_wait3A_243] : memref<8x128x16xf32, #tpu.memory_space<vmem>> -> memref<1x128x16xf32, #tpu.memory_space<vmem>>
      %dma_wait3A_245 = tpu.memref_squeeze %dma_wait3A_244 : memref<1x128x16xf32, #tpu.memory_space<vmem>> -> memref<128x16xf32, #tpu.memory_space<vmem>>
      %dma_wait3A_246 = arith.constant 0 : i32
      %dma_wait3A_247 = tpu.memref_slice %arg13[%add3A_240, %dma_wait3A_246] : memref<88x128xi32, #tpu.memory_space<vmem>> -> memref<1x128xi32, #tpu.memory_space<vmem>>
      %dma_wait3A_248 = tpu.memref_squeeze %dma_wait3A_247 : memref<1x128xi32, #tpu.memory_space<vmem>> -> memref<128xi32, #tpu.memory_space<vmem>>
      %dma_wait3A_249 = arith.constant 0 : i32
      %dma_wait3A_250 = arith.constant 0 : i32
      %dma_wait3A_251 = tpu.memref_slice %arg12[%dma_wait3A_249, %dma_wait3A_250] : memref<10240x16xf32, #tpu.memory_space<vmem_shared>> -> memref<10240x16xf32, #tpu.memory_space<vmem_shared>>
      tpu.wait_indirect_dma semaphore(%arg18 : memref<!tpu.dma_semaphore, #tpu.memory_space<semaphore_mem>>) src(%dma_wait3A_251 : memref<10240x16xf32, #tpu.memory_space<vmem_shared>>) dst(%dma_wait3A_245 : memref<128x16xf32, #tpu.memory_space<vmem>>)
      %dma_start3A_252 = arith.constant 3 : i32
      %dma_start3A_253 = arith.constant 0 : i32
      %dma_start3A_254 = arith.constant 0 : i32
      %dma_start3A_255 = tpu.memref_slice %arg14[%dma_start3A_252, %dma_start3A_253, %dma_start3A_254] : memref<8x128x16xf32, #tpu.memory_space<vmem>> -> memref<1x128x16xf32, #tpu.memory_space<vmem>>
      %dma_start3A_256 = tpu.memref_squeeze %dma_start3A_255 : memref<1x128x16xf32, #tpu.memory_space<vmem>> -> memref<128x16xf32, #tpu.memory_space<vmem>>
      %dma_start3A_257 = arith.constant 0 : i32
      %dma_start3A_258 = tpu.memref_slice %arg9[%add3A_240, %dma_start3A_257] : memref<88x128xi32, #tpu.memory_space<vmem>> -> memref<1x128xi32, #tpu.memory_space<vmem>>
      %dma_start3A_259 = tpu.memref_squeeze %dma_start3A_258 : memref<1x128xi32, #tpu.memory_space<vmem>> -> memref<128xi32, #tpu.memory_space<vmem>>
      %dma_start3A_260 = arith.constant 0 : i32
      %dma_start3A_261 = arith.constant 0 : i32
      %dma_start3A_262 = tpu.memref_slice %arg8[%dma_start3A_260, %dma_start3A_261] : memref<10240x16xf32, #tpu.memory_space<vmem_shared>> -> memref<10240x16xf32, #tpu.memory_space<vmem_shared>>
      tpu.enqueue_indirect_dma source(%dma_start3A_256 : memref<128x16xf32, #tpu.memory_space<vmem>>) target(%dma_start3A_262 : memref<10240x16xf32, #tpu.memory_space<vmem_shared>>) offsets(%dma_start3A_259 : memref<128xi32, #tpu.memory_space<vmem>>) semaphore(%arg26 : memref<!tpu.dma_semaphore, #tpu.memory_space<semaphore_mem>>) {add = true}
      %mul3A_263 = arith.constant 8 : i32
      %mul3A_264 = arith.muli %while3A_159, %mul3A_263 : i32
      %add3A_265 = arith.constant 4 : i32
      %add3A_266 = arith.addi %mul3A_264, %add3A_265 : i32
      %dma_wait3A_267 = arith.constant 4 : i32
      %dma_wait3A_268 = arith.constant 0 : i32
      %dma_wait3A_269 = arith.constant 0 : i32
      %dma_wait3A_270 = tpu.memref_slice %arg14[%dma_wait3A_267, %dma_wait3A_268, %dma_wait3A_269] : memref<8x128x16xf32, #tpu.memory_space<vmem>> -> memref<1x128x16xf32, #tpu.memory_space<vmem>>
      %dma_wait3A_271 = tpu.memref_squeeze %dma_wait3A_270 : memref<1x128x16xf32, #tpu.memory_space<vmem>> -> memref<128x16xf32, #tpu.memory_space<vmem>>
      %dma_wait3A_272 = arith.constant 0 : i32
      %dma_wait3A_273 = tpu.memref_slice %arg13[%add3A_266, %dma_wait3A_272] : memref<88x128xi32, #tpu.memory_space<vmem>> -> memref<1x128xi32, #tpu.memory_space<vmem>>
      %dma_wait3A_274 = tpu.memref_squeeze %dma_wait3A_273 : memref<1x128xi32, #tpu.memory_space<vmem>> -> memref<128xi32, #tpu.memory_space<vmem>>
      %dma_wait3A_275 = arith.constant 0 : i32
      %dma_wait3A_276 = arith.constant 0 : i32
      %dma_wait3A_277 = tpu.memref_slice %arg12[%dma_wait3A_275, %dma_wait3A_276] : memref<10240x16xf32, #tpu.memory_space<vmem_shared>> -> memref<10240x16xf32, #tpu.memory_space<vmem_shared>>
      tpu.wait_indirect_dma semaphore(%arg19 : memref<!tpu.dma_semaphore, #tpu.memory_space<semaphore_mem>>) src(%dma_wait3A_277 : memref<10240x16xf32, #tpu.memory_space<vmem_shared>>) dst(%dma_wait3A_271 : memref<128x16xf32, #tpu.memory_space<vmem>>)
      %dma_start3A_278 = arith.constant 4 : i32
      %dma_start3A_279 = arith.constant 0 : i32
      %dma_start3A_280 = arith.constant 0 : i32
      %dma_start3A_281 = tpu.memref_slice %arg14[%dma_start3A_278, %dma_start3A_279, %dma_start3A_280] : memref<8x128x16xf32, #tpu.memory_space<vmem>> -> memref<1x128x16xf32, #tpu.memory_space<vmem>>
      %dma_start3A_282 = tpu.memref_squeeze %dma_start3A_281 : memref<1x128x16xf32, #tpu.memory_space<vmem>> -> memref<128x16xf32, #tpu.memory_space<vmem>>
      %dma_start3A_283 = arith.constant 0 : i32
      %dma_start3A_284 = tpu.memref_slice %arg9[%add3A_266, %dma_start3A_283] : memref<88x128xi32, #tpu.memory_space<vmem>> -> memref<1x128xi32, #tpu.memory_space<vmem>>
      %dma_start3A_285 = tpu.memref_squeeze %dma_start3A_284 : memref<1x128xi32, #tpu.memory_space<vmem>> -> memref<128xi32, #tpu.memory_space<vmem>>
      %dma_start3A_286 = arith.constant 0 : i32
      %dma_start3A_287 = arith.constant 0 : i32
      %dma_start3A_288 = tpu.memref_slice %arg8[%dma_start3A_286, %dma_start3A_287] : memref<10240x16xf32, #tpu.memory_space<vmem_shared>> -> memref<10240x16xf32, #tpu.memory_space<vmem_shared>>
      tpu.enqueue_indirect_dma source(%dma_start3A_282 : memref<128x16xf32, #tpu.memory_space<vmem>>) target(%dma_start3A_288 : memref<10240x16xf32, #tpu.memory_space<vmem_shared>>) offsets(%dma_start3A_285 : memref<128xi32, #tpu.memory_space<vmem>>) semaphore(%arg27 : memref<!tpu.dma_semaphore, #tpu.memory_space<semaphore_mem>>) {add = true}
      %mul3A_289 = arith.constant 8 : i32
      %mul3A_290 = arith.muli %while3A_159, %mul3A_289 : i32
      %add3A_291 = arith.constant 5 : i32
      %add3A_292 = arith.addi %mul3A_290, %add3A_291 : i32
      %dma_wait3A_293 = arith.constant 5 : i32
      %dma_wait3A_294 = arith.constant 0 : i32
      %dma_wait3A_295 = arith.constant 0 : i32
      %dma_wait3A_296 = tpu.memref_slice %arg14[%dma_wait3A_293, %dma_wait3A_294, %dma_wait3A_295] : memref<8x128x16xf32, #tpu.memory_space<vmem>> -> memref<1x128x16xf32, #tpu.memory_space<vmem>>
      %dma_wait3A_297 = tpu.memref_squeeze %dma_wait3A_296 : memref<1x128x16xf32, #tpu.memory_space<vmem>> -> memref<128x16xf32, #tpu.memory_space<vmem>>
      %dma_wait3A_298 = arith.constant 0 : i32
      %dma_wait3A_299 = tpu.memref_slice %arg13[%add3A_292, %dma_wait3A_298] : memref<88x128xi32, #tpu.memory_space<vmem>> -> memref<1x128xi32, #tpu.memory_space<vmem>>
      %dma_wait3A_300 = tpu.memref_squeeze %dma_wait3A_299 : memref<1x128xi32, #tpu.memory_space<vmem>> -> memref<128xi32, #tpu.memory_space<vmem>>
      %dma_wait3A_301 = arith.constant 0 : i32
      %dma_wait3A_302 = arith.constant 0 : i32
      %dma_wait3A_303 = tpu.memref_slice %arg12[%dma_wait3A_301, %dma_wait3A_302] : memref<10240x16xf32, #tpu.memory_space<vmem_shared>> -> memref<10240x16xf32, #tpu.memory_space<vmem_shared>>
      tpu.wait_indirect_dma semaphore(%arg20 : memref<!tpu.dma_semaphore, #tpu.memory_space<semaphore_mem>>) src(%dma_wait3A_303 : memref<10240x16xf32, #tpu.memory_space<vmem_shared>>) dst(%dma_wait3A_297 : memref<128x16xf32, #tpu.memory_space<vmem>>)
      %dma_start3A_304 = arith.constant 5 : i32
      %dma_start3A_305 = arith.constant 0 : i32
      %dma_start3A_306 = arith.constant 0 : i32
      %dma_start3A_307 = tpu.memref_slice %arg14[%dma_start3A_304, %dma_start3A_305, %dma_start3A_306] : memref<8x128x16xf32, #tpu.memory_space<vmem>> -> memref<1x128x16xf32, #tpu.memory_space<vmem>>
      %dma_start3A_308 = tpu.memref_squeeze %dma_start3A_307 : memref<1x128x16xf32, #tpu.memory_space<vmem>> -> memref<128x16xf32, #tpu.memory_space<vmem>>
      %dma_start3A_309 = arith.constant 0 : i32
      %dma_start3A_310 = tpu.memref_slice %arg9[%add3A_292, %dma_start3A_309] : memref<88x128xi32, #tpu.memory_space<vmem>> -> memref<1x128xi32, #tpu.memory_space<vmem>>
      %dma_start3A_311 = tpu.memref_squeeze %dma_start3A_310 : memref<1x128xi32, #tpu.memory_space<vmem>> -> memref<128xi32, #tpu.memory_space<vmem>>
      %dma_start3A_312 = arith.constant 0 : i32
      %dma_start3A_313 = arith.constant 0 : i32
      %dma_start3A_314 = tpu.memref_slice %arg8[%dma_start3A_312, %dma_start3A_313] : memref<10240x16xf32, #tpu.memory_space<vmem_shared>> -> memref<10240x16xf32, #tpu.memory_space<vmem_shared>>
      tpu.enqueue_indirect_dma source(%dma_start3A_308 : memref<128x16xf32, #tpu.memory_space<vmem>>) target(%dma_start3A_314 : memref<10240x16xf32, #tpu.memory_space<vmem_shared>>) offsets(%dma_start3A_311 : memref<128xi32, #tpu.memory_space<vmem>>) semaphore(%arg28 : memref<!tpu.dma_semaphore, #tpu.memory_space<semaphore_mem>>) {add = true}
      %mul3A_315 = arith.constant 8 : i32
      %mul3A_316 = arith.muli %while3A_159, %mul3A_315 : i32
      %add3A_317 = arith.constant 6 : i32
      %add3A_318 = arith.addi %mul3A_316, %add3A_317 : i32
      %dma_wait3A_319 = arith.constant 6 : i32
      %dma_wait3A_320 = arith.constant 0 : i32
      %dma_wait3A_321 = arith.constant 0 : i32
      %dma_wait3A_322 = tpu.memref_slice %arg14[%dma_wait3A_319, %dma_wait3A_320, %dma_wait3A_321] : memref<8x128x16xf32, #tpu.memory_space<vmem>> -> memref<1x128x16xf32, #tpu.memory_space<vmem>>
      %dma_wait3A_323 = tpu.memref_squeeze %dma_wait3A_322 : memref<1x128x16xf32, #tpu.memory_space<vmem>> -> memref<128x16xf32, #tpu.memory_space<vmem>>
      %dma_wait3A_324 = arith.constant 0 : i32
      %dma_wait3A_325 = tpu.memref_slice %arg13[%add3A_318, %dma_wait3A_324] : memref<88x128xi32, #tpu.memory_space<vmem>> -> memref<1x128xi32, #tpu.memory_space<vmem>>
      %dma_wait3A_326 = tpu.memref_squeeze %dma_wait3A_325 : memref<1x128xi32, #tpu.memory_space<vmem>> -> memref<128xi32, #tpu.memory_space<vmem>>
      %dma_wait3A_327 = arith.constant 0 : i32
      %dma_wait3A_328 = arith.constant 0 : i32
      %dma_wait3A_329 = tpu.memref_slice %arg12[%dma_wait3A_327, %dma_wait3A_328] : memref<10240x16xf32, #tpu.memory_space<vmem_shared>> -> memref<10240x16xf32, #tpu.memory_space<vmem_shared>>
      tpu.wait_indirect_dma semaphore(%arg21 : memref<!tpu.dma_semaphore, #tpu.memory_space<semaphore_mem>>) src(%dma_wait3A_329 : memref<10240x16xf32, #tpu.memory_space<vmem_shared>>) dst(%dma_wait3A_323 : memref<128x16xf32, #tpu.memory_space<vmem>>)
      %dma_start3A_330 = arith.constant 6 : i32
      %dma_start3A_331 = arith.constant 0 : i32
      %dma_start3A_332 = arith.constant 0 : i32
      %dma_start3A_333 = tpu.memref_slice %arg14[%dma_start3A_330, %dma_start3A_331, %dma_start3A_332] : memref<8x128x16xf32, #tpu.memory_space<vmem>> -> memref<1x128x16xf32, #tpu.memory_space<vmem>>
      %dma_start3A_334 = tpu.memref_squeeze %dma_start3A_333 : memref<1x128x16xf32, #tpu.memory_space<vmem>> -> memref<128x16xf32, #tpu.memory_space<vmem>>
      %dma_start3A_335 = arith.constant 0 : i32
      %dma_start3A_336 = tpu.memref_slice %arg9[%add3A_318, %dma_start3A_335] : memref<88x128xi32, #tpu.memory_space<vmem>> -> memref<1x128xi32, #tpu.memory_space<vmem>>
      %dma_start3A_337 = tpu.memref_squeeze %dma_start3A_336 : memref<1x128xi32, #tpu.memory_space<vmem>> -> memref<128xi32, #tpu.memory_space<vmem>>
      %dma_start3A_338 = arith.constant 0 : i32
      %dma_start3A_339 = arith.constant 0 : i32
      %dma_start3A_340 = tpu.memref_slice %arg8[%dma_start3A_338, %dma_start3A_339] : memref<10240x16xf32, #tpu.memory_space<vmem_shared>> -> memref<10240x16xf32, #tpu.memory_space<vmem_shared>>
      tpu.enqueue_indirect_dma source(%dma_start3A_334 : memref<128x16xf32, #tpu.memory_space<vmem>>) target(%dma_start3A_340 : memref<10240x16xf32, #tpu.memory_space<vmem_shared>>) offsets(%dma_start3A_337 : memref<128xi32, #tpu.memory_space<vmem>>) semaphore(%arg29 : memref<!tpu.dma_semaphore, #tpu.memory_space<semaphore_mem>>) {add = true}
      %mul3A_341 = arith.constant 8 : i32
      %mul3A_342 = arith.muli %while3A_159, %mul3A_341 : i32
      %add3A_343 = arith.constant 7 : i32
      %add3A_344 = arith.addi %mul3A_342, %add3A_343 : i32
      %dma_wait3A_345 = arith.constant 7 : i32
      %dma_wait3A_346 = arith.constant 0 : i32
      %dma_wait3A_347 = arith.constant 0 : i32
      %dma_wait3A_348 = tpu.memref_slice %arg14[%dma_wait3A_345, %dma_wait3A_346, %dma_wait3A_347] : memref<8x128x16xf32, #tpu.memory_space<vmem>> -> memref<1x128x16xf32, #tpu.memory_space<vmem>>
      %dma_wait3A_349 = tpu.memref_squeeze %dma_wait3A_348 : memref<1x128x16xf32, #tpu.memory_space<vmem>> -> memref<128x16xf32, #tpu.memory_space<vmem>>
      %dma_wait3A_350 = arith.constant 0 : i32
      %dma_wait3A_351 = tpu.memref_slice %arg13[%add3A_344, %dma_wait3A_350] : memref<88x128xi32, #tpu.memory_space<vmem>> -> memref<1x128xi32, #tpu.memory_space<vmem>>
      %dma_wait3A_352 = tpu.memref_squeeze %dma_wait3A_351 : memref<1x128xi32, #tpu.memory_space<vmem>> -> memref<128xi32, #tpu.memory_space<vmem>>
      %dma_wait3A_353 = arith.constant 0 : i32
      %dma_wait3A_354 = arith.constant 0 : i32
      %dma_wait3A_355 = tpu.memref_slice %arg12[%dma_wait3A_353, %dma_wait3A_354] : memref<10240x16xf32, #tpu.memory_space<vmem_shared>> -> memref<10240x16xf32, #tpu.memory_space<vmem_shared>>
      tpu.wait_indirect_dma semaphore(%arg22 : memref<!tpu.dma_semaphore, #tpu.memory_space<semaphore_mem>>) src(%dma_wait3A_355 : memref<10240x16xf32, #tpu.memory_space<vmem_shared>>) dst(%dma_wait3A_349 : memref<128x16xf32, #tpu.memory_space<vmem>>)
      %dma_start3A_356 = arith.constant 7 : i32
      %dma_start3A_357 = arith.constant 0 : i32
      %dma_start3A_358 = arith.constant 0 : i32
      %dma_start3A_359 = tpu.memref_slice %arg14[%dma_start3A_356, %dma_start3A_357, %dma_start3A_358] : memref<8x128x16xf32, #tpu.memory_space<vmem>> -> memref<1x128x16xf32, #tpu.memory_space<vmem>>
      %dma_start3A_360 = tpu.memref_squeeze %dma_start3A_359 : memref<1x128x16xf32, #tpu.memory_space<vmem>> -> memref<128x16xf32, #tpu.memory_space<vmem>>
      %dma_start3A_361 = arith.constant 0 : i32
      %dma_start3A_362 = tpu.memref_slice %arg9[%add3A_344, %dma_start3A_361] : memref<88x128xi32, #tpu.memory_space<vmem>> -> memref<1x128xi32, #tpu.memory_space<vmem>>
      %dma_start3A_363 = tpu.memref_squeeze %dma_start3A_362 : memref<1x128xi32, #tpu.memory_space<vmem>> -> memref<128xi32, #tpu.memory_space<vmem>>
      %dma_start3A_364 = arith.constant 0 : i32
      %dma_start3A_365 = arith.constant 0 : i32
      %dma_start3A_366 = tpu.memref_slice %arg8[%dma_start3A_364, %dma_start3A_365] : memref<10240x16xf32, #tpu.memory_space<vmem_shared>> -> memref<10240x16xf32, #tpu.memory_space<vmem_shared>>
      tpu.enqueue_indirect_dma source(%dma_start3A_360 : memref<128x16xf32, #tpu.memory_space<vmem>>) target(%dma_start3A_366 : memref<10240x16xf32, #tpu.memory_space<vmem_shared>>) offsets(%dma_start3A_363 : memref<128xi32, #tpu.memory_space<vmem>>) semaphore(%arg30 : memref<!tpu.dma_semaphore, #tpu.memory_space<semaphore_mem>>) {add = true}
      %mul3A_367 = arith.constant 8 : i32
      %mul3A_368 = arith.muli %while3A_159, %mul3A_367 : i32
      %add3A_369 = arith.constant 0 : i32
      %add3A_370 = arith.addi %mul3A_368, %add3A_369 : i32
      %dma_wait3A_371 = arith.constant 0 : i32
      %dma_wait3A_372 = arith.constant 0 : i32
      %dma_wait3A_373 = arith.constant 0 : i32
      %dma_wait3A_374 = tpu.memref_slice %arg14[%dma_wait3A_371, %dma_wait3A_372, %dma_wait3A_373] : memref<8x128x16xf32, #tpu.memory_space<vmem>> -> memref<1x128x16xf32, #tpu.memory_space<vmem>>
      %dma_wait3A_375 = tpu.memref_squeeze %dma_wait3A_374 : memref<1x128x16xf32, #tpu.memory_space<vmem>> -> memref<128x16xf32, #tpu.memory_space<vmem>>
      %dma_wait3A_376 = arith.constant 0 : i32
      %dma_wait3A_377 = tpu.memref_slice %arg9[%add3A_370, %dma_wait3A_376] : memref<88x128xi32, #tpu.memory_space<vmem>> -> memref<1x128xi32, #tpu.memory_space<vmem>>
      %dma_wait3A_378 = tpu.memref_squeeze %dma_wait3A_377 : memref<1x128xi32, #tpu.memory_space<vmem>> -> memref<128xi32, #tpu.memory_space<vmem>>
      %dma_wait3A_379 = arith.constant 0 : i32
      %dma_wait3A_380 = arith.constant 0 : i32
      %dma_wait3A_381 = tpu.memref_slice %arg8[%dma_wait3A_379, %dma_wait3A_380] : memref<10240x16xf32, #tpu.memory_space<vmem_shared>> -> memref<10240x16xf32, #tpu.memory_space<vmem_shared>>
      tpu.wait_indirect_dma semaphore(%arg23 : memref<!tpu.dma_semaphore, #tpu.memory_space<semaphore_mem>>) src(%dma_wait3A_375 : memref<128x16xf32, #tpu.memory_space<vmem>>) dst(%dma_wait3A_381 : memref<10240x16xf32, #tpu.memory_space<vmem_shared>>)
      %add3A_382 = arith.constant 8 : i32
      %add3A_383 = arith.addi %add3A_370, %add3A_382 : i32
      %lt3A = arith.cmpi slt, %add3A_383, %select_n3A : i32
      %convert_element_type3A_384 = arith.extui %lt3A : i1 to i32
      %cond3A_385 = arith.constant 0 : i32
      %cond3A_386 = arith.cmpi ne, %convert_element_type3A_384, %cond3A_385 : i32
      scf.if %cond3A_386 {
        %dma_start3A_534 = arith.constant 0 : i32
        %dma_start3A_535 = arith.constant 0 : i32
        %dma_start3A_536 = arith.constant 0 : i32
        %dma_start3A_537 = tpu.memref_slice %arg14[%dma_start3A_534, %dma_start3A_535, %dma_start3A_536] : memref<8x128x16xf32, #tpu.memory_space<vmem>> -> memref<1x128x16xf32, #tpu.memory_space<vmem>>
        %dma_start3A_538 = tpu.memref_squeeze %dma_start3A_537 : memref<1x128x16xf32, #tpu.memory_space<vmem>> -> memref<128x16xf32, #tpu.memory_space<vmem>>
        %dma_start3A_539 = arith.constant 0 : i32
        %dma_start3A_540 = tpu.memref_slice %arg13[%add3A_383, %dma_start3A_539] : memref<88x128xi32, #tpu.memory_space<vmem>> -> memref<1x128xi32, #tpu.memory_space<vmem>>
        %dma_start3A_541 = tpu.memref_squeeze %dma_start3A_540 : memref<1x128xi32, #tpu.memory_space<vmem>> -> memref<128xi32, #tpu.memory_space<vmem>>
        %dma_start3A_542 = arith.constant 0 : i32
        %dma_start3A_543 = arith.constant 0 : i32
        %dma_start3A_544 = tpu.memref_slice %arg12[%dma_start3A_542, %dma_start3A_543] : memref<10240x16xf32, #tpu.memory_space<vmem_shared>> -> memref<10240x16xf32, #tpu.memory_space<vmem_shared>>
        tpu.enqueue_indirect_dma source(%dma_start3A_544 : memref<10240x16xf32, #tpu.memory_space<vmem_shared>>) target(%dma_start3A_538 : memref<128x16xf32, #tpu.memory_space<vmem>>) offsets(%dma_start3A_541 : memref<128xi32, #tpu.memory_space<vmem>>) semaphore(%arg15 : memref<!tpu.dma_semaphore, #tpu.memory_space<semaphore_mem>>)
      } else {
      }
      %mul3A_387 = arith.constant 8 : i32
      %mul3A_388 = arith.muli %while3A_159, %mul3A_387 : i32
      %add3A_389 = arith.constant 1 : i32
      %add3A_390 = arith.addi %mul3A_388, %add3A_389 : i32
      %dma_wait3A_391 = arith.constant 1 : i32
      %dma_wait3A_392 = arith.constant 0 : i32
      %dma_wait3A_393 = arith.constant 0 : i32
      %dma_wait3A_394 = tpu.memref_slice %arg14[%dma_wait3A_391, %dma_wait3A_392, %dma_wait3A_393] : memref<8x128x16xf32, #tpu.memory_space<vmem>> -> memref<1x128x16xf32, #tpu.memory_space<vmem>>
      %dma_wait3A_395 = tpu.memref_squeeze %dma_wait3A_394 : memref<1x128x16xf32, #tpu.memory_space<vmem>> -> memref<128x16xf32, #tpu.memory_space<vmem>>
      %dma_wait3A_396 = arith.constant 0 : i32
      %dma_wait3A_397 = tpu.memref_slice %arg9[%add3A_390, %dma_wait3A_396] : memref<88x128xi32, #tpu.memory_space<vmem>> -> memref<1x128xi32, #tpu.memory_space<vmem>>
      %dma_wait3A_398 = tpu.memref_squeeze %dma_wait3A_397 : memref<1x128xi32, #tpu.memory_space<vmem>> -> memref<128xi32, #tpu.memory_space<vmem>>
      %dma_wait3A_399 = arith.constant 0 : i32
      %dma_wait3A_400 = arith.constant 0 : i32
      %dma_wait3A_401 = tpu.memref_slice %arg8[%dma_wait3A_399, %dma_wait3A_400] : memref<10240x16xf32, #tpu.memory_space<vmem_shared>> -> memref<10240x16xf32, #tpu.memory_space<vmem_shared>>
      tpu.wait_indirect_dma semaphore(%arg24 : memref<!tpu.dma_semaphore, #tpu.memory_space<semaphore_mem>>) src(%dma_wait3A_395 : memref<128x16xf32, #tpu.memory_space<vmem>>) dst(%dma_wait3A_401 : memref<10240x16xf32, #tpu.memory_space<vmem_shared>>)
      %add3A_402 = arith.constant 8 : i32
      %add3A_403 = arith.addi %add3A_390, %add3A_402 : i32
      %lt3A_404 = arith.cmpi slt, %add3A_403, %select_n3A : i32
      %convert_element_type3A_405 = arith.extui %lt3A_404 : i1 to i32
      %cond3A_406 = arith.constant 0 : i32
      %cond3A_407 = arith.cmpi ne, %convert_element_type3A_405, %cond3A_406 : i32
      scf.if %cond3A_407 {
        %dma_start3A_534 = arith.constant 1 : i32
        %dma_start3A_535 = arith.constant 0 : i32
        %dma_start3A_536 = arith.constant 0 : i32
        %dma_start3A_537 = tpu.memref_slice %arg14[%dma_start3A_534, %dma_start3A_535, %dma_start3A_536] : memref<8x128x16xf32, #tpu.memory_space<vmem>> -> memref<1x128x16xf32, #tpu.memory_space<vmem>>
        %dma_start3A_538 = tpu.memref_squeeze %dma_start3A_537 : memref<1x128x16xf32, #tpu.memory_space<vmem>> -> memref<128x16xf32, #tpu.memory_space<vmem>>
        %dma_start3A_539 = arith.constant 0 : i32
        %dma_start3A_540 = tpu.memref_slice %arg13[%add3A_403, %dma_start3A_539] : memref<88x128xi32, #tpu.memory_space<vmem>> -> memref<1x128xi32, #tpu.memory_space<vmem>>
        %dma_start3A_541 = tpu.memref_squeeze %dma_start3A_540 : memref<1x128xi32, #tpu.memory_space<vmem>> -> memref<128xi32, #tpu.memory_space<vmem>>
        %dma_start3A_542 = arith.constant 0 : i32
        %dma_start3A_543 = arith.constant 0 : i32
        %dma_start3A_544 = tpu.memref_slice %arg12[%dma_start3A_542, %dma_start3A_543] : memref<10240x16xf32, #tpu.memory_space<vmem_shared>> -> memref<10240x16xf32, #tpu.memory_space<vmem_shared>>
        tpu.enqueue_indirect_dma source(%dma_start3A_544 : memref<10240x16xf32, #tpu.memory_space<vmem_shared>>) target(%dma_start3A_538 : memref<128x16xf32, #tpu.memory_space<vmem>>) offsets(%dma_start3A_541 : memref<128xi32, #tpu.memory_space<vmem>>) semaphore(%arg16 : memref<!tpu.dma_semaphore, #tpu.memory_space<semaphore_mem>>)
      } else {
      }
      %mul3A_408 = arith.constant 8 : i32
      %mul3A_409 = arith.muli %while3A_159, %mul3A_408 : i32
      %add3A_410 = arith.constant 2 : i32
      %add3A_411 = arith.addi %mul3A_409, %add3A_410 : i32
      %dma_wait3A_412 = arith.constant 2 : i32
      %dma_wait3A_413 = arith.constant 0 : i32
      %dma_wait3A_414 = arith.constant 0 : i32
      %dma_wait3A_415 = tpu.memref_slice %arg14[%dma_wait3A_412, %dma_wait3A_413, %dma_wait3A_414] : memref<8x128x16xf32, #tpu.memory_space<vmem>> -> memref<1x128x16xf32, #tpu.memory_space<vmem>>
      %dma_wait3A_416 = tpu.memref_squeeze %dma_wait3A_415 : memref<1x128x16xf32, #tpu.memory_space<vmem>> -> memref<128x16xf32, #tpu.memory_space<vmem>>
      %dma_wait3A_417 = arith.constant 0 : i32
      %dma_wait3A_418 = tpu.memref_slice %arg9[%add3A_411, %dma_wait3A_417] : memref<88x128xi32, #tpu.memory_space<vmem>> -> memref<1x128xi32, #tpu.memory_space<vmem>>
      %dma_wait3A_419 = tpu.memref_squeeze %dma_wait3A_418 : memref<1x128xi32, #tpu.memory_space<vmem>> -> memref<128xi32, #tpu.memory_space<vmem>>
      %dma_wait3A_420 = arith.constant 0 : i32
      %dma_wait3A_421 = arith.constant 0 : i32
      %dma_wait3A_422 = tpu.memref_slice %arg8[%dma_wait3A_420, %dma_wait3A_421] : memref<10240x16xf32, #tpu.memory_space<vmem_shared>> -> memref<10240x16xf32, #tpu.memory_space<vmem_shared>>
      tpu.wait_indirect_dma semaphore(%arg25 : memref<!tpu.dma_semaphore, #tpu.memory_space<semaphore_mem>>) src(%dma_wait3A_416 : memref<128x16xf32, #tpu.memory_space<vmem>>) dst(%dma_wait3A_422 : memref<10240x16xf32, #tpu.memory_space<vmem_shared>>)
      %add3A_423 = arith.constant 8 : i32
      %add3A_424 = arith.addi %add3A_411, %add3A_423 : i32
      %lt3A_425 = arith.cmpi slt, %add3A_424, %select_n3A : i32
      %convert_element_type3A_426 = arith.extui %lt3A_425 : i1 to i32
      %cond3A_427 = arith.constant 0 : i32
      %cond3A_428 = arith.cmpi ne, %convert_element_type3A_426, %cond3A_427 : i32
      scf.if %cond3A_428 {
        %dma_start3A_534 = arith.constant 2 : i32
        %dma_start3A_535 = arith.constant 0 : i32
        %dma_start3A_536 = arith.constant 0 : i32
        %dma_start3A_537 = tpu.memref_slice %arg14[%dma_start3A_534, %dma_start3A_535, %dma_start3A_536] : memref<8x128x16xf32, #tpu.memory_space<vmem>> -> memref<1x128x16xf32, #tpu.memory_space<vmem>>
        %dma_start3A_538 = tpu.memref_squeeze %dma_start3A_537 : memref<1x128x16xf32, #tpu.memory_space<vmem>> -> memref<128x16xf32, #tpu.memory_space<vmem>>
        %dma_start3A_539 = arith.constant 0 : i32
        %dma_start3A_540 = tpu.memref_slice %arg13[%add3A_424, %dma_start3A_539] : memref<88x128xi32, #tpu.memory_space<vmem>> -> memref<1x128xi32, #tpu.memory_space<vmem>>
        %dma_start3A_541 = tpu.memref_squeeze %dma_start3A_540 : memref<1x128xi32, #tpu.memory_space<vmem>> -> memref<128xi32, #tpu.memory_space<vmem>>
        %dma_start3A_542 = arith.constant 0 : i32
        %dma_start3A_543 = arith.constant 0 : i32
        %dma_start3A_544 = tpu.memref_slice %arg12[%dma_start3A_542, %dma_start3A_543] : memref<10240x16xf32, #tpu.memory_space<vmem_shared>> -> memref<10240x16xf32, #tpu.memory_space<vmem_shared>>
        tpu.enqueue_indirect_dma source(%dma_start3A_544 : memref<10240x16xf32, #tpu.memory_space<vmem_shared>>) target(%dma_start3A_538 : memref<128x16xf32, #tpu.memory_space<vmem>>) offsets(%dma_start3A_541 : memref<128xi32, #tpu.memory_space<vmem>>) semaphore(%arg17 : memref<!tpu.dma_semaphore, #tpu.memory_space<semaphore_mem>>)
      } else {
      }
      %mul3A_429 = arith.constant 8 : i32
      %mul3A_430 = arith.muli %while3A_159, %mul3A_429 : i32
      %add3A_431 = arith.constant 3 : i32
      %add3A_432 = arith.addi %mul3A_430, %add3A_431 : i32
      %dma_wait3A_433 = arith.constant 3 : i32
      %dma_wait3A_434 = arith.constant 0 : i32
      %dma_wait3A_435 = arith.constant 0 : i32
      %dma_wait3A_436 = tpu.memref_slice %arg14[%dma_wait3A_433, %dma_wait3A_434, %dma_wait3A_435] : memref<8x128x16xf32, #tpu.memory_space<vmem>> -> memref<1x128x16xf32, #tpu.memory_space<vmem>>
      %dma_wait3A_437 = tpu.memref_squeeze %dma_wait3A_436 : memref<1x128x16xf32, #tpu.memory_space<vmem>> -> memref<128x16xf32, #tpu.memory_space<vmem>>
      %dma_wait3A_438 = arith.constant 0 : i32
      %dma_wait3A_439 = tpu.memref_slice %arg9[%add3A_432, %dma_wait3A_438] : memref<88x128xi32, #tpu.memory_space<vmem>> -> memref<1x128xi32, #tpu.memory_space<vmem>>
      %dma_wait3A_440 = tpu.memref_squeeze %dma_wait3A_439 : memref<1x128xi32, #tpu.memory_space<vmem>> -> memref<128xi32, #tpu.memory_space<vmem>>
      %dma_wait3A_441 = arith.constant 0 : i32
      %dma_wait3A_442 = arith.constant 0 : i32
      %dma_wait3A_443 = tpu.memref_slice %arg8[%dma_wait3A_441, %dma_wait3A_442] : memref<10240x16xf32, #tpu.memory_space<vmem_shared>> -> memref<10240x16xf32, #tpu.memory_space<vmem_shared>>
      tpu.wait_indirect_dma semaphore(%arg26 : memref<!tpu.dma_semaphore, #tpu.memory_space<semaphore_mem>>) src(%dma_wait3A_437 : memref<128x16xf32, #tpu.memory_space<vmem>>) dst(%dma_wait3A_443 : memref<10240x16xf32, #tpu.memory_space<vmem_shared>>)
      %add3A_444 = arith.constant 8 : i32
      %add3A_445 = arith.addi %add3A_432, %add3A_444 : i32
      %lt3A_446 = arith.cmpi slt, %add3A_445, %select_n3A : i32
      %convert_element_type3A_447 = arith.extui %lt3A_446 : i1 to i32
      %cond3A_448 = arith.constant 0 : i32
      %cond3A_449 = arith.cmpi ne, %convert_element_type3A_447, %cond3A_448 : i32
      scf.if %cond3A_449 {
        %dma_start3A_534 = arith.constant 3 : i32
        %dma_start3A_535 = arith.constant 0 : i32
        %dma_start3A_536 = arith.constant 0 : i32
        %dma_start3A_537 = tpu.memref_slice %arg14[%dma_start3A_534, %dma_start3A_535, %dma_start3A_536] : memref<8x128x16xf32, #tpu.memory_space<vmem>> -> memref<1x128x16xf32, #tpu.memory_space<vmem>>
        %dma_start3A_538 = tpu.memref_squeeze %dma_start3A_537 : memref<1x128x16xf32, #tpu.memory_space<vmem>> -> memref<128x16xf32, #tpu.memory_space<vmem>>
        %dma_start3A_539 = arith.constant 0 : i32
        %dma_start3A_540 = tpu.memref_slice %arg13[%add3A_445, %dma_start3A_539] : memref<88x128xi32, #tpu.memory_space<vmem>> -> memref<1x128xi32, #tpu.memory_space<vmem>>
        %dma_start3A_541 = tpu.memref_squeeze %dma_start3A_540 : memref<1x128xi32, #tpu.memory_space<vmem>> -> memref<128xi32, #tpu.memory_space<vmem>>
        %dma_start3A_542 = arith.constant 0 : i32
        %dma_start3A_543 = arith.constant 0 : i32
        %dma_start3A_544 = tpu.memref_slice %arg12[%dma_start3A_542, %dma_start3A_543] : memref<10240x16xf32, #tpu.memory_space<vmem_shared>> -> memref<10240x16xf32, #tpu.memory_space<vmem_shared>>
        tpu.enqueue_indirect_dma source(%dma_start3A_544 : memref<10240x16xf32, #tpu.memory_space<vmem_shared>>) target(%dma_start3A_538 : memref<128x16xf32, #tpu.memory_space<vmem>>) offsets(%dma_start3A_541 : memref<128xi32, #tpu.memory_space<vmem>>) semaphore(%arg18 : memref<!tpu.dma_semaphore, #tpu.memory_space<semaphore_mem>>)
      } else {
      }
      %mul3A_450 = arith.constant 8 : i32
      %mul3A_451 = arith.muli %while3A_159, %mul3A_450 : i32
      %add3A_452 = arith.constant 4 : i32
      %add3A_453 = arith.addi %mul3A_451, %add3A_452 : i32
      %dma_wait3A_454 = arith.constant 4 : i32
      %dma_wait3A_455 = arith.constant 0 : i32
      %dma_wait3A_456 = arith.constant 0 : i32
      %dma_wait3A_457 = tpu.memref_slice %arg14[%dma_wait3A_454, %dma_wait3A_455, %dma_wait3A_456] : memref<8x128x16xf32, #tpu.memory_space<vmem>> -> memref<1x128x16xf32, #tpu.memory_space<vmem>>
      %dma_wait3A_458 = tpu.memref_squeeze %dma_wait3A_457 : memref<1x128x16xf32, #tpu.memory_space<vmem>> -> memref<128x16xf32, #tpu.memory_space<vmem>>
      %dma_wait3A_459 = arith.constant 0 : i32
      %dma_wait3A_460 = tpu.memref_slice %arg9[%add3A_453, %dma_wait3A_459] : memref<88x128xi32, #tpu.memory_space<vmem>> -> memref<1x128xi32, #tpu.memory_space<vmem>>
      %dma_wait3A_461 = tpu.memref_squeeze %dma_wait3A_460 : memref<1x128xi32, #tpu.memory_space<vmem>> -> memref<128xi32, #tpu.memory_space<vmem>>
      %dma_wait3A_462 = arith.constant 0 : i32
      %dma_wait3A_463 = arith.constant 0 : i32
      %dma_wait3A_464 = tpu.memref_slice %arg8[%dma_wait3A_462, %dma_wait3A_463] : memref<10240x16xf32, #tpu.memory_space<vmem_shared>> -> memref<10240x16xf32, #tpu.memory_space<vmem_shared>>
      tpu.wait_indirect_dma semaphore(%arg27 : memref<!tpu.dma_semaphore, #tpu.memory_space<semaphore_mem>>) src(%dma_wait3A_458 : memref<128x16xf32, #tpu.memory_space<vmem>>) dst(%dma_wait3A_464 : memref<10240x16xf32, #tpu.memory_space<vmem_shared>>)
      %add3A_465 = arith.constant 8 : i32
      %add3A_466 = arith.addi %add3A_453, %add3A_465 : i32
      %lt3A_467 = arith.cmpi slt, %add3A_466, %select_n3A : i32
      %convert_element_type3A_468 = arith.extui %lt3A_467 : i1 to i32
      %cond3A_469 = arith.constant 0 : i32
      %cond3A_470 = arith.cmpi ne, %convert_element_type3A_468, %cond3A_469 : i32
      scf.if %cond3A_470 {
        %dma_start3A_534 = arith.constant 4 : i32
        %dma_start3A_535 = arith.constant 0 : i32
        %dma_start3A_536 = arith.constant 0 : i32
        %dma_start3A_537 = tpu.memref_slice %arg14[%dma_start3A_534, %dma_start3A_535, %dma_start3A_536] : memref<8x128x16xf32, #tpu.memory_space<vmem>> -> memref<1x128x16xf32, #tpu.memory_space<vmem>>
        %dma_start3A_538 = tpu.memref_squeeze %dma_start3A_537 : memref<1x128x16xf32, #tpu.memory_space<vmem>> -> memref<128x16xf32, #tpu.memory_space<vmem>>
        %dma_start3A_539 = arith.constant 0 : i32
        %dma_start3A_540 = tpu.memref_slice %arg13[%add3A_466, %dma_start3A_539] : memref<88x128xi32, #tpu.memory_space<vmem>> -> memref<1x128xi32, #tpu.memory_space<vmem>>
        %dma_start3A_541 = tpu.memref_squeeze %dma_start3A_540 : memref<1x128xi32, #tpu.memory_space<vmem>> -> memref<128xi32, #tpu.memory_space<vmem>>
        %dma_start3A_542 = arith.constant 0 : i32
        %dma_start3A_543 = arith.constant 0 : i32
        %dma_start3A_544 = tpu.memref_slice %arg12[%dma_start3A_542, %dma_start3A_543] : memref<10240x16xf32, #tpu.memory_space<vmem_shared>> -> memref<10240x16xf32, #tpu.memory_space<vmem_shared>>
        tpu.enqueue_indirect_dma source(%dma_start3A_544 : memref<10240x16xf32, #tpu.memory_space<vmem_shared>>) target(%dma_start3A_538 : memref<128x16xf32, #tpu.memory_space<vmem>>) offsets(%dma_start3A_541 : memref<128xi32, #tpu.memory_space<vmem>>) semaphore(%arg19 : memref<!tpu.dma_semaphore, #tpu.memory_space<semaphore_mem>>)
      } else {
      }
      %mul3A_471 = arith.constant 8 : i32
      %mul3A_472 = arith.muli %while3A_159, %mul3A_471 : i32
      %add3A_473 = arith.constant 5 : i32
      %add3A_474 = arith.addi %mul3A_472, %add3A_473 : i32
      %dma_wait3A_475 = arith.constant 5 : i32
      %dma_wait3A_476 = arith.constant 0 : i32
      %dma_wait3A_477 = arith.constant 0 : i32
      %dma_wait3A_478 = tpu.memref_slice %arg14[%dma_wait3A_475, %dma_wait3A_476, %dma_wait3A_477] : memref<8x128x16xf32, #tpu.memory_space<vmem>> -> memref<1x128x16xf32, #tpu.memory_space<vmem>>
      %dma_wait3A_479 = tpu.memref_squeeze %dma_wait3A_478 : memref<1x128x16xf32, #tpu.memory_space<vmem>> -> memref<128x16xf32, #tpu.memory_space<vmem>>
      %dma_wait3A_480 = arith.constant 0 : i32
      %dma_wait3A_481 = tpu.memref_slice %arg9[%add3A_474, %dma_wait3A_480] : memref<88x128xi32, #tpu.memory_space<vmem>> -> memref<1x128xi32, #tpu.memory_space<vmem>>
      %dma_wait3A_482 = tpu.memref_squeeze %dma_wait3A_481 : memref<1x128xi32, #tpu.memory_space<vmem>> -> memref<128xi32, #tpu.memory_space<vmem>>
      %dma_wait3A_483 = arith.constant 0 : i32
      %dma_wait3A_484 = arith.constant 0 : i32
      %dma_wait3A_485 = tpu.memref_slice %arg8[%dma_wait3A_483, %dma_wait3A_484] : memref<10240x16xf32, #tpu.memory_space<vmem_shared>> -> memref<10240x16xf32, #tpu.memory_space<vmem_shared>>
      tpu.wait_indirect_dma semaphore(%arg28 : memref<!tpu.dma_semaphore, #tpu.memory_space<semaphore_mem>>) src(%dma_wait3A_479 : memref<128x16xf32, #tpu.memory_space<vmem>>) dst(%dma_wait3A_485 : memref<10240x16xf32, #tpu.memory_space<vmem_shared>>)
      %add3A_486 = arith.constant 8 : i32
      %add3A_487 = arith.addi %add3A_474, %add3A_486 : i32
      %lt3A_488 = arith.cmpi slt, %add3A_487, %select_n3A : i32
      %convert_element_type3A_489 = arith.extui %lt3A_488 : i1 to i32
      %cond3A_490 = arith.constant 0 : i32
      %cond3A_491 = arith.cmpi ne, %convert_element_type3A_489, %cond3A_490 : i32
      scf.if %cond3A_491 {
        %dma_start3A_534 = arith.constant 5 : i32
        %dma_start3A_535 = arith.constant 0 : i32
        %dma_start3A_536 = arith.constant 0 : i32
        %dma_start3A_537 = tpu.memref_slice %arg14[%dma_start3A_534, %dma_start3A_535, %dma_start3A_536] : memref<8x128x16xf32, #tpu.memory_space<vmem>> -> memref<1x128x16xf32, #tpu.memory_space<vmem>>
        %dma_start3A_538 = tpu.memref_squeeze %dma_start3A_537 : memref<1x128x16xf32, #tpu.memory_space<vmem>> -> memref<128x16xf32, #tpu.memory_space<vmem>>
        %dma_start3A_539 = arith.constant 0 : i32
        %dma_start3A_540 = tpu.memref_slice %arg13[%add3A_487, %dma_start3A_539] : memref<88x128xi32, #tpu.memory_space<vmem>> -> memref<1x128xi32, #tpu.memory_space<vmem>>
        %dma_start3A_541 = tpu.memref_squeeze %dma_start3A_540 : memref<1x128xi32, #tpu.memory_space<vmem>> -> memref<128xi32, #tpu.memory_space<vmem>>
        %dma_start3A_542 = arith.constant 0 : i32
        %dma_start3A_543 = arith.constant 0 : i32
        %dma_start3A_544 = tpu.memref_slice %arg12[%dma_start3A_542, %dma_start3A_543] : memref<10240x16xf32, #tpu.memory_space<vmem_shared>> -> memref<10240x16xf32, #tpu.memory_space<vmem_shared>>
        tpu.enqueue_indirect_dma source(%dma_start3A_544 : memref<10240x16xf32, #tpu.memory_space<vmem_shared>>) target(%dma_start3A_538 : memref<128x16xf32, #tpu.memory_space<vmem>>) offsets(%dma_start3A_541 : memref<128xi32, #tpu.memory_space<vmem>>) semaphore(%arg20 : memref<!tpu.dma_semaphore, #tpu.memory_space<semaphore_mem>>)
      } else {
      }
      %mul3A_492 = arith.constant 8 : i32
      %mul3A_493 = arith.muli %while3A_159, %mul3A_492 : i32
      %add3A_494 = arith.constant 6 : i32
      %add3A_495 = arith.addi %mul3A_493, %add3A_494 : i32
      %dma_wait3A_496 = arith.constant 6 : i32
      %dma_wait3A_497 = arith.constant 0 : i32
      %dma_wait3A_498 = arith.constant 0 : i32
      %dma_wait3A_499 = tpu.memref_slice %arg14[%dma_wait3A_496, %dma_wait3A_497, %dma_wait3A_498] : memref<8x128x16xf32, #tpu.memory_space<vmem>> -> memref<1x128x16xf32, #tpu.memory_space<vmem>>
      %dma_wait3A_500 = tpu.memref_squeeze %dma_wait3A_499 : memref<1x128x16xf32, #tpu.memory_space<vmem>> -> memref<128x16xf32, #tpu.memory_space<vmem>>
      %dma_wait3A_501 = arith.constant 0 : i32
      %dma_wait3A_502 = tpu.memref_slice %arg9[%add3A_495, %dma_wait3A_501] : memref<88x128xi32, #tpu.memory_space<vmem>> -> memref<1x128xi32, #tpu.memory_space<vmem>>
      %dma_wait3A_503 = tpu.memref_squeeze %dma_wait3A_502 : memref<1x128xi32, #tpu.memory_space<vmem>> -> memref<128xi32, #tpu.memory_space<vmem>>
      %dma_wait3A_504 = arith.constant 0 : i32
      %dma_wait3A_505 = arith.constant 0 : i32
      %dma_wait3A_506 = tpu.memref_slice %arg8[%dma_wait3A_504, %dma_wait3A_505] : memref<10240x16xf32, #tpu.memory_space<vmem_shared>> -> memref<10240x16xf32, #tpu.memory_space<vmem_shared>>
      tpu.wait_indirect_dma semaphore(%arg29 : memref<!tpu.dma_semaphore, #tpu.memory_space<semaphore_mem>>) src(%dma_wait3A_500 : memref<128x16xf32, #tpu.memory_space<vmem>>) dst(%dma_wait3A_506 : memref<10240x16xf32, #tpu.memory_space<vmem_shared>>)
      %add3A_507 = arith.constant 8 : i32
      %add3A_508 = arith.addi %add3A_495, %add3A_507 : i32
      %lt3A_509 = arith.cmpi slt, %add3A_508, %select_n3A : i32
      %convert_element_type3A_510 = arith.extui %lt3A_509 : i1 to i32
      %cond3A_511 = arith.constant 0 : i32
      %cond3A_512 = arith.cmpi ne, %convert_element_type3A_510, %cond3A_511 : i32
      scf.if %cond3A_512 {
        %dma_start3A_534 = arith.constant 6 : i32
        %dma_start3A_535 = arith.constant 0 : i32
        %dma_start3A_536 = arith.constant 0 : i32
        %dma_start3A_537 = tpu.memref_slice %arg14[%dma_start3A_534, %dma_start3A_535, %dma_start3A_536] : memref<8x128x16xf32, #tpu.memory_space<vmem>> -> memref<1x128x16xf32, #tpu.memory_space<vmem>>
        %dma_start3A_538 = tpu.memref_squeeze %dma_start3A_537 : memref<1x128x16xf32, #tpu.memory_space<vmem>> -> memref<128x16xf32, #tpu.memory_space<vmem>>
        %dma_start3A_539 = arith.constant 0 : i32
        %dma_start3A_540 = tpu.memref_slice %arg13[%add3A_508, %dma_start3A_539] : memref<88x128xi32, #tpu.memory_space<vmem>> -> memref<1x128xi32, #tpu.memory_space<vmem>>
        %dma_start3A_541 = tpu.memref_squeeze %dma_start3A_540 : memref<1x128xi32, #tpu.memory_space<vmem>> -> memref<128xi32, #tpu.memory_space<vmem>>
        %dma_start3A_542 = arith.constant 0 : i32
        %dma_start3A_543 = arith.constant 0 : i32
        %dma_start3A_544 = tpu.memref_slice %arg12[%dma_start3A_542, %dma_start3A_543] : memref<10240x16xf32, #tpu.memory_space<vmem_shared>> -> memref<10240x16xf32, #tpu.memory_space<vmem_shared>>
        tpu.enqueue_indirect_dma source(%dma_start3A_544 : memref<10240x16xf32, #tpu.memory_space<vmem_shared>>) target(%dma_start3A_538 : memref<128x16xf32, #tpu.memory_space<vmem>>) offsets(%dma_start3A_541 : memref<128xi32, #tpu.memory_space<vmem>>) semaphore(%arg21 : memref<!tpu.dma_semaphore, #tpu.memory_space<semaphore_mem>>)
      } else {
      }
      %mul3A_513 = arith.constant 8 : i32
      %mul3A_514 = arith.muli %while3A_159, %mul3A_513 : i32
      %add3A_515 = arith.constant 7 : i32
      %add3A_516 = arith.addi %mul3A_514, %add3A_515 : i32
      %dma_wait3A_517 = arith.constant 7 : i32
      %dma_wait3A_518 = arith.constant 0 : i32
      %dma_wait3A_519 = arith.constant 0 : i32
      %dma_wait3A_520 = tpu.memref_slice %arg14[%dma_wait3A_517, %dma_wait3A_518, %dma_wait3A_519] : memref<8x128x16xf32, #tpu.memory_space<vmem>> -> memref<1x128x16xf32, #tpu.memory_space<vmem>>
      %dma_wait3A_521 = tpu.memref_squeeze %dma_wait3A_520 : memref<1x128x16xf32, #tpu.memory_space<vmem>> -> memref<128x16xf32, #tpu.memory_space<vmem>>
      %dma_wait3A_522 = arith.constant 0 : i32
      %dma_wait3A_523 = tpu.memref_slice %arg9[%add3A_516, %dma_wait3A_522] : memref<88x128xi32, #tpu.memory_space<vmem>> -> memref<1x128xi32, #tpu.memory_space<vmem>>
      %dma_wait3A_524 = tpu.memref_squeeze %dma_wait3A_523 : memref<1x128xi32, #tpu.memory_space<vmem>> -> memref<128xi32, #tpu.memory_space<vmem>>
      %dma_wait3A_525 = arith.constant 0 : i32
      %dma_wait3A_526 = arith.constant 0 : i32
      %dma_wait3A_527 = tpu.memref_slice %arg8[%dma_wait3A_525, %dma_wait3A_526] : memref<10240x16xf32, #tpu.memory_space<vmem_shared>> -> memref<10240x16xf32, #tpu.memory_space<vmem_shared>>
      tpu.wait_indirect_dma semaphore(%arg30 : memref<!tpu.dma_semaphore, #tpu.memory_space<semaphore_mem>>) src(%dma_wait3A_521 : memref<128x16xf32, #tpu.memory_space<vmem>>) dst(%dma_wait3A_527 : memref<10240x16xf32, #tpu.memory_space<vmem_shared>>)
      %add3A_528 = arith.constant 8 : i32
      %add3A_529 = arith.addi %add3A_516, %add3A_528 : i32
      %lt3A_530 = arith.cmpi slt, %add3A_529, %select_n3A : i32
      %convert_element_type3A_531 = arith.extui %lt3A_530 : i1 to i32
      %cond3A_532 = arith.constant 0 : i32
      %cond3A_533 = arith.cmpi ne, %convert_element_type3A_531, %cond3A_532 : i32
      scf.if %cond3A_533 {
        %dma_start3A_534 = arith.constant 7 : i32
        %dma_start3A_535 = arith.constant 0 : i32
        %dma_start3A_536 = arith.constant 0 : i32
        %dma_start3A_537 = tpu.memref_slice %arg14[%dma_start3A_534, %dma_start3A_535, %dma_start3A_536] : memref<8x128x16xf32, #tpu.memory_space<vmem>> -> memref<1x128x16xf32, #tpu.memory_space<vmem>>
        %dma_start3A_538 = tpu.memref_squeeze %dma_start3A_537 : memref<1x128x16xf32, #tpu.memory_space<vmem>> -> memref<128x16xf32, #tpu.memory_space<vmem>>
        %dma_start3A_539 = arith.constant 0 : i32
        %dma_start3A_540 = tpu.memref_slice %arg13[%add3A_529, %dma_start3A_539] : memref<88x128xi32, #tpu.memory_space<vmem>> -> memref<1x128xi32, #tpu.memory_space<vmem>>
        %dma_start3A_541 = tpu.memref_squeeze %dma_start3A_540 : memref<1x128xi32, #tpu.memory_space<vmem>> -> memref<128xi32, #tpu.memory_space<vmem>>
        %dma_start3A_542 = arith.constant 0 : i32
        %dma_start3A_543 = arith.constant 0 : i32
        %dma_start3A_544 = tpu.memref_slice %arg12[%dma_start3A_542, %dma_start3A_543] : memref<10240x16xf32, #tpu.memory_space<vmem_shared>> -> memref<10240x16xf32, #tpu.memory_space<vmem_shared>>
        tpu.enqueue_indirect_dma source(%dma_start3A_544 : memref<10240x16xf32, #tpu.memory_space<vmem_shared>>) target(%dma_start3A_538 : memref<128x16xf32, #tpu.memory_space<vmem>>) offsets(%dma_start3A_541 : memref<128xi32, #tpu.memory_space<vmem>>) semaphore(%arg22 : memref<!tpu.dma_semaphore, #tpu.memory_space<semaphore_mem>>)
      } else {
      }
    }
    %while3A_141 = arith.constant 1 : i32
    scf.for %while3A_159 = %while3A_139 to %while3A_135 step %while3A_141  : i32 {
      %mul3A_160 = arith.constant 8 : i32
      %mul3A_161 = arith.muli %while3A_159, %mul3A_160 : i32
      %add3A_162 = arith.constant 0 : i32
      %add3A_163 = arith.addi %mul3A_161, %add3A_162 : i32
      %dma_wait3A = arith.constant 0 : i32
      %dma_wait3A_164 = arith.constant 0 : i32
      %dma_wait3A_165 = arith.constant 0 : i32
      %dma_wait3A_166 = tpu.memref_slice %arg14[%dma_wait3A, %dma_wait3A_164, %dma_wait3A_165] : memref<8x128x16xf32, #tpu.memory_space<vmem>> -> memref<1x128x16xf32, #tpu.memory_space<vmem>>
      %dma_wait3A_167 = tpu.memref_squeeze %dma_wait3A_166 : memref<1x128x16xf32, #tpu.memory_space<vmem>> -> memref<128x16xf32, #tpu.memory_space<vmem>>
      %dma_wait3A_168 = arith.constant 0 : i32
      %dma_wait3A_169 = tpu.memref_slice %arg13[%add3A_163, %dma_wait3A_168] : memref<88x128xi32, #tpu.memory_space<vmem>> -> memref<1x128xi32, #tpu.memory_space<vmem>>
      %dma_wait3A_170 = tpu.memref_squeeze %dma_wait3A_169 : memref<1x128xi32, #tpu.memory_space<vmem>> -> memref<128xi32, #tpu.memory_space<vmem>>
      %dma_wait3A_171 = arith.constant 0 : i32
      %dma_wait3A_172 = arith.constant 0 : i32
      %dma_wait3A_173 = tpu.memref_slice %arg12[%dma_wait3A_171, %dma_wait3A_172] : memref<10240x16xf32, #tpu.memory_space<vmem_shared>> -> memref<10240x16xf32, #tpu.memory_space<vmem_shared>>
      tpu.wait_indirect_dma semaphore(%arg15 : memref<!tpu.dma_semaphore, #tpu.memory_space<semaphore_mem>>) src(%dma_wait3A_173 : memref<10240x16xf32, #tpu.memory_space<vmem_shared>>) dst(%dma_wait3A_167 : memref<128x16xf32, #tpu.memory_space<vmem>>)
      %dma_start3A_174 = arith.constant 0 : i32
      %dma_start3A_175 = arith.constant 0 : i32
      %dma_start3A_176 = arith.constant 0 : i32
      %dma_start3A_177 = tpu.memref_slice %arg14[%dma_start3A_174, %dma_start3A_175, %dma_start3A_176] : memref<8x128x16xf32, #tpu.memory_space<vmem>> -> memref<1x128x16xf32, #tpu.memory_space<vmem>>
      %dma_start3A_178 = tpu.memref_squeeze %dma_start3A_177 : memref<1x128x16xf32, #tpu.memory_space<vmem>> -> memref<128x16xf32, #tpu.memory_space<vmem>>
      %dma_start3A_179 = arith.constant 0 : i32
      %dma_start3A_180 = tpu.memref_slice %arg9[%add3A_163, %dma_start3A_179] : memref<88x128xi32, #tpu.memory_space<vmem>> -> memref<1x128xi32, #tpu.memory_space<vmem>>
      %dma_start3A_181 = tpu.memref_squeeze %dma_start3A_180 : memref<1x128xi32, #tpu.memory_space<vmem>> -> memref<128xi32, #tpu.memory_space<vmem>>
      %dma_start3A_182 = arith.constant 0 : i32
      %dma_start3A_183 = arith.constant 0 : i32
      %dma_start3A_184 = tpu.memref_slice %arg8[%dma_start3A_182, %dma_start3A_183] : memref<10240x16xf32, #tpu.memory_space<vmem_shared>> -> memref<10240x16xf32, #tpu.memory_space<vmem_shared>>
      tpu.enqueue_indirect_dma source(%dma_start3A_178 : memref<128x16xf32, #tpu.memory_space<vmem>>) target(%dma_start3A_184 : memref<10240x16xf32, #tpu.memory_space<vmem_shared>>) offsets(%dma_start3A_181 : memref<128xi32, #tpu.memory_space<vmem>>) semaphore(%arg23 : memref<!tpu.dma_semaphore, #tpu.memory_space<semaphore_mem>>) {add = true}
      %mul3A_185 = arith.constant 8 : i32
      %mul3A_186 = arith.muli %while3A_159, %mul3A_185 : i32
      %add3A_187 = arith.constant 1 : i32
      %add3A_188 = arith.addi %mul3A_186, %add3A_187 : i32
      %dma_wait3A_189 = arith.constant 1 : i32
      %dma_wait3A_190 = arith.constant 0 : i32
      %dma_wait3A_191 = arith.constant 0 : i32
      %dma_wait3A_192 = tpu.memref_slice %arg14[%dma_wait3A_189, %dma_wait3A_190, %dma_wait3A_191] : memref<8x128x16xf32, #tpu.memory_space<vmem>> -> memref<1x128x16xf32, #tpu.memory_space<vmem>>
      %dma_wait3A_193 = tpu.memref_squeeze %dma_wait3A_192 : memref<1x128x16xf32, #tpu.memory_space<vmem>> -> memref<128x16xf32, #tpu.memory_space<vmem>>
      %dma_wait3A_194 = arith.constant 0 : i32
      %dma_wait3A_195 = tpu.memref_slice %arg13[%add3A_188, %dma_wait3A_194] : memref<88x128xi32, #tpu.memory_space<vmem>> -> memref<1x128xi32, #tpu.memory_space<vmem>>
      %dma_wait3A_196 = tpu.memref_squeeze %dma_wait3A_195 : memref<1x128xi32, #tpu.memory_space<vmem>> -> memref<128xi32, #tpu.memory_space<vmem>>
      %dma_wait3A_197 = arith.constant 0 : i32
      %dma_wait3A_198 = arith.constant 0 : i32
      %dma_wait3A_199 = tpu.memref_slice %arg12[%dma_wait3A_197, %dma_wait3A_198] : memref<10240x16xf32, #tpu.memory_space<vmem_shared>> -> memref<10240x16xf32, #tpu.memory_space<vmem_shared>>
      tpu.wait_indirect_dma semaphore(%arg16 : memref<!tpu.dma_semaphore, #tpu.memory_space<semaphore_mem>>) src(%dma_wait3A_199 : memref<10240x16xf32, #tpu.memory_space<vmem_shared>>) dst(%dma_wait3A_193 : memref<128x16xf32, #tpu.memory_space<vmem>>)
      %dma_start3A_200 = arith.constant 1 : i32
      %dma_start3A_201 = arith.constant 0 : i32
      %dma_start3A_202 = arith.constant 0 : i32
      %dma_start3A_203 = tpu.memref_slice %arg14[%dma_start3A_200, %dma_start3A_201, %dma_start3A_202] : memref<8x128x16xf32, #tpu.memory_space<vmem>> -> memref<1x128x16xf32, #tpu.memory_space<vmem>>
      %dma_start3A_204 = tpu.memref_squeeze %dma_start3A_203 : memref<1x128x16xf32, #tpu.memory_space<vmem>> -> memref<128x16xf32, #tpu.memory_space<vmem>>
      %dma_start3A_205 = arith.constant 0 : i32
      %dma_start3A_206 = tpu.memref_slice %arg9[%add3A_188, %dma_start3A_205] : memref<88x128xi32, #tpu.memory_space<vmem>> -> memref<1x128xi32, #tpu.memory_space<vmem>>
      %dma_start3A_207 = tpu.memref_squeeze %dma_start3A_206 : memref<1x128xi32, #tpu.memory_space<vmem>> -> memref<128xi32, #tpu.memory_space<vmem>>
      %dma_start3A_208 = arith.constant 0 : i32
      %dma_start3A_209 = arith.constant 0 : i32
      %dma_start3A_210 = tpu.memref_slice %arg8[%dma_start3A_208, %dma_start3A_209] : memref<10240x16xf32, #tpu.memory_space<vmem_shared>> -> memref<10240x16xf32, #tpu.memory_space<vmem_shared>>
      tpu.enqueue_indirect_dma source(%dma_start3A_204 : memref<128x16xf32, #tpu.memory_space<vmem>>) target(%dma_start3A_210 : memref<10240x16xf32, #tpu.memory_space<vmem_shared>>) offsets(%dma_start3A_207 : memref<128xi32, #tpu.memory_space<vmem>>) semaphore(%arg24 : memref<!tpu.dma_semaphore, #tpu.memory_space<semaphore_mem>>) {add = true}
      %mul3A_211 = arith.constant 8 : i32
      %mul3A_212 = arith.muli %while3A_159, %mul3A_211 : i32
      %add3A_213 = arith.constant 2 : i32
      %add3A_214 = arith.addi %mul3A_212, %add3A_213 : i32
      %dma_wait3A_215 = arith.constant 2 : i32
      %dma_wait3A_216 = arith.constant 0 : i32
      %dma_wait3A_217 = arith.constant 0 : i32
      %dma_wait3A_218 = tpu.memref_slice %arg14[%dma_wait3A_215, %dma_wait3A_216, %dma_wait3A_217] : memref<8x128x16xf32, #tpu.memory_space<vmem>> -> memref<1x128x16xf32, #tpu.memory_space<vmem>>
      %dma_wait3A_219 = tpu.memref_squeeze %dma_wait3A_218 : memref<1x128x16xf32, #tpu.memory_space<vmem>> -> memref<128x16xf32, #tpu.memory_space<vmem>>
      %dma_wait3A_220 = arith.constant 0 : i32
      %dma_wait3A_221 = tpu.memref_slice %arg13[%add3A_214, %dma_wait3A_220] : memref<88x128xi32, #tpu.memory_space<vmem>> -> memref<1x128xi32, #tpu.memory_space<vmem>>
      %dma_wait3A_222 = tpu.memref_squeeze %dma_wait3A_221 : memref<1x128xi32, #tpu.memory_space<vmem>> -> memref<128xi32, #tpu.memory_space<vmem>>
      %dma_wait3A_223 = arith.constant 0 : i32
      %dma_wait3A_224 = arith.constant 0 : i32
      %dma_wait3A_225 = tpu.memref_slice %arg12[%dma_wait3A_223, %dma_wait3A_224] : memref<10240x16xf32, #tpu.memory_space<vmem_shared>> -> memref<10240x16xf32, #tpu.memory_space<vmem_shared>>
      tpu.wait_indirect_dma semaphore(%arg17 : memref<!tpu.dma_semaphore, #tpu.memory_space<semaphore_mem>>) src(%dma_wait3A_225 : memref<10240x16xf32, #tpu.memory_space<vmem_shared>>) dst(%dma_wait3A_219 : memref<128x16xf32, #tpu.memory_space<vmem>>)
      %dma_start3A_226 = arith.constant 2 : i32
      %dma_start3A_227 = arith.constant 0 : i32
      %dma_start3A_228 = arith.constant 0 : i32
      %dma_start3A_229 = tpu.memref_slice %arg14[%dma_start3A_226, %dma_start3A_227, %dma_start3A_228] : memref<8x128x16xf32, #tpu.memory_space<vmem>> -> memref<1x128x16xf32, #tpu.memory_space<vmem>>
      %dma_start3A_230 = tpu.memref_squeeze %dma_start3A_229 : memref<1x128x16xf32, #tpu.memory_space<vmem>> -> memref<128x16xf32, #tpu.memory_space<vmem>>
      %dma_start3A_231 = arith.constant 0 : i32
      %dma_start3A_232 = tpu.memref_slice %arg9[%add3A_214, %dma_start3A_231] : memref<88x128xi32, #tpu.memory_space<vmem>> -> memref<1x128xi32, #tpu.memory_space<vmem>>
      %dma_start3A_233 = tpu.memref_squeeze %dma_start3A_232 : memref<1x128xi32, #tpu.memory_space<vmem>> -> memref<128xi32, #tpu.memory_space<vmem>>
      %dma_start3A_234 = arith.constant 0 : i32
      %dma_start3A_235 = arith.constant 0 : i32
      %dma_start3A_236 = tpu.memref_slice %arg8[%dma_start3A_234, %dma_start3A_235] : memref<10240x16xf32, #tpu.memory_space<vmem_shared>> -> memref<10240x16xf32, #tpu.memory_space<vmem_shared>>
      tpu.enqueue_indirect_dma source(%dma_start3A_230 : memref<128x16xf32, #tpu.memory_space<vmem>>) target(%dma_start3A_236 : memref<10240x16xf32, #tpu.memory_space<vmem_shared>>) offsets(%dma_start3A_233 : memref<128xi32, #tpu.memory_space<vmem>>) semaphore(%arg25 : memref<!tpu.dma_semaphore, #tpu.memory_space<semaphore_mem>>) {add = true}
      %mul3A_237 = arith.constant 8 : i32
      %mul3A_238 = arith.muli %while3A_159, %mul3A_237 : i32
      %add3A_239 = arith.constant 3 : i32
      %add3A_240 = arith.addi %mul3A_238, %add3A_239 : i32
      %dma_wait3A_241 = arith.constant 3 : i32
      %dma_wait3A_242 = arith.constant 0 : i32
      %dma_wait3A_243 = arith.constant 0 : i32
      %dma_wait3A_244 = tpu.memref_slice %arg14[%dma_wait3A_241, %dma_wait3A_242, %dma_wait3A_243] : memref<8x128x16xf32, #tpu.memory_space<vmem>> -> memref<1x128x16xf32, #tpu.memory_space<vmem>>
      %dma_wait3A_245 = tpu.memref_squeeze %dma_wait3A_244 : memref<1x128x16xf32, #tpu.memory_space<vmem>> -> memref<128x16xf32, #tpu.memory_space<vmem>>
      %dma_wait3A_246 = arith.constant 0 : i32
      %dma_wait3A_247 = tpu.memref_slice %arg13[%add3A_240, %dma_wait3A_246] : memref<88x128xi32, #tpu.memory_space<vmem>> -> memref<1x128xi32, #tpu.memory_space<vmem>>
      %dma_wait3A_248 = tpu.memref_squeeze %dma_wait3A_247 : memref<1x128xi32, #tpu.memory_space<vmem>> -> memref<128xi32, #tpu.memory_space<vmem>>
      %dma_wait3A_249 = arith.constant 0 : i32
      %dma_wait3A_250 = arith.constant 0 : i32
      %dma_wait3A_251 = tpu.memref_slice %arg12[%dma_wait3A_249, %dma_wait3A_250] : memref<10240x16xf32, #tpu.memory_space<vmem_shared>> -> memref<10240x16xf32, #tpu.memory_space<vmem_shared>>
      tpu.wait_indirect_dma semaphore(%arg18 : memref<!tpu.dma_semaphore, #tpu.memory_space<semaphore_mem>>) src(%dma_wait3A_251 : memref<10240x16xf32, #tpu.memory_space<vmem_shared>>) dst(%dma_wait3A_245 : memref<128x16xf32, #tpu.memory_space<vmem>>)
      %dma_start3A_252 = arith.constant 3 : i32
      %dma_start3A_253 = arith.constant 0 : i32
      %dma_start3A_254 = arith.constant 0 : i32
      %dma_start3A_255 = tpu.memref_slice %arg14[%dma_start3A_252, %dma_start3A_253, %dma_start3A_254] : memref<8x128x16xf32, #tpu.memory_space<vmem>> -> memref<1x128x16xf32, #tpu.memory_space<vmem>>
      %dma_start3A_256 = tpu.memref_squeeze %dma_start3A_255 : memref<1x128x16xf32, #tpu.memory_space<vmem>> -> memref<128x16xf32, #tpu.memory_space<vmem>>
      %dma_start3A_257 = arith.constant 0 : i32
      %dma_start3A_258 = tpu.memref_slice %arg9[%add3A_240, %dma_start3A_257] : memref<88x128xi32, #tpu.memory_space<vmem>> -> memref<1x128xi32, #tpu.memory_space<vmem>>
      %dma_start3A_259 = tpu.memref_squeeze %dma_start3A_258 : memref<1x128xi32, #tpu.memory_space<vmem>> -> memref<128xi32, #tpu.memory_space<vmem>>
      %dma_start3A_260 = arith.constant 0 : i32
      %dma_start3A_261 = arith.constant 0 : i32
      %dma_start3A_262 = tpu.memref_slice %arg8[%dma_start3A_260, %dma_start3A_261] : memref<10240x16xf32, #tpu.memory_space<vmem_shared>> -> memref<10240x16xf32, #tpu.memory_space<vmem_shared>>
      tpu.enqueue_indirect_dma source(%dma_start3A_256 : memref<128x16xf32, #tpu.memory_space<vmem>>) target(%dma_start3A_262 : memref<10240x16xf32, #tpu.memory_space<vmem_shared>>) offsets(%dma_start3A_259 : memref<128xi32, #tpu.memory_space<vmem>>) semaphore(%arg26 : memref<!tpu.dma_semaphore, #tpu.memory_space<semaphore_mem>>) {add = true}
      %mul3A_263 = arith.constant 8 : i32
      %mul3A_264 = arith.muli %while3A_159, %mul3A_263 : i32
      %add3A_265 = arith.constant 4 : i32
      %add3A_266 = arith.addi %mul3A_264, %add3A_265 : i32
      %dma_wait3A_267 = arith.constant 4 : i32
      %dma_wait3A_268 = arith.constant 0 : i32
      %dma_wait3A_269 = arith.constant 0 : i32
      %dma_wait3A_270 = tpu.memref_slice %arg14[%dma_wait3A_267, %dma_wait3A_268, %dma_wait3A_269] : memref<8x128x16xf32, #tpu.memory_space<vmem>> -> memref<1x128x16xf32, #tpu.memory_space<vmem>>
      %dma_wait3A_271 = tpu.memref_squeeze %dma_wait3A_270 : memref<1x128x16xf32, #tpu.memory_space<vmem>> -> memref<128x16xf32, #tpu.memory_space<vmem>>
      %dma_wait3A_272 = arith.constant 0 : i32
      %dma_wait3A_273 = tpu.memref_slice %arg13[%add3A_266, %dma_wait3A_272] : memref<88x128xi32, #tpu.memory_space<vmem>> -> memref<1x128xi32, #tpu.memory_space<vmem>>
      %dma_wait3A_274 = tpu.memref_squeeze %dma_wait3A_273 : memref<1x128xi32, #tpu.memory_space<vmem>> -> memref<128xi32, #tpu.memory_space<vmem>>
      %dma_wait3A_275 = arith.constant 0 : i32
      %dma_wait3A_276 = arith.constant 0 : i32
      %dma_wait3A_277 = tpu.memref_slice %arg12[%dma_wait3A_275, %dma_wait3A_276] : memref<10240x16xf32, #tpu.memory_space<vmem_shared>> -> memref<10240x16xf32, #tpu.memory_space<vmem_shared>>
      tpu.wait_indirect_dma semaphore(%arg19 : memref<!tpu.dma_semaphore, #tpu.memory_space<semaphore_mem>>) src(%dma_wait3A_277 : memref<10240x16xf32, #tpu.memory_space<vmem_shared>>) dst(%dma_wait3A_271 : memref<128x16xf32, #tpu.memory_space<vmem>>)
      %dma_start3A_278 = arith.constant 4 : i32
      %dma_start3A_279 = arith.constant 0 : i32
      %dma_start3A_280 = arith.constant 0 : i32
      %dma_start3A_281 = tpu.memref_slice %arg14[%dma_start3A_278, %dma_start3A_279, %dma_start3A_280] : memref<8x128x16xf32, #tpu.memory_space<vmem>> -> memref<1x128x16xf32, #tpu.memory_space<vmem>>
      %dma_start3A_282 = tpu.memref_squeeze %dma_start3A_281 : memref<1x128x16xf32, #tpu.memory_space<vmem>> -> memref<128x16xf32, #tpu.memory_space<vmem>>
      %dma_start3A_283 = arith.constant 0 : i32
      %dma_start3A_284 = tpu.memref_slice %arg9[%add3A_266, %dma_start3A_283] : memref<88x128xi32, #tpu.memory_space<vmem>> -> memref<1x128xi32, #tpu.memory_space<vmem>>
      %dma_start3A_285 = tpu.memref_squeeze %dma_start3A_284 : memref<1x128xi32, #tpu.memory_space<vmem>> -> memref<128xi32, #tpu.memory_space<vmem>>
      %dma_start3A_286 = arith.constant 0 : i32
      %dma_start3A_287 = arith.constant 0 : i32
      %dma_start3A_288 = tpu.memref_slice %arg8[%dma_start3A_286, %dma_start3A_287] : memref<10240x16xf32, #tpu.memory_space<vmem_shared>> -> memref<10240x16xf32, #tpu.memory_space<vmem_shared>>
      tpu.enqueue_indirect_dma source(%dma_start3A_282 : memref<128x16xf32, #tpu.memory_space<vmem>>) target(%dma_start3A_288 : memref<10240x16xf32, #tpu.memory_space<vmem_shared>>) offsets(%dma_start3A_285 : memref<128xi32, #tpu.memory_space<vmem>>) semaphore(%arg27 : memref<!tpu.dma_semaphore, #tpu.memory_space<semaphore_mem>>) {add = true}
      %mul3A_289 = arith.constant 8 : i32
      %mul3A_290 = arith.muli %while3A_159, %mul3A_289 : i32
      %add3A_291 = arith.constant 5 : i32
      %add3A_292 = arith.addi %mul3A_290, %add3A_291 : i32
      %dma_wait3A_293 = arith.constant 5 : i32
      %dma_wait3A_294 = arith.constant 0 : i32
      %dma_wait3A_295 = arith.constant 0 : i32
      %dma_wait3A_296 = tpu.memref_slice %arg14[%dma_wait3A_293, %dma_wait3A_294, %dma_wait3A_295] : memref<8x128x16xf32, #tpu.memory_space<vmem>> -> memref<1x128x16xf32, #tpu.memory_space<vmem>>
      %dma_wait3A_297 = tpu.memref_squeeze %dma_wait3A_296 : memref<1x128x16xf32, #tpu.memory_space<vmem>> -> memref<128x16xf32, #tpu.memory_space<vmem>>
      %dma_wait3A_298 = arith.constant 0 : i32
      %dma_wait3A_299 = tpu.memref_slice %arg13[%add3A_292, %dma_wait3A_298] : memref<88x128xi32, #tpu.memory_space<vmem>> -> memref<1x128xi32, #tpu.memory_space<vmem>>
      %dma_wait3A_300 = tpu.memref_squeeze %dma_wait3A_299 : memref<1x128xi32, #tpu.memory_space<vmem>> -> memref<128xi32, #tpu.memory_space<vmem>>
      %dma_wait3A_301 = arith.constant 0 : i32
      %dma_wait3A_302 = arith.constant 0 : i32
      %dma_wait3A_303 = tpu.memref_slice %arg12[%dma_wait3A_301, %dma_wait3A_302] : memref<10240x16xf32, #tpu.memory_space<vmem_shared>> -> memref<10240x16xf32, #tpu.memory_space<vmem_shared>>
      tpu.wait_indirect_dma semaphore(%arg20 : memref<!tpu.dma_semaphore, #tpu.memory_space<semaphore_mem>>) src(%dma_wait3A_303 : memref<10240x16xf32, #tpu.memory_space<vmem_shared>>) dst(%dma_wait3A_297 : memref<128x16xf32, #tpu.memory_space<vmem>>)
      %dma_start3A_304 = arith.constant 5 : i32
      %dma_start3A_305 = arith.constant 0 : i32
      %dma_start3A_306 = arith.constant 0 : i32
      %dma_start3A_307 = tpu.memref_slice %arg14[%dma_start3A_304, %dma_start3A_305, %dma_start3A_306] : memref<8x128x16xf32, #tpu.memory_space<vmem>> -> memref<1x128x16xf32, #tpu.memory_space<vmem>>
      %dma_start3A_308 = tpu.memref_squeeze %dma_start3A_307 : memref<1x128x16xf32, #tpu.memory_space<vmem>> -> memref<128x16xf32, #tpu.memory_space<vmem>>
      %dma_start3A_309 = arith.constant 0 : i32
      %dma_start3A_310 = tpu.memref_slice %arg9[%add3A_292, %dma_start3A_309] : memref<88x128xi32, #tpu.memory_space<vmem>> -> memref<1x128xi32, #tpu.memory_space<vmem>>
      %dma_start3A_311 = tpu.memref_squeeze %dma_start3A_310 : memref<1x128xi32, #tpu.memory_space<vmem>> -> memref<128xi32, #tpu.memory_space<vmem>>
      %dma_start3A_312 = arith.constant 0 : i32
      %dma_start3A_313 = arith.constant 0 : i32
      %dma_start3A_314 = tpu.memref_slice %arg8[%dma_start3A_312, %dma_start3A_313] : memref<10240x16xf32, #tpu.memory_space<vmem_shared>> -> memref<10240x16xf32, #tpu.memory_space<vmem_shared>>
      tpu.enqueue_indirect_dma source(%dma_start3A_308 : memref<128x16xf32, #tpu.memory_space<vmem>>) target(%dma_start3A_314 : memref<10240x16xf32, #tpu.memory_space<vmem_shared>>) offsets(%dma_start3A_311 : memref<128xi32, #tpu.memory_space<vmem>>) semaphore(%arg28 : memref<!tpu.dma_semaphore, #tpu.memory_space<semaphore_mem>>) {add = true}
      %mul3A_315 = arith.constant 8 : i32
      %mul3A_316 = arith.muli %while3A_159, %mul3A_315 : i32
      %add3A_317 = arith.constant 6 : i32
      %add3A_318 = arith.addi %mul3A_316, %add3A_317 : i32
      %dma_wait3A_319 = arith.constant 6 : i32
      %dma_wait3A_320 = arith.constant 0 : i32
      %dma_wait3A_321 = arith.constant 0 : i32
      %dma_wait3A_322 = tpu.memref_slice %arg14[%dma_wait3A_319, %dma_wait3A_320, %dma_wait3A_321] : memref<8x128x16xf32, #tpu.memory_space<vmem>> -> memref<1x128x16xf32, #tpu.memory_space<vmem>>
      %dma_wait3A_323 = tpu.memref_squeeze %dma_wait3A_322 : memref<1x128x16xf32, #tpu.memory_space<vmem>> -> memref<128x16xf32, #tpu.memory_space<vmem>>
      %dma_wait3A_324 = arith.constant 0 : i32
      %dma_wait3A_325 = tpu.memref_slice %arg13[%add3A_318, %dma_wait3A_324] : memref<88x128xi32, #tpu.memory_space<vmem>> -> memref<1x128xi32, #tpu.memory_space<vmem>>
      %dma_wait3A_326 = tpu.memref_squeeze %dma_wait3A_325 : memref<1x128xi32, #tpu.memory_space<vmem>> -> memref<128xi32, #tpu.memory_space<vmem>>
      %dma_wait3A_327 = arith.constant 0 : i32
      %dma_wait3A_328 = arith.constant 0 : i32
      %dma_wait3A_329 = tpu.memref_slice %arg12[%dma_wait3A_327, %dma_wait3A_328] : memref<10240x16xf32, #tpu.memory_space<vmem_shared>> -> memref<10240x16xf32, #tpu.memory_space<vmem_shared>>
      tpu.wait_indirect_dma semaphore(%arg21 : memref<!tpu.dma_semaphore, #tpu.memory_space<semaphore_mem>>) src(%dma_wait3A_329 : memref<10240x16xf32, #tpu.memory_space<vmem_shared>>) dst(%dma_wait3A_323 : memref<128x16xf32, #tpu.memory_space<vmem>>)
      %dma_start3A_330 = arith.constant 6 : i32
      %dma_start3A_331 = arith.constant 0 : i32
      %dma_start3A_332 = arith.constant 0 : i32
      %dma_start3A_333 = tpu.memref_slice %arg14[%dma_start3A_330, %dma_start3A_331, %dma_start3A_332] : memref<8x128x16xf32, #tpu.memory_space<vmem>> -> memref<1x128x16xf32, #tpu.memory_space<vmem>>
      %dma_start3A_334 = tpu.memref_squeeze %dma_start3A_333 : memref<1x128x16xf32, #tpu.memory_space<vmem>> -> memref<128x16xf32, #tpu.memory_space<vmem>>
      %dma_start3A_335 = arith.constant 0 : i32
      %dma_start3A_336 = tpu.memref_slice %arg9[%add3A_318, %dma_start3A_335] : memref<88x128xi32, #tpu.memory_space<vmem>> -> memref<1x128xi32, #tpu.memory_space<vmem>>
      %dma_start3A_337 = tpu.memref_squeeze %dma_start3A_336 : memref<1x128xi32, #tpu.memory_space<vmem>> -> memref<128xi32, #tpu.memory_space<vmem>>
      %dma_start3A_338 = arith.constant 0 : i32
      %dma_start3A_339 = arith.constant 0 : i32
      %dma_start3A_340 = tpu.memref_slice %arg8[%dma_start3A_338, %dma_start3A_339] : memref<10240x16xf32, #tpu.memory_space<vmem_shared>> -> memref<10240x16xf32, #tpu.memory_space<vmem_shared>>
      tpu.enqueue_indirect_dma source(%dma_start3A_334 : memref<128x16xf32, #tpu.memory_space<vmem>>) target(%dma_start3A_340 : memref<10240x16xf32, #tpu.memory_space<vmem_shared>>) offsets(%dma_start3A_337 : memref<128xi32, #tpu.memory_space<vmem>>) semaphore(%arg29 : memref<!tpu.dma_semaphore, #tpu.memory_space<semaphore_mem>>) {add = true}
      %mul3A_341 = arith.constant 8 : i32
      %mul3A_342 = arith.muli %while3A_159, %mul3A_341 : i32
      %add3A_343 = arith.constant 7 : i32
      %add3A_344 = arith.addi %mul3A_342, %add3A_343 : i32
      %dma_wait3A_345 = arith.constant 7 : i32
      %dma_wait3A_346 = arith.constant 0 : i32
      %dma_wait3A_347 = arith.constant 0 : i32
      %dma_wait3A_348 = tpu.memref_slice %arg14[%dma_wait3A_345, %dma_wait3A_346, %dma_wait3A_347] : memref<8x128x16xf32, #tpu.memory_space<vmem>> -> memref<1x128x16xf32, #tpu.memory_space<vmem>>
      %dma_wait3A_349 = tpu.memref_squeeze %dma_wait3A_348 : memref<1x128x16xf32, #tpu.memory_space<vmem>> -> memref<128x16xf32, #tpu.memory_space<vmem>>
      %dma_wait3A_350 = arith.constant 0 : i32
      %dma_wait3A_351 = tpu.memref_slice %arg13[%add3A_344, %dma_wait3A_350] : memref<88x128xi32, #tpu.memory_space<vmem>> -> memref<1x128xi32, #tpu.memory_space<vmem>>
      %dma_wait3A_352 = tpu.memref_squeeze %dma_wait3A_351 : memref<1x128xi32, #tpu.memory_space<vmem>> -> memref<128xi32, #tpu.memory_space<vmem>>
      %dma_wait3A_353 = arith.constant 0 : i32
      %dma_wait3A_354 = arith.constant 0 : i32
      %dma_wait3A_355 = tpu.memref_slice %arg12[%dma_wait3A_353, %dma_wait3A_354] : memref<10240x16xf32, #tpu.memory_space<vmem_shared>> -> memref<10240x16xf32, #tpu.memory_space<vmem_shared>>
      tpu.wait_indirect_dma semaphore(%arg22 : memref<!tpu.dma_semaphore, #tpu.memory_space<semaphore_mem>>) src(%dma_wait3A_355 : memref<10240x16xf32, #tpu.memory_space<vmem_shared>>) dst(%dma_wait3A_349 : memref<128x16xf32, #tpu.memory_space<vmem>>)
      %dma_start3A_356 = arith.constant 7 : i32
      %dma_start3A_357 = arith.constant 0 : i32
      %dma_start3A_358 = arith.constant 0 : i32
      %dma_start3A_359 = tpu.memref_slice %arg14[%dma_start3A_356, %dma_start3A_357, %dma_start3A_358] : memref<8x128x16xf32, #tpu.memory_space<vmem>> -> memref<1x128x16xf32, #tpu.memory_space<vmem>>
      %dma_start3A_360 = tpu.memref_squeeze %dma_start3A_359 : memref<1x128x16xf32, #tpu.memory_space<vmem>> -> memref<128x16xf32, #tpu.memory_space<vmem>>
      %dma_start3A_361 = arith.constant 0 : i32
      %dma_start3A_362 = tpu.memref_slice %arg9[%add3A_344, %dma_start3A_361] : memref<88x128xi32, #tpu.memory_space<vmem>> -> memref<1x128xi32, #tpu.memory_space<vmem>>
      %dma_start3A_363 = tpu.memref_squeeze %dma_start3A_362 : memref<1x128xi32, #tpu.memory_space<vmem>> -> memref<128xi32, #tpu.memory_space<vmem>>
      %dma_start3A_364 = arith.constant 0 : i32
      %dma_start3A_365 = arith.constant 0 : i32
      %dma_start3A_366 = tpu.memref_slice %arg8[%dma_start3A_364, %dma_start3A_365] : memref<10240x16xf32, #tpu.memory_space<vmem_shared>> -> memref<10240x16xf32, #tpu.memory_space<vmem_shared>>
      tpu.enqueue_indirect_dma source(%dma_start3A_360 : memref<128x16xf32, #tpu.memory_space<vmem>>) target(%dma_start3A_366 : memref<10240x16xf32, #tpu.memory_space<vmem_shared>>) offsets(%dma_start3A_363 : memref<128xi32, #tpu.memory_space<vmem>>) semaphore(%arg30 : memref<!tpu.dma_semaphore, #tpu.memory_space<semaphore_mem>>) {add = true}
      %mul3A_367 = arith.constant 8 : i32
      %mul3A_368 = arith.muli %while3A_159, %mul3A_367 : i32
      %add3A_369 = arith.constant 0 : i32
      %add3A_370 = arith.addi %mul3A_368, %add3A_369 : i32
      %dma_wait3A_371 = arith.constant 0 : i32
      %dma_wait3A_372 = arith.constant 0 : i32
      %dma_wait3A_373 = arith.constant 0 : i32
      %dma_wait3A_374 = tpu.memref_slice %arg14[%dma_wait3A_371, %dma_wait3A_372, %dma_wait3A_373] : memref<8x128x16xf32, #tpu.memory_space<vmem>> -> memref<1x128x16xf32, #tpu.memory_space<vmem>>
      %dma_wait3A_375 = tpu.memref_squeeze %dma_wait3A_374 : memref<1x128x16xf32, #tpu.memory_space<vmem>> -> memref<128x16xf32, #tpu.memory_space<vmem>>
      %dma_wait3A_376 = arith.constant 0 : i32
      %dma_wait3A_377 = tpu.memref_slice %arg9[%add3A_370, %dma_wait3A_376] : memref<88x128xi32, #tpu.memory_space<vmem>> -> memref<1x128xi32, #tpu.memory_space<vmem>>
      %dma_wait3A_378 = tpu.memref_squeeze %dma_wait3A_377 : memref<1x128xi32, #tpu.memory_space<vmem>> -> memref<128xi32, #tpu.memory_space<vmem>>
      %dma_wait3A_379 = arith.constant 0 : i32
      %dma_wait3A_380 = arith.constant 0 : i32
      %dma_wait3A_381 = tpu.memref_slice %arg8[%dma_wait3A_379, %dma_wait3A_380] : memref<10240x16xf32, #tpu.memory_space<vmem_shared>> -> memref<10240x16xf32, #tpu.memory_space<vmem_shared>>
      tpu.wait_indirect_dma semaphore(%arg23 : memref<!tpu.dma_semaphore, #tpu.memory_space<semaphore_mem>>) src(%dma_wait3A_375 : memref<128x16xf32, #tpu.memory_space<vmem>>) dst(%dma_wait3A_381 : memref<10240x16xf32, #tpu.memory_space<vmem_shared>>)
      %add3A_382 = arith.constant 8 : i32
      %add3A_383 = arith.addi %add3A_370, %add3A_382 : i32
      %lt3A = arith.cmpi slt, %add3A_383, %select_n3A : i32
      %convert_element_type3A_384 = arith.extui %lt3A : i1 to i32
      %cond3A_385 = arith.constant 0 : i32
      %cond3A_386 = arith.cmpi ne, %convert_element_type3A_384, %cond3A_385 : i32
      scf.if %cond3A_386 {
        %dma_start3A_534 = arith.constant 0 : i32
        %dma_start3A_535 = arith.constant 0 : i32
        %dma_start3A_536 = arith.constant 0 : i32
        %dma_start3A_537 = tpu.memref_slice %arg14[%dma_start3A_534, %dma_start3A_535, %dma_start3A_536] : memref<8x128x16xf32, #tpu.memory_space<vmem>> -> memref<1x128x16xf32, #tpu.memory_space<vmem>>
        %dma_start3A_538 = tpu.memref_squeeze %dma_start3A_537 : memref<1x128x16xf32, #tpu.memory_space<vmem>> -> memref<128x16xf32, #tpu.memory_space<vmem>>
        %dma_start3A_539 = arith.constant 0 : i32
        %dma_start3A_540 = tpu.memref_slice %arg13[%add3A_383, %dma_start3A_539] : memref<88x128xi32, #tpu.memory_space<vmem>> -> memref<1x128xi32, #tpu.memory_space<vmem>>
        %dma_start3A_541 = tpu.memref_squeeze %dma_start3A_540 : memref<1x128xi32, #tpu.memory_space<vmem>> -> memref<128xi32, #tpu.memory_space<vmem>>
        %dma_start3A_542 = arith.constant 0 : i32
        %dma_start3A_543 = arith.constant 0 : i32
        %dma_start3A_544 = tpu.memref_slice %arg12[%dma_start3A_542, %dma_start3A_543] : memref<10240x16xf32, #tpu.memory_space<vmem_shared>> -> memref<10240x16xf32, #tpu.memory_space<vmem_shared>>
        tpu.enqueue_indirect_dma source(%dma_start3A_544 : memref<10240x16xf32, #tpu.memory_space<vmem_shared>>) target(%dma_start3A_538 : memref<128x16xf32, #tpu.memory_space<vmem>>) offsets(%dma_start3A_541 : memref<128xi32, #tpu.memory_space<vmem>>) semaphore(%arg15 : memref<!tpu.dma_semaphore, #tpu.memory_space<semaphore_mem>>)
      } else {
      }
      %mul3A_387 = arith.constant 8 : i32
      %mul3A_388 = arith.muli %while3A_159, %mul3A_387 : i32
      %add3A_389 = arith.constant 1 : i32
      %add3A_390 = arith.addi %mul3A_388, %add3A_389 : i32
      %dma_wait3A_391 = arith.constant 1 : i32
      %dma_wait3A_392 = arith.constant 0 : i32
      %dma_wait3A_393 = arith.constant 0 : i32
      %dma_wait3A_394 = tpu.memref_slice %arg14[%dma_wait3A_391, %dma_wait3A_392, %dma_wait3A_393] : memref<8x128x16xf32, #tpu.memory_space<vmem>> -> memref<1x128x16xf32, #tpu.memory_space<vmem>>
      %dma_wait3A_395 = tpu.memref_squeeze %dma_wait3A_394 : memref<1x128x16xf32, #tpu.memory_space<vmem>> -> memref<128x16xf32, #tpu.memory_space<vmem>>
      %dma_wait3A_396 = arith.constant 0 : i32
      %dma_wait3A_397 = tpu.memref_slice %arg9[%add3A_390, %dma_wait3A_396] : memref<88x128xi32, #tpu.memory_space<vmem>> -> memref<1x128xi32, #tpu.memory_space<vmem>>
      %dma_wait3A_398 = tpu.memref_squeeze %dma_wait3A_397 : memref<1x128xi32, #tpu.memory_space<vmem>> -> memref<128xi32, #tpu.memory_space<vmem>>
      %dma_wait3A_399 = arith.constant 0 : i32
      %dma_wait3A_400 = arith.constant 0 : i32
      %dma_wait3A_401 = tpu.memref_slice %arg8[%dma_wait3A_399, %dma_wait3A_400] : memref<10240x16xf32, #tpu.memory_space<vmem_shared>> -> memref<10240x16xf32, #tpu.memory_space<vmem_shared>>
      tpu.wait_indirect_dma semaphore(%arg24 : memref<!tpu.dma_semaphore, #tpu.memory_space<semaphore_mem>>) src(%dma_wait3A_395 : memref<128x16xf32, #tpu.memory_space<vmem>>) dst(%dma_wait3A_401 : memref<10240x16xf32, #tpu.memory_space<vmem_shared>>)
      %add3A_402 = arith.constant 8 : i32
      %add3A_403 = arith.addi %add3A_390, %add3A_402 : i32
      %lt3A_404 = arith.cmpi slt, %add3A_403, %select_n3A : i32
      %convert_element_type3A_405 = arith.extui %lt3A_404 : i1 to i32
      %cond3A_406 = arith.constant 0 : i32
      %cond3A_407 = arith.cmpi ne, %convert_element_type3A_405, %cond3A_406 : i32
      scf.if %cond3A_407 {
        %dma_start3A_534 = arith.constant 1 : i32
        %dma_start3A_535 = arith.constant 0 : i32
        %dma_start3A_536 = arith.constant 0 : i32
        %dma_start3A_537 = tpu.memref_slice %arg14[%dma_start3A_534, %dma_start3A_535, %dma_start3A_536] : memref<8x128x16xf32, #tpu.memory_space<vmem>> -> memref<1x128x16xf32, #tpu.memory_space<vmem>>
        %dma_start3A_538 = tpu.memref_squeeze %dma_start3A_537 : memref<1x128x16xf32, #tpu.memory_space<vmem>> -> memref<128x16xf32, #tpu.memory_space<vmem>>
        %dma_start3A_539 = arith.constant 0 : i32
        %dma_start3A_540 = tpu.memref_slice %arg13[%add3A_403, %dma_start3A_539] : memref<88x128xi32, #tpu.memory_space<vmem>> -> memref<1x128xi32, #tpu.memory_space<vmem>>
        %dma_start3A_541 = tpu.memref_squeeze %dma_start3A_540 : memref<1x128xi32, #tpu.memory_space<vmem>> -> memref<128xi32, #tpu.memory_space<vmem>>
        %dma_start3A_542 = arith.constant 0 : i32
        %dma_start3A_543 = arith.constant 0 : i32
        %dma_start3A_544 = tpu.memref_slice %arg12[%dma_start3A_542, %dma_start3A_543] : memref<10240x16xf32, #tpu.memory_space<vmem_shared>> -> memref<10240x16xf32, #tpu.memory_space<vmem_shared>>
        tpu.enqueue_indirect_dma source(%dma_start3A_544 : memref<10240x16xf32, #tpu.memory_space<vmem_shared>>) target(%dma_start3A_538 : memref<128x16xf32, #tpu.memory_space<vmem>>) offsets(%dma_start3A_541 : memref<128xi32, #tpu.memory_space<vmem>>) semaphore(%arg16 : memref<!tpu.dma_semaphore, #tpu.memory_space<semaphore_mem>>)
      } else {
      }
      %mul3A_408 = arith.constant 8 : i32
      %mul3A_409 = arith.muli %while3A_159, %mul3A_408 : i32
      %add3A_410 = arith.constant 2 : i32
      %add3A_411 = arith.addi %mul3A_409, %add3A_410 : i32
      %dma_wait3A_412 = arith.constant 2 : i32
      %dma_wait3A_413 = arith.constant 0 : i32
      %dma_wait3A_414 = arith.constant 0 : i32
      %dma_wait3A_415 = tpu.memref_slice %arg14[%dma_wait3A_412, %dma_wait3A_413, %dma_wait3A_414] : memref<8x128x16xf32, #tpu.memory_space<vmem>> -> memref<1x128x16xf32, #tpu.memory_space<vmem>>
      %dma_wait3A_416 = tpu.memref_squeeze %dma_wait3A_415 : memref<1x128x16xf32, #tpu.memory_space<vmem>> -> memref<128x16xf32, #tpu.memory_space<vmem>>
      %dma_wait3A_417 = arith.constant 0 : i32
      %dma_wait3A_418 = tpu.memref_slice %arg9[%add3A_411, %dma_wait3A_417] : memref<88x128xi32, #tpu.memory_space<vmem>> -> memref<1x128xi32, #tpu.memory_space<vmem>>
      %dma_wait3A_419 = tpu.memref_squeeze %dma_wait3A_418 : memref<1x128xi32, #tpu.memory_space<vmem>> -> memref<128xi32, #tpu.memory_space<vmem>>
      %dma_wait3A_420 = arith.constant 0 : i32
      %dma_wait3A_421 = arith.constant 0 : i32
      %dma_wait3A_422 = tpu.memref_slice %arg8[%dma_wait3A_420, %dma_wait3A_421] : memref<10240x16xf32, #tpu.memory_space<vmem_shared>> -> memref<10240x16xf32, #tpu.memory_space<vmem_shared>>
      tpu.wait_indirect_dma semaphore(%arg25 : memref<!tpu.dma_semaphore, #tpu.memory_space<semaphore_mem>>) src(%dma_wait3A_416 : memref<128x16xf32, #tpu.memory_space<vmem>>) dst(%dma_wait3A_422 : memref<10240x16xf32, #tpu.memory_space<vmem_shared>>)
      %add3A_423 = arith.constant 8 : i32
      %add3A_424 = arith.addi %add3A_411, %add3A_423 : i32
      %lt3A_425 = arith.cmpi slt, %add3A_424, %select_n3A : i32
      %convert_element_type3A_426 = arith.extui %lt3A_425 : i1 to i32
      %cond3A_427 = arith.constant 0 : i32
      %cond3A_428 = arith.cmpi ne, %convert_element_type3A_426, %cond3A_427 : i32
      scf.if %cond3A_428 {
        %dma_start3A_534 = arith.constant 2 : i32
        %dma_start3A_535 = arith.constant 0 : i32
        %dma_start3A_536 = arith.constant 0 : i32
        %dma_start3A_537 = tpu.memref_slice %arg14[%dma_start3A_534, %dma_start3A_535, %dma_start3A_536] : memref<8x128x16xf32, #tpu.memory_space<vmem>> -> memref<1x128x16xf32, #tpu.memory_space<vmem>>
        %dma_start3A_538 = tpu.memref_squeeze %dma_start3A_537 : memref<1x128x16xf32, #tpu.memory_space<vmem>> -> memref<128x16xf32, #tpu.memory_space<vmem>>
        %dma_start3A_539 = arith.constant 0 : i32
        %dma_start3A_540 = tpu.memref_slice %arg13[%add3A_424, %dma_start3A_539] : memref<88x128xi32, #tpu.memory_space<vmem>> -> memref<1x128xi32, #tpu.memory_space<vmem>>
        %dma_start3A_541 = tpu.memref_squeeze %dma_start3A_540 : memref<1x128xi32, #tpu.memory_space<vmem>> -> memref<128xi32, #tpu.memory_space<vmem>>
        %dma_start3A_542 = arith.constant 0 : i32
        %dma_start3A_543 = arith.constant 0 : i32
        %dma_start3A_544 = tpu.memref_slice %arg12[%dma_start3A_542, %dma_start3A_543] : memref<10240x16xf32, #tpu.memory_space<vmem_shared>> -> memref<10240x16xf32, #tpu.memory_space<vmem_shared>>
        tpu.enqueue_indirect_dma source(%dma_start3A_544 : memref<10240x16xf32, #tpu.memory_space<vmem_shared>>) target(%dma_start3A_538 : memref<128x16xf32, #tpu.memory_space<vmem>>) offsets(%dma_start3A_541 : memref<128xi32, #tpu.memory_space<vmem>>) semaphore(%arg17 : memref<!tpu.dma_semaphore, #tpu.memory_space<semaphore_mem>>)
      } else {
      }
      %mul3A_429 = arith.constant 8 : i32
      %mul3A_430 = arith.muli %while3A_159, %mul3A_429 : i32
      %add3A_431 = arith.constant 3 : i32
      %add3A_432 = arith.addi %mul3A_430, %add3A_431 : i32
      %dma_wait3A_433 = arith.constant 3 : i32
      %dma_wait3A_434 = arith.constant 0 : i32
      %dma_wait3A_435 = arith.constant 0 : i32
      %dma_wait3A_436 = tpu.memref_slice %arg14[%dma_wait3A_433, %dma_wait3A_434, %dma_wait3A_435] : memref<8x128x16xf32, #tpu.memory_space<vmem>> -> memref<1x128x16xf32, #tpu.memory_space<vmem>>
      %dma_wait3A_437 = tpu.memref_squeeze %dma_wait3A_436 : memref<1x128x16xf32, #tpu.memory_space<vmem>> -> memref<128x16xf32, #tpu.memory_space<vmem>>
      %dma_wait3A_438 = arith.constant 0 : i32
      %dma_wait3A_439 = tpu.memref_slice %arg9[%add3A_432, %dma_wait3A_438] : memref<88x128xi32, #tpu.memory_space<vmem>> -> memref<1x128xi32, #tpu.memory_space<vmem>>
      %dma_wait3A_440 = tpu.memref_squeeze %dma_wait3A_439 : memref<1x128xi32, #tpu.memory_space<vmem>> -> memref<128xi32, #tpu.memory_space<vmem>>
      %dma_wait3A_441 = arith.constant 0 : i32
      %dma_wait3A_442 = arith.constant 0 : i32
      %dma_wait3A_443 = tpu.memref_slice %arg8[%dma_wait3A_441, %dma_wait3A_442] : memref<10240x16xf32, #tpu.memory_space<vmem_shared>> -> memref<10240x16xf32, #tpu.memory_space<vmem_shared>>
      tpu.wait_indirect_dma semaphore(%arg26 : memref<!tpu.dma_semaphore, #tpu.memory_space<semaphore_mem>>) src(%dma_wait3A_437 : memref<128x16xf32, #tpu.memory_space<vmem>>) dst(%dma_wait3A_443 : memref<10240x16xf32, #tpu.memory_space<vmem_shared>>)
      %add3A_444 = arith.constant 8 : i32
      %add3A_445 = arith.addi %add3A_432, %add3A_444 : i32
      %lt3A_446 = arith.cmpi slt, %add3A_445, %select_n3A : i32
      %convert_element_type3A_447 = arith.extui %lt3A_446 : i1 to i32
      %cond3A_448 = arith.constant 0 : i32
      %cond3A_449 = arith.cmpi ne, %convert_element_type3A_447, %cond3A_448 : i32
      scf.if %cond3A_449 {
        %dma_start3A_534 = arith.constant 3 : i32
        %dma_start3A_535 = arith.constant 0 : i32
        %dma_start3A_536 = arith.constant 0 : i32
        %dma_start3A_537 = tpu.memref_slice %arg14[%dma_start3A_534, %dma_start3A_535, %dma_start3A_536] : memref<8x128x16xf32, #tpu.memory_space<vmem>> -> memref<1x128x16xf32, #tpu.memory_space<vmem>>
        %dma_start3A_538 = tpu.memref_squeeze %dma_start3A_537 : memref<1x128x16xf32, #tpu.memory_space<vmem>> -> memref<128x16xf32, #tpu.memory_space<vmem>>
        %dma_start3A_539 = arith.constant 0 : i32
        %dma_start3A_540 = tpu.memref_slice %arg13[%add3A_445, %dma_start3A_539] : memref<88x128xi32, #tpu.memory_space<vmem>> -> memref<1x128xi32, #tpu.memory_space<vmem>>
        %dma_start3A_541 = tpu.memref_squeeze %dma_start3A_540 : memref<1x128xi32, #tpu.memory_space<vmem>> -> memref<128xi32, #tpu.memory_space<vmem>>
        %dma_start3A_542 = arith.constant 0 : i32
        %dma_start3A_543 = arith.constant 0 : i32
        %dma_start3A_544 = tpu.memref_slice %arg12[%dma_start3A_542, %dma_start3A_543] : memref<10240x16xf32, #tpu.memory_space<vmem_shared>> -> memref<10240x16xf32, #tpu.memory_space<vmem_shared>>
        tpu.enqueue_indirect_dma source(%dma_start3A_544 : memref<10240x16xf32, #tpu.memory_space<vmem_shared>>) target(%dma_start3A_538 : memref<128x16xf32, #tpu.memory_space<vmem>>) offsets(%dma_start3A_541 : memref<128xi32, #tpu.memory_space<vmem>>) semaphore(%arg18 : memref<!tpu.dma_semaphore, #tpu.memory_space<semaphore_mem>>)
      } else {
      }
      %mul3A_450 = arith.constant 8 : i32
      %mul3A_451 = arith.muli %while3A_159, %mul3A_450 : i32
      %add3A_452 = arith.constant 4 : i32
      %add3A_453 = arith.addi %mul3A_451, %add3A_452 : i32
      %dma_wait3A_454 = arith.constant 4 : i32
      %dma_wait3A_455 = arith.constant 0 : i32
      %dma_wait3A_456 = arith.constant 0 : i32
      %dma_wait3A_457 = tpu.memref_slice %arg14[%dma_wait3A_454, %dma_wait3A_455, %dma_wait3A_456] : memref<8x128x16xf32, #tpu.memory_space<vmem>> -> memref<1x128x16xf32, #tpu.memory_space<vmem>>
      %dma_wait3A_458 = tpu.memref_squeeze %dma_wait3A_457 : memref<1x128x16xf32, #tpu.memory_space<vmem>> -> memref<128x16xf32, #tpu.memory_space<vmem>>
      %dma_wait3A_459 = arith.constant 0 : i32
      %dma_wait3A_460 = tpu.memref_slice %arg9[%add3A_453, %dma_wait3A_459] : memref<88x128xi32, #tpu.memory_space<vmem>> -> memref<1x128xi32, #tpu.memory_space<vmem>>
      %dma_wait3A_461 = tpu.memref_squeeze %dma_wait3A_460 : memref<1x128xi32, #tpu.memory_space<vmem>> -> memref<128xi32, #tpu.memory_space<vmem>>
      %dma_wait3A_462 = arith.constant 0 : i32
      %dma_wait3A_463 = arith.constant 0 : i32
      %dma_wait3A_464 = tpu.memref_slice %arg8[%dma_wait3A_462, %dma_wait3A_463] : memref<10240x16xf32, #tpu.memory_space<vmem_shared>> -> memref<10240x16xf32, #tpu.memory_space<vmem_shared>>
      tpu.wait_indirect_dma semaphore(%arg27 : memref<!tpu.dma_semaphore, #tpu.memory_space<semaphore_mem>>) src(%dma_wait3A_458 : memref<128x16xf32, #tpu.memory_space<vmem>>) dst(%dma_wait3A_464 : memref<10240x16xf32, #tpu.memory_space<vmem_shared>>)
      %add3A_465 = arith.constant 8 : i32
      %add3A_466 = arith.addi %add3A_453, %add3A_465 : i32
      %lt3A_467 = arith.cmpi slt, %add3A_466, %select_n3A : i32
      %convert_element_type3A_468 = arith.extui %lt3A_467 : i1 to i32
      %cond3A_469 = arith.constant 0 : i32
      %cond3A_470 = arith.cmpi ne, %convert_element_type3A_468, %cond3A_469 : i32
      scf.if %cond3A_470 {
        %dma_start3A_534 = arith.constant 4 : i32
        %dma_start3A_535 = arith.constant 0 : i32
        %dma_start3A_536 = arith.constant 0 : i32
        %dma_start3A_537 = tpu.memref_slice %arg14[%dma_start3A_534, %dma_start3A_535, %dma_start3A_536] : memref<8x128x16xf32, #tpu.memory_space<vmem>> -> memref<1x128x16xf32, #tpu.memory_space<vmem>>
        %dma_start3A_538 = tpu.memref_squeeze %dma_start3A_537 : memref<1x128x16xf32, #tpu.memory_space<vmem>> -> memref<128x16xf32, #tpu.memory_space<vmem>>
        %dma_start3A_539 = arith.constant 0 : i32
        %dma_start3A_540 = tpu.memref_slice %arg13[%add3A_466, %dma_start3A_539] : memref<88x128xi32, #tpu.memory_space<vmem>> -> memref<1x128xi32, #tpu.memory_space<vmem>>
        %dma_start3A_541 = tpu.memref_squeeze %dma_start3A_540 : memref<1x128xi32, #tpu.memory_space<vmem>> -> memref<128xi32, #tpu.memory_space<vmem>>
        %dma_start3A_542 = arith.constant 0 : i32
        %dma_start3A_543 = arith.constant 0 : i32
        %dma_start3A_544 = tpu.memref_slice %arg12[%dma_start3A_542, %dma_start3A_543] : memref<10240x16xf32, #tpu.memory_space<vmem_shared>> -> memref<10240x16xf32, #tpu.memory_space<vmem_shared>>
        tpu.enqueue_indirect_dma source(%dma_start3A_544 : memref<10240x16xf32, #tpu.memory_space<vmem_shared>>) target(%dma_start3A_538 : memref<128x16xf32, #tpu.memory_space<vmem>>) offsets(%dma_start3A_541 : memref<128xi32, #tpu.memory_space<vmem>>) semaphore(%arg19 : memref<!tpu.dma_semaphore, #tpu.memory_space<semaphore_mem>>)
      } else {
      }
      %mul3A_471 = arith.constant 8 : i32
      %mul3A_472 = arith.muli %while3A_159, %mul3A_471 : i32
      %add3A_473 = arith.constant 5 : i32
      %add3A_474 = arith.addi %mul3A_472, %add3A_473 : i32
      %dma_wait3A_475 = arith.constant 5 : i32
      %dma_wait3A_476 = arith.constant 0 : i32
      %dma_wait3A_477 = arith.constant 0 : i32
      %dma_wait3A_478 = tpu.memref_slice %arg14[%dma_wait3A_475, %dma_wait3A_476, %dma_wait3A_477] : memref<8x128x16xf32, #tpu.memory_space<vmem>> -> memref<1x128x16xf32, #tpu.memory_space<vmem>>
      %dma_wait3A_479 = tpu.memref_squeeze %dma_wait3A_478 : memref<1x128x16xf32, #tpu.memory_space<vmem>> -> memref<128x16xf32, #tpu.memory_space<vmem>>
      %dma_wait3A_480 = arith.constant 0 : i32
      %dma_wait3A_481 = tpu.memref_slice %arg9[%add3A_474, %dma_wait3A_480] : memref<88x128xi32, #tpu.memory_space<vmem>> -> memref<1x128xi32, #tpu.memory_space<vmem>>
      %dma_wait3A_482 = tpu.memref_squeeze %dma_wait3A_481 : memref<1x128xi32, #tpu.memory_space<vmem>> -> memref<128xi32, #tpu.memory_space<vmem>>
      %dma_wait3A_483 = arith.constant 0 : i32
      %dma_wait3A_484 = arith.constant 0 : i32
      %dma_wait3A_485 = tpu.memref_slice %arg8[%dma_wait3A_483, %dma_wait3A_484] : memref<10240x16xf32, #tpu.memory_space<vmem_shared>> -> memref<10240x16xf32, #tpu.memory_space<vmem_shared>>
      tpu.wait_indirect_dma semaphore(%arg28 : memref<!tpu.dma_semaphore, #tpu.memory_space<semaphore_mem>>) src(%dma_wait3A_479 : memref<128x16xf32, #tpu.memory_space<vmem>>) dst(%dma_wait3A_485 : memref<10240x16xf32, #tpu.memory_space<vmem_shared>>)
      %add3A_486 = arith.constant 8 : i32
      %add3A_487 = arith.addi %add3A_474, %add3A_486 : i32
      %lt3A_488 = arith.cmpi slt, %add3A_487, %select_n3A : i32
      %convert_element_type3A_489 = arith.extui %lt3A_488 : i1 to i32
      %cond3A_490 = arith.constant 0 : i32
      %cond3A_491 = arith.cmpi ne, %convert_element_type3A_489, %cond3A_490 : i32
      scf.if %cond3A_491 {
        %dma_start3A_534 = arith.constant 5 : i32
        %dma_start3A_535 = arith.constant 0 : i32
        %dma_start3A_536 = arith.constant 0 : i32
        %dma_start3A_537 = tpu.memref_slice %arg14[%dma_start3A_534, %dma_start3A_535, %dma_start3A_536] : memref<8x128x16xf32, #tpu.memory_space<vmem>> -> memref<1x128x16xf32, #tpu.memory_space<vmem>>
        %dma_start3A_538 = tpu.memref_squeeze %dma_start3A_537 : memref<1x128x16xf32, #tpu.memory_space<vmem>> -> memref<128x16xf32, #tpu.memory_space<vmem>>
        %dma_start3A_539 = arith.constant 0 : i32
        %dma_start3A_540 = tpu.memref_slice %arg13[%add3A_487, %dma_start3A_539] : memref<88x128xi32, #tpu.memory_space<vmem>> -> memref<1x128xi32, #tpu.memory_space<vmem>>
        %dma_start3A_541 = tpu.memref_squeeze %dma_start3A_540 : memref<1x128xi32, #tpu.memory_space<vmem>> -> memref<128xi32, #tpu.memory_space<vmem>>
        %dma_start3A_542 = arith.constant 0 : i32
        %dma_start3A_543 = arith.constant 0 : i32
        %dma_start3A_544 = tpu.memref_slice %arg12[%dma_start3A_542, %dma_start3A_543] : memref<10240x16xf32, #tpu.memory_space<vmem_shared>> -> memref<10240x16xf32, #tpu.memory_space<vmem_shared>>
        tpu.enqueue_indirect_dma source(%dma_start3A_544 : memref<10240x16xf32, #tpu.memory_space<vmem_shared>>) target(%dma_start3A_538 : memref<128x16xf32, #tpu.memory_space<vmem>>) offsets(%dma_start3A_541 : memref<128xi32, #tpu.memory_space<vmem>>) semaphore(%arg20 : memref<!tpu.dma_semaphore, #tpu.memory_space<semaphore_mem>>)
      } else {
      }
      %mul3A_492 = arith.constant 8 : i32
      %mul3A_493 = arith.muli %while3A_159, %mul3A_492 : i32
      %add3A_494 = arith.constant 6 : i32
      %add3A_495 = arith.addi %mul3A_493, %add3A_494 : i32
      %dma_wait3A_496 = arith.constant 6 : i32
      %dma_wait3A_497 = arith.constant 0 : i32
      %dma_wait3A_498 = arith.constant 0 : i32
      %dma_wait3A_499 = tpu.memref_slice %arg14[%dma_wait3A_496, %dma_wait3A_497, %dma_wait3A_498] : memref<8x128x16xf32, #tpu.memory_space<vmem>> -> memref<1x128x16xf32, #tpu.memory_space<vmem>>
      %dma_wait3A_500 = tpu.memref_squeeze %dma_wait3A_499 : memref<1x128x16xf32, #tpu.memory_space<vmem>> -> memref<128x16xf32, #tpu.memory_space<vmem>>
      %dma_wait3A_501 = arith.constant 0 : i32
      %dma_wait3A_502 = tpu.memref_slice %arg9[%add3A_495, %dma_wait3A_501] : memref<88x128xi32, #tpu.memory_space<vmem>> -> memref<1x128xi32, #tpu.memory_space<vmem>>
      %dma_wait3A_503 = tpu.memref_squeeze %dma_wait3A_502 : memref<1x128xi32, #tpu.memory_space<vmem>> -> memref<128xi32, #tpu.memory_space<vmem>>
      %dma_wait3A_504 = arith.constant 0 : i32
      %dma_wait3A_505 = arith.constant 0 : i32
      %dma_wait3A_506 = tpu.memref_slice %arg8[%dma_wait3A_504, %dma_wait3A_505] : memref<10240x16xf32, #tpu.memory_space<vmem_shared>> -> memref<10240x16xf32, #tpu.memory_space<vmem_shared>>
      tpu.wait_indirect_dma semaphore(%arg29 : memref<!tpu.dma_semaphore, #tpu.memory_space<semaphore_mem>>) src(%dma_wait3A_500 : memref<128x16xf32, #tpu.memory_space<vmem>>) dst(%dma_wait3A_506 : memref<10240x16xf32, #tpu.memory_space<vmem_shared>>)
      %add3A_507 = arith.constant 8 : i32
      %add3A_508 = arith.addi %add3A_495, %add3A_507 : i32
      %lt3A_509 = arith.cmpi slt, %add3A_508, %select_n3A : i32
      %convert_element_type3A_510 = arith.extui %lt3A_509 : i1 to i32
      %cond3A_511 = arith.constant 0 : i32
      %cond3A_512 = arith.cmpi ne, %convert_element_type3A_510, %cond3A_511 : i32
      scf.if %cond3A_512 {
        %dma_start3A_534 = arith.constant 6 : i32
        %dma_start3A_535 = arith.constant 0 : i32
        %dma_start3A_536 = arith.constant 0 : i32
        %dma_start3A_537 = tpu.memref_slice %arg14[%dma_start3A_534, %dma_start3A_535, %dma_start3A_536] : memref<8x128x16xf32, #tpu.memory_space<vmem>> -> memref<1x128x16xf32, #tpu.memory_space<vmem>>
        %dma_start3A_538 = tpu.memref_squeeze %dma_start3A_537 : memref<1x128x16xf32, #tpu.memory_space<vmem>> -> memref<128x16xf32, #tpu.memory_space<vmem>>
        %dma_start3A_539 = arith.constant 0 : i32
        %dma_start3A_540 = tpu.memref_slice %arg13[%add3A_508, %dma_start3A_539] : memref<88x128xi32, #tpu.memory_space<vmem>> -> memref<1x128xi32, #tpu.memory_space<vmem>>
        %dma_start3A_541 = tpu.memref_squeeze %dma_start3A_540 : memref<1x128xi32, #tpu.memory_space<vmem>> -> memref<128xi32, #tpu.memory_space<vmem>>
        %dma_start3A_542 = arith.constant 0 : i32
        %dma_start3A_543 = arith.constant 0 : i32
        %dma_start3A_544 = tpu.memref_slice %arg12[%dma_start3A_542, %dma_start3A_543] : memref<10240x16xf32, #tpu.memory_space<vmem_shared>> -> memref<10240x16xf32, #tpu.memory_space<vmem_shared>>
        tpu.enqueue_indirect_dma source(%dma_start3A_544 : memref<10240x16xf32, #tpu.memory_space<vmem_shared>>) target(%dma_start3A_538 : memref<128x16xf32, #tpu.memory_space<vmem>>) offsets(%dma_start3A_541 : memref<128xi32, #tpu.memory_space<vmem>>) semaphore(%arg21 : memref<!tpu.dma_semaphore, #tpu.memory_space<semaphore_mem>>)
      } else {
      }
      %mul3A_513 = arith.constant 8 : i32
      %mul3A_514 = arith.muli %while3A_159, %mul3A_513 : i32
      %add3A_515 = arith.constant 7 : i32
      %add3A_516 = arith.addi %mul3A_514, %add3A_515 : i32
      %dma_wait3A_517 = arith.constant 7 : i32
      %dma_wait3A_518 = arith.constant 0 : i32
      %dma_wait3A_519 = arith.constant 0 : i32
      %dma_wait3A_520 = tpu.memref_slice %arg14[%dma_wait3A_517, %dma_wait3A_518, %dma_wait3A_519] : memref<8x128x16xf32, #tpu.memory_space<vmem>> -> memref<1x128x16xf32, #tpu.memory_space<vmem>>
      %dma_wait3A_521 = tpu.memref_squeeze %dma_wait3A_520 : memref<1x128x16xf32, #tpu.memory_space<vmem>> -> memref<128x16xf32, #tpu.memory_space<vmem>>
      %dma_wait3A_522 = arith.constant 0 : i32
      %dma_wait3A_523 = tpu.memref_slice %arg9[%add3A_516, %dma_wait3A_522] : memref<88x128xi32, #tpu.memory_space<vmem>> -> memref<1x128xi32, #tpu.memory_space<vmem>>
      %dma_wait3A_524 = tpu.memref_squeeze %dma_wait3A_523 : memref<1x128xi32, #tpu.memory_space<vmem>> -> memref<128xi32, #tpu.memory_space<vmem>>
      %dma_wait3A_525 = arith.constant 0 : i32
      %dma_wait3A_526 = arith.constant 0 : i32
      %dma_wait3A_527 = tpu.memref_slice %arg8[%dma_wait3A_525, %dma_wait3A_526] : memref<10240x16xf32, #tpu.memory_space<vmem_shared>> -> memref<10240x16xf32, #tpu.memory_space<vmem_shared>>
      tpu.wait_indirect_dma semaphore(%arg30 : memref<!tpu.dma_semaphore, #tpu.memory_space<semaphore_mem>>) src(%dma_wait3A_521 : memref<128x16xf32, #tpu.memory_space<vmem>>) dst(%dma_wait3A_527 : memref<10240x16xf32, #tpu.memory_space<vmem_shared>>)
      %add3A_528 = arith.constant 8 : i32
      %add3A_529 = arith.addi %add3A_516, %add3A_528 : i32
      %lt3A_530 = arith.cmpi slt, %add3A_529, %select_n3A : i32
      %convert_element_type3A_531 = arith.extui %lt3A_530 : i1 to i32
      %cond3A_532 = arith.constant 0 : i32
      %cond3A_533 = arith.cmpi ne, %convert_element_type3A_531, %cond3A_532 : i32
      scf.if %cond3A_533 {
        %dma_start3A_534 = arith.constant 7 : i32
        %dma_start3A_535 = arith.constant 0 : i32
        %dma_start3A_536 = arith.constant 0 : i32
        %dma_start3A_537 = tpu.memref_slice %arg14[%dma_start3A_534, %dma_start3A_535, %dma_start3A_536] : memref<8x128x16xf32, #tpu.memory_space<vmem>> -> memref<1x128x16xf32, #tpu.memory_space<vmem>>
        %dma_start3A_538 = tpu.memref_squeeze %dma_start3A_537 : memref<1x128x16xf32, #tpu.memory_space<vmem>> -> memref<128x16xf32, #tpu.memory_space<vmem>>
        %dma_start3A_539 = arith.constant 0 : i32
        %dma_start3A_540 = tpu.memref_slice %arg13[%add3A_529, %dma_start3A_539] : memref<88x128xi32, #tpu.memory_space<vmem>> -> memref<1x128xi32, #tpu.memory_space<vmem>>
        %dma_start3A_541 = tpu.memref_squeeze %dma_start3A_540 : memref<1x128xi32, #tpu.memory_space<vmem>> -> memref<128xi32, #tpu.memory_space<vmem>>
        %dma_start3A_542 = arith.constant 0 : i32
        %dma_start3A_543 = arith.constant 0 : i32
        %dma_start3A_544 = tpu.memref_slice %arg12[%dma_start3A_542, %dma_start3A_543] : memref<10240x16xf32, #tpu.memory_space<vmem_shared>> -> memref<10240x16xf32, #tpu.memory_space<vmem_shared>>
        tpu.enqueue_indirect_dma source(%dma_start3A_544 : memref<10240x16xf32, #tpu.memory_space<vmem_shared>>) target(%dma_start3A_538 : memref<128x16xf32, #tpu.memory_space<vmem>>) offsets(%dma_start3A_541 : memref<128xi32, #tpu.memory_space<vmem>>) semaphore(%arg22 : memref<!tpu.dma_semaphore, #tpu.memory_space<semaphore_mem>>)
      } else {
      }
    }
    %barrier3A_142 = arith.constant 0 : index
    tpu.barrier barrier_id(%barrier3A_142)
    %mul3A_143 = arith.constant 640 : i32
    %mul3A_144 = arith.muli %arg1, %mul3A_143 : i32
    "tpu.region"() ({
      %run_scoped3A = tpu.sem_alloc : memref<!tpu.dma_semaphore, #tpu.memory_space<semaphore_mem>>
      %dma_start3A_159 = arith.constant 0 : i32
      %dma_start3A_160 = tpu.memref_slice %arg8[%mul3A_144, %dma_start3A_159] : memref<10240x16xf32, #tpu.memory_space<vmem_shared>> -> memref<640x16xf32, #tpu.memory_space<vmem_shared>>
      %dma_start3A_161 = arith.constant 0 : i32
      %dma_start3A_162 = tpu.memref_slice %arg8[%mul3A_144, %dma_start3A_161] : memref<10240x16xf32, #tpu.memory_space<vmem_shared>> -> memref<640x16xf32, #tpu.memory_space<vmem_shared>>
      tpu.enqueue_dma source(%dma_start3A_162 : memref<640x16xf32, #tpu.memory_space<vmem_shared>>) target(%arg10 : memref<640x16xf32, #tpu.memory_space<vmem>>) target_semaphore(%run_scoped3A : memref<!tpu.dma_semaphore, #tpu.memory_space<semaphore_mem>>)
      %dma_wait3A = arith.constant 0 : i32
      %dma_wait3A_163 = tpu.memref_slice %arg8[%mul3A_144, %dma_wait3A] : memref<10240x16xf32, #tpu.memory_space<vmem_shared>> -> memref<640x16xf32, #tpu.memory_space<vmem_shared>>
      %dma_wait3A_164 = arith.constant 0 : i32
      %dma_wait3A_165 = tpu.memref_slice %arg8[%mul3A_144, %dma_wait3A_164] : memref<10240x16xf32, #tpu.memory_space<vmem_shared>> -> memref<640x16xf32, #tpu.memory_space<vmem_shared>>
      tpu.wait_dma2 semaphore(%run_scoped3A : memref<!tpu.dma_semaphore, #tpu.memory_space<semaphore_mem>>) src(%dma_wait3A_165 : memref<640x16xf32, #tpu.memory_space<vmem_shared>>) dst(%arg10 : memref<640x16xf32, #tpu.memory_space<vmem>>)
      tpu.yield
    }) : () -> ()
    %scan3A_145 = arith.constant 0 : i32
    %scan3A_146 = arith.constant 0 : i32
    %scan3A_147 = arith.constant 80 : i32
    %scan3A_148 = arith.addi %scan3A_146, %scan3A_147 : i32
    %scan3A_149 = arith.constant 1 : i32
    scf.for %scan3A_159 = %scan3A_146 to %scan3A_148 step %scan3A_149  : i32 {
      %mul3A_160 = arith.constant 8 : i32
      %mul3A_161 = arith.muli %scan3A_159, %mul3A_160 : i32
      %add3A_162 = arith.constant 0 : i32
      %add3A_163 = arith.addi %mul3A_161, %add3A_162 : i32
      %get3A = arith.index_cast %add3A_163 : i32 to index
      %get3A_164 = arith.constant 0 : index
      %get3A_165 = tpu.vector_load %arg10[%get3A, %get3A_164] {strides = array<i32>} : memref<640x16xf32, #tpu.memory_space<vmem>>, vector<1x16xf32>,
      %get3A_166 = vector.shape_cast %get3A_165 : vector<1x16xf32> to vector<16xf32>
      %swap3A = arith.index_cast %scan3A_159 : i32 to index
      %swap3A_167 = arith.constant 0 : index
      %swap3A_168 = tpu.vector_load %arg11[%swap3A, %swap3A_167] {strides = array<i32>} : memref<80x128xf32, #tpu.memory_space<vmem>>, vector<1x16xf32>,
      %swap3A_169 = vector.shape_cast %swap3A_168 : vector<1x16xf32> to vector<16xf32>
      %swap3A_170 = vector.shape_cast %get3A_166 : vector<16xf32> to vector<1x16xf32>
      tpu.vector_store %arg11[%swap3A, %swap3A_167], %swap3A_170 {strides = array<i32>} : memref<80x128xf32, #tpu.memory_space<vmem>>, vector<1x16xf32>,
      %mul3A_171 = arith.constant 8 : i32
      %mul3A_172 = arith.muli %scan3A_159, %mul3A_171 : i32
      %add3A_173 = arith.constant 1 : i32
      %add3A_174 = arith.addi %mul3A_172, %add3A_173 : i32
      %get3A_175 = arith.index_cast %add3A_174 : i32 to index
      %get3A_176 = arith.constant 0 : index
      %get3A_177 = tpu.vector_load %arg10[%get3A_175, %get3A_176] {strides = array<i32>} : memref<640x16xf32, #tpu.memory_space<vmem>>, vector<1x16xf32>,
      %get3A_178 = vector.shape_cast %get3A_177 : vector<1x16xf32> to vector<16xf32>
      %swap3A_179 = arith.index_cast %scan3A_159 : i32 to index
      %swap3A_180 = arith.constant 16 : index
      %swap3A_181 = tpu.vector_load %arg11[%swap3A_179, %swap3A_180] {strides = array<i32>} : memref<80x128xf32, #tpu.memory_space<vmem>>, vector<1x16xf32>,
      %swap3A_182 = vector.shape_cast %swap3A_181 : vector<1x16xf32> to vector<16xf32>
      %swap3A_183 = vector.shape_cast %get3A_178 : vector<16xf32> to vector<1x16xf32>
      tpu.vector_store %arg11[%swap3A_179, %swap3A_180], %swap3A_183 {strides = array<i32>} : memref<80x128xf32, #tpu.memory_space<vmem>>, vector<1x16xf32>,
      %mul3A_184 = arith.constant 8 : i32
      %mul3A_185 = arith.muli %scan3A_159, %mul3A_184 : i32
      %add3A_186 = arith.constant 2 : i32
      %add3A_187 = arith.addi %mul3A_185, %add3A_186 : i32
      %get3A_188 = arith.index_cast %add3A_187 : i32 to index
      %get3A_189 = arith.constant 0 : index
      %get3A_190 = tpu.vector_load %arg10[%get3A_188, %get3A_189] {strides = array<i32>} : memref<640x16xf32, #tpu.memory_space<vmem>>, vector<1x16xf32>,
      %get3A_191 = vector.shape_cast %get3A_190 : vector<1x16xf32> to vector<16xf32>
      %swap3A_192 = arith.index_cast %scan3A_159 : i32 to index
      %swap3A_193 = arith.constant 32 : index
      %swap3A_194 = tpu.vector_load %arg11[%swap3A_192, %swap3A_193] {strides = array<i32>} : memref<80x128xf32, #tpu.memory_space<vmem>>, vector<1x16xf32>,
      %swap3A_195 = vector.shape_cast %swap3A_194 : vector<1x16xf32> to vector<16xf32>
      %swap3A_196 = vector.shape_cast %get3A_191 : vector<16xf32> to vector<1x16xf32>
      tpu.vector_store %arg11[%swap3A_192, %swap3A_193], %swap3A_196 {strides = array<i32>} : memref<80x128xf32, #tpu.memory_space<vmem>>, vector<1x16xf32>,
      %mul3A_197 = arith.constant 8 : i32
      %mul3A_198 = arith.muli %scan3A_159, %mul3A_197 : i32
      %add3A_199 = arith.constant 3 : i32
      %add3A_200 = arith.addi %mul3A_198, %add3A_199 : i32
      %get3A_201 = arith.index_cast %add3A_200 : i32 to index
      %get3A_202 = arith.constant 0 : index
      %get3A_203 = tpu.vector_load %arg10[%get3A_201, %get3A_202] {strides = array<i32>} : memref<640x16xf32, #tpu.memory_space<vmem>>, vector<1x16xf32>,
      %get3A_204 = vector.shape_cast %get3A_203 : vector<1x16xf32> to vector<16xf32>
      %swap3A_205 = arith.index_cast %scan3A_159 : i32 to index
      %swap3A_206 = arith.constant 48 : index
      %swap3A_207 = tpu.vector_load %arg11[%swap3A_205, %swap3A_206] {strides = array<i32>} : memref<80x128xf32, #tpu.memory_space<vmem>>, vector<1x16xf32>,
      %swap3A_208 = vector.shape_cast %swap3A_207 : vector<1x16xf32> to vector<16xf32>
      %swap3A_209 = vector.shape_cast %get3A_204 : vector<16xf32> to vector<1x16xf32>
      tpu.vector_store %arg11[%swap3A_205, %swap3A_206], %swap3A_209 {strides = array<i32>} : memref<80x128xf32, #tpu.memory_space<vmem>>, vector<1x16xf32>,
      %mul3A_210 = arith.constant 8 : i32
      %mul3A_211 = arith.muli %scan3A_159, %mul3A_210 : i32
      %add3A_212 = arith.constant 4 : i32
      %add3A_213 = arith.addi %mul3A_211, %add3A_212 : i32
      %get3A_214 = arith.index_cast %add3A_213 : i32 to index
      %get3A_215 = arith.constant 0 : index
      %get3A_216 = tpu.vector_load %arg10[%get3A_214, %get3A_215] {strides = array<i32>} : memref<640x16xf32, #tpu.memory_space<vmem>>, vector<1x16xf32>,
      %get3A_217 = vector.shape_cast %get3A_216 : vector<1x16xf32> to vector<16xf32>
      %swap3A_218 = arith.index_cast %scan3A_159 : i32 to index
      %swap3A_219 = arith.constant 64 : index
      %swap3A_220 = tpu.vector_load %arg11[%swap3A_218, %swap3A_219] {strides = array<i32>} : memref<80x128xf32, #tpu.memory_space<vmem>>, vector<1x16xf32>,
      %swap3A_221 = vector.shape_cast %swap3A_220 : vector<1x16xf32> to vector<16xf32>
      %swap3A_222 = vector.shape_cast %get3A_217 : vector<16xf32> to vector<1x16xf32>
      tpu.vector_store %arg11[%swap3A_218, %swap3A_219], %swap3A_222 {strides = array<i32>} : memref<80x128xf32, #tpu.memory_space<vmem>>, vector<1x16xf32>,
      %mul3A_223 = arith.constant 8 : i32
      %mul3A_224 = arith.muli %scan3A_159, %mul3A_223 : i32
      %add3A_225 = arith.constant 5 : i32
      %add3A_226 = arith.addi %mul3A_224, %add3A_225 : i32
      %get3A_227 = arith.index_cast %add3A_226 : i32 to index
      %get3A_228 = arith.constant 0 : index
      %get3A_229 = tpu.vector_load %arg10[%get3A_227, %get3A_228] {strides = array<i32>} : memref<640x16xf32, #tpu.memory_space<vmem>>, vector<1x16xf32>,
      %get3A_230 = vector.shape_cast %get3A_229 : vector<1x16xf32> to vector<16xf32>
      %swap3A_231 = arith.index_cast %scan3A_159 : i32 to index
      %swap3A_232 = arith.constant 80 : index
      %swap3A_233 = tpu.vector_load %arg11[%swap3A_231, %swap3A_232] {strides = array<i32>} : memref<80x128xf32, #tpu.memory_space<vmem>>, vector<1x16xf32>,
      %swap3A_234 = vector.shape_cast %swap3A_233 : vector<1x16xf32> to vector<16xf32>
      %swap3A_235 = vector.shape_cast %get3A_230 : vector<16xf32> to vector<1x16xf32>
      tpu.vector_store %arg11[%swap3A_231, %swap3A_232], %swap3A_235 {strides = array<i32>} : memref<80x128xf32, #tpu.memory_space<vmem>>, vector<1x16xf32>,
      %mul3A_236 = arith.constant 8 : i32
      %mul3A_237 = arith.muli %scan3A_159, %mul3A_236 : i32
      %add3A_238 = arith.constant 6 : i32
      %add3A_239 = arith.addi %mul3A_237, %add3A_238 : i32
      %get3A_240 = arith.index_cast %add3A_239 : i32 to index
      %get3A_241 = arith.constant 0 : index
      %get3A_242 = tpu.vector_load %arg10[%get3A_240, %get3A_241] {strides = array<i32>} : memref<640x16xf32, #tpu.memory_space<vmem>>, vector<1x16xf32>,
      %get3A_243 = vector.shape_cast %get3A_242 : vector<1x16xf32> to vector<16xf32>
      %swap3A_244 = arith.index_cast %scan3A_159 : i32 to index
      %swap3A_245 = arith.constant 96 : index
      %swap3A_246 = tpu.vector_load %arg11[%swap3A_244, %swap3A_245] {strides = array<i32>} : memref<80x128xf32, #tpu.memory_space<vmem>>, vector<1x16xf32>,
      %swap3A_247 = vector.shape_cast %swap3A_246 : vector<1x16xf32> to vector<16xf32>
      %swap3A_248 = vector.shape_cast %get3A_243 : vector<16xf32> to vector<1x16xf32>
      tpu.vector_store %arg11[%swap3A_244, %swap3A_245], %swap3A_248 {strides = array<i32>} : memref<80x128xf32, #tpu.memory_space<vmem>>, vector<1x16xf32>,
      %mul3A_249 = arith.constant 8 : i32
      %mul3A_250 = arith.muli %scan3A_159, %mul3A_249 : i32
      %add3A_251 = arith.constant 7 : i32
      %add3A_252 = arith.addi %mul3A_250, %add3A_251 : i32
      %get3A_253 = arith.index_cast %add3A_252 : i32 to index
      %get3A_254 = arith.constant 0 : index
      %get3A_255 = tpu.vector_load %arg10[%get3A_253, %get3A_254] {strides = array<i32>} : memref<640x16xf32, #tpu.memory_space<vmem>>, vector<1x16xf32>,
      %get3A_256 = vector.shape_cast %get3A_255 : vector<1x16xf32> to vector<16xf32>
      %swap3A_257 = arith.index_cast %scan3A_159 : i32 to index
      %swap3A_258 = arith.constant 112 : index
      %swap3A_259 = tpu.vector_load %arg11[%swap3A_257, %swap3A_258] {strides = array<i32>} : memref<80x128xf32, #tpu.memory_space<vmem>>, vector<1x16xf32>,
      %swap3A_260 = vector.shape_cast %swap3A_259 : vector<1x16xf32> to vector<16xf32>
      %swap3A_261 = vector.shape_cast %get3A_256 : vector<16xf32> to vector<1x16xf32>
      tpu.vector_store %arg11[%swap3A_257, %swap3A_258], %swap3A_261 {strides = array<i32>} : memref<80x128xf32, #tpu.memory_space<vmem>>, vector<1x16xf32>,
    }
    %scan3A_150 = arith.constant 80 : i32
    %eq3A_151 = arith.constant 0 : i32
    %eq3A_152 = arith.cmpi eq, %arg0, %eq3A_151 : i32
    %convert_element_type3A = arith.extui %eq3A_152 : i1 to i32
    %cond3A = arith.constant 0 : i32
    %cond3A_153 = arith.cmpi ne, %convert_element_type3A, %cond3A : i32
    scf.if %cond3A_153 {
      %mul3A_159 = arith.constant 80 : i32
      %mul3A_160 = arith.muli %arg1, %mul3A_159 : i32
      "tpu.region"() ({
        %run_scoped3A = tpu.sem_alloc : memref<!tpu.dma_semaphore, #tpu.memory_space<semaphore_mem>>
        %dma_start3A_161 = arith.constant 0 : i32
        %dma_start3A_162 = tpu.memref_slice %arg6[%mul3A_160, %dma_start3A_161] : memref<1280x128xf32, #tpu.memory_space<hbm>> -> memref<80x128xf32, #tpu.memory_space<hbm>>
        %dma_start3A_163 = arith.constant 0 : i32
        %dma_start3A_164 = tpu.memref_slice %arg6[%mul3A_160, %dma_start3A_163] : memref<1280x128xf32, #tpu.memory_space<hbm>> -> memref<80x128xf32, #tpu.memory_space<hbm>>
        tpu.enqueue_dma source(%arg11 : memref<80x128xf32, #tpu.memory_space<vmem>>) target(%dma_start3A_164 : memref<80x128xf32, #tpu.memory_space<hbm>>) target_semaphore(%run_scoped3A : memref<!tpu.dma_semaphore, #tpu.memory_space<semaphore_mem>>)
        %dma_wait3A = arith.constant 0 : i32
        %dma_wait3A_165 = tpu.memref_slice %arg6[%mul3A_160, %dma_wait3A] : memref<1280x128xf32, #tpu.memory_space<hbm>> -> memref<80x128xf32, #tpu.memory_space<hbm>>
        %dma_wait3A_166 = arith.constant 0 : i32
        %dma_wait3A_167 = tpu.memref_slice %arg6[%mul3A_160, %dma_wait3A_166] : memref<1280x128xf32, #tpu.memory_space<hbm>> -> memref<80x128xf32, #tpu.memory_space<hbm>>
        tpu.wait_dma2 semaphore(%run_scoped3A : memref<!tpu.dma_semaphore, #tpu.memory_space<semaphore_mem>>) src(%arg11 : memref<80x128xf32, #tpu.memory_space<vmem>>) dst(%dma_wait3A_167 : memref<80x128xf32, #tpu.memory_space<hbm>>)
        tpu.yield
      }) : () -> ()
    } else {
    }
    %eq3A_154 = arith.constant 1 : i32
    %eq3A_155 = arith.cmpi eq, %arg0, %eq3A_154 : i32
    %convert_element_type3A_156 = arith.extui %eq3A_155 : i1 to i32
    %cond3A_157 = arith.constant 0 : i32
    %cond3A_158 = arith.cmpi ne, %convert_element_type3A_156, %cond3A_157 : i32
    scf.if %cond3A_158 {
      %mul3A_159 = arith.constant 80 : i32
      %mul3A_160 = arith.muli %arg1, %mul3A_159 : i32
      "tpu.region"() ({
        %run_scoped3A = tpu.sem_alloc : memref<!tpu.dma_semaphore, #tpu.memory_space<semaphore_mem>>
        %dma_start3A_161 = arith.constant 0 : i32
        %dma_start3A_162 = tpu.memref_slice %arg7[%mul3A_160, %dma_start3A_161] : memref<1280x128xf32, #tpu.memory_space<hbm>> -> memref<80x128xf32, #tpu.memory_space<hbm>>
        %dma_start3A_163 = arith.constant 0 : i32
        %dma_start3A_164 = tpu.memref_slice %arg7[%mul3A_160, %dma_start3A_163] : memref<1280x128xf32, #tpu.memory_space<hbm>> -> memref<80x128xf32, #tpu.memory_space<hbm>>
        tpu.enqueue_dma source(%arg11 : memref<80x128xf32, #tpu.memory_space<vmem>>) target(%dma_start3A_164 : memref<80x128xf32, #tpu.memory_space<hbm>>) target_semaphore(%run_scoped3A : memref<!tpu.dma_semaphore, #tpu.memory_space<semaphore_mem>>)
        %dma_wait3A = arith.constant 0 : i32
        %dma_wait3A_165 = tpu.memref_slice %arg7[%mul3A_160, %dma_wait3A] : memref<1280x128xf32, #tpu.memory_space<hbm>> -> memref<80x128xf32, #tpu.memory_space<hbm>>
        %dma_wait3A_166 = arith.constant 0 : i32
        %dma_wait3A_167 = tpu.memref_slice %arg7[%mul3A_160, %dma_wait3A_166] : memref<1280x128xf32, #tpu.memory_space<hbm>> -> memref<80x128xf32, #tpu.memory_space<hbm>>
        tpu.wait_dma2 semaphore(%run_scoped3A : memref<!tpu.dma_semaphore, #tpu.memory_space<semaphore_mem>>) src(%arg11 : memref<80x128xf32, #tpu.memory_space<vmem>>) dst(%dma_wait3A_167 : memref<80x128xf32, #tpu.memory_space<hbm>>)
        tpu.yield
      }) : () -> ()
    } else {
    }
    return
  }
}

module attributes {stable_mosaic.version = 14 : i64} {
  func.func @_mm1_body(%arg0: i32, %arg1: memref<128x1024xf32, #tpu.memory_space<vmem>>, %arg2: memref<1024x128xf32, #tpu.memory_space<vmem>>, %arg3: memref<128x128xf32, #tpu.memory_space<vmem>>) attributes {dimension_semantics = [#tpu.dimension_semantics<arbitrary>], iteration_bounds = array<i64: 10>, scalar_prefetch = 0 : i64, scratch_operands = 0 : i64, tpu.core_type = #tpu.core_type<tc>, window_params = [{transform_indices = @transform_0, window_bounds = array<i64: 128, 1024>}, {pipeline_mode = #tpu.pipeline_mode<synchronous>, transform_indices = @transform_1, window_bounds = array<i64: 1024, 128>}, {transform_indices = @transform_2, window_bounds = array<i64: 128, 128>}]} {
    %get3A = arith.constant 0 : index
    %get3A_0 = arith.constant 0 : index
    %get3A_1 = vector.load %arg1[%get3A, %get3A_0] : memref<128x1024xf32, #tpu.memory_space<vmem>>, vector<128x1024xf32>
    %get3A_2 = arith.constant 0 : index
    %get3A_3 = arith.constant 0 : index
    %get3A_4 = vector.load %arg2[%get3A_2, %get3A_3] : memref<1024x128xf32, #tpu.memory_space<vmem>>, vector<1024x128xf32>
    %dot_general3A = arith.constant dense<0.000000e+00> : vector<128x128xf32>
    %dot_general3A_5 = tpu.matmul %get3A_1, %get3A_4, %dot_general3A {dimension_numbers = #tpu.dot_dimension_numbers<[1], [0], [0], [1], [0, 0, 1, 1], [], []>, transpose_lhs_hint = false} : vector<128x1024xf32>, vector<1024x128xf32>, vector<128x128xf32> -> vector<128x128xf32>
    %swap3A = arith.constant 0 : index
    %swap3A_6 = arith.constant 0 : index
    %swap3A_7 = vector.load %arg3[%swap3A, %swap3A_6] : memref<128x128xf32, #tpu.memory_space<vmem>>, vector<128x128xf32>
    tpu.vector_store %arg3[%swap3A, %swap3A_6], %dot_general3A_5 {strides = array<i32>} : memref<128x128xf32, #tpu.memory_space<vmem>>, vector<128x128xf32>,
    return
  }
  func.func @transform_0(%arg0: i32) -> (i32, i32) {
    %c0_i32 = arith.constant 0 : i32
    %c0_i32_0 = arith.constant 0 : i32
    return %arg0, %c0_i32 : i32, i32
  }
  func.func @transform_1(%arg0: i32) -> (i32, i32) {
    %c0_i32 = arith.constant 0 : i32
    %c0_i32_0 = arith.constant 0 : i32
    %c0_i32_1 = arith.constant 0 : i32
    return %c0_i32, %c0_i32_0 : i32, i32
  }
  func.func @transform_2(%arg0: i32) -> (i32, i32) {
    %c0_i32 = arith.constant 0 : i32
    %c0_i32_0 = arith.constant 0 : i32
    return %arg0, %c0_i32 : i32, i32
  }
}

module attributes {stable_mosaic.version = 14 : i64} {
  func.func @_norm_body(%arg0: i32, %arg1: memref<128x128xf32, #tpu.memory_space<vmem>>, %arg2: memref<128x128xf32, #tpu.memory_space<vmem>>, %arg3: memref<128x128xf32, #tpu.memory_space<vmem>>, %arg4: memref<128x128xf32, #tpu.memory_space<vmem>>, %arg5: memref<128x128xf32, #tpu.memory_space<vmem>>) attributes {dimension_semantics = [#tpu.dimension_semantics<arbitrary>], iteration_bounds = array<i64: 10>, scalar_prefetch = 0 : i64, scratch_operands = 0 : i64, tpu.core_type = #tpu.core_type<tc>, window_params = [{transform_indices = @transform_0, window_bounds = array<i64: 128, 128>}, {transform_indices = @transform_1, window_bounds = array<i64: 128, 128>}, {transform_indices = @transform_2, window_bounds = array<i64: 128, 128>}, {transform_indices = @transform_3, window_bounds = array<i64: 128, 128>}, {transform_indices = @transform_4, window_bounds = array<i64: 128, 128>}]} {
    %get3A = arith.constant 0 : index
    %get3A_0 = arith.constant 0 : index
    %get3A_1 = vector.load %arg1[%get3A, %get3A_0] : memref<128x128xf32, #tpu.memory_space<vmem>>, vector<128x128xf32>
    %get3A_2 = arith.constant 0 : index
    %get3A_3 = arith.constant 0 : index
    %get3A_4 = vector.load %arg2[%get3A_2, %get3A_3] : memref<128x128xf32, #tpu.memory_space<vmem>>, vector<128x128xf32>
    %add3A = arith.addf %get3A_1, %get3A_4 : vector<128x128xf32>
    %add3A_5 = arith.constant 1.000000e+00 : f32
    %add3A_6 = vector.broadcast %add3A_5 : f32 to vector<128x128xf32>
    %add3A_7 = arith.addf %add3A, %add3A_6 : vector<128x128xf32>
    %rsqrt3A = math.rsqrt %add3A_7 : vector<128x128xf32>
    %swap3A = arith.constant 0 : index
    %swap3A_8 = arith.constant 0 : index
    %swap3A_9 = vector.load %arg4[%swap3A, %swap3A_8] : memref<128x128xf32, #tpu.memory_space<vmem>>, vector<128x128xf32>
    tpu.vector_store %arg4[%swap3A, %swap3A_8], %rsqrt3A {strides = array<i32>} : memref<128x128xf32, #tpu.memory_space<vmem>>, vector<128x128xf32>,
    %get3A_10 = arith.constant 0 : index
    %get3A_11 = arith.constant 0 : index
    %get3A_12 = vector.load %arg3[%get3A_10, %get3A_11] : memref<128x128xf32, #tpu.memory_space<vmem>>, vector<128x128xf32>
    %mul3A = arith.mulf %rsqrt3A, %get3A_12 : vector<128x128xf32>
    %swap3A_13 = arith.constant 0 : index
    %swap3A_14 = arith.constant 0 : index
    %swap3A_15 = vector.load %arg5[%swap3A_13, %swap3A_14] : memref<128x128xf32, #tpu.memory_space<vmem>>, vector<128x128xf32>
    tpu.vector_store %arg5[%swap3A_13, %swap3A_14], %mul3A {strides = array<i32>} : memref<128x128xf32, #tpu.memory_space<vmem>>, vector<128x128xf32>,
    return
  }
  func.func @transform_0(%arg0: i32) -> (i32, i32) {
    %c0_i32 = arith.constant 0 : i32
    %c0_i32_0 = arith.constant 0 : i32
    return %arg0, %c0_i32 : i32, i32
  }
  func.func @transform_1(%arg0: i32) -> (i32, i32) {
    %c0_i32 = arith.constant 0 : i32
    %c0_i32_0 = arith.constant 0 : i32
    return %arg0, %c0_i32 : i32, i32
  }
  func.func @transform_2(%arg0: i32) -> (i32, i32) {
    %c0_i32 = arith.constant 0 : i32
    %c0_i32_0 = arith.constant 0 : i32
    return %arg0, %c0_i32 : i32, i32
  }
  func.func @transform_3(%arg0: i32) -> (i32, i32) {
    %c0_i32 = arith.constant 0 : i32
    %c0_i32_0 = arith.constant 0 : i32
    return %arg0, %c0_i32 : i32, i32
  }
  func.func @transform_4(%arg0: i32) -> (i32, i32) {
    %c0_i32 = arith.constant 0 : i32
    %c0_i32_0 = arith.constant 0 : i32
    return %arg0, %c0_i32 : i32, i32
  }
}

module attributes {stable_mosaic.version = 14 : i64} {
  func.func @_post1_body(%arg0: i32, %arg1: memref<128x128xf32, #tpu.memory_space<vmem>>, %arg2: memref<128x128xf32, #tpu.memory_space<vmem>>, %arg3: memref<128x128xf32, #tpu.memory_space<vmem>>, %arg4: memref<128x128xf32, #tpu.memory_space<vmem>>, %arg5: memref<1x128xf32, #tpu.memory_space<vmem>>, %arg6: memref<128x128xf32, #tpu.memory_space<vmem>>) attributes {dimension_semantics = [#tpu.dimension_semantics<arbitrary>], iteration_bounds = array<i64: 10>, scalar_prefetch = 0 : i64, scratch_operands = 0 : i64, tpu.core_type = #tpu.core_type<tc>, window_params = [{transform_indices = @transform_0, window_bounds = array<i64: 128, 128>}, {transform_indices = @transform_1, window_bounds = array<i64: 128, 128>}, {transform_indices = @transform_2, window_bounds = array<i64: 128, 128>}, {transform_indices = @transform_3, window_bounds = array<i64: 128, 128>}, {pipeline_mode = #tpu.pipeline_mode<synchronous>, transform_indices = @transform_4, window_bounds = array<i64: 1, 128>}, {transform_indices = @transform_5, window_bounds = array<i64: 128, 128>}]} {
    %get3A = arith.constant 0 : index
    %get3A_0 = arith.constant 0 : index
    %get3A_1 = vector.load %arg3[%get3A, %get3A_0] : memref<128x128xf32, #tpu.memory_space<vmem>>, vector<128x128xf32>
    %get3A_2 = arith.constant 0 : index
    %get3A_3 = arith.constant 0 : index
    %get3A_4 = vector.load %arg1[%get3A_2, %get3A_3] : memref<128x128xf32, #tpu.memory_space<vmem>>, vector<128x128xf32>
    %get3A_5 = arith.constant 0 : index
    %get3A_6 = arith.constant 0 : index
    %get3A_7 = vector.load %arg2[%get3A_5, %get3A_6] : memref<128x128xf32, #tpu.memory_space<vmem>>, vector<128x128xf32>
    %add3A = arith.addf %get3A_4, %get3A_7 : vector<128x128xf32>
    %get3A_8 = arith.constant 0 : index
    %get3A_9 = arith.constant 0 : index
    %get3A_10 = vector.load %arg4[%get3A_8, %get3A_9] : memref<128x128xf32, #tpu.memory_space<vmem>>, vector<128x128xf32>
    %add3A_11 = arith.addf %add3A, %get3A_10 : vector<128x128xf32>
    %mul3A = arith.mulf %get3A_1, %add3A_11 : vector<128x128xf32>
    %get3A_12 = arith.constant 0 : index
    %get3A_13 = arith.constant 0 : index
    %get3A_14 = vector.load %arg5[%get3A_12, %get3A_13] : memref<1x128xf32, #tpu.memory_space<vmem>>, vector<1x128xf32>
    %add3A_15 = vector.broadcast %get3A_14 : vector<1x128xf32> to vector<128x128xf32>
    %add3A_16 = arith.addf %mul3A, %add3A_15 : vector<128x128xf32>
    %max3A = arith.constant 0.000000e+00 : f32
    %max3A_17 = vector.broadcast %max3A : f32 to vector<128x128xf32>
    %max3A_18 = arith.maximumf %add3A_16, %max3A_17 : vector<128x128xf32>
    %mul3A_19 = arith.mulf %get3A_1, %max3A_18 : vector<128x128xf32>
    %swap3A = arith.constant 0 : index
    %swap3A_20 = arith.constant 0 : index
    %swap3A_21 = vector.load %arg6[%swap3A, %swap3A_20] : memref<128x128xf32, #tpu.memory_space<vmem>>, vector<128x128xf32>
    tpu.vector_store %arg6[%swap3A, %swap3A_20], %mul3A_19 {strides = array<i32>} : memref<128x128xf32, #tpu.memory_space<vmem>>, vector<128x128xf32>,
    return
  }
  func.func @transform_0(%arg0: i32) -> (i32, i32) {
    %c0_i32 = arith.constant 0 : i32
    %c0_i32_0 = arith.constant 0 : i32
    return %arg0, %c0_i32 : i32, i32
  }
  func.func @transform_1(%arg0: i32) -> (i32, i32) {
    %c0_i32 = arith.constant 0 : i32
    %c0_i32_0 = arith.constant 0 : i32
    return %arg0, %c0_i32 : i32, i32
  }
  func.func @transform_2(%arg0: i32) -> (i32, i32) {
    %c0_i32 = arith.constant 0 : i32
    %c0_i32_0 = arith.constant 0 : i32
    return %arg0, %c0_i32 : i32, i32
  }
  func.func @transform_3(%arg0: i32) -> (i32, i32) {
    %c0_i32 = arith.constant 0 : i32
    %c0_i32_0 = arith.constant 0 : i32
    return %arg0, %c0_i32 : i32, i32
  }
  func.func @transform_4(%arg0: i32) -> (i32, i32) {
    %c0_i32 = arith.constant 0 : i32
    %c0_i32_0 = arith.constant 0 : i32
    %c0_i32_1 = arith.constant 0 : i32
    return %c0_i32, %c0_i32_0 : i32, i32
  }
  func.func @transform_5(%arg0: i32) -> (i32, i32) {
    %c0_i32 = arith.constant 0 : i32
    %c0_i32_0 = arith.constant 0 : i32
    return %arg0, %c0_i32 : i32, i32
  }
}

module attributes {stable_mosaic.version = 14 : i64} {
  func.func @_zcomb_body(%arg0: i32, %arg1: memref<128x128xf32, #tpu.memory_space<vmem>>, %arg2: memref<128x128xf32, #tpu.memory_space<vmem>>, %arg3: memref<128x128xf32, #tpu.memory_space<vmem>>, %arg4: memref<128x128xf32, #tpu.memory_space<vmem>>, %arg5: memref<128x128xf32, #tpu.memory_space<vmem>>) attributes {dimension_semantics = [#tpu.dimension_semantics<arbitrary>], iteration_bounds = array<i64: 10>, scalar_prefetch = 0 : i64, scratch_operands = 0 : i64, tpu.core_type = #tpu.core_type<tc>, window_params = [{transform_indices = @transform_0, window_bounds = array<i64: 128, 128>}, {transform_indices = @transform_1, window_bounds = array<i64: 128, 128>}, {transform_indices = @transform_2, window_bounds = array<i64: 128, 128>}, {transform_indices = @transform_3, window_bounds = array<i64: 128, 128>}, {transform_indices = @transform_4, window_bounds = array<i64: 128, 128>}]} {
    %get3A = arith.constant 0 : index
    %get3A_0 = arith.constant 0 : index
    %get3A_1 = vector.load %arg3[%get3A, %get3A_0] : memref<128x128xf32, #tpu.memory_space<vmem>>, vector<128x128xf32>
    %get3A_2 = arith.constant 0 : index
    %get3A_3 = arith.constant 0 : index
    %get3A_4 = vector.load %arg1[%get3A_2, %get3A_3] : memref<128x128xf32, #tpu.memory_space<vmem>>, vector<128x128xf32>
    %get3A_5 = arith.constant 0 : index
    %get3A_6 = arith.constant 0 : index
    %get3A_7 = vector.load %arg2[%get3A_5, %get3A_6] : memref<128x128xf32, #tpu.memory_space<vmem>>, vector<128x128xf32>
    %add3A = arith.addf %get3A_4, %get3A_7 : vector<128x128xf32>
    %get3A_8 = arith.constant 0 : index
    %get3A_9 = arith.constant 0 : index
    %get3A_10 = vector.load %arg4[%get3A_8, %get3A_9] : memref<128x128xf32, #tpu.memory_space<vmem>>, vector<128x128xf32>
    %add3A_11 = arith.addf %add3A, %get3A_10 : vector<128x128xf32>
    %mul3A = arith.mulf %get3A_1, %add3A_11 : vector<128x128xf32>
    %swap3A = arith.constant 0 : index
    %swap3A_12 = arith.constant 0 : index
    %swap3A_13 = vector.load %arg5[%swap3A, %swap3A_12] : memref<128x128xf32, #tpu.memory_space<vmem>>, vector<128x128xf32>
    tpu.vector_store %arg5[%swap3A, %swap3A_12], %mul3A {strides = array<i32>} : memref<128x128xf32, #tpu.memory_space<vmem>>, vector<128x128xf32>,
    return
  }
  func.func @transform_0(%arg0: i32) -> (i32, i32) {
    %c0_i32 = arith.constant 0 : i32
    %c0_i32_0 = arith.constant 0 : i32
    return %arg0, %c0_i32 : i32, i32
  }
  func.func @transform_1(%arg0: i32) -> (i32, i32) {
    %c0_i32 = arith.constant 0 : i32
    %c0_i32_0 = arith.constant 0 : i32
    return %arg0, %c0_i32 : i32, i32
  }
  func.func @transform_2(%arg0: i32) -> (i32, i32) {
    %c0_i32 = arith.constant 0 : i32
    %c0_i32_0 = arith.constant 0 : i32
    return %arg0, %c0_i32 : i32, i32
  }
  func.func @transform_3(%arg0: i32) -> (i32, i32) {
    %c0_i32 = arith.constant 0 : i32
    %c0_i32_0 = arith.constant 0 : i32
    return %arg0, %c0_i32 : i32, i32
  }
  func.func @transform_4(%arg0: i32) -> (i32, i32) {
    %c0_i32 = arith.constant 0 : i32
    %c0_i32_0 = arith.constant 0 : i32
    return %arg0, %c0_i32 : i32, i32
  }
}

module attributes {stable_mosaic.version = 14 : i64} {
  func.func @_post2_body(%arg0: i32, %arg1: memref<1000x16xf32, #tpu.memory_space<vmem>>, %arg2: memref<16x20xf32, #tpu.memory_space<vmem>>, %arg3: memref<1x20xf32, #tpu.memory_space<vmem>>, %arg4: memref<1000x20xf32, #tpu.memory_space<vmem>>) attributes {dimension_semantics = [#tpu.dimension_semantics<arbitrary>], iteration_bounds = array<i64: 10>, scalar_prefetch = 0 : i64, scratch_operands = 0 : i64, tpu.core_type = #tpu.core_type<tc>, window_params = [{transform_indices = @transform_0, window_bounds = array<i64: 1000, 16>}, {pipeline_mode = #tpu.pipeline_mode<synchronous>, transform_indices = @transform_1, window_bounds = array<i64: 16, 20>}, {pipeline_mode = #tpu.pipeline_mode<synchronous>, transform_indices = @transform_2, window_bounds = array<i64: 1, 20>}, {transform_indices = @transform_3, window_bounds = array<i64: 1000, 20>}]} {
    %get3A = arith.constant 0 : index
    %get3A_0 = arith.constant 0 : index
    %get3A_1 = vector.load %arg1[%get3A, %get3A_0] : memref<1000x16xf32, #tpu.memory_space<vmem>>, vector<1000x16xf32>
    %get3A_2 = arith.constant 0 : index
    %get3A_3 = arith.constant 0 : index
    %get3A_4 = vector.load %arg2[%get3A_2, %get3A_3] : memref<16x20xf32, #tpu.memory_space<vmem>>, vector<16x20xf32>
    %dot_general3A = arith.constant dense<0.000000e+00> : vector<1000x20xf32>
    %dot_general3A_5 = tpu.matmul %get3A_1, %get3A_4, %dot_general3A {dimension_numbers = #tpu.dot_dimension_numbers<[1], [0], [0], [1], [0, 0, 1, 1], [], []>, transpose_lhs_hint = false} : vector<1000x16xf32>, vector<16x20xf32>, vector<1000x20xf32> -> vector<1000x20xf32>
    %get3A_6 = arith.constant 0 : index
    %get3A_7 = arith.constant 0 : index
    %get3A_8 = vector.load %arg3[%get3A_6, %get3A_7] : memref<1x20xf32, #tpu.memory_space<vmem>>, vector<1x20xf32>
    %add3A = vector.broadcast %get3A_8 : vector<1x20xf32> to vector<1000x20xf32>
    %add3A_9 = arith.addf %dot_general3A_5, %add3A : vector<1000x20xf32>
    %reduce_max3A = arith.constant dense<0xFF800000> : vector<1000xf32>
    %reduce_max3A_10 = vector.multi_reduction <maximumf>, %add3A_9, %reduce_max3A [1] : vector<1000x20xf32> to vector<1000xf32>
    %broadcast_in_dim3A = vector.shape_cast %reduce_max3A_10 : vector<1000xf32> to vector<1000x1xf32>
    %sub3A = vector.broadcast %broadcast_in_dim3A : vector<1000x1xf32> to vector<1000x20xf32>
    %sub3A_11 = arith.subf %add3A_9, %sub3A : vector<1000x20xf32>
    %exp3A = math.exp %sub3A_11 : vector<1000x20xf32>
    %reduce_sum3A = arith.constant dense<0.000000e+00> : vector<1000xf32>
    %reduce_sum3A_12 = vector.multi_reduction <add>, %exp3A, %reduce_sum3A [1] : vector<1000x20xf32> to vector<1000xf32>
    %broadcast_in_dim3A_13 = vector.shape_cast %reduce_sum3A_12 : vector<1000xf32> to vector<1000x1xf32>
    %log3A = math.log %broadcast_in_dim3A_13 : vector<1000x1xf32>
    %add3A_14 = arith.addf %log3A, %broadcast_in_dim3A : vector<1000x1xf32>
    %sub3A_15 = vector.broadcast %add3A_14 : vector<1000x1xf32> to vector<1000x20xf32>
    %sub3A_16 = arith.subf %add3A_9, %sub3A_15 : vector<1000x20xf32>
    %swap3A = arith.constant 0 : index
    %swap3A_17 = arith.constant 0 : index
    %swap3A_18 = vector.load %arg4[%swap3A, %swap3A_17] : memref<1000x20xf32, #tpu.memory_space<vmem>>, vector<1000x20xf32>
    tpu.vector_store %arg4[%swap3A, %swap3A_17], %sub3A_16 {strides = array<i32>} : memref<1000x20xf32, #tpu.memory_space<vmem>>, vector<1000x20xf32>,
    return
  }
  func.func @transform_0(%arg0: i32) -> (i32, i32) {
    %c0_i32 = arith.constant 0 : i32
    %c0_i32_0 = arith.constant 0 : i32
    return %arg0, %c0_i32 : i32, i32
  }
  func.func @transform_1(%arg0: i32) -> (i32, i32) {
    %c0_i32 = arith.constant 0 : i32
    %c0_i32_0 = arith.constant 0 : i32
    %c0_i32_1 = arith.constant 0 : i32
    return %c0_i32, %c0_i32_0 : i32, i32
  }
  func.func @transform_2(%arg0: i32) -> (i32, i32) {
    %c0_i32 = arith.constant 0 : i32
    %c0_i32_0 = arith.constant 0 : i32
    %c0_i32_1 = arith.constant 0 : i32
    return %c0_i32, %c0_i32_0 : i32, i32
  }
  func.func @transform_3(%arg0: i32) -> (i32, i32) {
    %c0_i32 = arith.constant 0 : i32
    %c0_i32_0 = arith.constant 0 : i32
    return %arg0, %c0_i32 : i32, i32
  }
}

</mosaic_0001>

<sc_bundles>
// kernel: kernel.10.cloned.1.call-start
scs
__scs_entry_jumppad:
0x0: {  	(pc) =	sbr.rel $0x88, $3  }
0x1: {  	(tag) =	ssettag $0x0;
	lr =	simm.s32 $0x1  }
0x2: {  	[smem:$0x3F9B] =	sst lr;
	_ =	strace $0xD0000000  }
0x3: {  	_ = 	snop  }
0x4: {  	_ = 	snop  }
0x5: {  	_ = 	snop  }
0x6: {  	_ = 	snop  }
0x7: {  	_ = 	snop  }
__scs_overlays_trampoline_lowered:
0x8: {  	[smem:$0x3FAA] =	sst s0  }
0x9: {  	[smem:$0x3FAB] =	sst s1  }
0xa: {  	[smem:$0x3FAC] =	sst s2  }
0xb: {  	[smem:$0x3FAD] =	sst s3  }
0xc: {  	[smem:$0x3FAE] =	sst s4  }
0xd: {  	[smem:$0x3FAF] =	sst s5  }
0xe: {  	[smem:$0x3FB0] =	sst s6  }
0xf: {  	[smem:$0x3FB1] =	sst s7  }
0x10: {  	[smem:$0x3FB2] =	sst s8  }
0x11: {  	[smem:$0x3FB3] =	sst s9;
	s0 =	simm.s32 @!p0 $0x0  }
0x12: {  	s1 =	sld [smem:$0x3F99];
	s0 =	simm.s32 @p0 $0x1  }
0x13: {  	[smem:$0x3FB4] =	sst s0;
	s0 =	simm.s32 @!p1 $0x0  }
0x14: {  	s2 =	sld [smem:$0x3F98];
	s0 =	simm.s32 @p1 $0x1  }
0x15: {  	[smem:$0x3FB5] =	sst s0;
	s0 =	simm.s32 @!p2 $0x0  }
0x16: {  	s3 =	sld [smem:$0x3FDB];
	s0 =	simm.s32 @p2 $0x1  }
0x17: {  	s4 =	simm.s32 $0x1BF5;
	[smem:$0x3FB7] =	sst s0  }
0x18: {  	s0 =	sld [smem:$0x3F9A];
	_ =	swait.ge [sflag:s4], $0x0  }
0x19: {  	s7 =	sld [smem:$0x3F9B]  }
0x1a: {  	s8 =	sadd.s32 $0xFFFFE003, lr  }
0x1b: {  	s9 =	sadd.s32 $0xFFFFFEF7, lr;
	s5 =	simm.s32 $0xFFFFFFFF;
	p2 =	slt.u32 s8, $0xFFFFF086  }
0x1c: {  	p1 =	slt.u32 s9, $0xF7A;
	s5 =	simm.s32 @!p2 $0x0  }
0x1d: {  	s5 =	simm.s32 @p1 $0x1;
	p0 =	seq.s32 s7, s2  }
0x1e: {  	s7 =	smul.u32 @!p0 $0xF7A, s2;
	p2 =	seq.s32 @!p0 s5, $0x0  }
0x1f: {  	s9 =	smul.u32 $0xF7A, s1;
	s8 =	simm.s32 @!p0 $0x1BF5;
	p2 =	por !p2, p0  }
0x20: {  	[sflag:s8] =	ssyncset.s32 @!p0 $0xFFFFF086;
	s6 =	sadd.s32 @!p0 s3, s7;
	s7 =	simm.s32 @!p0 $0x108  }
0x21: {  	s3 =	sadd.s32 s3, s9;
	s6 =	sadd.s32 @!p0 $0x88, s6;
	s7 =	simm.s32 @p2 $0x1082  }
0x22: {  	[simem:s7], [sflag:s8] =	dma.local @!p0 [hbm:s6], $0xF7A  }
0x23: {  	s9 =	sor.u32 $0xD0000000, s2;
	s6 =	simm.s32 $0x108;
	_ =	swait.ge @!p0 [sflag:s8], $0x0  }
0x24: {  	s3 =	sadd.s32 $0x88, s3;
	s6 =	simm.s32 @!p1 $0x1082;
	[sflag:s4] =	ssyncset.s32 $0xFFFFF086  }
0x25: {  	[simem:s6], [sflag:s4] =	dma.local [hbm:s3], $0xF7A  }
0x26: {  	[smem:$0x3F9B] =	sst s1;
	(tag) =	ssettag s2;
	_ =	strace s9  }
0x27: {  	s1 =	sld [smem:$0x3FAB]  }
0x28: {  	s2 =	sld [smem:$0x3FAC]  }
0x29: {  	s4 =	sld [smem:$0x3FAE]  }
0x2a: {  	p0 =	seq.s32 s5, $0x0;
	s5 =	sld [smem:$0x3FAF]  }
0x2b: {  	s6 =	sld [smem:$0x3FB0]  }
0x2c: {  	s7 =	sld [smem:$0x3FB1]  }
0x2d: {  	s3 =	simm.s32 $0x108;
	s8 =	sld [smem:$0x3FB2]  }
0x2e: {  	s3 =	simm.s32 @!p0 $0x1082;
	s9 =	sld [smem:$0x3FB3]  }
0x2f: {  	lr =	sadd.s32 s0, s3;
	s0 =	sld [smem:$0x3FAA]  }
0x30: {  	s3 =	sld [smem:$0x3FAD]  }
0x31: {  	[smem:$0x3FB6] =	sst s10  }
0x32: {  	s10 =	sld [smem:$0x3FB4];
	_ =	sdelay $0x3  }
0x33: {  	p0 =	seq.s32 s10, $0x1;
	s10 =	sld [smem:$0x3FB6];
	_ =	sdelay $0x3  }
0x34: {  	[smem:$0x3FB6] =	sst s10  }
0x35: {  	s10 =	sld [smem:$0x3FB5];
	_ =	sdelay $0x3  }
0x36: {  	p1 =	seq.s32 s10, $0x1;
	s10 =	sld [smem:$0x3FB6];
	_ =	sdelay $0x3  }
0x37: {  	[smem:$0x3FB6] =	sst s10  }
0x38: {  	s10 =	sld [smem:$0x3FB7]  }
0x39: {  	_ = 	snop;
	(pc) =	sbr.ind lr, $3  }
0x3a: {  	_ = 	snop  }
0x3b: {  	_ = 	snop  }
0x3c: {  	p2 =	seq.s32 s10, $0x1;
	s10 =	sld [smem:$0x3FB6]  }
0x3d: {  	_ =	shalt  }
0x3e: {  	_ =	shalt  }
0x3f: {  	_ =	shalt  }
0x40: {  	_ =	shalt  }
0x41: {  	_ =	shalt  }
0x42: {  	_ =	shalt  }
0x43: {  	_ =	shalt  }
0x44: {  	_ =	shalt  }
0x45: {  	_ =	shalt  }
0x46: {  	_ =	shalt  }
0x47: {  	_ =	shalt  }
0x48: {  	_ =	shalt  }
0x49: {  	_ =	shalt  }
0x4a: {  	_ =	shalt  }
0x4b: {  	_ =	shalt  }
0x4c: {  	_ =	shalt  }
0x4d: {  	_ =	shalt  }
0x4e: {  	_ =	shalt  }
0x4f: {  	_ =	shalt  }
0x50: {  	_ =	shalt  }
0x51: {  	_ =	shalt  }
0x52: {  	_ =	shalt  }
0x53: {  	_ =	shalt  }
0x54: {  	_ =	shalt  }
0x55: {  	_ =	shalt  }
0x56: {  	_ =	shalt  }
0x57: {  	_ =	shalt  }
0x58: {  	_ =	shalt  }
0x59: {  	_ =	shalt  }
0x5a: {  	_ =	shalt  }
0x5b: {  	_ =	shalt  }
0x5c: {  	_ =	shalt  }
0x5d: {  	_ =	shalt  }
0x5e: {  	_ =	shalt  }
0x5f: {  	_ =	shalt  }
0x60: {  	_ =	shalt  }
0x61: {  	_ =	shalt  }
0x62: {  	_ =	shalt  }
0x63: {  	_ =	shalt  }
0x64: {  	_ =	shalt  }
0x65: {  	_ =	shalt  }
0x66: {  	_ =	shalt  }
0x67: {  	_ =	shalt  }
0x68: {  	_ =	shalt  }
0x69: {  	_ =	shalt  }
0x6a: {  	_ =	shalt  }
0x6b: {  	_ =	shalt  }
0x6c: {  	_ =	shalt  }
0x6d: {  	_ =	shalt  }
0x6e: {  	_ =	shalt  }
0x6f: {  	_ =	shalt  }
0x70: {  	_ =	shalt  }
0x71: {  	_ =	shalt  }
0x72: {  	_ =	shalt  }
0x73: {  	_ =	shalt  }
0x74: {  	_ =	shalt  }
0x75: {  	_ =	shalt  }
0x76: {  	_ =	shalt  }
0x77: {  	_ =	shalt  }
0x78: {  	_ =	shalt  }
0x79: {  	_ =	shalt  }
0x7a: {  	_ =	shalt  }
0x7b: {  	_ =	shalt  }
0x7c: {  	_ =	shalt  }
0x7d: {  	_ =	shalt  }
0x7e: {  	_ =	shalt  }
0x7f: {  	_ =	shalt  }
0x80: {  	_ =	shalt  }
0x81: {  	_ =	shalt  }
0x82: {  	_ =	shalt  }
0x83: {  	_ =	shalt  }
0x84: {  	_ =	shalt  }
0x85: {  	_ =	shalt  }
0x86: {  	_ =	shalt  }
0x87: {  	_ =	shalt  }
.Lfunc_end0:
.L_simem_size_0:
called_computation_lowered:
.L_overlay_start_0:
0x88: {  	s2 =	sld [smem:$0x3FD9]  }
0x89: {  	s3 =	sld [smem:$0x3FFE];
	_ =	sdelay $0x1  }
0x8a: {  	s1 =	srdreg.scid  }
0x8b: {  	s0 =	sand.u32 $0x1, s1  }
0x8c: {  	s17 =	sshll.u32 s0, $0xA;
	s2 =	sadd.s32 s3, s2  }
0x8d: {  	s2 =	sadd.s32 s2, s17  }
0x8e: {  	[smem:$0x3FC2] =	sst s2  }
0x8f: {  	_ = 	snop  }
0x90: {  	s2 =	sld [smem:$0x3FD0];
	(tm) =	ssettm $0x1  }
0x91: {  	s18 =	sld [smem:$0x3FFB];
	_ =	sdelay $0x3  }
0x92: {  	_ =	strace s18  }
0x93: {  	s3 =	sld [smem:$0x3FFC];
	_ =	sdelay $0x3  }
0x94: {  	_ =	strace s3  }
0x95: {  	s3 =	sld [smem:$0x3FFD];
	_ =	sdelay $0x3  }
0x96: {  	_ =	strace s3  }
0x97: {  	_ =	strace $0x8FFFFFFF  }
0x98: {  	s19 =	sld [smem:$0x3FDB];
	_ =	sdelay $0x1  }
0x99: {  	s4 =	simm.s32 $_scs_section_size  }
0x9a: {  	s5 =	simm.s32 $_size__tile_overlayer_lowered;
	s6 =	simm.s32 $_tile_overlayer_lowered  }
0x9b: {  	s22 =	simm.s32 $0x1BFF;
	s21 =	sshll.u32 s6, $0x1;
	s3 =	sadd.s32 s4, s19  }
0x9c: {  	s7 =	simm.s32 $0x0;
	s20 =	sshll.u32 s5, $0x1;
	s5 =	sadd.s32 s21, s3  }
0x9d: {  	[timem:s7], [sflag:s22] =	dma.local [hbm:s5], s20  }
0x9e: {  	_ =	swait.ge [sflag:s22], s20  }
0x9f: {  	s4 =	ssub.s32 $0x0, s20;
	[sflag:s22] =	ssyncset.done $0x0  }
0xa0: {  	[sflag:s22] =	ssyncadd.s32 s4;
	_ =	sdelay $0x1  }
0xa1: {  	s23 =	simm.s32 $0x1B8B  }
0xa2: {  	_ =	swait.ge [sflag:s23], $0x1  }
0xa3: {  	[sflag:s23] =	ssyncset.done $0x0  }
0xa4: {  	s25 =	simm.s32 $0x1B8E;
	s24 =	sld [smem:$0x3FFE];
	[sflag:s23] =	ssyncadd.s32 $0xFFFFFFFF  }
0xa5: {  	s26 =	simm.s32 $execute0_lowered;
	[smem:$0x3FD2] =	sst s25  }
0xa6: {  	s5 =	sshll.u32 s26, $0x1;
	_ =	strace $0x80000046;
	[dreg:$0x1] =	wrdreg $0xFFFFFFFF  }
0xa7: {  	s28 =	simm.s32 $_size_execute0_lowered;
	s3 =	sadd.s32 s3, s5;
	[dreg:$0x0] =	wrdreg $0x0  }
0xa8: {  	s5 =	sshll.u32 s28, $0x1;
	[dreg:$0x2] =	wrdreg s3  }
0xa9: {  	[dreg:$0x3] =	wrdreg s5  }
0xaa: {  	[dreg:$0x4] =	wrdreg $0xC0  }
0xab: {  	_ =	task [dreg:s7], $0x5FFFF  }
0xac: {  	[dreg:$0x1] =	wrdreg $0xFFFFFFFF  }
0xad: {  	[dreg:$0x0] =	wrdreg $0x60  }
0xae: {  	[dreg:$0x2] =	wrdreg s24  }
0xaf: {  	[dreg:$0x3] =	wrdreg s2  }
0xb0: {  	[dreg:$0x4] =	wrdreg $0x0  }
0xb1: {  	[dreg:$0x5] =	wrdreg $0x9  }
0xb2: {  	_ =	task.clear_ibuf [dreg:s7], $0x6FFFF;
	_ =	strace $0x90000046  }
0xb3: {  	s29 =	simm.s32 $0x9;
	_ =	strace $0x80000048  }
0xb4: {  	_ =	swait.ge [sflag:s29], $0x1  }
0xb5: {  	[sflag:s29] =	ssyncadd.s32 $0xFFFFFFFF  }
0xb6: {  	_ =	strace $0x90000048  }
0xb7: {  	_ =	sfence  }
0xb8: {  	s30 =	sld [smem:$0x0];
	_ =	sdelay $0x2  }
0xb9: {  	s31 =	sshll.u32 s1, $0xD;
	s1 =	sshrl.u32 s1, $0x2  }
0xba: {  	s3 =	sand.u32 $0x4000, s31;
	s1 =	sadd.s32 s1, s30  }
0xbb: {  	s0 =	sor.u32 s3, s0;
	s1 =	sshll.u32 s1, $0x11  }
0xbc: {  	s0 =	sor.u32 s1, s0  }
0xbd: {  	s0 =	sadd.s32 $0x8F2B, s0  }
0xbe: {  	[sflag:s0] =	ssyncadd.remote.s32 $0x1  }
0xbf: {  	_ =	sfence.sel $0xFFFF  }
0xc0: {  	[dreg:$0x0] =	wrdreg $0xFFFFFFFF;
	(pc) =	sbr.abs _section_cstart, $3  }
0xc1: {  	[dreg:$0x1] =	wrdreg $0xFFFFFFFF  }
0xc2: {  	_ =	task.clear_ibuf [dreg:s7], $0x2FFFF;
	_ =	strace $0x9FFFFFFF  }
0xc3: {  	(tm) =	ssettm $0x7FFFFFFF  }
tec
execute0_lowered:
.L_overlay_start_1:
0x0: {  	(tag) =	ssettag $0x1  }
0x1: {  	s0 =	rddreg [dreg:$0x0]  }
0x2: {  	s11 =	stileid.u32;
	s10 =	rddreg [dreg:$0x1]  }
0x3: {  	s1 =	srdreg.scid;
	s2 =	rddreg [dreg:$0x2];
	s6 =	simm.s32 $0x58  }
0x4: {  	s13 =	simm.s32 $0x9;
	s14 =	simm.s32 $0x2800;
	s15 =	simm.s32 $0xA400  }
0x5: {  	s16 =	simm.s32 $0x80;
	s24 =	simm.s32 $0x1;
	s28 =	simm.s32 $0x4  }
0x6: {  	s29 =	simm.s32 $0x5;
	s30 =	simm.s32 $0x6;
	s3 =	smul.u32 $0x48, s11  }
0x7: {  	s31 =	simm.s32 $0x7;
	s17 =	simm.s32 $0x7C00;
	s4 =	smul.u32 $0x58, s11  }
0x8: {  	s18 =	simm.s32 $0x0;
	s1 =	sand.u32 $0x1, s1;
	s7 =	smul.u32 $0xA000, s11  }
0x9: {  	s25 =	sshll.u32 s11, $0x6;
	s11 =	smul.u32 $0x500, s11;
	p0 =	seq.s32 s1, $0x0  }
0xa: {  	s1 =	ssub.s32 $0x2, s1;
	s5 =	sadd.s32 $0x580, s3;
	s3 =	simm.s32 $0x0  }
0xb: {  	s8 =	sshrl.u32 s1, $0x1;
	s6 =	simm.s32 @!p0 $0x48;
	s7 =	sshrl.u32 s7, $0x2  }
0xc: {  	s5 =	smov.u32 @p0 s4;
	[smem:$0x7FF] =	sst s3;
	s1 =	ssub.s32 s1, s8  }
0xd: {  	s7 =	sadd.s32 s7, s2;
	s8 =	sor.u32 $0x1C09, s25;
	s26 =	sshll.u32 s6, $0x9  }
0xe: {  	s25 =	simm.s32 $0x2;
	s4 =	sshll.u32 s5, $0x4;
	_ =	strace $0x80000047  }
0xf: {  	s5 =	sadd.s32 $0xD600, s0;
	[dreg:$0x4] =	wrdreg s26;
	s12 =	sshrl.u32 s7, $0x3  }
0x10: {  	s9 =	sadd.s32 s4, s0;
	s4 =	sadd.s32 $0xDC00, s0;
	s0 =	sadd.s32 $0xDE00, s0  }
0x11: {  	s26 =	simm.s32 $0x3;
	s9 =	sadd.s32 $0x3000, s9;
	s0 =	smov.u32 @p0 s10  }
0x12: {  	s10 =	smax.u32 s1, $0x1;
	s1 =	simm.s32 $0x8;
	s11 =	sadd.s32 s0, s11  }
.LBB2_1:
0x13: {  	[spmem:s12], [sflag:s8] =	dma.local [hbm:s5], $0x500  }
0x14: {  	_ =	swait.ge [sflag:s13], $0x500  }
0x15: {  	[sflag:s13] =	ssyncset.done $0x0  }
0x16: {  	[sflag:s13] =	ssyncadd.s32 $0xFFFFFB00  }
0x17: {  	[tilespmem:s14], [sflag:$0x9] =	stream.linear.gather [hbm4b:s9+s3], $0x2C00, $0x38;
	[tilespmem:$0xAC00] =	vst v63  }
0x18: {  	_ =	swait.ge [sflag:s13], $0x2C00  }
0x19: {  	[sflag:s13] =	ssyncset.done $0x0  }
0x1a: {  	[sflag:s13] =	ssyncadd.s32 $0xFFFFD400  }
0x1b: {  	[tilespmem:s15], [sflag:$0x9] =	stream.linear.gather [hbm4b:s4+s3], $0x800, $0x38;
	[tilespmem:$0xAC00] =	vst v63  }
0x1c: {  	_ =	swait.ge [sflag:s13], $0x800  }
0x1d: {  	[sflag:s13] =	ssyncset.done $0x0  }
0x1e: {  	[sflag:s13] =	ssyncadd.s32 $0xFFFFF800  }
0x1f: {  	[bflag:$0x0] =	sbarrier.arrive $0xFFFF  }
0x20: {  	[spmem:s2] =	stream.indirect.scatter.add.f32 [tilespmem:s15], [sflag:$0x1], $0x10, s14, s16, $0xb8;
	[tilespmem:$0xAC00] =	vst v63  }
0x21: {  	s0 =	simm.s32 $0x2880  }
0x22: {  	[spmem:s2] =	stream.indirect.scatter.add.f32 [tilespmem:s15], [sflag:$0x2], $0x10, s0, s16, $0xb8;
	[tilespmem:$0xAC00] =	vst v63  }
0x23: {  	s23 =	simm.s32 $0x2900  }
0x24: {  	[spmem:s2] =	stream.indirect.scatter.add.f32 [tilespmem:s15], [sflag:$0x3], $0x10, s23, s16, $0xb8;
	[tilespmem:$0xAC00] =	vst v63  }
0x25: {  	s19 =	simm.s32 $0x2980  }
0x26: {  	[spmem:s2] =	stream.indirect.scatter.add.f32 [tilespmem:s15], [sflag:$0x4], $0x10, s19, s16, $0xb8;
	[tilespmem:$0xAC00] =	vst v63  }
0x27: {  	s20 =	simm.s32 $0x2A00  }
0x28: {  	[spmem:s2] =	stream.indirect.scatter.add.f32 [tilespmem:s15], [sflag:$0x5], $0x10, s20, s16, $0xb8;
	[tilespmem:$0xAC00] =	vst v63  }
0x29: {  	s21 =	simm.s32 $0x2A80  }
0x2a: {  	[spmem:s2] =	stream.indirect.scatter.add.f32 [tilespmem:s15], [sflag:$0x6], $0x10, s21, s16, $0xb8;
	[tilespmem:$0xAC00] =	vst v63  }
0x2b: {  	s22 =	simm.s32 $0x2B00  }
0x2c: {  	[spmem:s2] =	stream.indirect.scatter.add.f32 [tilespmem:s15], [sflag:$0x7], $0x10, s22, s16, $0xb8;
	[tilespmem:$0xAC00] =	vst v63  }
0x2d: {  	s23 =	simm.s32 $0x2B80;
	s19 =	simm.s32 $0x8;
	s20 =	simm.s32 $0x0  }
0x2e: {  	[spmem:s2] =	stream.indirect.scatter.add.f32 [tilespmem:s15], [sflag:$0x8], $0x10, s23, s16, $0xb8;
	[tilespmem:$0xAC00] =	vst v63  }
.LBB2_2:
0x2f: {  	_ =	swait.ge [sflag:s24], $0x800;
	p0 =	sge.u32 s19, s6  }
0x30: {  	[sflag:s24] =	ssyncset.done $0x0;
	s21 =	sshra.s32 @!p0 s20, $0x2;
	s22 =	simm.s32 @!p0 $0x80  }
0x31: {  	s23 =	simm.s32 @!p0 $0xA400;
	[sflag:s24] =	ssyncadd.s32 $0xFFFFF800;
	s21 =	sadd.s32 @!p0 $0x2C00, s21  }
0x32: {  	[spmem:s2] =	stream.indirect.scatter.add.f32 @!p0 [tilespmem:s23], [sflag:$0x1], $0x10, s21, s22, $0xb8;
	[tilespmem:$0xAC00] =	vst v63  }
0x33: {  	s23 =	sadd.s32 $0x1, s19  }
0x34: {  	s0 =	sadd.s32 $0x2, s19;
	_ =	swait.ge [sflag:s25], $0x800;
	p0 =	sge.u32 s23, s6  }
0x35: {  	[sflag:s25] =	ssyncset.done $0x0;
	s21 =	sshra.s32 @!p0 s20, $0x2;
	s22 =	simm.s32 @!p0 $0x80  }
0x36: {  	s23 =	simm.s32 @!p0 $0xA400;
	[sflag:s25] =	ssyncadd.s32 $0xFFFFF800;
	s21 =	sadd.s32 @!p0 $0x2C80, s21  }
0x37: {  	[spmem:s2] =	stream.indirect.scatter.add.f32 @!p0 [tilespmem:s23], [sflag:$0x2], $0x10, s21, s22, $0xb8;
	[tilespmem:$0xAC00] =	vst v63  }
0x38: {  	p0 =	sge.u32 s0, s6;
	_ =	swait.ge [sflag:s26], $0x800  }
0x39: {  	s21 =	sshra.s32 @!p0 s20, $0x2;
	s22 =	simm.s32 @!p0 $0x80;
	[sflag:s26] =	ssyncset.done $0x0  }
0x3a: {  	s23 =	simm.s32 @!p0 $0xA400;
	s21 =	sadd.s32 @!p0 $0x2D00, s21;
	[sflag:s26] =	ssyncadd.s32 $0xFFFFF800  }
0x3b: {  	[spmem:s2] =	stream.indirect.scatter.add.f32 @!p0 [tilespmem:s23], [sflag:$0x3], $0x10, s21, s22, $0xb8;
	[tilespmem:$0xAC00] =	vst v63  }
0x3c: {  	s22 =	sadd.s32 $0x3, s19  }
0x3d: {  	_ =	swait.ge [sflag:s28], $0x800;
	p0 =	sge.u32 s22, s6  }
0x3e: {  	[sflag:s28] =	ssyncset.done $0x0;
	s21 =	sshra.s32 @!p0 s20, $0x2;
	s22 =	simm.s32 @!p0 $0x80  }
0x3f: {  	s23 =	simm.s32 @!p0 $0xA400;
	[sflag:s28] =	ssyncadd.s32 $0xFFFFF800;
	s21 =	sadd.s32 @!p0 $0x2D80, s21  }
0x40: {  	[spmem:s2] =	stream.indirect.scatter.add.f32 @!p0 [tilespmem:s23], [sflag:$0x4], $0x10, s21, s22, $0xb8;
	[tilespmem:$0xAC00] =	vst v63  }
0x41: {  	s23 =	sadd.s32 $0x4, s19  }
0x42: {  	s0 =	sadd.s32 $0x5, s19;
	_ =	swait.ge [sflag:s29], $0x800;
	p0 =	sge.u32 s23, s6  }
0x43: {  	[sflag:s29] =	ssyncset.done $0x0;
	s21 =	sshra.s32 @!p0 s20, $0x2;
	s22 =	simm.s32 @!p0 $0x80  }
0x44: {  	s23 =	simm.s32 @!p0 $0xA400;
	[sflag:s29] =	ssyncadd.s32 $0xFFFFF800;
	s21 =	sadd.s32 @!p0 $0x2E00, s21  }
0x45: {  	[spmem:s2] =	stream.indirect.scatter.add.f32 @!p0 [tilespmem:s23], [sflag:$0x5], $0x10, s21, s22, $0xb8;
	[tilespmem:$0xAC00] =	vst v63  }
0x46: {  	p0 =	sge.u32 s0, s6;
	_ =	swait.ge [sflag:s30], $0x800  }
0x47: {  	s21 =	sshra.s32 @!p0 s20, $0x2;
	s22 =	simm.s32 @!p0 $0x80;
	[sflag:s30] =	ssyncset.done $0x0  }
0x48: {  	s23 =	simm.s32 @!p0 $0xA400;
	s21 =	sadd.s32 @!p0 $0x2E80, s21;
	[sflag:s30] =	ssyncadd.s32 $0xFFFFF800  }
0x49: {  	[spmem:s2] =	stream.indirect.scatter.add.f32 @!p0 [tilespmem:s23], [sflag:$0x6], $0x10, s21, s22, $0xb8;
	[tilespmem:$0xAC00] =	vst v63  }
0x4a: {  	s22 =	sadd.s32 $0x6, s19  }
0x4b: {  	_ =	swait.ge [sflag:s31], $0x800;
	p0 =	sge.u32 s22, s6  }
0x4c: {  	[sflag:s31] =	ssyncset.done $0x0;
	s21 =	sshra.s32 @!p0 s20, $0x2;
	s22 =	simm.s32 @!p0 $0x80  }
0x4d: {  	s23 =	simm.s32 @!p0 $0xA400;
	[sflag:s31] =	ssyncadd.s32 $0xFFFFF800;
	s21 =	sadd.s32 @!p0 $0x2F00, s21  }
0x4e: {  	[spmem:s2] =	stream.indirect.scatter.add.f32 @!p0 [tilespmem:s23], [sflag:$0x7], $0x10, s21, s22, $0xb8;
	[tilespmem:$0xAC00] =	vst v63  }
0x4f: {  	s23 =	sadd.s32 $0x7, s19  }
0x50: {  	_ =	swait.ge [sflag:s1], $0x800;
	p0 =	sge.u32 s23, s6  }
0x51: {  	[sflag:s1] =	ssyncset.done $0x0;
	s21 =	sshra.s32 @!p0 s20, $0x2  }
0x52: {  	s22 =	simm.s32 @!p0 $0x80;
	s23 =	simm.s32 @!p0 $0xA400;
	s0 =	rddreg [dreg:$0x4]  }
0x53: {  	s20 =	sadd.s32 $0x1000, s20;
	[sflag:s1] =	ssyncadd.s32 $0xFFFFF800;
	s21 =	sadd.s32 @!p0 $0x2F80, s21  }
0x54: {  	[spmem:s2] =	stream.indirect.scatter.add.f32 @!p0 [tilespmem:s23], [sflag:$0x8], $0x10, s21, s22, $0xb8;
	[tilespmem:$0xAC00] =	vst v63  }
0x55: {  	p0 =	sne.s32 s0, s20  }
.Ltmp0:
0x56: {  	_ = 	snop;
	(pc) =	sbr.rel @p0 .LBB2_2-.Ltmp0, $2  }
0x57: {  	_ =	sdelay $0x2  }
0x58: {  	s19 =	sadd.s32 $0x8, s19  }
0x59: {  	[bflag:$0x0] =	sbarrier.arrive $0xFFFF;
	s0 =	simm.s32 $0x5400  }
0x5a: {  	[tilespmem:s0], [sflag:$0x9] =	stream.linear.gather [spmem:s7], $0x2800, $0x38;
	[tilespmem:$0xAC00] =	vst v63  }
0x5b: {  	_ =	swait.ge [sflag:s13], $0x2800  }
0x5c: {  	[sflag:s13] =	ssyncset.done $0x0  }
0x5d: {  	s19 =	simm.s32 $0x0;
	[sflag:s13] =	ssyncadd.s32 $0xFFFFD800  }
0x5e: {  	v3 =	vld [tilespmem:s19+$0x5470]  }
0x5f: {  	v4 =	vld [tilespmem:s19+$0x5400]  }
0x60: {  	v5 =	vld [tilespmem:s19+$0x5410]  }
0x61: {  	v2 =	vld [tilespmem:s19+$0x5420]  }
0x62: {  	v0 =	vld [tilespmem:s19+$0x5430]  }
0x63: {  	v1 =	vld [tilespmem:s19+$0x5440];
	[tilespmem:s19+$0x7C70] =	vst v3  }
0x64: {  	[tilespmem:s19+$0x7C00] =	vst v4;
	v3 =	vld [tilespmem:s19+$0x5450]  }
0x65: {  	s20 =	simm.s32 $0x80;
	s21 =	simm.s32 $0x400;
	[tilespmem:s19+$0x7C10] =	vst v5;
	v4 =	vld [tilespmem:s19+$0x5460]  }
.LBB2_4:
0x66: {  	p0 =	sne.s32 s21, $0x9E00;
	v5 =	vld [tilespmem:s20+$0x5470];
	[tilespmem:s19+$0x7C20] =	vst v2  }
0x67: {  	v6 =	vld [tilespmem:s20+$0x5400];
	[tilespmem:s19+$0x7C30] =	vst v0  }
0x68: {  	v7 =	vld [tilespmem:s20+$0x5410];
	[tilespmem:s19+$0x7C40] =	vst v1  }
.Ltmp1:
0x69: {  	v2 =	vld [tilespmem:s20+$0x5420];
	[tilespmem:s19+$0x7C50] =	vst v3;
	(pc) =	sbr.rel @p0 .LBB2_4-.Ltmp1, $4  }
0x6a: {  	v0 =	vld [tilespmem:s20+$0x5430];
	[tilespmem:s19+$0x7C60] =	vst v4;
	s19 =	smov.u32 s20  }
0x6b: {  	v1 =	vld [tilespmem:s19+$0x5440];
	[tilespmem:s19+$0x7C70] =	vst v5  }
0x6c: {  	[tilespmem:s19+$0x7C00] =	vst v6;
	v3 =	vld [tilespmem:s19+$0x5450]  }
0x6d: {  	s20 =	sshra.s32 s21, $0x2;
	s21 =	sadd.s32 $0x200, s21;
	[tilespmem:s19+$0x7C10] =	vst v7;
	v4 =	vld [tilespmem:s19+$0x5460]  }
0x6e: {  	v5 =	vld [tilespmem:s20+$0x5470];
	[tilespmem:s19+$0x7C20] =	vst v2  }
0x6f: {  	v2 =	vld [tilespmem:s20+$0x5400];
	[tilespmem:s19+$0x7C30] =	vst v0  }
0x70: {  	v0 =	vld [tilespmem:s20+$0x5410];
	[tilespmem:s19+$0x7C40] =	vst v1  }
0x71: {  	v1 =	vld [tilespmem:s20+$0x5420];
	[tilespmem:s19+$0x7C50] =	vst v3  }
0x72: {  	v3 =	vld [tilespmem:s20+$0x5430];
	[tilespmem:s19+$0x7C60] =	vst v4  }
0x73: {  	v4 =	vld [tilespmem:s20+$0x5440];
	[tilespmem:s20+$0x7C70] =	vst v5  }
0x74: {  	v62 =	vld [tilespmem:s20+$0x5450];
	[tilespmem:s20+$0x7C00] =	vst v2  }
0x75: {  	v63 =	vld [tilespmem:s20+$0x5460];
	[tilespmem:s20+$0x7C10] =	vst v0  }
0x76: {  	[tilespmem:s20+$0x7C20] =	vst v1  }
0x77: {  	[tilespmem:s20+$0x7C30] =	vst v3  }
0x78: {  	s18 =	sadd.s32 $0x1, s18;
	[tilespmem:s20+$0x7C40] =	vst v4  }
0x79: {  	p0 =	sne.s32 s18, s10;
	[tilespmem:s20+$0x7C50] =	vst v62  }
.Ltmp2:
0x7a: {  	[tilespmem:s20+$0x7C60] =	vst v63;
	(pc) =	sbr.rel @p0 .LBB2_1-.Ltmp2, $4  }
0x7b: {  	[hbm4b:s11+s3] =	stream.linear.scatter [tilespmem:s17], [sflag:$0x9], $0x2800, $0x38;
	[tilespmem:$0xAC00] =	vst v63  }
0x7c: {  	_ =	swait.ge [sflag:s13], $0x2800  }
0x7d: {  	[sflag:s13] =	ssyncset.done $0x0  }
0x7e: {  	[sflag:s13] =	ssyncadd.s32 $0xFFFFD800  }
0x7f: {  	_ =	sfence.sel $0x180000  }
0x80: {  	[bflag:$0x0] =	sbarrier.arrive $0xFFFF  }
0x81: {  	_ =	strace $0x90000047  }
0x82: {  	s0 =	stileid.u32;
	[bflag:$0x2] =	sbarrier.arrive $0xFFFF  }
0x83: {  	p0 =	sne.s32 s0, $0x0;
	s0 =	rddreg [dreg:$0x3]  }
0x84: {  	s0 =	sadd.s32 @!p0 $0x100000, s0  }
0x85: {  	[sflag:s0] =	ssyncadd.tile.s32 @!p0 $0x1;
	_ =	shalt  }
.Lfunc_end2:
_tile_overlayer_lowered:
.L_overlay_start_2:
0x86: {  	(tag) =	ssettag $0x2  }
0x87: {  	s0 =	rddreg [dreg:$0x0];
	s2 =	stileid.u32  }
0x88: {  	s1 =	rddreg [dreg:$0x1];
	p0 =	sne.s32 s2, $0x0  }
0x89: {  	s3 =	rddreg [dreg:$0x2];
	[bflag:$0x3] =	sbarrier.arrive $0xFFFF;
	s2 =	simm.s32 @!p0 $0x1C09  }
0x8a: {  	[timem:s3], [sflag:s2] =	dma.local @!p0 [hbm:s0], s1  }
0x8b: {  	s0 =	simm.s32 @!p0 $0x9  }
0x8c: {  	_ =	swait.ge @!p0 [sflag:s0], s1  }
0x8d: {  	s1 =	ssub.s32 @!p0 $0x0, s1;
	[sflag:s0] =	ssyncset.done @!p0 $0x0  }
0x8e: {  	[sflag:s0] =	ssyncadd.s32 @!p0 s1  }
0x8f: {  	[bflag:$0x3] =	sbarrier.arrive $0xFFFF  }
0x90: {  	_ =	shalt  }

// kernel: kernel.13.cloned.1.call-start
scs
__scs_entry_jumppad:
0x0: {  	(pc) =	sbr.rel $0x88, $3  }
0x1: {  	(tag) =	ssettag $0x0;
	lr =	simm.s32 $0x1  }
0x2: {  	[smem:$0x3F9B] =	sst lr;
	_ =	strace $0xD0000000  }
0x3: {  	_ = 	snop  }
0x4: {  	_ = 	snop  }
0x5: {  	_ = 	snop  }
0x6: {  	_ = 	snop  }
0x7: {  	_ = 	snop  }
__scs_overlays_trampoline_lowered:
0x8: {  	[smem:$0x3FAA] =	sst s0  }
0x9: {  	[smem:$0x3FAB] =	sst s1  }
0xa: {  	[smem:$0x3FAC] =	sst s2  }
0xb: {  	[smem:$0x3FAD] =	sst s3  }
0xc: {  	[smem:$0x3FAE] =	sst s4  }
0xd: {  	[smem:$0x3FAF] =	sst s5  }
0xe: {  	[smem:$0x3FB0] =	sst s6  }
0xf: {  	[smem:$0x3FB1] =	sst s7  }
0x10: {  	[smem:$0x3FB2] =	sst s8  }
0x11: {  	[smem:$0x3FB3] =	sst s9;
	s0 =	simm.s32 @!p0 $0x0  }
0x12: {  	s1 =	sld [smem:$0x3F99];
	s0 =	simm.s32 @p0 $0x1  }
0x13: {  	[smem:$0x3FB4] =	sst s0;
	s0 =	simm.s32 @!p1 $0x0  }
0x14: {  	s2 =	sld [smem:$0x3F98];
	s0 =	simm.s32 @p1 $0x1  }
0x15: {  	[smem:$0x3FB5] =	sst s0;
	s0 =	simm.s32 @!p2 $0x0  }
0x16: {  	s3 =	sld [smem:$0x3FDB];
	s0 =	simm.s32 @p2 $0x1  }
0x17: {  	s4 =	simm.s32 $0x1BF5;
	[smem:$0x3FB7] =	sst s0  }
0x18: {  	s0 =	sld [smem:$0x3F9A];
	_ =	swait.ge [sflag:s4], $0x0  }
0x19: {  	s7 =	sld [smem:$0x3F9B]  }
0x1a: {  	s8 =	sadd.s32 $0xFFFFE003, lr  }
0x1b: {  	s9 =	sadd.s32 $0xFFFFFEF7, lr;
	s5 =	simm.s32 $0xFFFFFFFF;
	p2 =	slt.u32 s8, $0xFFFFF086  }
0x1c: {  	p1 =	slt.u32 s9, $0xF7A;
	s5 =	simm.s32 @!p2 $0x0  }
0x1d: {  	s5 =	simm.s32 @p1 $0x1;
	p0 =	seq.s32 s7, s2  }
0x1e: {  	s7 =	smul.u32 @!p0 $0xF7A, s2;
	p2 =	seq.s32 @!p0 s5, $0x0  }
0x1f: {  	s9 =	smul.u32 $0xF7A, s1;
	s8 =	simm.s32 @!p0 $0x1BF5;
	p2 =	por !p2, p0  }
0x20: {  	[sflag:s8] =	ssyncset.s32 @!p0 $0xFFFFF086;
	s6 =	sadd.s32 @!p0 s3, s7;
	s7 =	simm.s32 @!p0 $0x108  }
0x21: {  	s3 =	sadd.s32 s3, s9;
	s6 =	sadd.s32 @!p0 $0x88, s6;
	s7 =	simm.s32 @p2 $0x1082  }
0x22: {  	[simem:s7], [sflag:s8] =	dma.local @!p0 [hbm:s6], $0xF7A  }
0x23: {  	s9 =	sor.u32 $0xD0000000, s2;
	s6 =	simm.s32 $0x108;
	_ =	swait.ge @!p0 [sflag:s8], $0x0  }
0x24: {  	s3 =	sadd.s32 $0x88, s3;
	s6 =	simm.s32 @!p1 $0x1082;
	[sflag:s4] =	ssyncset.s32 $0xFFFFF086  }
0x25: {  	[simem:s6], [sflag:s4] =	dma.local [hbm:s3], $0xF7A  }
0x26: {  	[smem:$0x3F9B] =	sst s1;
	(tag) =	ssettag s2;
	_ =	strace s9  }
0x27: {  	s1 =	sld [smem:$0x3FAB]  }
0x28: {  	s2 =	sld [smem:$0x3FAC]  }
0x29: {  	s4 =	sld [smem:$0x3FAE]  }
0x2a: {  	p0 =	seq.s32 s5, $0x0;
	s5 =	sld [smem:$0x3FAF]  }
0x2b: {  	s6 =	sld [smem:$0x3FB0]  }
0x2c: {  	s7 =	sld [smem:$0x3FB1]  }
0x2d: {  	s3 =	simm.s32 $0x108;
	s8 =	sld [smem:$0x3FB2]  }
0x2e: {  	s3 =	simm.s32 @!p0 $0x1082;
	s9 =	sld [smem:$0x3FB3]  }
0x2f: {  	lr =	sadd.s32 s0, s3;
	s0 =	sld [smem:$0x3FAA]  }
0x30: {  	s3 =	sld [smem:$0x3FAD]  }
0x31: {  	[smem:$0x3FB6] =	sst s10  }
0x32: {  	s10 =	sld [smem:$0x3FB4];
	_ =	sdelay $0x3  }
0x33: {  	p0 =	seq.s32 s10, $0x1;
	s10 =	sld [smem:$0x3FB6];
	_ =	sdelay $0x3  }
0x34: {  	[smem:$0x3FB6] =	sst s10  }
0x35: {  	s10 =	sld [smem:$0x3FB5];
	_ =	sdelay $0x3  }
0x36: {  	p1 =	seq.s32 s10, $0x1;
	s10 =	sld [smem:$0x3FB6];
	_ =	sdelay $0x3  }
0x37: {  	[smem:$0x3FB6] =	sst s10  }
0x38: {  	s10 =	sld [smem:$0x3FB7]  }
0x39: {  	_ = 	snop;
	(pc) =	sbr.ind lr, $3  }
0x3a: {  	_ = 	snop  }
0x3b: {  	_ = 	snop  }
0x3c: {  	p2 =	seq.s32 s10, $0x1;
	s10 =	sld [smem:$0x3FB6]  }
0x3d: {  	_ =	shalt  }
0x3e: {  	_ =	shalt  }
0x3f: {  	_ =	shalt  }
0x40: {  	_ =	shalt  }
0x41: {  	_ =	shalt  }
0x42: {  	_ =	shalt  }
0x43: {  	_ =	shalt  }
0x44: {  	_ =	shalt  }
0x45: {  	_ =	shalt  }
0x46: {  	_ =	shalt  }
0x47: {  	_ =	shalt  }
0x48: {  	_ =	shalt  }
0x49: {  	_ =	shalt  }
0x4a: {  	_ =	shalt  }
0x4b: {  	_ =	shalt  }
0x4c: {  	_ =	shalt  }
0x4d: {  	_ =	shalt  }
0x4e: {  	_ =	shalt  }
0x4f: {  	_ =	shalt  }
0x50: {  	_ =	shalt  }
0x51: {  	_ =	shalt  }
0x52: {  	_ =	shalt  }
0x53: {  	_ =	shalt  }
0x54: {  	_ =	shalt  }
0x55: {  	_ =	shalt  }
0x56: {  	_ =	shalt  }
0x57: {  	_ =	shalt  }
0x58: {  	_ =	shalt  }
0x59: {  	_ =	shalt  }
0x5a: {  	_ =	shalt  }
0x5b: {  	_ =	shalt  }
0x5c: {  	_ =	shalt  }
0x5d: {  	_ =	shalt  }
0x5e: {  	_ =	shalt  }
0x5f: {  	_ =	shalt  }
0x60: {  	_ =	shalt  }
0x61: {  	_ =	shalt  }
0x62: {  	_ =	shalt  }
0x63: {  	_ =	shalt  }
0x64: {  	_ =	shalt  }
0x65: {  	_ =	shalt  }
0x66: {  	_ =	shalt  }
0x67: {  	_ =	shalt  }
0x68: {  	_ =	shalt  }
0x69: {  	_ =	shalt  }
0x6a: {  	_ =	shalt  }
0x6b: {  	_ =	shalt  }
0x6c: {  	_ =	shalt  }
0x6d: {  	_ =	shalt  }
0x6e: {  	_ =	shalt  }
0x6f: {  	_ =	shalt  }
0x70: {  	_ =	shalt  }
0x71: {  	_ =	shalt  }
0x72: {  	_ =	shalt  }
0x73: {  	_ =	shalt  }
0x74: {  	_ =	shalt  }
0x75: {  	_ =	shalt  }
0x76: {  	_ =	shalt  }
0x77: {  	_ =	shalt  }
0x78: {  	_ =	shalt  }
0x79: {  	_ =	shalt  }
0x7a: {  	_ =	shalt  }
0x7b: {  	_ =	shalt  }
0x7c: {  	_ =	shalt  }
0x7d: {  	_ =	shalt  }
0x7e: {  	_ =	shalt  }
0x7f: {  	_ =	shalt  }
0x80: {  	_ =	shalt  }
0x81: {  	_ =	shalt  }
0x82: {  	_ =	shalt  }
0x83: {  	_ =	shalt  }
0x84: {  	_ =	shalt  }
0x85: {  	_ =	shalt  }
0x86: {  	_ =	shalt  }
0x87: {  	_ =	shalt  }
.Lfunc_end0:
.L_simem_size_0:
called_computation.1_lowered:
.L_overlay_start_0:
0x88: {  	s2 =	sld [smem:$0x3FD9]  }
0x89: {  	s3 =	sld [smem:$0x3FFE];
	_ =	sdelay $0x1  }
0x8a: {  	s1 =	srdreg.scid  }
0x8b: {  	s0 =	sand.u32 $0x1, s1  }
0x8c: {  	s17 =	sshll.u32 s0, $0xA;
	s2 =	sadd.s32 s3, s2  }
0x8d: {  	s2 =	sadd.s32 s2, s17  }
0x8e: {  	[smem:$0x3FC2] =	sst s2  }
0x8f: {  	_ = 	snop  }
0x90: {  	s2 =	sld [smem:$0x3FD0];
	(tm) =	ssettm $0x1  }
0x91: {  	s18 =	sld [smem:$0x3FFB];
	_ =	sdelay $0x3  }
0x92: {  	_ =	strace s18  }
0x93: {  	s3 =	sld [smem:$0x3FFC];
	_ =	sdelay $0x3  }
0x94: {  	_ =	strace s3  }
0x95: {  	s3 =	sld [smem:$0x3FFD];
	_ =	sdelay $0x3  }
0x96: {  	_ =	strace s3  }
0x97: {  	_ =	strace $0x8FFFFFFF  }
0x98: {  	s19 =	sld [smem:$0x3FDB];
	_ =	sdelay $0x1  }
0x99: {  	s4 =	simm.s32 $_scs_section_size  }
0x9a: {  	s5 =	simm.s32 $_size__tile_overlayer_lowered;
	s6 =	simm.s32 $_tile_overlayer_lowered  }
0x9b: {  	s22 =	simm.s32 $0x1BFF;
	s21 =	sshll.u32 s6, $0x1;
	s3 =	sadd.s32 s4, s19  }
0x9c: {  	s7 =	simm.s32 $0x0;
	s20 =	sshll.u32 s5, $0x1;
	s5 =	sadd.s32 s21, s3  }
0x9d: {  	[timem:s7], [sflag:s22] =	dma.local [hbm:s5], s20  }
0x9e: {  	_ =	swait.ge [sflag:s22], s20  }
0x9f: {  	s4 =	ssub.s32 $0x0, s20;
	[sflag:s22] =	ssyncset.done $0x0  }
0xa0: {  	[sflag:s22] =	ssyncadd.s32 s4;
	_ =	sdelay $0x1  }
0xa1: {  	s23 =	simm.s32 $0x1B8B  }
0xa2: {  	_ =	swait.ge [sflag:s23], $0x1  }
0xa3: {  	[sflag:s23] =	ssyncset.done $0x0  }
0xa4: {  	s25 =	simm.s32 $0x1B8E;
	s24 =	sld [smem:$0x3FFE];
	[sflag:s23] =	ssyncadd.s32 $0xFFFFFFFF  }
0xa5: {  	s26 =	simm.s32 $execute0_lowered;
	[smem:$0x3FD2] =	sst s25  }
0xa6: {  	s5 =	sshll.u32 s26, $0x1;
	_ =	strace $0x80000049;
	[dreg:$0x1] =	wrdreg $0xFFFFFFFF  }
0xa7: {  	s28 =	simm.s32 $_size_execute0_lowered;
	s3 =	sadd.s32 s3, s5;
	[dreg:$0x0] =	wrdreg $0x0  }
0xa8: {  	s5 =	sshll.u32 s28, $0x1;
	[dreg:$0x2] =	wrdreg s3  }
0xa9: {  	[dreg:$0x3] =	wrdreg s5  }
0xaa: {  	[dreg:$0x4] =	wrdreg $0xC0  }
0xab: {  	_ =	task [dreg:s7], $0x5FFFF  }
0xac: {  	[dreg:$0x1] =	wrdreg $0xFFFFFFFF  }
0xad: {  	[dreg:$0x0] =	wrdreg $0x60  }
0xae: {  	[dreg:$0x2] =	wrdreg s24  }
0xaf: {  	[dreg:$0x3] =	wrdreg s2  }
0xb0: {  	[dreg:$0x4] =	wrdreg $0x0  }
0xb1: {  	[dreg:$0x5] =	wrdreg $0xA4000  }
0xb2: {  	[dreg:$0x6] =	wrdreg $0x9  }
0xb3: {  	_ =	task.clear_ibuf [dreg:s7], $0x7FFFF;
	_ =	strace $0x90000049  }
0xb4: {  	s29 =	simm.s32 $0x9;
	_ =	strace $0x8000004B  }
0xb5: {  	_ =	swait.ge [sflag:s29], $0x1  }
0xb6: {  	[sflag:s29] =	ssyncadd.s32 $0xFFFFFFFF  }
0xb7: {  	_ =	strace $0x9000004B  }
0xb8: {  	_ =	sfence  }
0xb9: {  	s30 =	sld [smem:$0x0];
	_ =	sdelay $0x2  }
0xba: {  	s31 =	sshll.u32 s1, $0xD;
	s1 =	sshrl.u32 s1, $0x2  }
0xbb: {  	s3 =	sand.u32 $0x4000, s31;
	s1 =	sadd.s32 s1, s30  }
0xbc: {  	s0 =	sor.u32 s3, s0;
	s1 =	sshll.u32 s1, $0x11  }
0xbd: {  	s0 =	sor.u32 s1, s0  }
0xbe: {  	s0 =	sadd.s32 $0x8F2B, s0  }
0xbf: {  	[sflag:s0] =	ssyncadd.remote.s32 $0x1  }
0xc0: {  	_ =	sfence.sel $0xFFFF  }
0xc1: {  	[dreg:$0x0] =	wrdreg $0xFFFFFFFF;
	(pc) =	sbr.abs _section_cstart, $3  }
0xc2: {  	[dreg:$0x1] =	wrdreg $0xFFFFFFFF  }
0xc3: {  	_ =	task.clear_ibuf [dreg:s7], $0x2FFFF;
	_ =	strace $0x9FFFFFFF  }
0xc4: {  	(tm) =	ssettm $0x7FFFFFFF  }
0xc5: {  	_ =	shalt  }
tec
execute0_lowered:
.L_overlay_start_1:
0x0: {  	(tag) =	ssettag $0x1  }
0x1: {  	s0 =	rddreg [dreg:$0x0]  }
0x2: {  	s1 =	rddreg [dreg:$0x1];
	s10 =	stileid.u32  }
0x3: {  	s3 =	srdreg.scid;
	s2 =	rddreg [dreg:$0x2]  }
0x4: {  	s16 =	simm.s32 $0x0;
	s30 =	simm.s32 $0x1;
	s17 =	simm.s32 $0x3  }
0x5: {  	s12 =	simm.s32 $0xA;
	s13 =	simm.s32 $0xB;
	s18 =	simm.s32 $0xC  }
0x6: {  	s14 =	simm.s32 $0xD;
	s19 =	simm.s32 $0xE;
	s15 =	simm.s32 $0x10  }
0x7: {  	s31 =	simm.s32 $0x11000;
	s28 =	simm.s32 $0x12800;
	s29 =	simm.s32 $0x13000  }
0x8: {  	s4 =	smul.u32 $0x48, s10;
	s5 =	sand.u32 $0x1, s3;
	s3 =	rddreg [dreg:$0x3]  }
0x9: {  	s6 =	smul.u32 $0x58, s10;
	[smem:$0x7FF] =	sst s16;
	s20 =	sadd.s32 $0xD600, s0  }
0xa: {  	s7 =	sadd.s32 $0xDC00, s0;
	s8 =	smul.u32 $0x2800, s10;
	s9 =	sshll.u32 s10, $0x6  }
0xb: {  	s10 =	smul.u32 $0x500, s10;
	p0 =	seq.s32 s5, $0x0;
	_ =	strace $0x8000004A  }
0xc: {  	s5 =	ssub.s32 $0x2, s5;
	[dreg:$0x6] =	wrdreg s20;
	s9 =	sor.u32 $0x1C11, s9  }
0xd: {  	s20 =	simm.s32 $0xF;
	s4 =	sadd.s32 $0x580, s4;
	s21 =	sshrl.u32 s5, $0x1  }
0xe: {  	s11 =	sadd.s32 s8, s2;
	[dreg:$0x8] =	wrdreg s9;
	s1 =	sadd.s32 s1, s10  }
0xf: {  	s23 =	sadd.s32 s8, s3;
	s8 =	simm.s32 $0x6;
	[dreg:$0xb] =	wrdreg s1  }
0x10: {  	s9 =	simm.s32 $0x7;
	s4 =	smov.u32 @p0 s6;
	[dreg:$0xc] =	wrdreg s23  }
0x11: {  	s5 =	ssub.s32 s5, s21;
	s6 =	simm.s32 $0x58;
	[dreg:$0x7] =	wrdreg s11  }
0x12: {  	s26 =	sshrl.u32 s11, $0x3;
	s21 =	simm.s32 $0x80;
	s1 =	simm.s32 $0x2  }
0x13: {  	s11 =	simm.s32 $0x9;
	s23 =	simm.s32 $0x12000;
	s4 =	sshll.u32 s4, $0x4  }
0x14: {  	s6 =	simm.s32 @!p0 $0x48;
	s25 =	smax.u32 s5, $0x1;
	[dreg:$0xf] =	wrdreg s26  }
0x15: {  	s26 =	simm.s32 $0xCC00;
	s5 =	simm.s32 $0x5;
	s4 =	sadd.s32 s4, s0  }
0x16: {  	s0 =	sadd.s32 $0x1D400, s0;
	s24 =	sshll.u32 s6, $0x9;
	[dreg:$0xd] =	wrdreg s25  }
0x17: {  	s25 =	simm.s32 $0x4;
	s22 =	sadd.s32 $0x3000, s4;
	[dreg:$0x5] =	wrdreg s24  }
0x18: {  	s4 =	sadd.s32 $0x12E00, s4;
	s0 =	smov.u32 @p0 s7;
	[dreg:$0x9] =	wrdreg s22  }
0x19: {  	s24 =	simm.s32 $0x11;
	[dreg:$0xa] =	wrdreg s4;
	s0 =	sadd.s32 s0, s10  }
0x1a: {  	s10 =	simm.s32 $0x8;
	[dreg:$0xe] =	wrdreg s0;
	s0 =	simm.s32 $0x0  }
.LBB2_1:
0x1b: {  	[dreg:$0x10] =	wrdreg s0  }
0x1c: {  	s4 =	rddreg [dreg:$0x6]  }
0x1d: {  	s7 =	rddreg [dreg:$0x8]  }
0x1e: {  	s22 =	rddreg [dreg:$0xf]  }
0x1f: {  	[spmem:s22], [sflag:s7] =	dma.local [hbm:s4], $0x500  }
0x20: {  	_ =	swait.ge [sflag:s24], $0x500  }
0x21: {  	[sflag:s24] =	ssyncset.done $0x0  }
0x22: {  	s22 =	simm.s32 $0x2800;
	s7 =	rddreg [dreg:$0x9];
	[sflag:s24] =	ssyncadd.s32 $0xFFFFFB00  }
0x23: {  	[tilespmem:s22], [sflag:$0x11] =	stream.linear.gather [hbm4b:s7+s16], $0x2C00, $0x38;
	[tilespmem:$0x13800] =	vst v63  }
0x24: {  	_ =	swait.ge [sflag:s24], $0x2C00  }
0x25: {  	[sflag:s24] =	ssyncset.done $0x0  }
0x26: {  	s7 =	rddreg [dreg:$0xa];
	[sflag:s24] =	ssyncadd.s32 $0xFFFFD400  }
0x27: {  	[tilespmem:s26], [sflag:$0x11] =	stream.linear.gather [hbm4b:s7+s16], $0x2C00, $0x38;
	[tilespmem:$0x13800] =	vst v63  }
0x28: {  	_ =	swait.ge [sflag:s24], $0x2C00  }
0x29: {  	[sflag:s24] =	ssyncset.done $0x0  }
0x2a: {  	s0 =	simm.s32 $0x7C00;
	s22 =	rddreg [dreg:$0xb];
	[sflag:s24] =	ssyncadd.s32 $0xFFFFD400  }
0x2b: {  	[tilespmem:s0], [sflag:$0x11] =	stream.linear.gather [hbm4b:s22+s16], $0x2800, $0x38;
	[tilespmem:$0x13800] =	vst v63  }
0x2c: {  	_ =	swait.ge [sflag:s24], $0x2800  }
0x2d: {  	[sflag:s24] =	ssyncset.done $0x0  }
0x2e: {  	s4 =	simm.s32 $0x0;
	[sflag:s24] =	ssyncadd.s32 $0xFFFFD800  }
0x2f: {  	v3 =	vld [tilespmem:s4+$0x7C70]  }
0x30: {  	v4 =	vld [tilespmem:s4+$0x7C00]  }
0x31: {  	v5 =	vld [tilespmem:s4+$0x7C10]  }
0x32: {  	v2 =	vld [tilespmem:s4+$0x7C20]  }
0x33: {  	v0 =	vld [tilespmem:s4+$0x7C30]  }
0x34: {  	v1 =	vld [tilespmem:s4+$0x7C40];
	[tilespmem:s4+$0x5470] =	vst v3  }
0x35: {  	[tilespmem:s4+$0x5400] =	vst v4;
	v3 =	vld [tilespmem:s4+$0x7C50]  }
0x36: {  	s7 =	simm.s32 $0x80;
	s16 =	simm.s32 $0x400;
	[tilespmem:s4+$0x5410] =	vst v5;
	v4 =	vld [tilespmem:s4+$0x7C60]  }
.LBB2_2:
0x37: {  	p0 =	sne.s32 s16, $0x9E00;
	v5 =	vld [tilespmem:s7+$0x7C70];
	[tilespmem:s4+$0x5420] =	vst v2  }
0x38: {  	v6 =	vld [tilespmem:s7+$0x7C00];
	[tilespmem:s4+$0x5430] =	vst v0  }
0x39: {  	v7 =	vld [tilespmem:s7+$0x7C10];
	[tilespmem:s4+$0x5440] =	vst v1  }
.Ltmp0:
0x3a: {  	v2 =	vld [tilespmem:s7+$0x7C20];
	[tilespmem:s4+$0x5450] =	vst v3;
	(pc) =	sbr.rel @p0 .LBB2_2-.Ltmp0, $4  }
0x3b: {  	v0 =	vld [tilespmem:s7+$0x7C30];
	[tilespmem:s4+$0x5460] =	vst v4;
	s4 =	smov.u32 s7  }
0x3c: {  	v1 =	vld [tilespmem:s4+$0x7C40];
	[tilespmem:s4+$0x5470] =	vst v5  }
0x3d: {  	[tilespmem:s4+$0x5400] =	vst v6;
	v3 =	vld [tilespmem:s4+$0x7C50]  }
0x3e: {  	s7 =	sshra.s32 s16, $0x2;
	s16 =	sadd.s32 $0x200, s16;
	[tilespmem:s4+$0x5410] =	vst v7;
	v4 =	vld [tilespmem:s4+$0x7C60]  }
0x3f: {  	v5 =	vld [tilespmem:s7+$0x7C70];
	[tilespmem:s4+$0x5420] =	vst v2  }
0x40: {  	v2 =	vld [tilespmem:s7+$0x7C00];
	[tilespmem:s4+$0x5430] =	vst v0  }
0x41: {  	v0 =	vld [tilespmem:s7+$0x7C10];
	[tilespmem:s4+$0x5440] =	vst v1  }
0x42: {  	v1 =	vld [tilespmem:s7+$0x7C20];
	[tilespmem:s4+$0x5450] =	vst v3  }
0x43: {  	v3 =	vld [tilespmem:s7+$0x7C30];
	[tilespmem:s4+$0x5460] =	vst v4  }
0x44: {  	v4 =	vld [tilespmem:s7+$0x7C40];
	[tilespmem:s7+$0x5470] =	vst v5  }
0x45: {  	v62 =	vld [tilespmem:s7+$0x7C50];
	[tilespmem:s7+$0x5400] =	vst v2  }
0x46: {  	v63 =	vld [tilespmem:s7+$0x7C60];
	[tilespmem:s7+$0x5410] =	vst v0  }
0x47: {  	[tilespmem:s7+$0x5420] =	vst v1  }
0x48: {  	[tilespmem:s7+$0x5430] =	vst v3  }
0x49: {  	[tilespmem:s7+$0x5440] =	vst v4  }
0x4a: {  	[tilespmem:s7+$0x5450] =	vst v62  }
0x4b: {  	s16 =	rddreg [dreg:$0xc];
	s22 =	simm.s32 $0x5400;
	[tilespmem:s7+$0x5460] =	vst v63  }
0x4c: {  	[spmem:s16] =	stream.linear.scatter [tilespmem:s22], [sflag:$0x11], $0x2800, $0x38;
	[tilespmem:$0x13800] =	vst v63  }
0x4d: {  	_ =	swait.ge [sflag:s24], $0x2800  }
0x4e: {  	[sflag:s24] =	ssyncset.done $0x0  }
0x4f: {  	[sflag:s24] =	ssyncadd.s32 $0xFFFFD800  }
0x50: {  	s24 =	simm.s32 $0xF800;
	[bflag:$0x0] =	sbarrier.arrive $0xFFFF  }
0x51: {  	[tilespmem:s24], [sflag:$0x1] =	stream.indirect.gather [spmem:s3], $0x10, s26, s21, $0xb8;
	[tilespmem:$0x13800] =	vst v63  }
0x52: {  	s0 =	simm.s32 $0xCC80;
	s26 =	simm.s32 $0x10000  }
0x53: {  	[tilespmem:s26], [sflag:$0x2] =	stream.indirect.gather [spmem:s3], $0x10, s0, s21, $0xb8;
	[tilespmem:$0x13800] =	vst v63  }
0x54: {  	s7 =	simm.s32 $0xCD00;
	s0 =	simm.s32 $0x10800  }
0x55: {  	[tilespmem:s0], [sflag:$0x3] =	stream.indirect.gather [spmem:s3], $0x10, s7, s21, $0xb8;
	[tilespmem:$0x13800] =	vst v63  }
0x56: {  	s16 =	simm.s32 $0xCD80  }
0x57: {  	[tilespmem:s31], [sflag:$0x4] =	stream.indirect.gather [spmem:s3], $0x10, s16, s21, $0xb8;
	[tilespmem:$0x13800] =	vst v63  }
0x58: {  	s22 =	simm.s32 $0xCE00;
	s0 =	simm.s32 $0x11800  }
0x59: {  	[tilespmem:s0], [sflag:$0x5] =	stream.indirect.gather [spmem:s3], $0x10, s22, s21, $0xb8;
	[tilespmem:$0x13800] =	vst v63  }
0x5a: {  	s7 =	simm.s32 $0xCE80  }
0x5b: {  	[tilespmem:s23], [sflag:$0x6] =	stream.indirect.gather [spmem:s3], $0x10, s7, s21, $0xb8;
	[tilespmem:$0x13800] =	vst v63  }
0x5c: {  	s4 =	simm.s32 $0x0;
	s16 =	simm.s32 $0xCF00  }
0x5d: {  	[tilespmem:s28], [sflag:$0x7] =	stream.indirect.gather [spmem:s3], $0x10, s16, s21, $0xb8;
	[tilespmem:$0x13800] =	vst v63  }
0x5e: {  	s24 =	simm.s32 $0xF800;
	s22 =	simm.s32 $0xCF80;
	s7 =	simm.s32 $0x8  }
0x5f: {  	[tilespmem:s29], [sflag:$0x8] =	stream.indirect.gather [spmem:s3], $0x10, s22, s21, $0xb8;
	[tilespmem:$0x13800] =	vst v63  }
.LBB2_4:
0x60: {  	_ =	swait.ge [sflag:s30], $0x800  }
0x61: {  	s16 =	sshra.s32 s4, $0x2;
	[sflag:s30] =	ssyncset.done $0x0  }
0x62: {  	s22 =	sadd.s32 $0x2800, s16;
	[sflag:s30] =	ssyncadd.s32 $0xFFFFF800  }
0x63: {  	[spmem:s2] =	stream.indirect.scatter.add.f32 [tilespmem:s24], [sflag:$0x9], $0x10, s22, s21, $0xb8;
	[tilespmem:$0x13800] =	vst v63  }
0x64: {  	_ =	swait.ge [sflag:s1], $0x800  }
0x65: {  	[sflag:s1] =	ssyncset.done $0x0  }
0x66: {  	s24 =	sadd.s32 $0x2880, s16;
	[sflag:s1] =	ssyncadd.s32 $0xFFFFF800  }
0x67: {  	[spmem:s2] =	stream.indirect.scatter.add.f32 [tilespmem:s26], [sflag:$0xA], $0x10, s24, s21, $0xb8;
	[tilespmem:$0x13800] =	vst v63  }
0x68: {  	_ =	swait.ge [sflag:s17], $0x800  }
0x69: {  	[sflag:s17] =	ssyncset.done $0x0  }
0x6a: {  	s24 =	sadd.s32 $0x2900, s16;
	s26 =	simm.s32 $0x10800;
	[sflag:s17] =	ssyncadd.s32 $0xFFFFF800  }
0x6b: {  	[spmem:s2] =	stream.indirect.scatter.add.f32 [tilespmem:s26], [sflag:$0xB], $0x10, s24, s21, $0xb8;
	[tilespmem:$0x13800] =	vst v63  }
0x6c: {  	_ =	swait.ge [sflag:s25], $0x800  }
0x6d: {  	[sflag:s25] =	ssyncset.done $0x0  }
0x6e: {  	s26 =	sadd.s32 $0x2980, s16;
	[sflag:s25] =	ssyncadd.s32 $0xFFFFF800  }
0x6f: {  	[spmem:s2] =	stream.indirect.scatter.add.f32 [tilespmem:s31], [sflag:$0xC], $0x10, s26, s21, $0xb8;
	[tilespmem:$0x13800] =	vst v63  }
0x70: {  	_ =	swait.ge [sflag:s5], $0x800  }
0x71: {  	[sflag:s5] =	ssyncset.done $0x0  }
0x72: {  	s24 =	sadd.s32 $0x2A00, s16;
	[sflag:s5] =	ssyncadd.s32 $0xFFFFF800  }
0x73: {  	[spmem:s2] =	stream.indirect.scatter.add.f32 [tilespmem:s0], [sflag:$0xD], $0x10, s24, s21, $0xb8;
	[tilespmem:$0x13800] =	vst v63  }
0x74: {  	_ =	swait.ge [sflag:s8], $0x800  }
0x75: {  	[sflag:s8] =	ssyncset.done $0x0  }
0x76: {  	s26 =	sadd.s32 $0x2A80, s16;
	[sflag:s8] =	ssyncadd.s32 $0xFFFFF800  }
0x77: {  	[spmem:s2] =	stream.indirect.scatter.add.f32 [tilespmem:s23], [sflag:$0xE], $0x10, s26, s21, $0xb8;
	[tilespmem:$0x13800] =	vst v63  }
0x78: {  	_ =	swait.ge [sflag:s9], $0x800  }
0x79: {  	[sflag:s9] =	ssyncset.done $0x0  }
0x7a: {  	s24 =	sadd.s32 $0x2B00, s16;
	[sflag:s9] =	ssyncadd.s32 $0xFFFFF800  }
0x7b: {  	[spmem:s2] =	stream.indirect.scatter.add.f32 [tilespmem:s28], [sflag:$0xF], $0x10, s24, s21, $0xb8;
	[tilespmem:$0x13800] =	vst v63  }
0x7c: {  	_ =	swait.ge [sflag:s10], $0x800  }
0x7d: {  	[sflag:s10] =	ssyncset.done $0x0  }
0x7e: {  	p0 =	sge.u32 s7, s6;
	s16 =	sadd.s32 $0x2B80, s16;
	[sflag:s10] =	ssyncadd.s32 $0xFFFFF800  }
0x7f: {  	[spmem:s2] =	stream.indirect.scatter.add.f32 [tilespmem:s29], [sflag:$0x10], $0x10, s16, s21, $0xb8;
	[tilespmem:$0x13800] =	vst v63  }
0x80: {  	s22 =	simm.s32 @!p0 $0x80;
	_ =	swait.ge [sflag:s11], $0x800  }
0x81: {  	s26 =	sadd.s32 $0x1, s7;
	s16 =	sshra.s32 @!p0 s4, $0x2;
	[sflag:s11] =	ssyncset.done $0x0  }
0x82: {  	s24 =	simm.s32 @!p0 $0xF800;
	s16 =	sadd.s32 @!p0 $0xD000, s16;
	[sflag:s11] =	ssyncadd.s32 $0xFFFFF800  }
0x83: {  	[tilespmem:s24], [sflag:$0x1] =	stream.indirect.gather @!p0 [spmem:s3], $0x10, s16, s22, $0xb8;
	[tilespmem:$0x13800] =	vst v63  }
0x84: {  	p0 =	sge.u32 s26, s6;
	_ =	swait.ge [sflag:s12], $0x800  }
0x85: {  	s16 =	sshra.s32 @!p0 s4, $0x2;
	s22 =	simm.s32 @!p0 $0x80;
	[sflag:s12] =	ssyncset.done $0x0  }
0x86: {  	s24 =	simm.s32 @!p0 $0x10000;
	s16 =	sadd.s32 @!p0 $0xD080, s16;
	[sflag:s12] =	ssyncadd.s32 $0xFFFFF800  }
0x87: {  	[tilespmem:s24], [sflag:$0x2] =	stream.indirect.gather @!p0 [spmem:s3], $0x10, s16, s22, $0xb8;
	[tilespmem:$0x13800] =	vst v63  }
0x88: {  	s22 =	sadd.s32 $0x2, s7  }
0x89: {  	_ =	swait.ge [sflag:s13], $0x800;
	p0 =	sge.u32 s22, s6  }
0x8a: {  	[sflag:s13] =	ssyncset.done $0x0;
	s16 =	sshra.s32 @!p0 s4, $0x2;
	s22 =	simm.s32 @!p0 $0x80  }
0x8b: {  	s24 =	simm.s32 @!p0 $0x10800;
	[sflag:s13] =	ssyncadd.s32 $0xFFFFF800;
	s16 =	sadd.s32 @!p0 $0xD100, s16  }
0x8c: {  	[tilespmem:s24], [sflag:$0x3] =	stream.indirect.gather @!p0 [spmem:s3], $0x10, s16, s22, $0xb8;
	[tilespmem:$0x13800] =	vst v63  }
0x8d: {  	s24 =	sadd.s32 $0x3, s7  }
0x8e: {  	s26 =	sadd.s32 $0x4, s7;
	_ =	swait.ge [sflag:s18], $0x800;
	p0 =	sge.u32 s24, s6  }
0x8f: {  	[sflag:s18] =	ssyncset.done $0x0;
	s16 =	sshra.s32 @!p0 s4, $0x2;
	s22 =	simm.s32 @!p0 $0x80  }
0x90: {  	s24 =	simm.s32 @!p0 $0x11000;
	[sflag:s18] =	ssyncadd.s32 $0xFFFFF800;
	s16 =	sadd.s32 @!p0 $0xD180, s16  }
0x91: {  	[tilespmem:s24], [sflag:$0x4] =	stream.indirect.gather @!p0 [spmem:s3], $0x10, s16, s22, $0xb8;
	[tilespmem:$0x13800] =	vst v63  }
0x92: {  	p0 =	sge.u32 s26, s6;
	_ =	swait.ge [sflag:s14], $0x800  }
0x93: {  	s16 =	sshra.s32 @!p0 s4, $0x2;
	s22 =	simm.s32 @!p0 $0x80;
	[sflag:s14] =	ssyncset.done $0x0  }
0x94: {  	s24 =	simm.s32 @!p0 $0x11800;
	s16 =	sadd.s32 @!p0 $0xD200, s16;
	[sflag:s14] =	ssyncadd.s32 $0xFFFFF800  }
0x95: {  	[tilespmem:s24], [sflag:$0x5] =	stream.indirect.gather @!p0 [spmem:s3], $0x10, s16, s22, $0xb8;
	[tilespmem:$0x13800] =	vst v63  }
0x96: {  	s22 =	sadd.s32 $0x5, s7  }
0x97: {  	_ =	swait.ge [sflag:s19], $0x800;
	p0 =	sge.u32 s22, s6  }
0x98: {  	[sflag:s19] =	ssyncset.done $0x0;
	s16 =	sshra.s32 @!p0 s4, $0x2;
	s22 =	simm.s32 @!p0 $0x80  }
0x99: {  	s24 =	simm.s32 @!p0 $0x12000;
	[sflag:s19] =	ssyncadd.s32 $0xFFFFF800;
	s16 =	sadd.s32 @!p0 $0xD280, s16  }
0x9a: {  	[tilespmem:s24], [sflag:$0x6] =	stream.indirect.gather @!p0 [spmem:s3], $0x10, s16, s22, $0xb8;
	[tilespmem:$0x13800] =	vst v63  }
0x9b: {  	s24 =	sadd.s32 $0x6, s7  }
0x9c: {  	s26 =	sadd.s32 $0x7, s7;
	_ =	swait.ge [sflag:s20], $0x800;
	p0 =	sge.u32 s24, s6  }
0x9d: {  	[sflag:s20] =	ssyncset.done $0x0;
	s16 =	sshra.s32 @!p0 s4, $0x2;
	s22 =	simm.s32 @!p0 $0x80  }
0x9e: {  	s24 =	simm.s32 @!p0 $0x12800;
	[sflag:s20] =	ssyncadd.s32 $0xFFFFF800;
	s16 =	sadd.s32 @!p0 $0xD300, s16  }
0x9f: {  	[tilespmem:s24], [sflag:$0x7] =	stream.indirect.gather @!p0 [spmem:s3], $0x10, s16, s22, $0xb8;
	[tilespmem:$0x13800] =	vst v63  }
0xa0: {  	p0 =	sge.u32 s26, s6  }
0xa1: {  	_ =	swait.ge [sflag:s15], $0x800;
	s16 =	sshra.s32 @!p0 s4, $0x2;
	s22 =	simm.s32 @!p0 $0x80  }
0xa2: {  	s24 =	simm.s32 @!p0 $0x13000;
	s4 =	sadd.s32 $0x1000, s4;
	[sflag:s15] =	ssyncset.done $0x0  }
0xa3: {  	s16 =	sadd.s32 @!p0 $0xD380, s16;
	s26 =	rddreg [dreg:$0x5];
	[sflag:s15] =	ssyncadd.s32 $0xFFFFF800  }
0xa4: {  	[tilespmem:s24], [sflag:$0x8] =	stream.indirect.gather @!p0 [spmem:s3], $0x10, s16, s22, $0xb8;
	[tilespmem:$0x13800] =	vst v63  }
0xa5: {  	p0 =	sne.s32 s26, s4  }
.Ltmp1:
0xa6: {  	_ = 	snop;
	(pc) =	sbr.rel @p0 .LBB2_4-.Ltmp1, $2  }
0xa7: {  	_ =	sdelay $0x2  }
0xa8: {  	s7 =	sadd.s32 $0x8, s7;
	s26 =	simm.s32 $0x10000;
	s24 =	simm.s32 $0xF800  }
0xa9: {  	[bflag:$0x0] =	sbarrier.arrive $0xFFFF  }
0xaa: {  	s7 =	simm.s32 $0x5400;
	s24 =	simm.s32 $0x11;
	s4 =	rddreg [dreg:$0x7]  }
0xab: {  	[tilespmem:s7], [sflag:$0x11] =	stream.linear.gather [spmem:s4], $0x2800, $0x38;
	[tilespmem:$0x13800] =	vst v63  }
0xac: {  	_ =	swait.ge [sflag:s24], $0x2800  }
0xad: {  	[sflag:s24] =	ssyncset.done $0x0  }
0xae: {  	s4 =	simm.s32 $0x0;
	[sflag:s24] =	ssyncadd.s32 $0xFFFFD800  }
0xaf: {  	v3 =	vld [tilespmem:s4+$0x5470]  }
0xb0: {  	v4 =	vld [tilespmem:s4+$0x5400]  }
0xb1: {  	v5 =	vld [tilespmem:s4+$0x5410]  }
0xb2: {  	v2 =	vld [tilespmem:s4+$0x5420]  }
0xb3: {  	v0 =	vld [tilespmem:s4+$0x5430]  }
0xb4: {  	v1 =	vld [tilespmem:s4+$0x5440];
	[tilespmem:s4+$0x7C70] =	vst v3  }
0xb5: {  	[tilespmem:s4+$0x7C00] =	vst v4;
	v3 =	vld [tilespmem:s4+$0x5450]  }
0xb6: {  	s16 =	simm.s32 $0x400;
	s7 =	simm.s32 $0x80;
	[tilespmem:s4+$0x7C10] =	vst v5;
	v4 =	vld [tilespmem:s4+$0x5460]  }
.LBB2_6:
0xb7: {  	p0 =	sne.s32 s16, $0x9E00;
	v5 =	vld [tilespmem:s7+$0x5470];
	[tilespmem:s4+$0x7C20] =	vst v2  }
0xb8: {  	v6 =	vld [tilespmem:s7+$0x5400];
	[tilespmem:s4+$0x7C30] =	vst v0  }
0xb9: {  	v7 =	vld [tilespmem:s7+$0x5410];
	[tilespmem:s4+$0x7C40] =	vst v1  }
.Ltmp2:
0xba: {  	v2 =	vld [tilespmem:s7+$0x5420];
	[tilespmem:s4+$0x7C50] =	vst v3;
	(pc) =	sbr.rel @p0 .LBB2_6-.Ltmp2, $4  }
0xbb: {  	v0 =	vld [tilespmem:s7+$0x5430];
	[tilespmem:s4+$0x7C60] =	vst v4;
	s4 =	smov.u32 s7  }
0xbc: {  	v1 =	vld [tilespmem:s4+$0x5440];
	[tilespmem:s4+$0x7C70] =	vst v5  }
0xbd: {  	[tilespmem:s4+$0x7C00] =	vst v6;
	v3 =	vld [tilespmem:s4+$0x5450]  }
0xbe: {  	s7 =	sshra.s32 s16, $0x2;
	s16 =	sadd.s32 $0x200, s16;
	[tilespmem:s4+$0x7C10] =	vst v7;
	v4 =	vld [tilespmem:s4+$0x5460]  }
0xbf: {  	v5 =	vld [tilespmem:s7+$0x5470];
	[tilespmem:s4+$0x7C20] =	vst v2  }
0xc0: {  	v2 =	vld [tilespmem:s7+$0x5400];
	[tilespmem:s4+$0x7C30] =	vst v0  }
0xc1: {  	v0 =	vld [tilespmem:s7+$0x5410];
	[tilespmem:s4+$0x7C40] =	vst v1  }
0xc2: {  	v1 =	vld [tilespmem:s7+$0x5420];
	[tilespmem:s4+$0x7C50] =	vst v3  }
0xc3: {  	v3 =	vld [tilespmem:s7+$0x5430];
	[tilespmem:s4+$0x7C60] =	vst v4  }
0xc4: {  	v4 =	vld [tilespmem:s7+$0x5440];
	[tilespmem:s7+$0x7C70] =	vst v5  }
0xc5: {  	v62 =	vld [tilespmem:s7+$0x5450];
	[tilespmem:s7+$0x7C00] =	vst v2  }
0xc6: {  	v63 =	vld [tilespmem:s7+$0x5460];
	[tilespmem:s7+$0x7C10] =	vst v0  }
0xc7: {  	[tilespmem:s7+$0x7C20] =	vst v1  }
0xc8: {  	[tilespmem:s7+$0x7C30] =	vst v3  }
0xc9: {  	[tilespmem:s7+$0x7C40] =	vst v4  }
0xca: {  	[tilespmem:s7+$0x7C50] =	vst v62  }
0xcb: {  	s16 =	simm.s32 $0x0;
	s22 =	simm.s32 $0x7C00;
	[tilespmem:s7+$0x7C60] =	vst v63;
	s7 =	rddreg [dreg:$0xe]  }
0xcc: {  	[hbm4b:s7+s16] =	stream.linear.scatter [tilespmem:s22], [sflag:$0x11], $0x2800, $0x38;
	[tilespmem:$0x13800] =	vst v63  }
0xcd: {  	_ =	swait.ge [sflag:s24], $0x2800  }
0xce: {  	s0 =	rddreg [dreg:$0x10]  }
0xcf: {  	s26 =	rddreg [dreg:$0xd];
	s0 =	sadd.s32 $0x1, s0  }
0xd0: {  	p0 =	sne.s32 s0, s26  }
.Ltmp3:
0xd1: {  	_ = 	snop;
	(pc) =	sbr.rel @p0 .LBB2_1-.Ltmp3, $3  }
0xd2: {  	_ =	sdelay $0x1  }
0xd3: {  	[sflag:s24] =	ssyncset.done $0x0  }
0xd4: {  	[sflag:s24] =	ssyncadd.s32 $0xFFFFD800;
	s26 =	simm.s32 $0xCC00  }
0xd5: {  	_ =	sfence.sel $0x180000  }
0xd6: {  	[bflag:$0x0] =	sbarrier.arrive $0xFFFF  }
0xd7: {  	_ =	strace $0x9000004A  }
0xd8: {  	s0 =	stileid.u32;
	[bflag:$0x2] =	sbarrier.arrive $0xFFFF  }
0xd9: {  	p0 =	sne.s32 s0, $0x0;
	s0 =	rddreg [dreg:$0x4]  }
0xda: {  	s0 =	sadd.s32 @!p0 $0x100000, s0  }
0xdb: {  	[sflag:s0] =	ssyncadd.tile.s32 @!p0 $0x1;
	_ =	shalt  }
.Lfunc_end2:
_tile_overlayer_lowered:
.L_overlay_start_2:
0xdc: {  	(tag) =	ssettag $0x2  }
0xdd: {  	s0 =	rddreg [dreg:$0x0];
	s2 =	stileid.u32  }
0xde: {  	s1 =	rddreg [dreg:$0x1];
	p0 =	sne.s32 s2, $0x0  }
0xdf: {  	s3 =	rddreg [dreg:$0x2];
	[bflag:$0x3] =	sbarrier.arrive $0xFFFF;
	s2 =	simm.s32 @!p0 $0x1C11  }
0xe0: {  	[timem:s3], [sflag:s2] =	dma.local @!p0 [hbm:s0], s1  }
0xe1: {  	s0 =	simm.s32 @!p0 $0x11  }
0xe2: {  	_ =	swait.ge @!p0 [sflag:s0], s1  }
0xe3: {  	s1 =	ssub.s32 @!p0 $0x0, s1;
	[sflag:s0] =	ssyncset.done @!p0 $0x0  }
0xe4: {  	[sflag:s0] =	ssyncadd.s32 @!p0 s1  }
0xe5: {  	[bflag:$0x3] =	sbarrier.arrive $0xFFFF  }
0xe6: {  	_ =	shalt  }

// kernel: kernel.16.cloned.1.call-start
scs
__scs_entry_jumppad:
0x0: {  	(pc) =	sbr.rel $0x88, $3  }
0x1: {  	(tag) =	ssettag $0x0;
	lr =	simm.s32 $0x1  }
0x2: {  	[smem:$0x3F9B] =	sst lr;
	_ =	strace $0xD0000000  }
0x3: {  	_ = 	snop  }
0x4: {  	_ = 	snop  }
0x5: {  	_ = 	snop  }
0x6: {  	_ = 	snop  }
0x7: {  	_ = 	snop  }
__scs_overlays_trampoline_lowered:
0x8: {  	[smem:$0x3FAA] =	sst s0  }
0x9: {  	[smem:$0x3FAB] =	sst s1  }
0xa: {  	[smem:$0x3FAC] =	sst s2  }
0xb: {  	[smem:$0x3FAD] =	sst s3  }
0xc: {  	[smem:$0x3FAE] =	sst s4  }
0xd: {  	[smem:$0x3FAF] =	sst s5  }
0xe: {  	[smem:$0x3FB0] =	sst s6  }
0xf: {  	[smem:$0x3FB1] =	sst s7  }
0x10: {  	[smem:$0x3FB2] =	sst s8  }
0x11: {  	[smem:$0x3FB3] =	sst s9;
	s0 =	simm.s32 @!p0 $0x0  }
0x12: {  	s1 =	sld [smem:$0x3F99];
	s0 =	simm.s32 @p0 $0x1  }
0x13: {  	[smem:$0x3FB4] =	sst s0;
	s0 =	simm.s32 @!p1 $0x0  }
0x14: {  	s2 =	sld [smem:$0x3F98];
	s0 =	simm.s32 @p1 $0x1  }
0x15: {  	[smem:$0x3FB5] =	sst s0;
	s0 =	simm.s32 @!p2 $0x0  }
0x16: {  	s3 =	sld [smem:$0x3FDB];
	s0 =	simm.s32 @p2 $0x1  }
0x17: {  	s4 =	simm.s32 $0x1BF5;
	[smem:$0x3FB7] =	sst s0  }
0x18: {  	s0 =	sld [smem:$0x3F9A];
	_ =	swait.ge [sflag:s4], $0x0  }
0x19: {  	s7 =	sld [smem:$0x3F9B]  }
0x1a: {  	s8 =	sadd.s32 $0xFFFFE003, lr  }
0x1b: {  	s9 =	sadd.s32 $0xFFFFFEF7, lr;
	s5 =	simm.s32 $0xFFFFFFFF;
	p2 =	slt.u32 s8, $0xFFFFF086  }
0x1c: {  	p1 =	slt.u32 s9, $0xF7A;
	s5 =	simm.s32 @!p2 $0x0  }
0x1d: {  	s5 =	simm.s32 @p1 $0x1;
	p0 =	seq.s32 s7, s2  }
0x1e: {  	s7 =	smul.u32 @!p0 $0xF7A, s2;
	p2 =	seq.s32 @!p0 s5, $0x0  }
0x1f: {  	s9 =	smul.u32 $0xF7A, s1;
	s8 =	simm.s32 @!p0 $0x1BF5;
	p2 =	por !p2, p0  }
0x20: {  	[sflag:s8] =	ssyncset.s32 @!p0 $0xFFFFF086;
	s6 =	sadd.s32 @!p0 s3, s7;
	s7 =	simm.s32 @!p0 $0x108  }
0x21: {  	s3 =	sadd.s32 s3, s9;
	s6 =	sadd.s32 @!p0 $0x88, s6;
	s7 =	simm.s32 @p2 $0x1082  }
0x22: {  	[simem:s7], [sflag:s8] =	dma.local @!p0 [hbm:s6], $0xF7A  }
0x23: {  	s9 =	sor.u32 $0xD0000000, s2;
	s6 =	simm.s32 $0x108;
	_ =	swait.ge @!p0 [sflag:s8], $0x0  }
0x24: {  	s3 =	sadd.s32 $0x88, s3;
	s6 =	simm.s32 @!p1 $0x1082;
	[sflag:s4] =	ssyncset.s32 $0xFFFFF086  }
0x25: {  	[simem:s6], [sflag:s4] =	dma.local [hbm:s3], $0xF7A  }
0x26: {  	[smem:$0x3F9B] =	sst s1;
	(tag) =	ssettag s2;
	_ =	strace s9  }
0x27: {  	s1 =	sld [smem:$0x3FAB]  }
0x28: {  	s2 =	sld [smem:$0x3FAC]  }
0x29: {  	s4 =	sld [smem:$0x3FAE]  }
0x2a: {  	p0 =	seq.s32 s5, $0x0;
	s5 =	sld [smem:$0x3FAF]  }
0x2b: {  	s6 =	sld [smem:$0x3FB0]  }
0x2c: {  	s7 =	sld [smem:$0x3FB1]  }
0x2d: {  	s3 =	simm.s32 $0x108;
	s8 =	sld [smem:$0x3FB2]  }
0x2e: {  	s3 =	simm.s32 @!p0 $0x1082;
	s9 =	sld [smem:$0x3FB3]  }
0x2f: {  	lr =	sadd.s32 s0, s3;
	s0 =	sld [smem:$0x3FAA]  }
0x30: {  	s3 =	sld [smem:$0x3FAD]  }
0x31: {  	[smem:$0x3FB6] =	sst s10  }
0x32: {  	s10 =	sld [smem:$0x3FB4];
	_ =	sdelay $0x3  }
0x33: {  	p0 =	seq.s32 s10, $0x1;
	s10 =	sld [smem:$0x3FB6];
	_ =	sdelay $0x3  }
0x34: {  	[smem:$0x3FB6] =	sst s10  }
0x35: {  	s10 =	sld [smem:$0x3FB5];
	_ =	sdelay $0x3  }
0x36: {  	p1 =	seq.s32 s10, $0x1;
	s10 =	sld [smem:$0x3FB6];
	_ =	sdelay $0x3  }
0x37: {  	[smem:$0x3FB6] =	sst s10  }
0x38: {  	s10 =	sld [smem:$0x3FB7]  }
0x39: {  	_ = 	snop;
	(pc) =	sbr.ind lr, $3  }
0x3a: {  	_ = 	snop  }
0x3b: {  	_ = 	snop  }
0x3c: {  	p2 =	seq.s32 s10, $0x1;
	s10 =	sld [smem:$0x3FB6]  }
0x3d: {  	_ =	shalt  }
0x3e: {  	_ =	shalt  }
0x3f: {  	_ =	shalt  }
0x40: {  	_ =	shalt  }
0x41: {  	_ =	shalt  }
0x42: {  	_ =	shalt  }
0x43: {  	_ =	shalt  }
0x44: {  	_ =	shalt  }
0x45: {  	_ =	shalt  }
0x46: {  	_ =	shalt  }
0x47: {  	_ =	shalt  }
0x48: {  	_ =	shalt  }
0x49: {  	_ =	shalt  }
0x4a: {  	_ =	shalt  }
0x4b: {  	_ =	shalt  }
0x4c: {  	_ =	shalt  }
0x4d: {  	_ =	shalt  }
0x4e: {  	_ =	shalt  }
0x4f: {  	_ =	shalt  }
0x50: {  	_ =	shalt  }
0x51: {  	_ =	shalt  }
0x52: {  	_ =	shalt  }
0x53: {  	_ =	shalt  }
0x54: {  	_ =	shalt  }
0x55: {  	_ =	shalt  }
0x56: {  	_ =	shalt  }
0x57: {  	_ =	shalt  }
0x58: {  	_ =	shalt  }
0x59: {  	_ =	shalt  }
0x5a: {  	_ =	shalt  }
0x5b: {  	_ =	shalt  }
0x5c: {  	_ =	shalt  }
0x5d: {  	_ =	shalt  }
0x5e: {  	_ =	shalt  }
0x5f: {  	_ =	shalt  }
0x60: {  	_ =	shalt  }
0x61: {  	_ =	shalt  }
0x62: {  	_ =	shalt  }
0x63: {  	_ =	shalt  }
0x64: {  	_ =	shalt  }
0x65: {  	_ =	shalt  }
0x66: {  	_ =	shalt  }
0x67: {  	_ =	shalt  }
0x68: {  	_ =	shalt  }
0x69: {  	_ =	shalt  }
0x6a: {  	_ =	shalt  }
0x6b: {  	_ =	shalt  }
0x6c: {  	_ =	shalt  }
0x6d: {  	_ =	shalt  }
0x6e: {  	_ =	shalt  }
0x6f: {  	_ =	shalt  }
0x70: {  	_ =	shalt  }
0x71: {  	_ =	shalt  }
0x72: {  	_ =	shalt  }
0x73: {  	_ =	shalt  }
0x74: {  	_ =	shalt  }
0x75: {  	_ =	shalt  }
0x76: {  	_ =	shalt  }
0x77: {  	_ =	shalt  }
0x78: {  	_ =	shalt  }
0x79: {  	_ =	shalt  }
0x7a: {  	_ =	shalt  }
0x7b: {  	_ =	shalt  }
0x7c: {  	_ =	shalt  }
0x7d: {  	_ =	shalt  }
0x7e: {  	_ =	shalt  }
0x7f: {  	_ =	shalt  }
0x80: {  	_ =	shalt  }
0x81: {  	_ =	shalt  }
0x82: {  	_ =	shalt  }
0x83: {  	_ =	shalt  }
0x84: {  	_ =	shalt  }
0x85: {  	_ =	shalt  }
0x86: {  	_ =	shalt  }
0x87: {  	_ =	shalt  }
.Lfunc_end0:
.L_simem_size_0:
called_computation.2_lowered:
.L_overlay_start_0:
0x88: {  	s2 =	sld [smem:$0x3FD9]  }
0x89: {  	s3 =	sld [smem:$0x3FFE];
	_ =	sdelay $0x1  }
0x8a: {  	s1 =	srdreg.scid  }
0x8b: {  	s0 =	sand.u32 $0x1, s1  }
0x8c: {  	s17 =	sshll.u32 s0, $0xA;
	s2 =	sadd.s32 s3, s2  }
0x8d: {  	s2 =	sadd.s32 s2, s17  }
0x8e: {  	[smem:$0x3FC2] =	sst s2  }
0x8f: {  	_ = 	snop  }
0x90: {  	s2 =	sld [smem:$0x3FD0];
	(tm) =	ssettm $0x1  }
0x91: {  	s18 =	sld [smem:$0x3FFB];
	_ =	sdelay $0x3  }
0x92: {  	_ =	strace s18  }
0x93: {  	s3 =	sld [smem:$0x3FFC];
	_ =	sdelay $0x3  }
0x94: {  	_ =	strace s3  }
0x95: {  	s3 =	sld [smem:$0x3FFD];
	_ =	sdelay $0x3  }
0x96: {  	_ =	strace s3  }
0x97: {  	_ =	strace $0x8FFFFFFF  }
0x98: {  	s19 =	sld [smem:$0x3FDB];
	_ =	sdelay $0x1  }
0x99: {  	s4 =	simm.s32 $_scs_section_size  }
0x9a: {  	s5 =	simm.s32 $_size__tile_overlayer_lowered;
	s6 =	simm.s32 $_tile_overlayer_lowered  }
0x9b: {  	s22 =	simm.s32 $0x1BFF;
	s21 =	sshll.u32 s6, $0x1;
	s3 =	sadd.s32 s4, s19  }
0x9c: {  	s7 =	simm.s32 $0x0;
	s20 =	sshll.u32 s5, $0x1;
	s5 =	sadd.s32 s21, s3  }
0x9d: {  	[timem:s7], [sflag:s22] =	dma.local [hbm:s5], s20  }
0x9e: {  	_ =	swait.ge [sflag:s22], s20  }
0x9f: {  	s4 =	ssub.s32 $0x0, s20;
	[sflag:s22] =	ssyncset.done $0x0  }
0xa0: {  	[sflag:s22] =	ssyncadd.s32 s4;
	_ =	sdelay $0x1  }
0xa1: {  	s23 =	simm.s32 $0x1B8B  }
0xa2: {  	_ =	swait.ge [sflag:s23], $0x1  }
0xa3: {  	[sflag:s23] =	ssyncset.done $0x0  }
0xa4: {  	s25 =	simm.s32 $0x1B8E;
	s24 =	sld [smem:$0x3FFE];
	[sflag:s23] =	ssyncadd.s32 $0xFFFFFFFF  }
0xa5: {  	s26 =	simm.s32 $execute0_lowered;
	[smem:$0x3FD2] =	sst s25  }
0xa6: {  	s5 =	sshll.u32 s26, $0x1;
	_ =	strace $0x8000004C;
	[dreg:$0x1] =	wrdreg $0xFFFFFFFF  }
0xa7: {  	s28 =	simm.s32 $_size_execute0_lowered;
	s3 =	sadd.s32 s3, s5;
	[dreg:$0x0] =	wrdreg $0x0  }
0xa8: {  	s5 =	sshll.u32 s28, $0x1;
	[dreg:$0x2] =	wrdreg s3  }
0xa9: {  	[dreg:$0x3] =	wrdreg s5  }
0xaa: {  	[dreg:$0x4] =	wrdreg $0xC0  }
0xab: {  	_ =	task [dreg:s7], $0x5FFFF  }
0xac: {  	[dreg:$0x1] =	wrdreg $0xFFFFFFFF  }
0xad: {  	[dreg:$0x0] =	wrdreg $0x60  }
0xae: {  	[dreg:$0x2] =	wrdreg s24  }
0xaf: {  	[dreg:$0x3] =	wrdreg s2  }
0xb0: {  	[dreg:$0x4] =	wrdreg $0x0  }
0xb1: {  	[dreg:$0x5] =	wrdreg $0xA4000  }
0xb2: {  	[dreg:$0x6] =	wrdreg $0x9  }
0xb3: {  	_ =	task.clear_ibuf [dreg:s7], $0x7FFFF;
	_ =	strace $0x9000004C  }
0xb4: {  	s29 =	simm.s32 $0x9;
	_ =	strace $0x8000004E  }
0xb5: {  	_ =	swait.ge [sflag:s29], $0x1  }
0xb6: {  	[sflag:s29] =	ssyncadd.s32 $0xFFFFFFFF  }
0xb7: {  	_ =	strace $0x9000004E  }
0xb8: {  	_ =	sfence  }
0xb9: {  	s30 =	sld [smem:$0x0];
	_ =	sdelay $0x2  }
0xba: {  	s31 =	sshll.u32 s1, $0xD;
	s1 =	sshrl.u32 s1, $0x2  }
0xbb: {  	s3 =	sand.u32 $0x4000, s31;
	s1 =	sadd.s32 s1, s30  }
0xbc: {  	s0 =	sor.u32 s3, s0;
	s1 =	sshll.u32 s1, $0x11  }
0xbd: {  	s0 =	sor.u32 s1, s0  }
0xbe: {  	s0 =	sadd.s32 $0x8F2B, s0  }
0xbf: {  	[sflag:s0] =	ssyncadd.remote.s32 $0x1  }
0xc0: {  	_ =	sfence.sel $0xFFFF  }
0xc1: {  	[dreg:$0x0] =	wrdreg $0xFFFFFFFF;
	(pc) =	sbr.abs _section_cstart, $3  }
0xc2: {  	[dreg:$0x1] =	wrdreg $0xFFFFFFFF  }
0xc3: {  	_ =	task.clear_ibuf [dreg:s7], $0x2FFFF;
	_ =	strace $0x9FFFFFFF  }
0xc4: {  	(tm) =	ssettm $0x7FFFFFFF  }
0xc5: {  	_ =	shalt  }
tec
execute0_lowered:
.L_overlay_start_1:
0x0: {  	(tag) =	ssettag $0x1  }
0x1: {  	s0 =	rddreg [dreg:$0x0]  }
0x2: {  	s1 =	rddreg [dreg:$0x1];
	s10 =	stileid.u32  }
0x3: {  	s3 =	srdreg.scid;
	s2 =	rddreg [dreg:$0x2]  }
0x4: {  	s16 =	simm.s32 $0x0;
	s30 =	simm.s32 $0x1;
	s17 =	simm.s32 $0x3  }
0x5: {  	s12 =	simm.s32 $0xA;
	s13 =	simm.s32 $0xB;
	s18 =	simm.s32 $0xC  }
0x6: {  	s14 =	simm.s32 $0xD;
	s19 =	simm.s32 $0xE;
	s15 =	simm.s32 $0x10  }
0x7: {  	s31 =	simm.s32 $0x11000;
	s28 =	simm.s32 $0x12800;
	s29 =	simm.s32 $0x13000  }
0x8: {  	s4 =	smul.u32 $0x48, s10;
	s5 =	sand.u32 $0x1, s3;
	s3 =	rddreg [dreg:$0x3]  }
0x9: {  	s6 =	smul.u32 $0x58, s10;
	[smem:$0x7FF] =	sst s16;
	s20 =	sadd.s32 $0xD600, s0  }
0xa: {  	s7 =	sadd.s32 $0xDC00, s0;
	s8 =	smul.u32 $0x2800, s10;
	s9 =	sshll.u32 s10, $0x6  }
0xb: {  	s10 =	smul.u32 $0x500, s10;
	p0 =	seq.s32 s5, $0x0;
	_ =	strace $0x8000004D  }
0xc: {  	s5 =	ssub.s32 $0x2, s5;
	[dreg:$0x6] =	wrdreg s20;
	s9 =	sor.u32 $0x1C11, s9  }
0xd: {  	s20 =	simm.s32 $0xF;
	s4 =	sadd.s32 $0x580, s4;
	s21 =	sshrl.u32 s5, $0x1  }
0xe: {  	s11 =	sadd.s32 s8, s2;
	[dreg:$0x8] =	wrdreg s9;
	s1 =	sadd.s32 s1, s10  }
0xf: {  	s23 =	sadd.s32 s8, s3;
	s8 =	simm.s32 $0x6;
	[dreg:$0xb] =	wrdreg s1  }
0x10: {  	s9 =	simm.s32 $0x7;
	s4 =	smov.u32 @p0 s6;
	[dreg:$0xc] =	wrdreg s23  }
0x11: {  	s5 =	ssub.s32 s5, s21;
	s6 =	simm.s32 $0x58;
	[dreg:$0x7] =	wrdreg s11  }
0x12: {  	s26 =	sshrl.u32 s11, $0x3;
	s21 =	simm.s32 $0x80;
	s1 =	simm.s32 $0x2  }
0x13: {  	s11 =	simm.s32 $0x9;
	s23 =	simm.s32 $0x12000;
	s4 =	sshll.u32 s4, $0x4  }
0x14: {  	s6 =	simm.s32 @!p0 $0x48;
	s25 =	smax.u32 s5, $0x1;
	[dreg:$0xf] =	wrdreg s26  }
0x15: {  	s26 =	simm.s32 $0xCC00;
	s5 =	simm.s32 $0x5;
	s4 =	sadd.s32 s4, s0  }
0x16: {  	s0 =	sadd.s32 $0x1D400, s0;
	s24 =	sshll.u32 s6, $0x9;
	[dreg:$0xd] =	wrdreg s25  }
0x17: {  	s25 =	simm.s32 $0x4;
	s22 =	sadd.s32 $0x3000, s4;
	[dreg:$0x5] =	wrdreg s24  }
0x18: {  	s4 =	sadd.s32 $0x12E00, s4;
	s0 =	smov.u32 @p0 s7;
	[dreg:$0x9] =	wrdreg s22  }
0x19: {  	s24 =	simm.s32 $0x11;
	[dreg:$0xa] =	wrdreg s4;
	s0 =	sadd.s32 s0, s10  }
0x1a: {  	s10 =	simm.s32 $0x8;
	[dreg:$0xe] =	wrdreg s0;
	s0 =	simm.s32 $0x0  }
.LBB2_1:
0x1b: {  	[dreg:$0x10] =	wrdreg s0  }
0x1c: {  	s4 =	rddreg [dreg:$0x6]  }
0x1d: {  	s7 =	rddreg [dreg:$0x8]  }
0x1e: {  	s22 =	rddreg [dreg:$0xf]  }
0x1f: {  	[spmem:s22], [sflag:s7] =	dma.local [hbm:s4], $0x500  }
0x20: {  	_ =	swait.ge [sflag:s24], $0x500  }
0x21: {  	[sflag:s24] =	ssyncset.done $0x0  }
0x22: {  	s22 =	simm.s32 $0x2800;
	s7 =	rddreg [dreg:$0x9];
	[sflag:s24] =	ssyncadd.s32 $0xFFFFFB00  }
0x23: {  	[tilespmem:s22], [sflag:$0x11] =	stream.linear.gather [hbm4b:s7+s16], $0x2C00, $0x38;
	[tilespmem:$0x13800] =	vst v63  }
0x24: {  	_ =	swait.ge [sflag:s24], $0x2C00  }
0x25: {  	[sflag:s24] =	ssyncset.done $0x0  }
0x26: {  	s7 =	rddreg [dreg:$0xa];
	[sflag:s24] =	ssyncadd.s32 $0xFFFFD400  }
0x27: {  	[tilespmem:s26], [sflag:$0x11] =	stream.linear.gather [hbm4b:s7+s16], $0x2C00, $0x38;
	[tilespmem:$0x13800] =	vst v63  }
0x28: {  	_ =	swait.ge [sflag:s24], $0x2C00  }
0x29: {  	[sflag:s24] =	ssyncset.done $0x0  }
0x2a: {  	s0 =	simm.s32 $0x7C00;
	s22 =	rddreg [dreg:$0xb];
	[sflag:s24] =	ssyncadd.s32 $0xFFFFD400  }
0x2b: {  	[tilespmem:s0], [sflag:$0x11] =	stream.linear.gather [hbm4b:s22+s16], $0x2800, $0x38;
	[tilespmem:$0x13800] =	vst v63  }
0x2c: {  	_ =	swait.ge [sflag:s24], $0x2800  }
0x2d: {  	[sflag:s24] =	ssyncset.done $0x0  }
0x2e: {  	s4 =	simm.s32 $0x0;
	[sflag:s24] =	ssyncadd.s32 $0xFFFFD800  }
0x2f: {  	v3 =	vld [tilespmem:s4+$0x7C70]  }
0x30: {  	v4 =	vld [tilespmem:s4+$0x7C00]  }
0x31: {  	v5 =	vld [tilespmem:s4+$0x7C10]  }
0x32: {  	v2 =	vld [tilespmem:s4+$0x7C20]  }
0x33: {  	v0 =	vld [tilespmem:s4+$0x7C30]  }
0x34: {  	v1 =	vld [tilespmem:s4+$0x7C40];
	[tilespmem:s4+$0x5470] =	vst v3  }
0x35: {  	[tilespmem:s4+$0x5400] =	vst v4;
	v3 =	vld [tilespmem:s4+$0x7C50]  }
0x36: {  	s7 =	simm.s32 $0x80;
	s16 =	simm.s32 $0x400;
	[tilespmem:s4+$0x5410] =	vst v5;
	v4 =	vld [tilespmem:s4+$0x7C60]  }
.LBB2_2:
0x37: {  	p0 =	sne.s32 s16, $0x9E00;
	v5 =	vld [tilespmem:s7+$0x7C70];
	[tilespmem:s4+$0x5420] =	vst v2  }
0x38: {  	v6 =	vld [tilespmem:s7+$0x7C00];
	[tilespmem:s4+$0x5430] =	vst v0  }
0x39: {  	v7 =	vld [tilespmem:s7+$0x7C10];
	[tilespmem:s4+$0x5440] =	vst v1  }
.Ltmp0:
0x3a: {  	v2 =	vld [tilespmem:s7+$0x7C20];
	[tilespmem:s4+$0x5450] =	vst v3;
	(pc) =	sbr.rel @p0 .LBB2_2-.Ltmp0, $4  }
0x3b: {  	v0 =	vld [tilespmem:s7+$0x7C30];
	[tilespmem:s4+$0x5460] =	vst v4;
	s4 =	smov.u32 s7  }
0x3c: {  	v1 =	vld [tilespmem:s4+$0x7C40];
	[tilespmem:s4+$0x5470] =	vst v5  }
0x3d: {  	[tilespmem:s4+$0x5400] =	vst v6;
	v3 =	vld [tilespmem:s4+$0x7C50]  }
0x3e: {  	s7 =	sshra.s32 s16, $0x2;
	s16 =	sadd.s32 $0x200, s16;
	[tilespmem:s4+$0x5410] =	vst v7;
	v4 =	vld [tilespmem:s4+$0x7C60]  }
0x3f: {  	v5 =	vld [tilespmem:s7+$0x7C70];
	[tilespmem:s4+$0x5420] =	vst v2  }
0x40: {  	v2 =	vld [tilespmem:s7+$0x7C00];
	[tilespmem:s4+$0x5430] =	vst v0  }
0x41: {  	v0 =	vld [tilespmem:s7+$0x7C10];
	[tilespmem:s4+$0x5440] =	vst v1  }
0x42: {  	v1 =	vld [tilespmem:s7+$0x7C20];
	[tilespmem:s4+$0x5450] =	vst v3  }
0x43: {  	v3 =	vld [tilespmem:s7+$0x7C30];
	[tilespmem:s4+$0x5460] =	vst v4  }
0x44: {  	v4 =	vld [tilespmem:s7+$0x7C40];
	[tilespmem:s7+$0x5470] =	vst v5  }
0x45: {  	v62 =	vld [tilespmem:s7+$0x7C50];
	[tilespmem:s7+$0x5400] =	vst v2  }
0x46: {  	v63 =	vld [tilespmem:s7+$0x7C60];
	[tilespmem:s7+$0x5410] =	vst v0  }
0x47: {  	[tilespmem:s7+$0x5420] =	vst v1  }
0x48: {  	[tilespmem:s7+$0x5430] =	vst v3  }
0x49: {  	[tilespmem:s7+$0x5440] =	vst v4  }
0x4a: {  	[tilespmem:s7+$0x5450] =	vst v62  }
0x4b: {  	s16 =	rddreg [dreg:$0xc];
	s22 =	simm.s32 $0x5400;
	[tilespmem:s7+$0x5460] =	vst v63  }
0x4c: {  	[spmem:s16] =	stream.linear.scatter [tilespmem:s22], [sflag:$0x11], $0x2800, $0x38;
	[tilespmem:$0x13800] =	vst v63  }
0x4d: {  	_ =	swait.ge [sflag:s24], $0x2800  }
0x4e: {  	[sflag:s24] =	ssyncset.done $0x0  }
0x4f: {  	[sflag:s24] =	ssyncadd.s32 $0xFFFFD800  }
0x50: {  	s24 =	simm.s32 $0xF800;
	[bflag:$0x0] =	sbarrier.arrive $0xFFFF  }
0x51: {  	[tilespmem:s24], [sflag:$0x1] =	stream.indirect.gather [spmem:s3], $0x10, s26, s21, $0xb8;
	[tilespmem:$0x13800] =	vst v63  }
0x52: {  	s0 =	simm.s32 $0xCC80;
	s26 =	simm.s32 $0x10000  }
0x53: {  	[tilespmem:s26], [sflag:$0x2] =	stream.indirect.gather [spmem:s3], $0x10, s0, s21, $0xb8;
	[tilespmem:$0x13800] =	vst v63  }
0x54: {  	s7 =	simm.s32 $0xCD00;
	s0 =	simm.s32 $0x10800  }
0x55: {  	[tilespmem:s0], [sflag:$0x3] =	stream.indirect.gather [spmem:s3], $0x10, s7, s21, $0xb8;
	[tilespmem:$0x13800] =	vst v63  }
0x56: {  	s16 =	simm.s32 $0xCD80  }
0x57: {  	[tilespmem:s31], [sflag:$0x4] =	stream.indirect.gather [spmem:s3], $0x10, s16, s21, $0xb8;
	[tilespmem:$0x13800] =	vst v63  }
0x58: {  	s22 =	simm.s32 $0xCE00;
	s0 =	simm.s32 $0x11800  }
0x59: {  	[tilespmem:s0], [sflag:$0x5] =	stream.indirect.gather [spmem:s3], $0x10, s22, s21, $0xb8;
	[tilespmem:$0x13800] =	vst v63  }
0x5a: {  	s7 =	simm.s32 $0xCE80  }
0x5b: {  	[tilespmem:s23], [sflag:$0x6] =	stream.indirect.gather [spmem:s3], $0x10, s7, s21, $0xb8;
	[tilespmem:$0x13800] =	vst v63  }
0x5c: {  	s4 =	simm.s32 $0x0;
	s16 =	simm.s32 $0xCF00  }
0x5d: {  	[tilespmem:s28], [sflag:$0x7] =	stream.indirect.gather [spmem:s3], $0x10, s16, s21, $0xb8;
	[tilespmem:$0x13800] =	vst v63  }
0x5e: {  	s24 =	simm.s32 $0xF800;
	s22 =	simm.s32 $0xCF80;
	s7 =	simm.s32 $0x8  }
0x5f: {  	[tilespmem:s29], [sflag:$0x8] =	stream.indirect.gather [spmem:s3], $0x10, s22, s21, $0xb8;
	[tilespmem:$0x13800] =	vst v63  }
.LBB2_4:
0x60: {  	_ =	swait.ge [sflag:s30], $0x800  }
0x61: {  	s16 =	sshra.s32 s4, $0x2;
	[sflag:s30] =	ssyncset.done $0x0  }
0x62: {  	s22 =	sadd.s32 $0x2800, s16;
	[sflag:s30] =	ssyncadd.s32 $0xFFFFF800  }
0x63: {  	[spmem:s2] =	stream.indirect.scatter.add.f32 [tilespmem:s24], [sflag:$0x9], $0x10, s22, s21, $0xb8;
	[tilespmem:$0x13800] =	vst v63  }
0x64: {  	_ =	swait.ge [sflag:s1], $0x800  }
0x65: {  	[sflag:s1] =	ssyncset.done $0x0  }
0x66: {  	s24 =	sadd.s32 $0x2880, s16;
	[sflag:s1] =	ssyncadd.s32 $0xFFFFF800  }
0x67: {  	[spmem:s2] =	stream.indirect.scatter.add.f32 [tilespmem:s26], [sflag:$0xA], $0x10, s24, s21, $0xb8;
	[tilespmem:$0x13800] =	vst v63  }
0x68: {  	_ =	swait.ge [sflag:s17], $0x800  }
0x69: {  	[sflag:s17] =	ssyncset.done $0x0  }
0x6a: {  	s24 =	sadd.s32 $0x2900, s16;
	s26 =	simm.s32 $0x10800;
	[sflag:s17] =	ssyncadd.s32 $0xFFFFF800  }
0x6b: {  	[spmem:s2] =	stream.indirect.scatter.add.f32 [tilespmem:s26], [sflag:$0xB], $0x10, s24, s21, $0xb8;
	[tilespmem:$0x13800] =	vst v63  }
0x6c: {  	_ =	swait.ge [sflag:s25], $0x800  }
0x6d: {  	[sflag:s25] =	ssyncset.done $0x0  }
0x6e: {  	s26 =	sadd.s32 $0x2980, s16;
	[sflag:s25] =	ssyncadd.s32 $0xFFFFF800  }
0x6f: {  	[spmem:s2] =	stream.indirect.scatter.add.f32 [tilespmem:s31], [sflag:$0xC], $0x10, s26, s21, $0xb8;
	[tilespmem:$0x13800] =	vst v63  }
0x70: {  	_ =	swait.ge [sflag:s5], $0x800  }
0x71: {  	[sflag:s5] =	ssyncset.done $0x0  }
0x72: {  	s24 =	sadd.s32 $0x2A00, s16;
	[sflag:s5] =	ssyncadd.s32 $0xFFFFF800  }
0x73: {  	[spmem:s2] =	stream.indirect.scatter.add.f32 [tilespmem:s0], [sflag:$0xD], $0x10, s24, s21, $0xb8;
	[tilespmem:$0x13800] =	vst v63  }
0x74: {  	_ =	swait.ge [sflag:s8], $0x800  }
0x75: {  	[sflag:s8] =	ssyncset.done $0x0  }
0x76: {  	s26 =	sadd.s32 $0x2A80, s16;
	[sflag:s8] =	ssyncadd.s32 $0xFFFFF800  }
0x77: {  	[spmem:s2] =	stream.indirect.scatter.add.f32 [tilespmem:s23], [sflag:$0xE], $0x10, s26, s21, $0xb8;
	[tilespmem:$0x13800] =	vst v63  }
0x78: {  	_ =	swait.ge [sflag:s9], $0x800  }
0x79: {  	[sflag:s9] =	ssyncset.done $0x0  }
0x7a: {  	s24 =	sadd.s32 $0x2B00, s16;
	[sflag:s9] =	ssyncadd.s32 $0xFFFFF800  }
0x7b: {  	[spmem:s2] =	stream.indirect.scatter.add.f32 [tilespmem:s28], [sflag:$0xF], $0x10, s24, s21, $0xb8;
	[tilespmem:$0x13800] =	vst v63  }
0x7c: {  	_ =	swait.ge [sflag:s10], $0x800  }
0x7d: {  	[sflag:s10] =	ssyncset.done $0x0  }
0x7e: {  	p0 =	sge.u32 s7, s6;
	s16 =	sadd.s32 $0x2B80, s16;
	[sflag:s10] =	ssyncadd.s32 $0xFFFFF800  }
0x7f: {  	[spmem:s2] =	stream.indirect.scatter.add.f32 [tilespmem:s29], [sflag:$0x10], $0x10, s16, s21, $0xb8;
	[tilespmem:$0x13800] =	vst v63  }
0x80: {  	s22 =	simm.s32 @!p0 $0x80;
	_ =	swait.ge [sflag:s11], $0x800  }
0x81: {  	s26 =	sadd.s32 $0x1, s7;
	s16 =	sshra.s32 @!p0 s4, $0x2;
	[sflag:s11] =	ssyncset.done $0x0  }
0x82: {  	s24 =	simm.s32 @!p0 $0xF800;
	s16 =	sadd.s32 @!p0 $0xD000, s16;
	[sflag:s11] =	ssyncadd.s32 $0xFFFFF800  }
0x83: {  	[tilespmem:s24], [sflag:$0x1] =	stream.indirect.gather @!p0 [spmem:s3], $0x10, s16, s22, $0xb8;
	[tilespmem:$0x13800] =	vst v63  }
0x84: {  	p0 =	sge.u32 s26, s6;
	_ =	swait.ge [sflag:s12], $0x800  }
0x85: {  	s16 =	sshra.s32 @!p0 s4, $0x2;
	s22 =	simm.s32 @!p0 $0x80;
	[sflag:s12] =	ssyncset.done $0x0  }
0x86: {  	s24 =	simm.s32 @!p0 $0x10000;
	s16 =	sadd.s32 @!p0 $0xD080, s16;
	[sflag:s12] =	ssyncadd.s32 $0xFFFFF800  }
0x87: {  	[tilespmem:s24], [sflag:$0x2] =	stream.indirect.gather @!p0 [spmem:s3], $0x10, s16, s22, $0xb8;
	[tilespmem:$0x13800] =	vst v63  }
0x88: {  	s22 =	sadd.s32 $0x2, s7  }
0x89: {  	_ =	swait.ge [sflag:s13], $0x800;
	p0 =	sge.u32 s22, s6  }
0x8a: {  	[sflag:s13] =	ssyncset.done $0x0;
	s16 =	sshra.s32 @!p0 s4, $0x2;
	s22 =	simm.s32 @!p0 $0x80  }
0x8b: {  	s24 =	simm.s32 @!p0 $0x10800;
	[sflag:s13] =	ssyncadd.s32 $0xFFFFF800;
	s16 =	sadd.s32 @!p0 $0xD100, s16  }
0x8c: {  	[tilespmem:s24], [sflag:$0x3] =	stream.indirect.gather @!p0 [spmem:s3], $0x10, s16, s22, $0xb8;
	[tilespmem:$0x13800] =	vst v63  }
0x8d: {  	s24 =	sadd.s32 $0x3, s7  }
0x8e: {  	s26 =	sadd.s32 $0x4, s7;
	_ =	swait.ge [sflag:s18], $0x800;
	p0 =	sge.u32 s24, s6  }
0x8f: {  	[sflag:s18] =	ssyncset.done $0x0;
	s16 =	sshra.s32 @!p0 s4, $0x2;
	s22 =	simm.s32 @!p0 $0x80  }
0x90: {  	s24 =	simm.s32 @!p0 $0x11000;
	[sflag:s18] =	ssyncadd.s32 $0xFFFFF800;
	s16 =	sadd.s32 @!p0 $0xD180, s16  }
0x91: {  	[tilespmem:s24], [sflag:$0x4] =	stream.indirect.gather @!p0 [spmem:s3], $0x10, s16, s22, $0xb8;
	[tilespmem:$0x13800] =	vst v63  }
0x92: {  	p0 =	sge.u32 s26, s6;
	_ =	swait.ge [sflag:s14], $0x800  }
0x93: {  	s16 =	sshra.s32 @!p0 s4, $0x2;
	s22 =	simm.s32 @!p0 $0x80;
	[sflag:s14] =	ssyncset.done $0x0  }
0x94: {  	s24 =	simm.s32 @!p0 $0x11800;
	s16 =	sadd.s32 @!p0 $0xD200, s16;
	[sflag:s14] =	ssyncadd.s32 $0xFFFFF800  }
0x95: {  	[tilespmem:s24], [sflag:$0x5] =	stream.indirect.gather @!p0 [spmem:s3], $0x10, s16, s22, $0xb8;
	[tilespmem:$0x13800] =	vst v63  }
0x96: {  	s22 =	sadd.s32 $0x5, s7  }
0x97: {  	_ =	swait.ge [sflag:s19], $0x800;
	p0 =	sge.u32 s22, s6  }
0x98: {  	[sflag:s19] =	ssyncset.done $0x0;
	s16 =	sshra.s32 @!p0 s4, $0x2;
	s22 =	simm.s32 @!p0 $0x80  }
0x99: {  	s24 =	simm.s32 @!p0 $0x12000;
	[sflag:s19] =	ssyncadd.s32 $0xFFFFF800;
	s16 =	sadd.s32 @!p0 $0xD280, s16  }
0x9a: {  	[tilespmem:s24], [sflag:$0x6] =	stream.indirect.gather @!p0 [spmem:s3], $0x10, s16, s22, $0xb8;
	[tilespmem:$0x13800] =	vst v63  }
0x9b: {  	s24 =	sadd.s32 $0x6, s7  }
0x9c: {  	s26 =	sadd.s32 $0x7, s7;
	_ =	swait.ge [sflag:s20], $0x800;
	p0 =	sge.u32 s24, s6  }
0x9d: {  	[sflag:s20] =	ssyncset.done $0x0;
	s16 =	sshra.s32 @!p0 s4, $0x2;
	s22 =	simm.s32 @!p0 $0x80  }
0x9e: {  	s24 =	simm.s32 @!p0 $0x12800;
	[sflag:s20] =	ssyncadd.s32 $0xFFFFF800;
	s16 =	sadd.s32 @!p0 $0xD300, s16  }
0x9f: {  	[tilespmem:s24], [sflag:$0x7] =	stream.indirect.gather @!p0 [spmem:s3], $0x10, s16, s22, $0xb8;
	[tilespmem:$0x13800] =	vst v63  }
0xa0: {  	p0 =	sge.u32 s26, s6  }
0xa1: {  	_ =	swait.ge [sflag:s15], $0x800;
	s16 =	sshra.s32 @!p0 s4, $0x2;
	s22 =	simm.s32 @!p0 $0x80  }
0xa2: {  	s24 =	simm.s32 @!p0 $0x13000;
	s4 =	sadd.s32 $0x1000, s4;
	[sflag:s15] =	ssyncset.done $0x0  }
0xa3: {  	s16 =	sadd.s32 @!p0 $0xD380, s16;
	s26 =	rddreg [dreg:$0x5];
	[sflag:s15] =	ssyncadd.s32 $0xFFFFF800  }
0xa4: {  	[tilespmem:s24], [sflag:$0x8] =	stream.indirect.gather @!p0 [spmem:s3], $0x10, s16, s22, $0xb8;
	[tilespmem:$0x13800] =	vst v63  }
0xa5: {  	p0 =	sne.s32 s26, s4  }
.Ltmp1:
0xa6: {  	_ = 	snop;
	(pc) =	sbr.rel @p0 .LBB2_4-.Ltmp1, $2  }
0xa7: {  	_ =	sdelay $0x2  }
0xa8: {  	s7 =	sadd.s32 $0x8, s7;
	s26 =	simm.s32 $0x10000;
	s24 =	simm.s32 $0xF800  }
0xa9: {  	[bflag:$0x0] =	sbarrier.arrive $0xFFFF  }
0xaa: {  	s7 =	simm.s32 $0x5400;
	s24 =	simm.s32 $0x11;
	s4 =	rddreg [dreg:$0x7]  }
0xab: {  	[tilespmem:s7], [sflag:$0x11] =	stream.linear.gather [spmem:s4], $0x2800, $0x38;
	[tilespmem:$0x13800] =	vst v63  }
0xac: {  	_ =	swait.ge [sflag:s24], $0x2800  }
0xad: {  	[sflag:s24] =	ssyncset.done $0x0  }
0xae: {  	s4 =	simm.s32 $0x0;
	[sflag:s24] =	ssyncadd.s32 $0xFFFFD800  }
0xaf: {  	v3 =	vld [tilespmem:s4+$0x5470]  }
0xb0: {  	v4 =	vld [tilespmem:s4+$0x5400]  }
0xb1: {  	v5 =	vld [tilespmem:s4+$0x5410]  }
0xb2: {  	v2 =	vld [tilespmem:s4+$0x5420]  }
0xb3: {  	v0 =	vld [tilespmem:s4+$0x5430]  }
0xb4: {  	v1 =	vld [tilespmem:s4+$0x5440];
	[tilespmem:s4+$0x7C70] =	vst v3  }
0xb5: {  	[tilespmem:s4+$0x7C00] =	vst v4;
	v3 =	vld [tilespmem:s4+$0x5450]  }
0xb6: {  	s16 =	simm.s32 $0x400;
	s7 =	simm.s32 $0x80;
	[tilespmem:s4+$0x7C10] =	vst v5;
	v4 =	vld [tilespmem:s4+$0x5460]  }
.LBB2_6:
0xb7: {  	p0 =	sne.s32 s16, $0x9E00;
	v5 =	vld [tilespmem:s7+$0x5470];
	[tilespmem:s4+$0x7C20] =	vst v2  }
0xb8: {  	v6 =	vld [tilespmem:s7+$0x5400];
	[tilespmem:s4+$0x7C30] =	vst v0  }
0xb9: {  	v7 =	vld [tilespmem:s7+$0x5410];
	[tilespmem:s4+$0x7C40] =	vst v1  }
.Ltmp2:
0xba: {  	v2 =	vld [tilespmem:s7+$0x5420];
	[tilespmem:s4+$0x7C50] =	vst v3;
	(pc) =	sbr.rel @p0 .LBB2_6-.Ltmp2, $4  }
0xbb: {  	v0 =	vld [tilespmem:s7+$0x5430];
	[tilespmem:s4+$0x7C60] =	vst v4;
	s4 =	smov.u32 s7  }
0xbc: {  	v1 =	vld [tilespmem:s4+$0x5440];
	[tilespmem:s4+$0x7C70] =	vst v5  }
0xbd: {  	[tilespmem:s4+$0x7C00] =	vst v6;
	v3 =	vld [tilespmem:s4+$0x5450]  }
0xbe: {  	s7 =	sshra.s32 s16, $0x2;
	s16 =	sadd.s32 $0x200, s16;
	[tilespmem:s4+$0x7C10] =	vst v7;
	v4 =	vld [tilespmem:s4+$0x5460]  }
0xbf: {  	v5 =	vld [tilespmem:s7+$0x5470];
	[tilespmem:s4+$0x7C20] =	vst v2  }
0xc0: {  	v2 =	vld [tilespmem:s7+$0x5400];
	[tilespmem:s4+$0x7C30] =	vst v0  }
0xc1: {  	v0 =	vld [tilespmem:s7+$0x5410];
	[tilespmem:s4+$0x7C40] =	vst v1  }
0xc2: {  	v1 =	vld [tilespmem:s7+$0x5420];
	[tilespmem:s4+$0x7C50] =	vst v3  }
0xc3: {  	v3 =	vld [tilespmem:s7+$0x5430];
	[tilespmem:s4+$0x7C60] =	vst v4  }
0xc4: {  	v4 =	vld [tilespmem:s7+$0x5440];
	[tilespmem:s7+$0x7C70] =	vst v5  }
0xc5: {  	v62 =	vld [tilespmem:s7+$0x5450];
	[tilespmem:s7+$0x7C00] =	vst v2  }
0xc6: {  	v63 =	vld [tilespmem:s7+$0x5460];
	[tilespmem:s7+$0x7C10] =	vst v0  }
0xc7: {  	[tilespmem:s7+$0x7C20] =	vst v1  }
0xc8: {  	[tilespmem:s7+$0x7C30] =	vst v3  }
0xc9: {  	[tilespmem:s7+$0x7C40] =	vst v4  }
0xca: {  	[tilespmem:s7+$0x7C50] =	vst v62  }
0xcb: {  	s16 =	simm.s32 $0x0;
	s22 =	simm.s32 $0x7C00;
	[tilespmem:s7+$0x7C60] =	vst v63;
	s7 =	rddreg [dreg:$0xe]  }
0xcc: {  	[hbm4b:s7+s16] =	stream.linear.scatter [tilespmem:s22], [sflag:$0x11], $0x2800, $0x38;
	[tilespmem:$0x13800] =	vst v63  }
0xcd: {  	_ =	swait.ge [sflag:s24], $0x2800  }
0xce: {  	s0 =	rddreg [dreg:$0x10]  }
0xcf: {  	s26 =	rddreg [dreg:$0xd];
	s0 =	sadd.s32 $0x1, s0  }
0xd0: {  	p0 =	sne.s32 s0, s26  }
.Ltmp3:
0xd1: {  	_ = 	snop;
	(pc) =	sbr.rel @p0 .LBB2_1-.Ltmp3, $3  }
0xd2: {  	_ =	sdelay $0x1  }
0xd3: {  	[sflag:s24] =	ssyncset.done $0x0  }
0xd4: {  	[sflag:s24] =	ssyncadd.s32 $0xFFFFD800;
	s26 =	simm.s32 $0xCC00  }
0xd5: {  	_ =	sfence.sel $0x180000  }
0xd6: {  	[bflag:$0x0] =	sbarrier.arrive $0xFFFF  }
0xd7: {  	_ =	strace $0x9000004D  }
0xd8: {  	s0 =	stileid.u32;
	[bflag:$0x2] =	sbarrier.arrive $0xFFFF  }
0xd9: {  	p0 =	sne.s32 s0, $0x0;
	s0 =	rddreg [dreg:$0x4]  }
0xda: {  	s0 =	sadd.s32 @!p0 $0x100000, s0  }
0xdb: {  	[sflag:s0] =	ssyncadd.tile.s32 @!p0 $0x1;
	_ =	shalt  }
.Lfunc_end2:
_tile_overlayer_lowered:
.L_overlay_start_2:
0xdc: {  	(tag) =	ssettag $0x2  }
0xdd: {  	s0 =	rddreg [dreg:$0x0];
	s2 =	stileid.u32  }
0xde: {  	s1 =	rddreg [dreg:$0x1];
	p0 =	sne.s32 s2, $0x0  }
0xdf: {  	s3 =	rddreg [dreg:$0x2];
	[bflag:$0x3] =	sbarrier.arrive $0xFFFF;
	s2 =	simm.s32 @!p0 $0x1C11  }
0xe0: {  	[timem:s3], [sflag:s2] =	dma.local @!p0 [hbm:s0], s1  }
0xe1: {  	s0 =	simm.s32 @!p0 $0x11  }
0xe2: {  	_ =	swait.ge @!p0 [sflag:s0], s1  }
0xe3: {  	s1 =	ssub.s32 @!p0 $0x0, s1;
	[sflag:s0] =	ssyncset.done @!p0 $0x0  }
0xe4: {  	[sflag:s0] =	ssyncadd.s32 @!p0 s1  }
0xe5: {  	[bflag:$0x3] =	sbarrier.arrive $0xFFFF  }
0xe6: {  	_ =	shalt  }

</sc_bundles>
